<compile_context>
chip_gen: v7x
topology: tpu7x:2x2x1
jax: 0.10.2.dev20260603
libtpu: 0.0.44.dev20260713+nightly
codegen_flags: <defaults>
</compile_context>

<pallas_src>
import functools

import jax
import jax.numpy as jnp
from jax import lax
from jax.experimental import pallas as pl
from jax.experimental.pallas import tpu as pltpu
from jax.experimental.pallas import tpu_sc as plsc

N = 10000
D = 128
E = 320000

NC = 2
NS = 16
NW = NC * NS
EPW = E // NW
K = 80
NB = EPW // K
ROWS_PT = (N // NS) // 8 * 8
TAIL = N - NS * ROWS_PT
QS = 2048.0


def _proj_body(x_ref, w_ref, as_ref, ad_ref, h_ref, a2_ref, api_ref):
    h = jnp.dot(x_ref[...], w_ref[...], preferred_element_type=jnp.float32)
    h_ref[...] = h
    att2 = jnp.concatenate([as_ref[...], ad_ref[...]], axis=1)
    a2 = jnp.dot(h, att2, preferred_element_type=jnp.float32)
    a2_ref[...] = a2
    aq = jnp.clip(jnp.round(a2 * QS), -32767.0, 32767.0).astype(jnp.int32)
    api_ref[...] = (aq[:, 0:1] << 16) | (aq[:, 1:2] & 0xFFFF)


def _combine_body(p0_ref, p1_ref, h_ref, se_ref, a2_ref, b_ref, o_ref):
    asum = a2_ref[:, 0] + a2_ref[:, 1]
    wself = jnp.exp(jnp.maximum(asum, 0.2 * asum))
    s = se_ref[:, 0] + wself + 1e-16
    num = p0_ref[...] + p1_ref[...] + h_ref[...] * wself[:, None]
    o_ref[...] = num / s[:, None] + b_ref[...]


def _sc_body(h_hbm, ei_hbm, api_hbm,
             outp_hbm, sp_hbm,
             sb0, sb1, db0, db1, dst0, dst1, api_v, s_v, w_v, rows0, rows1,
             acc_sh, gsa0, gsb0, gsa1, gsb1, ssem0, ssem1, esem0, esem1):
    cid = lax.axis_index("c")
    sid = lax.axis_index("s")
    wid = cid * NS + sid
    eoff = wid * EPW

    pltpu.sync_copy(api_hbm, api_v)

    zeros = jnp.zeros((16,), jnp.float32)

    @plsc.parallel_loop(0, N // 16, unroll=8)
    def _z_s(i):
        s_v[pl.ds(i * 16, 16)] = zeros

    @plsc.parallel_loop(0, K, unroll=4)
    def _z_rows(e):
        for j in range(D // 16):
            rows0[e, pl.ds(j * 16, 16)] = zeros

    base = sid * ROWS_PT
    for r in range(0, ROWS_PT, K):
        n = min(K, ROWS_PT - r)
        pltpu.async_copy(rows0.at[pl.ds(0, n)], acc_sh.at[pl.ds(base + r, n)],
                         gsa0)
    for r in range(0, ROWS_PT, K):
        n = min(K, ROWS_PT - r)
        pltpu.make_async_copy(rows0.at[pl.ds(0, n)],
                              acc_sh.at[pl.ds(base + r, n)], gsa0).wait()

    @pl.when(sid == 0)
    def _zero_tail():
        pltpu.sync_copy(rows0.at[pl.ds(0, TAIL)],
                        acc_sh.at[pl.ds(NS * ROWS_PT, TAIL)])
    plsc.subcore_barrier()

    def _weights(sb, db):
        for j in range(K // 16):
            sidx = sb[pl.ds(j * 16, 16)]
            didx = db[pl.ds(j * 16, 16)]
            sw = plsc.load_gather(api_v, [sidx])
            dw = plsc.load_gather(api_v, [didx])
            av = (sw >> 16).astype(jnp.float32) * (1.0 / QS)
            bv = ((dw << 16) >> 16).astype(jnp.float32) * (1.0 / QS)
            x = av + bv
            wv = jnp.exp(jnp.maximum(x, 0.2 * x))
            w_v[pl.ds(j * 16, 16)] = wv
            plsc.addupdate_scatter(s_v, [didx], wv)

    def _scale_half(rows, lo):
        @plsc.parallel_loop(lo, lo + K // 2, unroll=4)
        def _scale(e):
            wb = plsc.load_gather(w_v, [jnp.full((16,), 0, jnp.int32) + e])
            for j in range(D // 16):
                sl = pl.ds(j * 16, 16)
                rows[e, sl] = rows[e, sl] * wb

    def _gather_start(sb, rows, gsa, gsb):
        pltpu.async_copy(h_hbm.at[sb.at[pl.ds(0, K // 2)]],
                         rows.at[pl.ds(0, K // 2)], gsa)
        pltpu.async_copy(h_hbm.at[sb.at[pl.ds(K // 2, K // 2)]],
                         rows.at[pl.ds(K // 2, K // 2)], gsb)

    def _gather_wait_a(sb, rows, gsa):
        pltpu.make_async_copy(h_hbm.at[sb.at[pl.ds(0, K // 2)]],
                              rows.at[pl.ds(0, K // 2)], gsa).wait()

    def _gather_wait_b(sb, rows, gsb):
        pltpu.make_async_copy(h_hbm.at[sb.at[pl.ds(K // 2, K // 2)]],
                              rows.at[pl.ds(K // 2, K // 2)], gsb).wait()

    def _snap_dst(db, dst):
        for j in range(K // 16):
            dst[pl.ds(j * 16, 16)] = db[pl.ds(j * 16, 16)]

    def _eb_start(b, sb, db, esem):
        pltpu.async_copy(ei_hbm.at[pl.ds(eoff + b * K, K)], sb, esem)
        pltpu.async_copy(ei_hbm.at[pl.ds(E + eoff + b * K, K)], db, esem)

    def _eb_wait(b, sb, db, esem):
        pltpu.make_async_copy(ei_hbm.at[pl.ds(eoff + b * K, K)], sb,
                              esem).wait()
        pltpu.make_async_copy(ei_hbm.at[pl.ds(E + eoff + b * K, K)], db,
                              esem).wait()

    _eb_start(0, sb0, db0, esem0)
    _eb_start(1, sb1, db1, esem1)
    _eb_wait(0, sb0, db0, esem0)
    _gather_start(sb0, rows0, gsa0, gsb0)

    def _half(b, sb_c, db_c, rows_c, dst_c, gsa_c, gsb_c, ssem_c, esem_c,
              sb_o, db_o, rows_o, dst_o, gsa_o, gsb_o, ssem_o, esem_o,
              prev_pred, eb_pred):
        _weights(sb_c, db_c)
        _snap_dst(db_c, dst_c)
        if prev_pred is None:
            pltpu.make_async_copy(rows_o, acc_sh.at[dst_o], ssem_o).wait()
        else:
            @pl.when(prev_pred)
            def _wait_prev():
                pltpu.make_async_copy(rows_o, acc_sh.at[dst_o], ssem_o).wait()
        _eb_wait(b + 1, sb_o, db_o, esem_o)
        _gather_start(sb_o, rows_o, gsa_o, gsb_o)
        if eb_pred is None:
            _eb_start(b + 2, sb_c, db_c, esem_c)
        else:
            @pl.when(eb_pred)
            def _next_eb():
                _eb_start(b + 2, sb_c, db_c, esem_c)
        _gather_wait_a(sb_c, rows_c, gsa_c)
        _scale_half(rows_c, 0)
        _gather_wait_b(sb_c, rows_c, gsb_c)
        _scale_half(rows_c, K // 2)
        pltpu.async_copy(rows_c, acc_sh.at[dst_c], ssem_c, add=True)

    def _pair(g, carry):
        b0 = 2 * g
        _half(b0, sb0, db0, rows0, dst0, gsa0, gsb0, ssem0, esem0,
              sb1, db1, rows1, dst1, gsa1, gsb1, ssem1, esem1, g >= 1, None)
        _half(b0 + 1, sb1, db1, rows1, dst1, gsa1, gsb1, ssem1, esem1,
              sb0, db0, rows0, dst0, gsa0, gsb0, ssem0, esem0, None,
              g < (NB - 1) // 2 - 1)
        return carry

    lax.fori_loop(0, (NB - 1) // 2, _pair, 0)

    _weights(sb0, db0)
    _snap_dst(db0, dst0)
    pltpu.make_async_copy(rows1, acc_sh.at[dst1], ssem1).wait()
    _gather_wait_a(sb0, rows0, gsa0)
    _scale_half(rows0, 0)
    _gather_wait_b(sb0, rows0, gsb0)
    _scale_half(rows0, K // 2)
    pltpu.async_copy(rows0, acc_sh.at[dst0], ssem0, add=True)
    pltpu.make_async_copy(rows0, acc_sh.at[dst0], ssem0).wait()

    pltpu.sync_copy(s_v, sp_hbm.at[wid])

    plsc.subcore_barrier()
    pltpu.sync_copy(acc_sh.at[pl.ds(base, ROWS_PT)],
                    outp_hbm.at[cid, pl.ds(base, ROWS_PT)])

    @pl.when(sid == 0)
    def _copy_tail():
        pltpu.sync_copy(acc_sh.at[pl.ds(NS * ROWS_PT, TAIL)],
                        outp_hbm.at[cid, pl.ds(NS * ROWS_PT, TAIL)])


def kernel(X, edge_index, W, att_src, att_dst, bias):
    grid = (5,)
    bn = N // grid[0]
    h, a2, api = pl.pallas_call(
        _proj_body,
        grid=grid,
        in_specs=[
            pl.BlockSpec((bn, D), lambda i: (i, 0)),
            pl.BlockSpec((D, D), lambda i: (0, 0)),
            pl.BlockSpec((D, 1), lambda i: (0, 0)),
            pl.BlockSpec((D, 1), lambda i: (0, 0)),
        ],
        out_specs=[
            pl.BlockSpec((bn, D), lambda i: (i, 0)),
            pl.BlockSpec((bn, 2), lambda i: (i, 0)),
            pl.BlockSpec((bn, 1), lambda i: (i, 0)),
        ],
        out_shape=[
            jax.ShapeDtypeStruct((N, D), jnp.float32),
            jax.ShapeDtypeStruct((N, 2), jnp.float32),
            jax.ShapeDtypeStruct((N, 1), jnp.int32),
        ],
    )(X, W, att_src.reshape(D, 1), att_dst.reshape(D, 1))

    mesh = plsc.VectorSubcoreMesh(core_axis_name="c", subcore_axis_name="s")
    sc = functools.partial(
        pl.kernel,
        mesh=mesh,
        compiler_params=pltpu.CompilerParams(needs_layout_passes=False),
        out_type=[
            jax.ShapeDtypeStruct((NC, N, D), jnp.float32),
            jax.ShapeDtypeStruct((NW, N), jnp.float32),
        ],
        scratch_types=[
            pltpu.VMEM((K,), jnp.int32),
            pltpu.VMEM((K,), jnp.int32),
            pltpu.VMEM((K,), jnp.int32),
            pltpu.VMEM((K,), jnp.int32),
            pltpu.VMEM((K,), jnp.int32),
            pltpu.VMEM((K,), jnp.int32),
            pltpu.VMEM((N,), jnp.int32),
            pltpu.VMEM((N,), jnp.float32),
            pltpu.VMEM((K,), jnp.float32),
            pltpu.VMEM((K, D), jnp.float32),
            pltpu.VMEM((K, D), jnp.float32),
            pltpu.VMEM_SHARED((N, D), jnp.float32),
            pltpu.SemaphoreType.DMA,
            pltpu.SemaphoreType.DMA,
            pltpu.SemaphoreType.DMA,
            pltpu.SemaphoreType.DMA,
            pltpu.SemaphoreType.DMA,
            pltpu.SemaphoreType.DMA,
            pltpu.SemaphoreType.DMA,
            pltpu.SemaphoreType.DMA,
        ],
    )(_sc_body)
    outp, sp = sc(h, edge_index.reshape(2 * E), api.reshape(N))

    bias2 = bias.reshape(1, D)
    s_e = jnp.sum(sp, axis=0).reshape(N, 1)
    out = pl.pallas_call(
        _combine_body,
        grid=grid,
        in_specs=[
            pl.BlockSpec((bn, D), lambda i: (i, 0)),
            pl.BlockSpec((bn, D), lambda i: (i, 0)),
            pl.BlockSpec((bn, D), lambda i: (i, 0)),
            pl.BlockSpec((bn, 1), lambda i: (i, 0)),
            pl.BlockSpec((bn, 2), lambda i: (i, 0)),
            pl.BlockSpec((1, D), lambda i: (0, 0)),
        ],
        out_specs=pl.BlockSpec((bn, D), lambda i: (i, 0)),
        out_shape=jax.ShapeDtypeStruct((N, D), jnp.float32),
    )(outp[0], outp[1], h, s_e, a2, bias2)
    return out

# --- scband reference (transcript-rebuilt; emitter-appended) ---
"""Pipeline reference for scband-gnnlayer-11905649345047 (READ-ONLY COPY).

The authoritative reference and input builder live on the scoring server;
editing this copy changes nothing except your own understanding.
"""

import jax, jax.numpy as jnp
import numpy as np

N = 10000
D = 128
E = 320000


def _gat_conv(x, edge_index, W, att_src, att_dst, bias):
    # Faithful single-head GATConv (heads=1, concat=False, add_self_loops=True,
    # negative_slope=0.2, dropout=0.0), matching torch_geometric semantics.
    n = x.shape[0]
    h = x @ W  # [N, C] linear projection
    a_src = h @ att_src  # [N] per-node source attention logits
    a_dst = h @ att_dst  # [N] per-node destination attention logits
    loop = jnp.arange(n, dtype=edge_index.dtype)
    src = jnp.concatenate([edge_index[0], loop])
    dst = jnp.concatenate([edge_index[1], loop])
    e = jax.nn.leaky_relu(a_src[src] + a_dst[dst], negative_slope=0.2)  # [E+N]
    # segment softmax over incoming edges per destination node
    m = jax.ops.segment_max(e, dst, num_segments=n)
    m = jax.lax.stop_gradient(m)
    ex = jnp.exp(e - m[dst])
    s = jax.ops.segment_sum(ex, dst, num_segments=n)
    alpha = ex / (s[dst] + 1e-16)
    msg = h[src] * alpha[:, None]
    out = jax.ops.segment_sum(msg, dst, num_segments=n)  # [N, C]
    return out + bias


def setup_inputs(seed: int = 0) -> dict:
    key = jax.random.key(seed)
    k1, k2, k3, k4, k5 = jax.random.split(key, 5)
    X = jax.random.normal(k1, (N, D), dtype=jnp.float32)
    edge_index = jax.random.randint(k2, (2, E), 0, N, dtype=jnp.int32)
    W = jax.random.normal(k3, (D, D), dtype=jnp.float32) * (1.0 / np.sqrt(D))
    att_src = jax.random.normal(k4, (D,), dtype=jnp.float32) * 0.1
    att_dst = jax.random.normal(k5, (D,), dtype=jnp.float32) * 0.1
    bias = jnp.zeros((D,), dtype=jnp.float32)
    return {"X": X, "edge_index": edge_index, "W": W, "att_src": att_src, "att_dst": att_dst, "bias": bias}


def reference(X, edge_index, W, att_src, att_dst, bias):
    # GNNLayer with hidden_dims=[128,128]: only last_gnn runs (heads=1, concat=False)
    H = _gat_conv(X, edge_index, W, att_src, att_dst, bias)
    return H

if __name__ == "__main__":
    import jax
    _d = setup_inputs()
    print(jax.jit(kernel)(*tuple(_d.values())))

</pallas_src>

<mosaic_0001>
#map = affine_map<(d0, d1) -> (0, 0)>
#map1 = affine_map<(d0, d1) -> (0)>
#map2 = affine_map<(d0, d1) -> (0, 0, 0)>
module attributes {stable_mosaic.version = 14 : i64} {
  func.func @_sc_body(%arg0: i32, %arg1: i32, %arg2: memref<10000x128xf32, #tpu.memory_space<hbm>>, %arg3: memref<640000xi32, #tpu.memory_space<hbm>>, %arg4: memref<10000xi32, #tpu.memory_space<hbm>>, %arg5: memref<2x10000x128xf32, #tpu.memory_space<hbm>>, %arg6: memref<32x10000xf32, #tpu.memory_space<hbm>>, %arg7: memref<80xi32, #tpu.memory_space<vmem>>, %arg8: memref<80xi32, #tpu.memory_space<vmem>>, %arg9: memref<80xi32, #tpu.memory_space<vmem>>, %arg10: memref<80xi32, #tpu.memory_space<vmem>>, %arg11: memref<80xi32, #tpu.memory_space<vmem>>, %arg12: memref<80xi32, #tpu.memory_space<vmem>>, %arg13: memref<10000xi32, #tpu.memory_space<vmem>>, %arg14: memref<10000xf32, #tpu.memory_space<vmem>>, %arg15: memref<80xf32, #tpu.memory_space<vmem>>, %arg16: memref<80x128xf32, #tpu.memory_space<vmem>>, %arg17: memref<80x128xf32, #tpu.memory_space<vmem>>, %arg18: memref<10000x128xf32, #tpu.memory_space<vmem_shared>>, %arg19: memref<!tpu.dma_semaphore, #tpu.memory_space<semaphore_mem>>, %arg20: memref<!tpu.dma_semaphore, #tpu.memory_space<semaphore_mem>>, %arg21: memref<!tpu.dma_semaphore, #tpu.memory_space<semaphore_mem>>, %arg22: memref<!tpu.dma_semaphore, #tpu.memory_space<semaphore_mem>>, %arg23: memref<!tpu.dma_semaphore, #tpu.memory_space<semaphore_mem>>, %arg24: memref<!tpu.dma_semaphore, #tpu.memory_space<semaphore_mem>>, %arg25: memref<!tpu.dma_semaphore, #tpu.memory_space<semaphore_mem>>, %arg26: memref<!tpu.dma_semaphore, #tpu.memory_space<semaphore_mem>>) attributes {dimension_semantics = [#tpu.dimension_semantics<core_parallel>, #tpu.dimension_semantics<subcore_parallel>], iteration_bounds = array<i64: 2, 16>, scalar_prefetch = 0 : i64, scratch_operands = 20 : i64, tpu.core_type = #tpu.core_type<sc_vector_subcore>, window_params = [{transform_indices = #map}, {transform_indices = #map1}, {transform_indices = #map1}, {transform_indices = #map2}, {transform_indices = #map}]} {
    %mul3A = arith.constant 16 : i32
    %mul3A_0 = arith.muli %arg0, %mul3A : i32
    %add3A = arith.addi %mul3A_0, %arg1 : i32
    %mul3A_1 = arith.constant 10000 : i32
    %mul3A_2 = arith.muli %add3A, %mul3A_1 : i32
    "tpu.region"() ({
      %run_scoped3A = tpu.sem_alloc : memref<!tpu.dma_semaphore, #tpu.memory_space<semaphore_mem>>
      tpu.enqueue_dma source(%arg4 : memref<10000xi32, #tpu.memory_space<hbm>>) target(%arg13 : memref<10000xi32, #tpu.memory_space<vmem>>) target_semaphore(%run_scoped3A : memref<!tpu.dma_semaphore, #tpu.memory_space<semaphore_mem>>)
      tpu.wait_dma2 semaphore(%run_scoped3A : memref<!tpu.dma_semaphore, #tpu.memory_space<semaphore_mem>>) src(%arg4 : memref<10000xi32, #tpu.memory_space<hbm>>) dst(%arg13 : memref<10000xi32, #tpu.memory_space<vmem>>)
      tpu.yield
    }) : () -> ()
    %broadcast_in_dim3A = arith.constant 0.000000e+00 : f32
    %broadcast_in_dim3A_3 = vector.broadcast %broadcast_in_dim3A : f32 to vector<16xf32>
    %parallel_loop3A = arith.constant 0 : i32
    %parallel_loop3A_4 = arith.constant 625 : i32
    %parallel_loop3A_5 = arith.constant 1 : i32
    scf.for %parallel_loop3A_459 = %parallel_loop3A to %parallel_loop3A_4 step %parallel_loop3A_5  : i32 {
      %parallel_loop3A_460 = arith.constant 16 : i32
      %parallel_loop3A_461 = arith.muli %parallel_loop3A_459, %parallel_loop3A_460 : i32
      %parallel_loop3A_462 = arith.index_cast %parallel_loop3A_461 : i32 to index
      %parallel_loop3A_463 = tpu.vector_load %arg14[%parallel_loop3A_462] {strides = array<i32>} : memref<10000xf32, #tpu.memory_space<vmem>>, vector<16xf32>,
      tpu.vector_store %arg14[%parallel_loop3A_462], %broadcast_in_dim3A_3 {strides = array<i32>} : memref<10000xf32, #tpu.memory_space<vmem>>, vector<16xf32>,
    } {sc.loop_unroll_factor = 8 : i64, sc.parallel_access}
    %parallel_loop3A_6 = arith.constant 0 : i32
    %parallel_loop3A_7 = arith.constant 80 : i32
    %parallel_loop3A_8 = arith.constant 1 : i32
    scf.for %parallel_loop3A_459 = %parallel_loop3A_6 to %parallel_loop3A_7 step %parallel_loop3A_8  : i32 {
      %parallel_loop3A_460 = arith.index_cast %parallel_loop3A_459 : i32 to index
      %parallel_loop3A_461 = arith.constant 0 : index
      %parallel_loop3A_462 = tpu.vector_load %arg16[%parallel_loop3A_460, %parallel_loop3A_461] {strides = array<i32>} : memref<80x128xf32, #tpu.memory_space<vmem>>, vector<16xf32>,
      tpu.vector_store %arg16[%parallel_loop3A_460, %parallel_loop3A_461], %broadcast_in_dim3A_3 {strides = array<i32>} : memref<80x128xf32, #tpu.memory_space<vmem>>, vector<16xf32>,
      %parallel_loop3A_463 = arith.index_cast %parallel_loop3A_459 : i32 to index
      %parallel_loop3A_464 = arith.constant 16 : index
      %parallel_loop3A_465 = tpu.vector_load %arg16[%parallel_loop3A_463, %parallel_loop3A_464] {strides = array<i32>} : memref<80x128xf32, #tpu.memory_space<vmem>>, vector<16xf32>,
      tpu.vector_store %arg16[%parallel_loop3A_463, %parallel_loop3A_464], %broadcast_in_dim3A_3 {strides = array<i32>} : memref<80x128xf32, #tpu.memory_space<vmem>>, vector<16xf32>,
      %parallel_loop3A_466 = arith.index_cast %parallel_loop3A_459 : i32 to index
      %parallel_loop3A_467 = arith.constant 32 : index
      %parallel_loop3A_468 = tpu.vector_load %arg16[%parallel_loop3A_466, %parallel_loop3A_467] {strides = array<i32>} : memref<80x128xf32, #tpu.memory_space<vmem>>, vector<16xf32>,
      tpu.vector_store %arg16[%parallel_loop3A_466, %parallel_loop3A_467], %broadcast_in_dim3A_3 {strides = array<i32>} : memref<80x128xf32, #tpu.memory_space<vmem>>, vector<16xf32>,
      %parallel_loop3A_469 = arith.index_cast %parallel_loop3A_459 : i32 to index
      %parallel_loop3A_470 = arith.constant 48 : index
      %parallel_loop3A_471 = tpu.vector_load %arg16[%parallel_loop3A_469, %parallel_loop3A_470] {strides = array<i32>} : memref<80x128xf32, #tpu.memory_space<vmem>>, vector<16xf32>,
      tpu.vector_store %arg16[%parallel_loop3A_469, %parallel_loop3A_470], %broadcast_in_dim3A_3 {strides = array<i32>} : memref<80x128xf32, #tpu.memory_space<vmem>>, vector<16xf32>,
      %parallel_loop3A_472 = arith.index_cast %parallel_loop3A_459 : i32 to index
      %parallel_loop3A_473 = arith.constant 64 : index
      %parallel_loop3A_474 = tpu.vector_load %arg16[%parallel_loop3A_472, %parallel_loop3A_473] {strides = array<i32>} : memref<80x128xf32, #tpu.memory_space<vmem>>, vector<16xf32>,
      tpu.vector_store %arg16[%parallel_loop3A_472, %parallel_loop3A_473], %broadcast_in_dim3A_3 {strides = array<i32>} : memref<80x128xf32, #tpu.memory_space<vmem>>, vector<16xf32>,
      %parallel_loop3A_475 = arith.index_cast %parallel_loop3A_459 : i32 to index
      %parallel_loop3A_476 = arith.constant 80 : index
      %parallel_loop3A_477 = tpu.vector_load %arg16[%parallel_loop3A_475, %parallel_loop3A_476] {strides = array<i32>} : memref<80x128xf32, #tpu.memory_space<vmem>>, vector<16xf32>,
      tpu.vector_store %arg16[%parallel_loop3A_475, %parallel_loop3A_476], %broadcast_in_dim3A_3 {strides = array<i32>} : memref<80x128xf32, #tpu.memory_space<vmem>>, vector<16xf32>,
      %parallel_loop3A_478 = arith.index_cast %parallel_loop3A_459 : i32 to index
      %parallel_loop3A_479 = arith.constant 96 : index
      %parallel_loop3A_480 = tpu.vector_load %arg16[%parallel_loop3A_478, %parallel_loop3A_479] {strides = array<i32>} : memref<80x128xf32, #tpu.memory_space<vmem>>, vector<16xf32>,
      tpu.vector_store %arg16[%parallel_loop3A_478, %parallel_loop3A_479], %broadcast_in_dim3A_3 {strides = array<i32>} : memref<80x128xf32, #tpu.memory_space<vmem>>, vector<16xf32>,
      %parallel_loop3A_481 = arith.index_cast %parallel_loop3A_459 : i32 to index
      %parallel_loop3A_482 = arith.constant 112 : index
      %parallel_loop3A_483 = tpu.vector_load %arg16[%parallel_loop3A_481, %parallel_loop3A_482] {strides = array<i32>} : memref<80x128xf32, #tpu.memory_space<vmem>>, vector<16xf32>,
      tpu.vector_store %arg16[%parallel_loop3A_481, %parallel_loop3A_482], %broadcast_in_dim3A_3 {strides = array<i32>} : memref<80x128xf32, #tpu.memory_space<vmem>>, vector<16xf32>,
    } {sc.loop_unroll_factor = 4 : i64, sc.parallel_access}
    %mul3A_9 = arith.constant 624 : i32
    %mul3A_10 = arith.muli %arg1, %mul3A_9 : i32
    %add3A_11 = arith.constant 0 : i32
    %add3A_12 = arith.addi %mul3A_10, %add3A_11 : i32
    %dma_start3A = arith.constant 0 : i32
    %dma_start3A_13 = arith.constant 0 : i32
    %dma_start3A_14 = tpu.memref_slice %arg16[%dma_start3A, %dma_start3A_13] : memref<80x128xf32, #tpu.memory_space<vmem>> -> memref<80x128xf32, #tpu.memory_space<vmem>>
    %dma_start3A_15 = arith.constant 0 : i32
    %dma_start3A_16 = tpu.memref_slice %arg18[%add3A_12, %dma_start3A_15] : memref<10000x128xf32, #tpu.memory_space<vmem_shared>> -> memref<80x128xf32, #tpu.memory_space<vmem_shared>>
    %dma_start3A_17 = arith.constant 0 : i32
    %dma_start3A_18 = tpu.memref_slice %arg18[%add3A_12, %dma_start3A_17] : memref<10000x128xf32, #tpu.memory_space<vmem_shared>> -> memref<80x128xf32, #tpu.memory_space<vmem_shared>>
    %dma_start3A_19 = arith.constant 0 : i32
    %dma_start3A_20 = arith.constant 0 : i32
    %dma_start3A_21 = tpu.memref_slice %arg16[%dma_start3A_19, %dma_start3A_20] : memref<80x128xf32, #tpu.memory_space<vmem>> -> memref<80x128xf32, #tpu.memory_space<vmem>>
    tpu.enqueue_dma source(%dma_start3A_21 : memref<80x128xf32, #tpu.memory_space<vmem>>) target(%dma_start3A_18 : memref<80x128xf32, #tpu.memory_space<vmem_shared>>) target_semaphore(%arg19 : memref<!tpu.dma_semaphore, #tpu.memory_space<semaphore_mem>>)
    %add3A_22 = arith.constant 80 : i32
    %add3A_23 = arith.addi %mul3A_10, %add3A_22 : i32
    %dma_start3A_24 = arith.constant 0 : i32
    %dma_start3A_25 = arith.constant 0 : i32
    %dma_start3A_26 = tpu.memref_slice %arg16[%dma_start3A_24, %dma_start3A_25] : memref<80x128xf32, #tpu.memory_space<vmem>> -> memref<80x128xf32, #tpu.memory_space<vmem>>
    %dma_start3A_27 = arith.constant 0 : i32
    %dma_start3A_28 = tpu.memref_slice %arg18[%add3A_23, %dma_start3A_27] : memref<10000x128xf32, #tpu.memory_space<vmem_shared>> -> memref<80x128xf32, #tpu.memory_space<vmem_shared>>
    %dma_start3A_29 = arith.constant 0 : i32
    %dma_start3A_30 = tpu.memref_slice %arg18[%add3A_23, %dma_start3A_29] : memref<10000x128xf32, #tpu.memory_space<vmem_shared>> -> memref<80x128xf32, #tpu.memory_space<vmem_shared>>
    %dma_start3A_31 = arith.constant 0 : i32
    %dma_start3A_32 = arith.constant 0 : i32
    %dma_start3A_33 = tpu.memref_slice %arg16[%dma_start3A_31, %dma_start3A_32] : memref<80x128xf32, #tpu.memory_space<vmem>> -> memref<80x128xf32, #tpu.memory_space<vmem>>
    tpu.enqueue_dma source(%dma_start3A_33 : memref<80x128xf32, #tpu.memory_space<vmem>>) target(%dma_start3A_30 : memref<80x128xf32, #tpu.memory_space<vmem_shared>>) target_semaphore(%arg19 : memref<!tpu.dma_semaphore, #tpu.memory_space<semaphore_mem>>)
    %add3A_34 = arith.constant 160 : i32
    %add3A_35 = arith.addi %mul3A_10, %add3A_34 : i32
    %dma_start3A_36 = arith.constant 0 : i32
    %dma_start3A_37 = arith.constant 0 : i32
    %dma_start3A_38 = tpu.memref_slice %arg16[%dma_start3A_36, %dma_start3A_37] : memref<80x128xf32, #tpu.memory_space<vmem>> -> memref<80x128xf32, #tpu.memory_space<vmem>>
    %dma_start3A_39 = arith.constant 0 : i32
    %dma_start3A_40 = tpu.memref_slice %arg18[%add3A_35, %dma_start3A_39] : memref<10000x128xf32, #tpu.memory_space<vmem_shared>> -> memref<80x128xf32, #tpu.memory_space<vmem_shared>>
    %dma_start3A_41 = arith.constant 0 : i32
    %dma_start3A_42 = tpu.memref_slice %arg18[%add3A_35, %dma_start3A_41] : memref<10000x128xf32, #tpu.memory_space<vmem_shared>> -> memref<80x128xf32, #tpu.memory_space<vmem_shared>>
    %dma_start3A_43 = arith.constant 0 : i32
    %dma_start3A_44 = arith.constant 0 : i32
    %dma_start3A_45 = tpu.memref_slice %arg16[%dma_start3A_43, %dma_start3A_44] : memref<80x128xf32, #tpu.memory_space<vmem>> -> memref<80x128xf32, #tpu.memory_space<vmem>>
    tpu.enqueue_dma source(%dma_start3A_45 : memref<80x128xf32, #tpu.memory_space<vmem>>) target(%dma_start3A_42 : memref<80x128xf32, #tpu.memory_space<vmem_shared>>) target_semaphore(%arg19 : memref<!tpu.dma_semaphore, #tpu.memory_space<semaphore_mem>>)
    %add3A_46 = arith.constant 240 : i32
    %add3A_47 = arith.addi %mul3A_10, %add3A_46 : i32
    %dma_start3A_48 = arith.constant 0 : i32
    %dma_start3A_49 = arith.constant 0 : i32
    %dma_start3A_50 = tpu.memref_slice %arg16[%dma_start3A_48, %dma_start3A_49] : memref<80x128xf32, #tpu.memory_space<vmem>> -> memref<80x128xf32, #tpu.memory_space<vmem>>
    %dma_start3A_51 = arith.constant 0 : i32
    %dma_start3A_52 = tpu.memref_slice %arg18[%add3A_47, %dma_start3A_51] : memref<10000x128xf32, #tpu.memory_space<vmem_shared>> -> memref<80x128xf32, #tpu.memory_space<vmem_shared>>
    %dma_start3A_53 = arith.constant 0 : i32
    %dma_start3A_54 = tpu.memref_slice %arg18[%add3A_47, %dma_start3A_53] : memref<10000x128xf32, #tpu.memory_space<vmem_shared>> -> memref<80x128xf32, #tpu.memory_space<vmem_shared>>
    %dma_start3A_55 = arith.constant 0 : i32
    %dma_start3A_56 = arith.constant 0 : i32
    %dma_start3A_57 = tpu.memref_slice %arg16[%dma_start3A_55, %dma_start3A_56] : memref<80x128xf32, #tpu.memory_space<vmem>> -> memref<80x128xf32, #tpu.memory_space<vmem>>
    tpu.enqueue_dma source(%dma_start3A_57 : memref<80x128xf32, #tpu.memory_space<vmem>>) target(%dma_start3A_54 : memref<80x128xf32, #tpu.memory_space<vmem_shared>>) target_semaphore(%arg19 : memref<!tpu.dma_semaphore, #tpu.memory_space<semaphore_mem>>)
    %add3A_58 = arith.constant 320 : i32
    %add3A_59 = arith.addi %mul3A_10, %add3A_58 : i32
    %dma_start3A_60 = arith.constant 0 : i32
    %dma_start3A_61 = arith.constant 0 : i32
    %dma_start3A_62 = tpu.memref_slice %arg16[%dma_start3A_60, %dma_start3A_61] : memref<80x128xf32, #tpu.memory_space<vmem>> -> memref<80x128xf32, #tpu.memory_space<vmem>>
    %dma_start3A_63 = arith.constant 0 : i32
    %dma_start3A_64 = tpu.memref_slice %arg18[%add3A_59, %dma_start3A_63] : memref<10000x128xf32, #tpu.memory_space<vmem_shared>> -> memref<80x128xf32, #tpu.memory_space<vmem_shared>>
    %dma_start3A_65 = arith.constant 0 : i32
    %dma_start3A_66 = tpu.memref_slice %arg18[%add3A_59, %dma_start3A_65] : memref<10000x128xf32, #tpu.memory_space<vmem_shared>> -> memref<80x128xf32, #tpu.memory_space<vmem_shared>>
    %dma_start3A_67 = arith.constant 0 : i32
    %dma_start3A_68 = arith.constant 0 : i32
    %dma_start3A_69 = tpu.memref_slice %arg16[%dma_start3A_67, %dma_start3A_68] : memref<80x128xf32, #tpu.memory_space<vmem>> -> memref<80x128xf32, #tpu.memory_space<vmem>>
    tpu.enqueue_dma source(%dma_start3A_69 : memref<80x128xf32, #tpu.memory_space<vmem>>) target(%dma_start3A_66 : memref<80x128xf32, #tpu.memory_space<vmem_shared>>) target_semaphore(%arg19 : memref<!tpu.dma_semaphore, #tpu.memory_space<semaphore_mem>>)
    %add3A_70 = arith.constant 400 : i32
    %add3A_71 = arith.addi %mul3A_10, %add3A_70 : i32
    %dma_start3A_72 = arith.constant 0 : i32
    %dma_start3A_73 = arith.constant 0 : i32
    %dma_start3A_74 = tpu.memref_slice %arg16[%dma_start3A_72, %dma_start3A_73] : memref<80x128xf32, #tpu.memory_space<vmem>> -> memref<80x128xf32, #tpu.memory_space<vmem>>
    %dma_start3A_75 = arith.constant 0 : i32
    %dma_start3A_76 = tpu.memref_slice %arg18[%add3A_71, %dma_start3A_75] : memref<10000x128xf32, #tpu.memory_space<vmem_shared>> -> memref<80x128xf32, #tpu.memory_space<vmem_shared>>
    %dma_start3A_77 = arith.constant 0 : i32
    %dma_start3A_78 = tpu.memref_slice %arg18[%add3A_71, %dma_start3A_77] : memref<10000x128xf32, #tpu.memory_space<vmem_shared>> -> memref<80x128xf32, #tpu.memory_space<vmem_shared>>
    %dma_start3A_79 = arith.constant 0 : i32
    %dma_start3A_80 = arith.constant 0 : i32
    %dma_start3A_81 = tpu.memref_slice %arg16[%dma_start3A_79, %dma_start3A_80] : memref<80x128xf32, #tpu.memory_space<vmem>> -> memref<80x128xf32, #tpu.memory_space<vmem>>
    tpu.enqueue_dma source(%dma_start3A_81 : memref<80x128xf32, #tpu.memory_space<vmem>>) target(%dma_start3A_78 : memref<80x128xf32, #tpu.memory_space<vmem_shared>>) target_semaphore(%arg19 : memref<!tpu.dma_semaphore, #tpu.memory_space<semaphore_mem>>)
    %add3A_82 = arith.constant 480 : i32
    %add3A_83 = arith.addi %mul3A_10, %add3A_82 : i32
    %dma_start3A_84 = arith.constant 0 : i32
    %dma_start3A_85 = arith.constant 0 : i32
    %dma_start3A_86 = tpu.memref_slice %arg16[%dma_start3A_84, %dma_start3A_85] : memref<80x128xf32, #tpu.memory_space<vmem>> -> memref<80x128xf32, #tpu.memory_space<vmem>>
    %dma_start3A_87 = arith.constant 0 : i32
    %dma_start3A_88 = tpu.memref_slice %arg18[%add3A_83, %dma_start3A_87] : memref<10000x128xf32, #tpu.memory_space<vmem_shared>> -> memref<80x128xf32, #tpu.memory_space<vmem_shared>>
    %dma_start3A_89 = arith.constant 0 : i32
    %dma_start3A_90 = tpu.memref_slice %arg18[%add3A_83, %dma_start3A_89] : memref<10000x128xf32, #tpu.memory_space<vmem_shared>> -> memref<80x128xf32, #tpu.memory_space<vmem_shared>>
    %dma_start3A_91 = arith.constant 0 : i32
    %dma_start3A_92 = arith.constant 0 : i32
    %dma_start3A_93 = tpu.memref_slice %arg16[%dma_start3A_91, %dma_start3A_92] : memref<80x128xf32, #tpu.memory_space<vmem>> -> memref<80x128xf32, #tpu.memory_space<vmem>>
    tpu.enqueue_dma source(%dma_start3A_93 : memref<80x128xf32, #tpu.memory_space<vmem>>) target(%dma_start3A_90 : memref<80x128xf32, #tpu.memory_space<vmem_shared>>) target_semaphore(%arg19 : memref<!tpu.dma_semaphore, #tpu.memory_space<semaphore_mem>>)
    %add3A_94 = arith.constant 560 : i32
    %add3A_95 = arith.addi %mul3A_10, %add3A_94 : i32
    %dma_start3A_96 = arith.constant 0 : i32
    %dma_start3A_97 = arith.constant 0 : i32
    %dma_start3A_98 = tpu.memref_slice %arg16[%dma_start3A_96, %dma_start3A_97] : memref<80x128xf32, #tpu.memory_space<vmem>> -> memref<64x128xf32, #tpu.memory_space<vmem>>
    %dma_start3A_99 = arith.constant 0 : i32
    %dma_start3A_100 = tpu.memref_slice %arg18[%add3A_95, %dma_start3A_99] : memref<10000x128xf32, #tpu.memory_space<vmem_shared>> -> memref<64x128xf32, #tpu.memory_space<vmem_shared>>
    %dma_start3A_101 = arith.constant 0 : i32
    %dma_start3A_102 = tpu.memref_slice %arg18[%add3A_95, %dma_start3A_101] : memref<10000x128xf32, #tpu.memory_space<vmem_shared>> -> memref<64x128xf32, #tpu.memory_space<vmem_shared>>
    %dma_start3A_103 = arith.constant 0 : i32
    %dma_start3A_104 = arith.constant 0 : i32
    %dma_start3A_105 = tpu.memref_slice %arg16[%dma_start3A_103, %dma_start3A_104] : memref<80x128xf32, #tpu.memory_space<vmem>> -> memref<64x128xf32, #tpu.memory_space<vmem>>
    tpu.enqueue_dma source(%dma_start3A_105 : memref<64x128xf32, #tpu.memory_space<vmem>>) target(%dma_start3A_102 : memref<64x128xf32, #tpu.memory_space<vmem_shared>>) target_semaphore(%arg19 : memref<!tpu.dma_semaphore, #tpu.memory_space<semaphore_mem>>)
    %add3A_106 = arith.constant 0 : i32
    %add3A_107 = arith.addi %mul3A_10, %add3A_106 : i32
    %dma_wait3A = arith.constant 0 : i32
    %dma_wait3A_108 = arith.constant 0 : i32
    %dma_wait3A_109 = tpu.memref_slice %arg16[%dma_wait3A, %dma_wait3A_108] : memref<80x128xf32, #tpu.memory_space<vmem>> -> memref<80x128xf32, #tpu.memory_space<vmem>>
    %dma_wait3A_110 = arith.constant 0 : i32
    %dma_wait3A_111 = tpu.memref_slice %arg18[%add3A_107, %dma_wait3A_110] : memref<10000x128xf32, #tpu.memory_space<vmem_shared>> -> memref<80x128xf32, #tpu.memory_space<vmem_shared>>
    %dma_wait3A_112 = arith.constant 0 : i32
    %dma_wait3A_113 = tpu.memref_slice %arg18[%add3A_107, %dma_wait3A_112] : memref<10000x128xf32, #tpu.memory_space<vmem_shared>> -> memref<80x128xf32, #tpu.memory_space<vmem_shared>>
    %dma_wait3A_114 = arith.constant 0 : i32
    %dma_wait3A_115 = arith.constant 0 : i32
    %dma_wait3A_116 = tpu.memref_slice %arg16[%dma_wait3A_114, %dma_wait3A_115] : memref<80x128xf32, #tpu.memory_space<vmem>> -> memref<80x128xf32, #tpu.memory_space<vmem>>
    tpu.wait_dma2 semaphore(%arg19 : memref<!tpu.dma_semaphore, #tpu.memory_space<semaphore_mem>>) src(%dma_wait3A_116 : memref<80x128xf32, #tpu.memory_space<vmem>>) dst(%dma_wait3A_113 : memref<80x128xf32, #tpu.memory_space<vmem_shared>>)
    %add3A_117 = arith.constant 80 : i32
    %add3A_118 = arith.addi %mul3A_10, %add3A_117 : i32
    %dma_wait3A_119 = arith.constant 0 : i32
    %dma_wait3A_120 = arith.constant 0 : i32
    %dma_wait3A_121 = tpu.memref_slice %arg16[%dma_wait3A_119, %dma_wait3A_120] : memref<80x128xf32, #tpu.memory_space<vmem>> -> memref<80x128xf32, #tpu.memory_space<vmem>>
    %dma_wait3A_122 = arith.constant 0 : i32
    %dma_wait3A_123 = tpu.memref_slice %arg18[%add3A_118, %dma_wait3A_122] : memref<10000x128xf32, #tpu.memory_space<vmem_shared>> -> memref<80x128xf32, #tpu.memory_space<vmem_shared>>
    %dma_wait3A_124 = arith.constant 0 : i32
    %dma_wait3A_125 = tpu.memref_slice %arg18[%add3A_118, %dma_wait3A_124] : memref<10000x128xf32, #tpu.memory_space<vmem_shared>> -> memref<80x128xf32, #tpu.memory_space<vmem_shared>>
    %dma_wait3A_126 = arith.constant 0 : i32
    %dma_wait3A_127 = arith.constant 0 : i32
    %dma_wait3A_128 = tpu.memref_slice %arg16[%dma_wait3A_126, %dma_wait3A_127] : memref<80x128xf32, #tpu.memory_space<vmem>> -> memref<80x128xf32, #tpu.memory_space<vmem>>
    tpu.wait_dma2 semaphore(%arg19 : memref<!tpu.dma_semaphore, #tpu.memory_space<semaphore_mem>>) src(%dma_wait3A_128 : memref<80x128xf32, #tpu.memory_space<vmem>>) dst(%dma_wait3A_125 : memref<80x128xf32, #tpu.memory_space<vmem_shared>>)
    %add3A_129 = arith.constant 160 : i32
    %add3A_130 = arith.addi %mul3A_10, %add3A_129 : i32
    %dma_wait3A_131 = arith.constant 0 : i32
    %dma_wait3A_132 = arith.constant 0 : i32
    %dma_wait3A_133 = tpu.memref_slice %arg16[%dma_wait3A_131, %dma_wait3A_132] : memref<80x128xf32, #tpu.memory_space<vmem>> -> memref<80x128xf32, #tpu.memory_space<vmem>>
    %dma_wait3A_134 = arith.constant 0 : i32
    %dma_wait3A_135 = tpu.memref_slice %arg18[%add3A_130, %dma_wait3A_134] : memref<10000x128xf32, #tpu.memory_space<vmem_shared>> -> memref<80x128xf32, #tpu.memory_space<vmem_shared>>
    %dma_wait3A_136 = arith.constant 0 : i32
    %dma_wait3A_137 = tpu.memref_slice %arg18[%add3A_130, %dma_wait3A_136] : memref<10000x128xf32, #tpu.memory_space<vmem_shared>> -> memref<80x128xf32, #tpu.memory_space<vmem_shared>>
    %dma_wait3A_138 = arith.constant 0 : i32
    %dma_wait3A_139 = arith.constant 0 : i32
    %dma_wait3A_140 = tpu.memref_slice %arg16[%dma_wait3A_138, %dma_wait3A_139] : memref<80x128xf32, #tpu.memory_space<vmem>> -> memref<80x128xf32, #tpu.memory_space<vmem>>
    tpu.wait_dma2 semaphore(%arg19 : memref<!tpu.dma_semaphore, #tpu.memory_space<semaphore_mem>>) src(%dma_wait3A_140 : memref<80x128xf32, #tpu.memory_space<vmem>>) dst(%dma_wait3A_137 : memref<80x128xf32, #tpu.memory_space<vmem_shared>>)
    %add3A_141 = arith.constant 240 : i32
    %add3A_142 = arith.addi %mul3A_10, %add3A_141 : i32
    %dma_wait3A_143 = arith.constant 0 : i32
    %dma_wait3A_144 = arith.constant 0 : i32
    %dma_wait3A_145 = tpu.memref_slice %arg16[%dma_wait3A_143, %dma_wait3A_144] : memref<80x128xf32, #tpu.memory_space<vmem>> -> memref<80x128xf32, #tpu.memory_space<vmem>>
    %dma_wait3A_146 = arith.constant 0 : i32
    %dma_wait3A_147 = tpu.memref_slice %arg18[%add3A_142, %dma_wait3A_146] : memref<10000x128xf32, #tpu.memory_space<vmem_shared>> -> memref<80x128xf32, #tpu.memory_space<vmem_shared>>
    %dma_wait3A_148 = arith.constant 0 : i32
    %dma_wait3A_149 = tpu.memref_slice %arg18[%add3A_142, %dma_wait3A_148] : memref<10000x128xf32, #tpu.memory_space<vmem_shared>> -> memref<80x128xf32, #tpu.memory_space<vmem_shared>>
    %dma_wait3A_150 = arith.constant 0 : i32
    %dma_wait3A_151 = arith.constant 0 : i32
    %dma_wait3A_152 = tpu.memref_slice %arg16[%dma_wait3A_150, %dma_wait3A_151] : memref<80x128xf32, #tpu.memory_space<vmem>> -> memref<80x128xf32, #tpu.memory_space<vmem>>
    tpu.wait_dma2 semaphore(%arg19 : memref<!tpu.dma_semaphore, #tpu.memory_space<semaphore_mem>>) src(%dma_wait3A_152 : memref<80x128xf32, #tpu.memory_space<vmem>>) dst(%dma_wait3A_149 : memref<80x128xf32, #tpu.memory_space<vmem_shared>>)
    %add3A_153 = arith.constant 320 : i32
    %add3A_154 = arith.addi %mul3A_10, %add3A_153 : i32
    %dma_wait3A_155 = arith.constant 0 : i32
    %dma_wait3A_156 = arith.constant 0 : i32
    %dma_wait3A_157 = tpu.memref_slice %arg16[%dma_wait3A_155, %dma_wait3A_156] : memref<80x128xf32, #tpu.memory_space<vmem>> -> memref<80x128xf32, #tpu.memory_space<vmem>>
    %dma_wait3A_158 = arith.constant 0 : i32
    %dma_wait3A_159 = tpu.memref_slice %arg18[%add3A_154, %dma_wait3A_158] : memref<10000x128xf32, #tpu.memory_space<vmem_shared>> -> memref<80x128xf32, #tpu.memory_space<vmem_shared>>
    %dma_wait3A_160 = arith.constant 0 : i32
    %dma_wait3A_161 = tpu.memref_slice %arg18[%add3A_154, %dma_wait3A_160] : memref<10000x128xf32, #tpu.memory_space<vmem_shared>> -> memref<80x128xf32, #tpu.memory_space<vmem_shared>>
    %dma_wait3A_162 = arith.constant 0 : i32
    %dma_wait3A_163 = arith.constant 0 : i32
    %dma_wait3A_164 = tpu.memref_slice %arg16[%dma_wait3A_162, %dma_wait3A_163] : memref<80x128xf32, #tpu.memory_space<vmem>> -> memref<80x128xf32, #tpu.memory_space<vmem>>
    tpu.wait_dma2 semaphore(%arg19 : memref<!tpu.dma_semaphore, #tpu.memory_space<semaphore_mem>>) src(%dma_wait3A_164 : memref<80x128xf32, #tpu.memory_space<vmem>>) dst(%dma_wait3A_161 : memref<80x128xf32, #tpu.memory_space<vmem_shared>>)
    %add3A_165 = arith.constant 400 : i32
    %add3A_166 = arith.addi %mul3A_10, %add3A_165 : i32
    %dma_wait3A_167 = arith.constant 0 : i32
    %dma_wait3A_168 = arith.constant 0 : i32
    %dma_wait3A_169 = tpu.memref_slice %arg16[%dma_wait3A_167, %dma_wait3A_168] : memref<80x128xf32, #tpu.memory_space<vmem>> -> memref<80x128xf32, #tpu.memory_space<vmem>>
    %dma_wait3A_170 = arith.constant 0 : i32
    %dma_wait3A_171 = tpu.memref_slice %arg18[%add3A_166, %dma_wait3A_170] : memref<10000x128xf32, #tpu.memory_space<vmem_shared>> -> memref<80x128xf32, #tpu.memory_space<vmem_shared>>
    %dma_wait3A_172 = arith.constant 0 : i32
    %dma_wait3A_173 = tpu.memref_slice %arg18[%add3A_166, %dma_wait3A_172] : memref<10000x128xf32, #tpu.memory_space<vmem_shared>> -> memref<80x128xf32, #tpu.memory_space<vmem_shared>>
    %dma_wait3A_174 = arith.constant 0 : i32
    %dma_wait3A_175 = arith.constant 0 : i32
    %dma_wait3A_176 = tpu.memref_slice %arg16[%dma_wait3A_174, %dma_wait3A_175] : memref<80x128xf32, #tpu.memory_space<vmem>> -> memref<80x128xf32, #tpu.memory_space<vmem>>
    tpu.wait_dma2 semaphore(%arg19 : memref<!tpu.dma_semaphore, #tpu.memory_space<semaphore_mem>>) src(%dma_wait3A_176 : memref<80x128xf32, #tpu.memory_space<vmem>>) dst(%dma_wait3A_173 : memref<80x128xf32, #tpu.memory_space<vmem_shared>>)
    %add3A_177 = arith.constant 480 : i32
    %add3A_178 = arith.addi %mul3A_10, %add3A_177 : i32
    %dma_wait3A_179 = arith.constant 0 : i32
    %dma_wait3A_180 = arith.constant 0 : i32
    %dma_wait3A_181 = tpu.memref_slice %arg16[%dma_wait3A_179, %dma_wait3A_180] : memref<80x128xf32, #tpu.memory_space<vmem>> -> memref<80x128xf32, #tpu.memory_space<vmem>>
    %dma_wait3A_182 = arith.constant 0 : i32
    %dma_wait3A_183 = tpu.memref_slice %arg18[%add3A_178, %dma_wait3A_182] : memref<10000x128xf32, #tpu.memory_space<vmem_shared>> -> memref<80x128xf32, #tpu.memory_space<vmem_shared>>
    %dma_wait3A_184 = arith.constant 0 : i32
    %dma_wait3A_185 = tpu.memref_slice %arg18[%add3A_178, %dma_wait3A_184] : memref<10000x128xf32, #tpu.memory_space<vmem_shared>> -> memref<80x128xf32, #tpu.memory_space<vmem_shared>>
    %dma_wait3A_186 = arith.constant 0 : i32
    %dma_wait3A_187 = arith.constant 0 : i32
    %dma_wait3A_188 = tpu.memref_slice %arg16[%dma_wait3A_186, %dma_wait3A_187] : memref<80x128xf32, #tpu.memory_space<vmem>> -> memref<80x128xf32, #tpu.memory_space<vmem>>
    tpu.wait_dma2 semaphore(%arg19 : memref<!tpu.dma_semaphore, #tpu.memory_space<semaphore_mem>>) src(%dma_wait3A_188 : memref<80x128xf32, #tpu.memory_space<vmem>>) dst(%dma_wait3A_185 : memref<80x128xf32, #tpu.memory_space<vmem_shared>>)
    %add3A_189 = arith.constant 560 : i32
    %add3A_190 = arith.addi %mul3A_10, %add3A_189 : i32
    %dma_wait3A_191 = arith.constant 0 : i32
    %dma_wait3A_192 = arith.constant 0 : i32
    %dma_wait3A_193 = tpu.memref_slice %arg16[%dma_wait3A_191, %dma_wait3A_192] : memref<80x128xf32, #tpu.memory_space<vmem>> -> memref<64x128xf32, #tpu.memory_space<vmem>>
    %dma_wait3A_194 = arith.constant 0 : i32
    %dma_wait3A_195 = tpu.memref_slice %arg18[%add3A_190, %dma_wait3A_194] : memref<10000x128xf32, #tpu.memory_space<vmem_shared>> -> memref<64x128xf32, #tpu.memory_space<vmem_shared>>
    %dma_wait3A_196 = arith.constant 0 : i32
    %dma_wait3A_197 = tpu.memref_slice %arg18[%add3A_190, %dma_wait3A_196] : memref<10000x128xf32, #tpu.memory_space<vmem_shared>> -> memref<64x128xf32, #tpu.memory_space<vmem_shared>>
    %dma_wait3A_198 = arith.constant 0 : i32
    %dma_wait3A_199 = arith.constant 0 : i32
    %dma_wait3A_200 = tpu.memref_slice %arg16[%dma_wait3A_198, %dma_wait3A_199] : memref<80x128xf32, #tpu.memory_space<vmem>> -> memref<64x128xf32, #tpu.memory_space<vmem>>
    tpu.wait_dma2 semaphore(%arg19 : memref<!tpu.dma_semaphore, #tpu.memory_space<semaphore_mem>>) src(%dma_wait3A_200 : memref<64x128xf32, #tpu.memory_space<vmem>>) dst(%dma_wait3A_197 : memref<64x128xf32, #tpu.memory_space<vmem_shared>>)
    %eq3A = arith.constant 0 : i32
    %eq3A_201 = arith.cmpi eq, %arg1, %eq3A : i32
    %convert_element_type3A = arith.extui %eq3A_201 : i1 to i32
    %cond3A = arith.constant 0 : i32
    %cond3A_202 = arith.cmpi ne, %convert_element_type3A, %cond3A : i32
    scf.if %cond3A_202 {
      "tpu.region"() ({
        %run_scoped3A = tpu.sem_alloc : memref<!tpu.dma_semaphore, #tpu.memory_space<semaphore_mem>>
        %dma_start3A_459 = arith.constant 0 : i32
        %dma_start3A_460 = arith.constant 0 : i32
        %dma_start3A_461 = tpu.memref_slice %arg16[%dma_start3A_459, %dma_start3A_460] : memref<80x128xf32, #tpu.memory_space<vmem>> -> memref<16x128xf32, #tpu.memory_space<vmem>>
        %dma_start3A_462 = arith.constant 9984 : i32
        %dma_start3A_463 = arith.constant 0 : i32
        %dma_start3A_464 = tpu.memref_slice %arg18[%dma_start3A_462, %dma_start3A_463] : memref<10000x128xf32, #tpu.memory_space<vmem_shared>> -> memref<16x128xf32, #tpu.memory_space<vmem_shared>>
        %dma_start3A_465 = arith.constant 9984 : i32
        %dma_start3A_466 = arith.constant 0 : i32
        %dma_start3A_467 = tpu.memref_slice %arg18[%dma_start3A_465, %dma_start3A_466] : memref<10000x128xf32, #tpu.memory_space<vmem_shared>> -> memref<16x128xf32, #tpu.memory_space<vmem_shared>>
        %dma_start3A_468 = arith.constant 0 : i32
        %dma_start3A_469 = arith.constant 0 : i32
        %dma_start3A_470 = tpu.memref_slice %arg16[%dma_start3A_468, %dma_start3A_469] : memref<80x128xf32, #tpu.memory_space<vmem>> -> memref<16x128xf32, #tpu.memory_space<vmem>>
        tpu.enqueue_dma source(%dma_start3A_470 : memref<16x128xf32, #tpu.memory_space<vmem>>) target(%dma_start3A_467 : memref<16x128xf32, #tpu.memory_space<vmem_shared>>) target_semaphore(%run_scoped3A : memref<!tpu.dma_semaphore, #tpu.memory_space<semaphore_mem>>)
        %dma_wait3A_471 = arith.constant 0 : i32
        %dma_wait3A_472 = arith.constant 0 : i32
        %dma_wait3A_473 = tpu.memref_slice %arg16[%dma_wait3A_471, %dma_wait3A_472] : memref<80x128xf32, #tpu.memory_space<vmem>> -> memref<16x128xf32, #tpu.memory_space<vmem>>
        %dma_wait3A_474 = arith.constant 9984 : i32
        %dma_wait3A_475 = arith.constant 0 : i32
        %dma_wait3A_476 = tpu.memref_slice %arg18[%dma_wait3A_474, %dma_wait3A_475] : memref<10000x128xf32, #tpu.memory_space<vmem_shared>> -> memref<16x128xf32, #tpu.memory_space<vmem_shared>>
        %dma_wait3A_477 = arith.constant 9984 : i32
        %dma_wait3A_478 = arith.constant 0 : i32
        %dma_wait3A_479 = tpu.memref_slice %arg18[%dma_wait3A_477, %dma_wait3A_478] : memref<10000x128xf32, #tpu.memory_space<vmem_shared>> -> memref<16x128xf32, #tpu.memory_space<vmem_shared>>
        %dma_wait3A_480 = arith.constant 0 : i32
        %dma_wait3A_481 = arith.constant 0 : i32
        %dma_wait3A_482 = tpu.memref_slice %arg16[%dma_wait3A_480, %dma_wait3A_481] : memref<80x128xf32, #tpu.memory_space<vmem>> -> memref<16x128xf32, #tpu.memory_space<vmem>>
        tpu.wait_dma2 semaphore(%run_scoped3A : memref<!tpu.dma_semaphore, #tpu.memory_space<semaphore_mem>>) src(%dma_wait3A_482 : memref<16x128xf32, #tpu.memory_space<vmem>>) dst(%dma_wait3A_479 : memref<16x128xf32, #tpu.memory_space<vmem_shared>>)
        tpu.yield
      }) : () -> ()
    } else {
    }
    %barrier3A = arith.constant 0 : index
    tpu.barrier barrier_id(%barrier3A)
    %add3A_203 = arith.constant 0 : i32
    %add3A_204 = arith.addi %mul3A_2, %add3A_203 : i32
    %dma_start3A_205 = tpu.memref_slice %arg3[%add3A_204] : memref<640000xi32, #tpu.memory_space<hbm>> -> memref<80xi32, #tpu.memory_space<hbm>>
    %dma_start3A_206 = tpu.memref_slice %arg3[%add3A_204] : memref<640000xi32, #tpu.memory_space<hbm>> -> memref<80xi32, #tpu.memory_space<hbm>>
    tpu.enqueue_dma source(%dma_start3A_206 : memref<80xi32, #tpu.memory_space<hbm>>) target(%arg7 : memref<80xi32, #tpu.memory_space<vmem>>) target_semaphore(%arg25 : memref<!tpu.dma_semaphore, #tpu.memory_space<semaphore_mem>>)
    %add3A_207 = arith.constant 320000 : i32
    %add3A_208 = arith.addi %add3A_207, %mul3A_2 : i32
    %add3A_209 = arith.constant 0 : i32
    %add3A_210 = arith.addi %add3A_208, %add3A_209 : i32
    %dma_start3A_211 = tpu.memref_slice %arg3[%add3A_210] : memref<640000xi32, #tpu.memory_space<hbm>> -> memref<80xi32, #tpu.memory_space<hbm>>
    %dma_start3A_212 = tpu.memref_slice %arg3[%add3A_210] : memref<640000xi32, #tpu.memory_space<hbm>> -> memref<80xi32, #tpu.memory_space<hbm>>
    tpu.enqueue_dma source(%dma_start3A_212 : memref<80xi32, #tpu.memory_space<hbm>>) target(%arg9 : memref<80xi32, #tpu.memory_space<vmem>>) target_semaphore(%arg25 : memref<!tpu.dma_semaphore, #tpu.memory_space<semaphore_mem>>)
    %add3A_213 = arith.constant 80 : i32
    %add3A_214 = arith.addi %mul3A_2, %add3A_213 : i32
    %dma_start3A_215 = tpu.memref_slice %arg3[%add3A_214] : memref<640000xi32, #tpu.memory_space<hbm>> -> memref<80xi32, #tpu.memory_space<hbm>>
    %dma_start3A_216 = tpu.memref_slice %arg3[%add3A_214] : memref<640000xi32, #tpu.memory_space<hbm>> -> memref<80xi32, #tpu.memory_space<hbm>>
    tpu.enqueue_dma source(%dma_start3A_216 : memref<80xi32, #tpu.memory_space<hbm>>) target(%arg8 : memref<80xi32, #tpu.memory_space<vmem>>) target_semaphore(%arg26 : memref<!tpu.dma_semaphore, #tpu.memory_space<semaphore_mem>>)
    %add3A_217 = arith.constant 320000 : i32
    %add3A_218 = arith.addi %add3A_217, %mul3A_2 : i32
    %add3A_219 = arith.constant 80 : i32
    %add3A_220 = arith.addi %add3A_218, %add3A_219 : i32
    %dma_start3A_221 = tpu.memref_slice %arg3[%add3A_220] : memref<640000xi32, #tpu.memory_space<hbm>> -> memref<80xi32, #tpu.memory_space<hbm>>
    %dma_start3A_222 = tpu.memref_slice %arg3[%add3A_220] : memref<640000xi32, #tpu.memory_space<hbm>> -> memref<80xi32, #tpu.memory_space<hbm>>
    tpu.enqueue_dma source(%dma_start3A_222 : memref<80xi32, #tpu.memory_space<hbm>>) target(%arg10 : memref<80xi32, #tpu.memory_space<vmem>>) target_semaphore(%arg26 : memref<!tpu.dma_semaphore, #tpu.memory_space<semaphore_mem>>)
    %add3A_223 = arith.constant 0 : i32
    %add3A_224 = arith.addi %mul3A_2, %add3A_223 : i32
    %dma_wait3A_225 = tpu.memref_slice %arg3[%add3A_224] : memref<640000xi32, #tpu.memory_space<hbm>> -> memref<80xi32, #tpu.memory_space<hbm>>
    %dma_wait3A_226 = tpu.memref_slice %arg3[%add3A_224] : memref<640000xi32, #tpu.memory_space<hbm>> -> memref<80xi32, #tpu.memory_space<hbm>>
    tpu.wait_dma2 semaphore(%arg25 : memref<!tpu.dma_semaphore, #tpu.memory_space<semaphore_mem>>) src(%dma_wait3A_226 : memref<80xi32, #tpu.memory_space<hbm>>) dst(%arg7 : memref<80xi32, #tpu.memory_space<vmem>>)
    %add3A_227 = arith.constant 320000 : i32
    %add3A_228 = arith.addi %add3A_227, %mul3A_2 : i32
    %add3A_229 = arith.constant 0 : i32
    %add3A_230 = arith.addi %add3A_228, %add3A_229 : i32
    %dma_wait3A_231 = tpu.memref_slice %arg3[%add3A_230] : memref<640000xi32, #tpu.memory_space<hbm>> -> memref<80xi32, #tpu.memory_space<hbm>>
    %dma_wait3A_232 = tpu.memref_slice %arg3[%add3A_230] : memref<640000xi32, #tpu.memory_space<hbm>> -> memref<80xi32, #tpu.memory_space<hbm>>
    tpu.wait_dma2 semaphore(%arg25 : memref<!tpu.dma_semaphore, #tpu.memory_space<semaphore_mem>>) src(%dma_wait3A_232 : memref<80xi32, #tpu.memory_space<hbm>>) dst(%arg9 : memref<80xi32, #tpu.memory_space<vmem>>)
    %dma_start3A_233 = arith.constant 0 : i32
    %dma_start3A_234 = arith.constant 0 : i32
    %dma_start3A_235 = tpu.memref_slice %arg16[%dma_start3A_233, %dma_start3A_234] : memref<80x128xf32, #tpu.memory_space<vmem>> -> memref<40x128xf32, #tpu.memory_space<vmem>>
    %dma_start3A_236 = arith.constant 0 : i32
    %dma_start3A_237 = tpu.memref_slice %arg7[%dma_start3A_236] : memref<80xi32, #tpu.memory_space<vmem>> -> memref<40xi32, #tpu.memory_space<vmem>>
    %dma_start3A_238 = arith.constant 0 : i32
    %dma_start3A_239 = arith.constant 0 : i32
    %dma_start3A_240 = tpu.memref_slice %arg2[%dma_start3A_238, %dma_start3A_239] : memref<10000x128xf32, #tpu.memory_space<hbm>> -> memref<10000x128xf32, #tpu.memory_space<hbm>>
    tpu.enqueue_indirect_dma source(%dma_start3A_240 : memref<10000x128xf32, #tpu.memory_space<hbm>>) target(%dma_start3A_235 : memref<40x128xf32, #tpu.memory_space<vmem>>) offsets(%dma_start3A_237 : memref<40xi32, #tpu.memory_space<vmem>>) semaphore(%arg19 : memref<!tpu.dma_semaphore, #tpu.memory_space<semaphore_mem>>)
    %dma_start3A_241 = arith.constant 40 : i32
    %dma_start3A_242 = arith.constant 0 : i32
    %dma_start3A_243 = tpu.memref_slice %arg16[%dma_start3A_241, %dma_start3A_242] : memref<80x128xf32, #tpu.memory_space<vmem>> -> memref<40x128xf32, #tpu.memory_space<vmem>>
    %dma_start3A_244 = arith.constant 40 : i32
    %dma_start3A_245 = tpu.memref_slice %arg7[%dma_start3A_244] : memref<80xi32, #tpu.memory_space<vmem>> -> memref<40xi32, #tpu.memory_space<vmem>>
    %dma_start3A_246 = arith.constant 0 : i32
    %dma_start3A_247 = arith.constant 0 : i32
    %dma_start3A_248 = tpu.memref_slice %arg2[%dma_start3A_246, %dma_start3A_247] : memref<10000x128xf32, #tpu.memory_space<hbm>> -> memref<10000x128xf32, #tpu.memory_space<hbm>>
    tpu.enqueue_indirect_dma source(%dma_start3A_248 : memref<10000x128xf32, #tpu.memory_space<hbm>>) target(%dma_start3A_243 : memref<40x128xf32, #tpu.memory_space<vmem>>) offsets(%dma_start3A_245 : memref<40xi32, #tpu.memory_space<vmem>>) semaphore(%arg20 : memref<!tpu.dma_semaphore, #tpu.memory_space<semaphore_mem>>)
    %scan3A = arith.constant 0 : i32
    %scan3A_249 = arith.constant 0 : i32
    %scan3A_250 = arith.constant 62 : i32
    %scan3A_251 = arith.addi %scan3A_249, %scan3A_250 : i32
    %scan3A_252 = arith.constant 1 : i32
    scf.for %scan3A_459 = %scan3A_249 to %scan3A_251 step %scan3A_252  : i32 {
      %mul3A_460 = arith.constant 2 : i32
      %mul3A_461 = arith.muli %mul3A_460, %scan3A_459 : i32
      %ge3A = arith.constant 1 : i32
      %ge3A_462 = arith.cmpi sge, %scan3A_459, %ge3A : i32
      %get3A_463 = arith.constant 0 : index
      %get3A_464 = tpu.vector_load %arg7[%get3A_463] {strides = array<i32>} : memref<80xi32, #tpu.memory_space<vmem>>, vector<16xi32>,
      %get3A_465 = arith.constant 0 : index
      %get3A_466 = tpu.vector_load %arg9[%get3A_465] {strides = array<i32>} : memref<80xi32, #tpu.memory_space<vmem>>, vector<16xi32>,
      %gather3A_467 = tpu.vector_load_idx %arg13[%get3A_464] : memref<10000xi32, #tpu.memory_space<vmem>>[vector<16xi32>], vector<16xi32>,
      %gather3A_468 = tpu.vector_load_idx %arg13[%get3A_466] : memref<10000xi32, #tpu.memory_space<vmem>>[vector<16xi32>], vector<16xi32>,
      %shift_right_arithmetic3A_469 = arith.constant 16 : i32
      %shift_right_arithmetic3A_470 = vector.broadcast %shift_right_arithmetic3A_469 : i32 to vector<16xi32>
      %shift_right_arithmetic3A_471 = arith.shrsi %gather3A_467, %shift_right_arithmetic3A_470 : vector<16xi32>
      %convert_element_type3A_472 = arith.sitofp %shift_right_arithmetic3A_471 : vector<16xi32> to vector<16xf32>
      %mul3A_473 = arith.constant 4.8828125E-4 : f32
      %mul3A_474 = vector.broadcast %mul3A_473 : f32 to vector<16xf32>
      %mul3A_475 = arith.mulf %convert_element_type3A_472, %mul3A_474 : vector<16xf32>
      %shift_left3A_476 = arith.constant 16 : i32
      %shift_left3A_477 = vector.broadcast %shift_left3A_476 : i32 to vector<16xi32>
      %shift_left3A_478 = arith.shli %gather3A_468, %shift_left3A_477 : vector<16xi32>
      %shift_right_arithmetic3A_479 = arith.constant 16 : i32
      %shift_right_arithmetic3A_480 = vector.broadcast %shift_right_arithmetic3A_479 : i32 to vector<16xi32>
      %shift_right_arithmetic3A_481 = arith.shrsi %shift_left3A_478, %shift_right_arithmetic3A_480 : vector<16xi32>
      %convert_element_type3A_482 = arith.sitofp %shift_right_arithmetic3A_481 : vector<16xi32> to vector<16xf32>
      %mul3A_483 = arith.constant 4.8828125E-4 : f32
      %mul3A_484 = vector.broadcast %mul3A_483 : f32 to vector<16xf32>
      %mul3A_485 = arith.mulf %convert_element_type3A_482, %mul3A_484 : vector<16xf32>
      %add3A_486 = arith.addf %mul3A_475, %mul3A_485 : vector<16xf32>
      %mul3A_487 = arith.constant 2.000000e-01 : f32
      %mul3A_488 = vector.broadcast %mul3A_487 : f32 to vector<16xf32>
      %mul3A_489 = arith.mulf %mul3A_488, %add3A_486 : vector<16xf32>
      %max3A_490 = arith.maximumf %add3A_486, %mul3A_489 : vector<16xf32>
      %exp3A_491 = math.exp %max3A_490 : vector<16xf32>
      %swap3A_492 = arith.constant 0 : index
      %swap3A_493 = tpu.vector_load %arg15[%swap3A_492] {strides = array<i32>} : memref<80xf32, #tpu.memory_space<vmem>>, vector<16xf32>,
      tpu.vector_store %arg15[%swap3A_492], %exp3A_491 {strides = array<i32>} : memref<80xf32, #tpu.memory_space<vmem>>, vector<16xf32>,
      tpu.vector_store_idx %arg14[%get3A_466], %exp3A_491 {add = true} : memref<10000xf32, #tpu.memory_space<vmem>>[vector<16xi32>], vector<16xf32>,
      %get3A_494 = arith.constant 16 : index
      %get3A_495 = tpu.vector_load %arg7[%get3A_494] {strides = array<i32>} : memref<80xi32, #tpu.memory_space<vmem>>, vector<16xi32>,
      %get3A_496 = arith.constant 16 : index
      %get3A_497 = tpu.vector_load %arg9[%get3A_496] {strides = array<i32>} : memref<80xi32, #tpu.memory_space<vmem>>, vector<16xi32>,
      %gather3A_498 = tpu.vector_load_idx %arg13[%get3A_495] : memref<10000xi32, #tpu.memory_space<vmem>>[vector<16xi32>], vector<16xi32>,
      %gather3A_499 = tpu.vector_load_idx %arg13[%get3A_497] : memref<10000xi32, #tpu.memory_space<vmem>>[vector<16xi32>], vector<16xi32>,
      %shift_right_arithmetic3A_500 = arith.constant 16 : i32
      %shift_right_arithmetic3A_501 = vector.broadcast %shift_right_arithmetic3A_500 : i32 to vector<16xi32>
      %shift_right_arithmetic3A_502 = arith.shrsi %gather3A_498, %shift_right_arithmetic3A_501 : vector<16xi32>
      %convert_element_type3A_503 = arith.sitofp %shift_right_arithmetic3A_502 : vector<16xi32> to vector<16xf32>
      %mul3A_504 = arith.constant 4.8828125E-4 : f32
      %mul3A_505 = vector.broadcast %mul3A_504 : f32 to vector<16xf32>
      %mul3A_506 = arith.mulf %convert_element_type3A_503, %mul3A_505 : vector<16xf32>
      %shift_left3A_507 = arith.constant 16 : i32
      %shift_left3A_508 = vector.broadcast %shift_left3A_507 : i32 to vector<16xi32>
      %shift_left3A_509 = arith.shli %gather3A_499, %shift_left3A_508 : vector<16xi32>
      %shift_right_arithmetic3A_510 = arith.constant 16 : i32
      %shift_right_arithmetic3A_511 = vector.broadcast %shift_right_arithmetic3A_510 : i32 to vector<16xi32>
      %shift_right_arithmetic3A_512 = arith.shrsi %shift_left3A_509, %shift_right_arithmetic3A_511 : vector<16xi32>
      %convert_element_type3A_513 = arith.sitofp %shift_right_arithmetic3A_512 : vector<16xi32> to vector<16xf32>
      %mul3A_514 = arith.constant 4.8828125E-4 : f32
      %mul3A_515 = vector.broadcast %mul3A_514 : f32 to vector<16xf32>
      %mul3A_516 = arith.mulf %convert_element_type3A_513, %mul3A_515 : vector<16xf32>
      %add3A_517 = arith.addf %mul3A_506, %mul3A_516 : vector<16xf32>
      %mul3A_518 = arith.constant 2.000000e-01 : f32
      %mul3A_519 = vector.broadcast %mul3A_518 : f32 to vector<16xf32>
      %mul3A_520 = arith.mulf %mul3A_519, %add3A_517 : vector<16xf32>
      %max3A_521 = arith.maximumf %add3A_517, %mul3A_520 : vector<16xf32>
      %exp3A_522 = math.exp %max3A_521 : vector<16xf32>
      %swap3A_523 = arith.constant 16 : index
      %swap3A_524 = tpu.vector_load %arg15[%swap3A_523] {strides = array<i32>} : memref<80xf32, #tpu.memory_space<vmem>>, vector<16xf32>,
      tpu.vector_store %arg15[%swap3A_523], %exp3A_522 {strides = array<i32>} : memref<80xf32, #tpu.memory_space<vmem>>, vector<16xf32>,
      tpu.vector_store_idx %arg14[%get3A_497], %exp3A_522 {add = true} : memref<10000xf32, #tpu.memory_space<vmem>>[vector<16xi32>], vector<16xf32>,
      %get3A_525 = arith.constant 32 : index
      %get3A_526 = tpu.vector_load %arg7[%get3A_525] {strides = array<i32>} : memref<80xi32, #tpu.memory_space<vmem>>, vector<16xi32>,
      %get3A_527 = arith.constant 32 : index
      %get3A_528 = tpu.vector_load %arg9[%get3A_527] {strides = array<i32>} : memref<80xi32, #tpu.memory_space<vmem>>, vector<16xi32>,
      %gather3A_529 = tpu.vector_load_idx %arg13[%get3A_526] : memref<10000xi32, #tpu.memory_space<vmem>>[vector<16xi32>], vector<16xi32>,
      %gather3A_530 = tpu.vector_load_idx %arg13[%get3A_528] : memref<10000xi32, #tpu.memory_space<vmem>>[vector<16xi32>], vector<16xi32>,
      %shift_right_arithmetic3A_531 = arith.constant 16 : i32
      %shift_right_arithmetic3A_532 = vector.broadcast %shift_right_arithmetic3A_531 : i32 to vector<16xi32>
      %shift_right_arithmetic3A_533 = arith.shrsi %gather3A_529, %shift_right_arithmetic3A_532 : vector<16xi32>
      %convert_element_type3A_534 = arith.sitofp %shift_right_arithmetic3A_533 : vector<16xi32> to vector<16xf32>
      %mul3A_535 = arith.constant 4.8828125E-4 : f32
      %mul3A_536 = vector.broadcast %mul3A_535 : f32 to vector<16xf32>
      %mul3A_537 = arith.mulf %convert_element_type3A_534, %mul3A_536 : vector<16xf32>
      %shift_left3A_538 = arith.constant 16 : i32
      %shift_left3A_539 = vector.broadcast %shift_left3A_538 : i32 to vector<16xi32>
      %shift_left3A_540 = arith.shli %gather3A_530, %shift_left3A_539 : vector<16xi32>
      %shift_right_arithmetic3A_541 = arith.constant 16 : i32
      %shift_right_arithmetic3A_542 = vector.broadcast %shift_right_arithmetic3A_541 : i32 to vector<16xi32>
      %shift_right_arithmetic3A_543 = arith.shrsi %shift_left3A_540, %shift_right_arithmetic3A_542 : vector<16xi32>
      %convert_element_type3A_544 = arith.sitofp %shift_right_arithmetic3A_543 : vector<16xi32> to vector<16xf32>
      %mul3A_545 = arith.constant 4.8828125E-4 : f32
      %mul3A_546 = vector.broadcast %mul3A_545 : f32 to vector<16xf32>
      %mul3A_547 = arith.mulf %convert_element_type3A_544, %mul3A_546 : vector<16xf32>
      %add3A_548 = arith.addf %mul3A_537, %mul3A_547 : vector<16xf32>
      %mul3A_549 = arith.constant 2.000000e-01 : f32
      %mul3A_550 = vector.broadcast %mul3A_549 : f32 to vector<16xf32>
      %mul3A_551 = arith.mulf %mul3A_550, %add3A_548 : vector<16xf32>
      %max3A_552 = arith.maximumf %add3A_548, %mul3A_551 : vector<16xf32>
      %exp3A_553 = math.exp %max3A_552 : vector<16xf32>
      %swap3A_554 = arith.constant 32 : index
      %swap3A_555 = tpu.vector_load %arg15[%swap3A_554] {strides = array<i32>} : memref<80xf32, #tpu.memory_space<vmem>>, vector<16xf32>,
      tpu.vector_store %arg15[%swap3A_554], %exp3A_553 {strides = array<i32>} : memref<80xf32, #tpu.memory_space<vmem>>, vector<16xf32>,
      tpu.vector_store_idx %arg14[%get3A_528], %exp3A_553 {add = true} : memref<10000xf32, #tpu.memory_space<vmem>>[vector<16xi32>], vector<16xf32>,
      %get3A_556 = arith.constant 48 : index
      %get3A_557 = tpu.vector_load %arg7[%get3A_556] {strides = array<i32>} : memref<80xi32, #tpu.memory_space<vmem>>, vector<16xi32>,
      %get3A_558 = arith.constant 48 : index
      %get3A_559 = tpu.vector_load %arg9[%get3A_558] {strides = array<i32>} : memref<80xi32, #tpu.memory_space<vmem>>, vector<16xi32>,
      %gather3A_560 = tpu.vector_load_idx %arg13[%get3A_557] : memref<10000xi32, #tpu.memory_space<vmem>>[vector<16xi32>], vector<16xi32>,
      %gather3A_561 = tpu.vector_load_idx %arg13[%get3A_559] : memref<10000xi32, #tpu.memory_space<vmem>>[vector<16xi32>], vector<16xi32>,
      %shift_right_arithmetic3A_562 = arith.constant 16 : i32
      %shift_right_arithmetic3A_563 = vector.broadcast %shift_right_arithmetic3A_562 : i32 to vector<16xi32>
      %shift_right_arithmetic3A_564 = arith.shrsi %gather3A_560, %shift_right_arithmetic3A_563 : vector<16xi32>
      %convert_element_type3A_565 = arith.sitofp %shift_right_arithmetic3A_564 : vector<16xi32> to vector<16xf32>
      %mul3A_566 = arith.constant 4.8828125E-4 : f32
      %mul3A_567 = vector.broadcast %mul3A_566 : f32 to vector<16xf32>
      %mul3A_568 = arith.mulf %convert_element_type3A_565, %mul3A_567 : vector<16xf32>
      %shift_left3A_569 = arith.constant 16 : i32
      %shift_left3A_570 = vector.broadcast %shift_left3A_569 : i32 to vector<16xi32>
      %shift_left3A_571 = arith.shli %gather3A_561, %shift_left3A_570 : vector<16xi32>
      %shift_right_arithmetic3A_572 = arith.constant 16 : i32
      %shift_right_arithmetic3A_573 = vector.broadcast %shift_right_arithmetic3A_572 : i32 to vector<16xi32>
      %shift_right_arithmetic3A_574 = arith.shrsi %shift_left3A_571, %shift_right_arithmetic3A_573 : vector<16xi32>
      %convert_element_type3A_575 = arith.sitofp %shift_right_arithmetic3A_574 : vector<16xi32> to vector<16xf32>
      %mul3A_576 = arith.constant 4.8828125E-4 : f32
      %mul3A_577 = vector.broadcast %mul3A_576 : f32 to vector<16xf32>
      %mul3A_578 = arith.mulf %convert_element_type3A_575, %mul3A_577 : vector<16xf32>
      %add3A_579 = arith.addf %mul3A_568, %mul3A_578 : vector<16xf32>
      %mul3A_580 = arith.constant 2.000000e-01 : f32
      %mul3A_581 = vector.broadcast %mul3A_580 : f32 to vector<16xf32>
      %mul3A_582 = arith.mulf %mul3A_581, %add3A_579 : vector<16xf32>
      %max3A_583 = arith.maximumf %add3A_579, %mul3A_582 : vector<16xf32>
      %exp3A_584 = math.exp %max3A_583 : vector<16xf32>
      %swap3A_585 = arith.constant 48 : index
      %swap3A_586 = tpu.vector_load %arg15[%swap3A_585] {strides = array<i32>} : memref<80xf32, #tpu.memory_space<vmem>>, vector<16xf32>,
      tpu.vector_store %arg15[%swap3A_585], %exp3A_584 {strides = array<i32>} : memref<80xf32, #tpu.memory_space<vmem>>, vector<16xf32>,
      tpu.vector_store_idx %arg14[%get3A_559], %exp3A_584 {add = true} : memref<10000xf32, #tpu.memory_space<vmem>>[vector<16xi32>], vector<16xf32>,
      %get3A_587 = arith.constant 64 : index
      %get3A_588 = tpu.vector_load %arg7[%get3A_587] {strides = array<i32>} : memref<80xi32, #tpu.memory_space<vmem>>, vector<16xi32>,
      %get3A_589 = arith.constant 64 : index
      %get3A_590 = tpu.vector_load %arg9[%get3A_589] {strides = array<i32>} : memref<80xi32, #tpu.memory_space<vmem>>, vector<16xi32>,
      %gather3A_591 = tpu.vector_load_idx %arg13[%get3A_588] : memref<10000xi32, #tpu.memory_space<vmem>>[vector<16xi32>], vector<16xi32>,
      %gather3A_592 = tpu.vector_load_idx %arg13[%get3A_590] : memref<10000xi32, #tpu.memory_space<vmem>>[vector<16xi32>], vector<16xi32>,
      %shift_right_arithmetic3A_593 = arith.constant 16 : i32
      %shift_right_arithmetic3A_594 = vector.broadcast %shift_right_arithmetic3A_593 : i32 to vector<16xi32>
      %shift_right_arithmetic3A_595 = arith.shrsi %gather3A_591, %shift_right_arithmetic3A_594 : vector<16xi32>
      %convert_element_type3A_596 = arith.sitofp %shift_right_arithmetic3A_595 : vector<16xi32> to vector<16xf32>
      %mul3A_597 = arith.constant 4.8828125E-4 : f32
      %mul3A_598 = vector.broadcast %mul3A_597 : f32 to vector<16xf32>
      %mul3A_599 = arith.mulf %convert_element_type3A_596, %mul3A_598 : vector<16xf32>
      %shift_left3A_600 = arith.constant 16 : i32
      %shift_left3A_601 = vector.broadcast %shift_left3A_600 : i32 to vector<16xi32>
      %shift_left3A_602 = arith.shli %gather3A_592, %shift_left3A_601 : vector<16xi32>
      %shift_right_arithmetic3A_603 = arith.constant 16 : i32
      %shift_right_arithmetic3A_604 = vector.broadcast %shift_right_arithmetic3A_603 : i32 to vector<16xi32>
      %shift_right_arithmetic3A_605 = arith.shrsi %shift_left3A_602, %shift_right_arithmetic3A_604 : vector<16xi32>
      %convert_element_type3A_606 = arith.sitofp %shift_right_arithmetic3A_605 : vector<16xi32> to vector<16xf32>
      %mul3A_607 = arith.constant 4.8828125E-4 : f32
      %mul3A_608 = vector.broadcast %mul3A_607 : f32 to vector<16xf32>
      %mul3A_609 = arith.mulf %convert_element_type3A_606, %mul3A_608 : vector<16xf32>
      %add3A_610 = arith.addf %mul3A_599, %mul3A_609 : vector<16xf32>
      %mul3A_611 = arith.constant 2.000000e-01 : f32
      %mul3A_612 = vector.broadcast %mul3A_611 : f32 to vector<16xf32>
      %mul3A_613 = arith.mulf %mul3A_612, %add3A_610 : vector<16xf32>
      %max3A_614 = arith.maximumf %add3A_610, %mul3A_613 : vector<16xf32>
      %exp3A_615 = math.exp %max3A_614 : vector<16xf32>
      %swap3A_616 = arith.constant 64 : index
      %swap3A_617 = tpu.vector_load %arg15[%swap3A_616] {strides = array<i32>} : memref<80xf32, #tpu.memory_space<vmem>>, vector<16xf32>,
      tpu.vector_store %arg15[%swap3A_616], %exp3A_615 {strides = array<i32>} : memref<80xf32, #tpu.memory_space<vmem>>, vector<16xf32>,
      tpu.vector_store_idx %arg14[%get3A_590], %exp3A_615 {add = true} : memref<10000xf32, #tpu.memory_space<vmem>>[vector<16xi32>], vector<16xf32>,
      %get3A_618 = arith.constant 0 : index
      %get3A_619 = tpu.vector_load %arg9[%get3A_618] {strides = array<i32>} : memref<80xi32, #tpu.memory_space<vmem>>, vector<16xi32>,
      %swap3A_620 = arith.constant 0 : index
      %swap3A_621 = tpu.vector_load %arg11[%swap3A_620] {strides = array<i32>} : memref<80xi32, #tpu.memory_space<vmem>>, vector<16xi32>,
      tpu.vector_store %arg11[%swap3A_620], %get3A_619 {strides = array<i32>} : memref<80xi32, #tpu.memory_space<vmem>>, vector<16xi32>,
      %get3A_622 = arith.constant 16 : index
      %get3A_623 = tpu.vector_load %arg9[%get3A_622] {strides = array<i32>} : memref<80xi32, #tpu.memory_space<vmem>>, vector<16xi32>,
      %swap3A_624 = arith.constant 16 : index
      %swap3A_625 = tpu.vector_load %arg11[%swap3A_624] {strides = array<i32>} : memref<80xi32, #tpu.memory_space<vmem>>, vector<16xi32>,
      tpu.vector_store %arg11[%swap3A_624], %get3A_623 {strides = array<i32>} : memref<80xi32, #tpu.memory_space<vmem>>, vector<16xi32>,
      %get3A_626 = arith.constant 32 : index
      %get3A_627 = tpu.vector_load %arg9[%get3A_626] {strides = array<i32>} : memref<80xi32, #tpu.memory_space<vmem>>, vector<16xi32>,
      %swap3A_628 = arith.constant 32 : index
      %swap3A_629 = tpu.vector_load %arg11[%swap3A_628] {strides = array<i32>} : memref<80xi32, #tpu.memory_space<vmem>>, vector<16xi32>,
      tpu.vector_store %arg11[%swap3A_628], %get3A_627 {strides = array<i32>} : memref<80xi32, #tpu.memory_space<vmem>>, vector<16xi32>,
      %get3A_630 = arith.constant 48 : index
      %get3A_631 = tpu.vector_load %arg9[%get3A_630] {strides = array<i32>} : memref<80xi32, #tpu.memory_space<vmem>>, vector<16xi32>,
      %swap3A_632 = arith.constant 48 : index
      %swap3A_633 = tpu.vector_load %arg11[%swap3A_632] {strides = array<i32>} : memref<80xi32, #tpu.memory_space<vmem>>, vector<16xi32>,
      tpu.vector_store %arg11[%swap3A_632], %get3A_631 {strides = array<i32>} : memref<80xi32, #tpu.memory_space<vmem>>, vector<16xi32>,
      %get3A_634 = arith.constant 64 : index
      %get3A_635 = tpu.vector_load %arg9[%get3A_634] {strides = array<i32>} : memref<80xi32, #tpu.memory_space<vmem>>, vector<16xi32>,
      %swap3A_636 = arith.constant 64 : index
      %swap3A_637 = tpu.vector_load %arg11[%swap3A_636] {strides = array<i32>} : memref<80xi32, #tpu.memory_space<vmem>>, vector<16xi32>,
      tpu.vector_store %arg11[%swap3A_636], %get3A_635 {strides = array<i32>} : memref<80xi32, #tpu.memory_space<vmem>>, vector<16xi32>,
      %convert_element_type3A_638 = arith.extui %ge3A_462 : i1 to i32
      %cond3A_639 = arith.constant 0 : i32
      %cond3A_640 = arith.cmpi ne, %convert_element_type3A_638, %cond3A_639 : i32
      scf.if %cond3A_640 {
        %dma_wait3A_949 = arith.constant 0 : i32
        %dma_wait3A_950 = arith.constant 0 : i32
        %dma_wait3A_951 = tpu.memref_slice %arg18[%dma_wait3A_949, %dma_wait3A_950] : memref<10000x128xf32, #tpu.memory_space<vmem_shared>> -> memref<10000x128xf32, #tpu.memory_space<vmem_shared>>
        tpu.wait_indirect_dma semaphore(%arg24 : memref<!tpu.dma_semaphore, #tpu.memory_space<semaphore_mem>>) src(%arg17 : memref<80x128xf32, #tpu.memory_space<vmem>>) dst(%dma_wait3A_951 : memref<10000x128xf32, #tpu.memory_space<vmem_shared>>)
      } else {
      }
      %add3A_641 = arith.constant 1 : i32
      %add3A_642 = arith.addi %mul3A_461, %add3A_641 : i32
      %mul3A_643 = arith.constant 80 : i32
      %mul3A_644 = arith.muli %add3A_642, %mul3A_643 : i32
      %add3A_645 = arith.addi %mul3A_2, %mul3A_644 : i32
      %dma_wait3A_646 = tpu.memref_slice %arg3[%add3A_645] : memref<640000xi32, #tpu.memory_space<hbm>> -> memref<80xi32, #tpu.memory_space<hbm>>
      %dma_wait3A_647 = tpu.memref_slice %arg3[%add3A_645] : memref<640000xi32, #tpu.memory_space<hbm>> -> memref<80xi32, #tpu.memory_space<hbm>>
      tpu.wait_dma2 semaphore(%arg26 : memref<!tpu.dma_semaphore, #tpu.memory_space<semaphore_mem>>) src(%dma_wait3A_647 : memref<80xi32, #tpu.memory_space<hbm>>) dst(%arg8 : memref<80xi32, #tpu.memory_space<vmem>>)
      %add3A_648 = arith.constant 320000 : i32
      %add3A_649 = arith.addi %add3A_648, %mul3A_2 : i32
      %mul3A_650 = arith.constant 80 : i32
      %mul3A_651 = arith.muli %add3A_642, %mul3A_650 : i32
      %add3A_652 = arith.addi %add3A_649, %mul3A_651 : i32
      %dma_wait3A_653 = tpu.memref_slice %arg3[%add3A_652] : memref<640000xi32, #tpu.memory_space<hbm>> -> memref<80xi32, #tpu.memory_space<hbm>>
      %dma_wait3A_654 = tpu.memref_slice %arg3[%add3A_652] : memref<640000xi32, #tpu.memory_space<hbm>> -> memref<80xi32, #tpu.memory_space<hbm>>
      tpu.wait_dma2 semaphore(%arg26 : memref<!tpu.dma_semaphore, #tpu.memory_space<semaphore_mem>>) src(%dma_wait3A_654 : memref<80xi32, #tpu.memory_space<hbm>>) dst(%arg10 : memref<80xi32, #tpu.memory_space<vmem>>)
      %dma_start3A_655 = arith.constant 0 : i32
      %dma_start3A_656 = arith.constant 0 : i32
      %dma_start3A_657 = tpu.memref_slice %arg17[%dma_start3A_655, %dma_start3A_656] : memref<80x128xf32, #tpu.memory_space<vmem>> -> memref<40x128xf32, #tpu.memory_space<vmem>>
      %dma_start3A_658 = arith.constant 0 : i32
      %dma_start3A_659 = tpu.memref_slice %arg8[%dma_start3A_658] : memref<80xi32, #tpu.memory_space<vmem>> -> memref<40xi32, #tpu.memory_space<vmem>>
      %dma_start3A_660 = arith.constant 0 : i32
      %dma_start3A_661 = arith.constant 0 : i32
      %dma_start3A_662 = tpu.memref_slice %arg2[%dma_start3A_660, %dma_start3A_661] : memref<10000x128xf32, #tpu.memory_space<hbm>> -> memref<10000x128xf32, #tpu.memory_space<hbm>>
      tpu.enqueue_indirect_dma source(%dma_start3A_662 : memref<10000x128xf32, #tpu.memory_space<hbm>>) target(%dma_start3A_657 : memref<40x128xf32, #tpu.memory_space<vmem>>) offsets(%dma_start3A_659 : memref<40xi32, #tpu.memory_space<vmem>>) semaphore(%arg21 : memref<!tpu.dma_semaphore, #tpu.memory_space<semaphore_mem>>)
      %dma_start3A_663 = arith.constant 40 : i32
      %dma_start3A_664 = arith.constant 0 : i32
      %dma_start3A_665 = tpu.memref_slice %arg17[%dma_start3A_663, %dma_start3A_664] : memref<80x128xf32, #tpu.memory_space<vmem>> -> memref<40x128xf32, #tpu.memory_space<vmem>>
      %dma_start3A_666 = arith.constant 40 : i32
      %dma_start3A_667 = tpu.memref_slice %arg8[%dma_start3A_666] : memref<80xi32, #tpu.memory_space<vmem>> -> memref<40xi32, #tpu.memory_space<vmem>>
      %dma_start3A_668 = arith.constant 0 : i32
      %dma_start3A_669 = arith.constant 0 : i32
      %dma_start3A_670 = tpu.memref_slice %arg2[%dma_start3A_668, %dma_start3A_669] : memref<10000x128xf32, #tpu.memory_space<hbm>> -> memref<10000x128xf32, #tpu.memory_space<hbm>>
      tpu.enqueue_indirect_dma source(%dma_start3A_670 : memref<10000x128xf32, #tpu.memory_space<hbm>>) target(%dma_start3A_665 : memref<40x128xf32, #tpu.memory_space<vmem>>) offsets(%dma_start3A_667 : memref<40xi32, #tpu.memory_space<vmem>>) semaphore(%arg22 : memref<!tpu.dma_semaphore, #tpu.memory_space<semaphore_mem>>)
      %add3A_671 = arith.constant 2 : i32
      %add3A_672 = arith.addi %mul3A_461, %add3A_671 : i32
      %mul3A_673 = arith.constant 80 : i32
      %mul3A_674 = arith.muli %add3A_672, %mul3A_673 : i32
      %add3A_675 = arith.addi %mul3A_2, %mul3A_674 : i32
      %dma_start3A_676 = tpu.memref_slice %arg3[%add3A_675] : memref<640000xi32, #tpu.memory_space<hbm>> -> memref<80xi32, #tpu.memory_space<hbm>>
      %dma_start3A_677 = tpu.memref_slice %arg3[%add3A_675] : memref<640000xi32, #tpu.memory_space<hbm>> -> memref<80xi32, #tpu.memory_space<hbm>>
      tpu.enqueue_dma source(%dma_start3A_677 : memref<80xi32, #tpu.memory_space<hbm>>) target(%arg7 : memref<80xi32, #tpu.memory_space<vmem>>) target_semaphore(%arg25 : memref<!tpu.dma_semaphore, #tpu.memory_space<semaphore_mem>>)
      %add3A_678 = arith.constant 320000 : i32
      %add3A_679 = arith.addi %add3A_678, %mul3A_2 : i32
      %mul3A_680 = arith.constant 80 : i32
      %mul3A_681 = arith.muli %add3A_672, %mul3A_680 : i32
      %add3A_682 = arith.addi %add3A_679, %mul3A_681 : i32
      %dma_start3A_683 = tpu.memref_slice %arg3[%add3A_682] : memref<640000xi32, #tpu.memory_space<hbm>> -> memref<80xi32, #tpu.memory_space<hbm>>
      %dma_start3A_684 = tpu.memref_slice %arg3[%add3A_682] : memref<640000xi32, #tpu.memory_space<hbm>> -> memref<80xi32, #tpu.memory_space<hbm>>
      tpu.enqueue_dma source(%dma_start3A_684 : memref<80xi32, #tpu.memory_space<hbm>>) target(%arg9 : memref<80xi32, #tpu.memory_space<vmem>>) target_semaphore(%arg25 : memref<!tpu.dma_semaphore, #tpu.memory_space<semaphore_mem>>)
      %dma_wait3A_685 = arith.constant 0 : i32
      %dma_wait3A_686 = arith.constant 0 : i32
      %dma_wait3A_687 = tpu.memref_slice %arg16[%dma_wait3A_685, %dma_wait3A_686] : memref<80x128xf32, #tpu.memory_space<vmem>> -> memref<40x128xf32, #tpu.memory_space<vmem>>
      %dma_wait3A_688 = arith.constant 0 : i32
      %dma_wait3A_689 = tpu.memref_slice %arg7[%dma_wait3A_688] : memref<80xi32, #tpu.memory_space<vmem>> -> memref<40xi32, #tpu.memory_space<vmem>>
      %dma_wait3A_690 = arith.constant 0 : i32
      %dma_wait3A_691 = arith.constant 0 : i32
      %dma_wait3A_692 = tpu.memref_slice %arg2[%dma_wait3A_690, %dma_wait3A_691] : memref<10000x128xf32, #tpu.memory_space<hbm>> -> memref<10000x128xf32, #tpu.memory_space<hbm>>
      tpu.wait_indirect_dma semaphore(%arg19 : memref<!tpu.dma_semaphore, #tpu.memory_space<semaphore_mem>>) src(%dma_wait3A_692 : memref<10000x128xf32, #tpu.memory_space<hbm>>) dst(%dma_wait3A_687 : memref<40x128xf32, #tpu.memory_space<vmem>>)
      %parallel_loop3A_693 = arith.constant 0 : i32
      %parallel_loop3A_694 = arith.constant 40 : i32
      %parallel_loop3A_695 = arith.constant 1 : i32
      scf.for %parallel_loop3A_949 = %parallel_loop3A_693 to %parallel_loop3A_694 step %parallel_loop3A_695  : i32 {
        %parallel_loop3A_950 = arith.constant 0 : i32
        %parallel_loop3A_951 = vector.broadcast %parallel_loop3A_950 : i32 to vector<16xi32>
        %parallel_loop3A_952 = vector.broadcast %parallel_loop3A_949 : i32 to vector<16xi32>
        %parallel_loop3A_953 = arith.addi %parallel_loop3A_951, %parallel_loop3A_952 : vector<16xi32>
        %parallel_loop3A_954 = tpu.vector_load_idx %arg15[%parallel_loop3A_953] : memref<80xf32, #tpu.memory_space<vmem>>[vector<16xi32>], vector<16xf32>,
        %parallel_loop3A_955 = arith.index_cast %parallel_loop3A_949 : i32 to index
        %parallel_loop3A_956 = arith.constant 0 : index
        %parallel_loop3A_957 = tpu.vector_load %arg16[%parallel_loop3A_955, %parallel_loop3A_956] {strides = array<i32>} : memref<80x128xf32, #tpu.memory_space<vmem>>, vector<16xf32>,
        %parallel_loop3A_958 = arith.mulf %parallel_loop3A_957, %parallel_loop3A_954 : vector<16xf32>
        %parallel_loop3A_959 = arith.index_cast %parallel_loop3A_949 : i32 to index
        %parallel_loop3A_960 = arith.constant 0 : index
        %parallel_loop3A_961 = tpu.vector_load %arg16[%parallel_loop3A_959, %parallel_loop3A_960] {strides = array<i32>} : memref<80x128xf32, #tpu.memory_space<vmem>>, vector<16xf32>,
        tpu.vector_store %arg16[%parallel_loop3A_959, %parallel_loop3A_960], %parallel_loop3A_958 {strides = array<i32>} : memref<80x128xf32, #tpu.memory_space<vmem>>, vector<16xf32>,
        %parallel_loop3A_962 = arith.index_cast %parallel_loop3A_949 : i32 to index
        %parallel_loop3A_963 = arith.constant 16 : index
        %parallel_loop3A_964 = tpu.vector_load %arg16[%parallel_loop3A_962, %parallel_loop3A_963] {strides = array<i32>} : memref<80x128xf32, #tpu.memory_space<vmem>>, vector<16xf32>,
        %parallel_loop3A_965 = arith.mulf %parallel_loop3A_964, %parallel_loop3A_954 : vector<16xf32>
        %parallel_loop3A_966 = arith.index_cast %parallel_loop3A_949 : i32 to index
        %parallel_loop3A_967 = arith.constant 16 : index
        %parallel_loop3A_968 = tpu.vector_load %arg16[%parallel_loop3A_966, %parallel_loop3A_967] {strides = array<i32>} : memref<80x128xf32, #tpu.memory_space<vmem>>, vector<16xf32>,
        tpu.vector_store %arg16[%parallel_loop3A_966, %parallel_loop3A_967], %parallel_loop3A_965 {strides = array<i32>} : memref<80x128xf32, #tpu.memory_space<vmem>>, vector<16xf32>,
        %parallel_loop3A_969 = arith.index_cast %parallel_loop3A_949 : i32 to index
        %parallel_loop3A_970 = arith.constant 32 : index
        %parallel_loop3A_971 = tpu.vector_load %arg16[%parallel_loop3A_969, %parallel_loop3A_970] {strides = array<i32>} : memref<80x128xf32, #tpu.memory_space<vmem>>, vector<16xf32>,
        %parallel_loop3A_972 = arith.mulf %parallel_loop3A_971, %parallel_loop3A_954 : vector<16xf32>
        %parallel_loop3A_973 = arith.index_cast %parallel_loop3A_949 : i32 to index
        %parallel_loop3A_974 = arith.constant 32 : index
        %parallel_loop3A_975 = tpu.vector_load %arg16[%parallel_loop3A_973, %parallel_loop3A_974] {strides = array<i32>} : memref<80x128xf32, #tpu.memory_space<vmem>>, vector<16xf32>,
        tpu.vector_store %arg16[%parallel_loop3A_973, %parallel_loop3A_974], %parallel_loop3A_972 {strides = array<i32>} : memref<80x128xf32, #tpu.memory_space<vmem>>, vector<16xf32>,
        %parallel_loop3A_976 = arith.index_cast %parallel_loop3A_949 : i32 to index
        %parallel_loop3A_977 = arith.constant 48 : index
        %parallel_loop3A_978 = tpu.vector_load %arg16[%parallel_loop3A_976, %parallel_loop3A_977] {strides = array<i32>} : memref<80x128xf32, #tpu.memory_space<vmem>>, vector<16xf32>,
        %parallel_loop3A_979 = arith.mulf %parallel_loop3A_978, %parallel_loop3A_954 : vector<16xf32>
        %parallel_loop3A_980 = arith.index_cast %parallel_loop3A_949 : i32 to index
        %parallel_loop3A_981 = arith.constant 48 : index
        %parallel_loop3A_982 = tpu.vector_load %arg16[%parallel_loop3A_980, %parallel_loop3A_981] {strides = array<i32>} : memref<80x128xf32, #tpu.memory_space<vmem>>, vector<16xf32>,
        tpu.vector_store %arg16[%parallel_loop3A_980, %parallel_loop3A_981], %parallel_loop3A_979 {strides = array<i32>} : memref<80x128xf32, #tpu.memory_space<vmem>>, vector<16xf32>,
        %parallel_loop3A_983 = arith.index_cast %parallel_loop3A_949 : i32 to index
        %parallel_loop3A_984 = arith.constant 64 : index
        %parallel_loop3A_985 = tpu.vector_load %arg16[%parallel_loop3A_983, %parallel_loop3A_984] {strides = array<i32>} : memref<80x128xf32, #tpu.memory_space<vmem>>, vector<16xf32>,
        %parallel_loop3A_986 = arith.mulf %parallel_loop3A_985, %parallel_loop3A_954 : vector<16xf32>
        %parallel_loop3A_987 = arith.index_cast %parallel_loop3A_949 : i32 to index
        %parallel_loop3A_988 = arith.constant 64 : index
        %parallel_loop3A_989 = tpu.vector_load %arg16[%parallel_loop3A_987, %parallel_loop3A_988] {strides = array<i32>} : memref<80x128xf32, #tpu.memory_space<vmem>>, vector<16xf32>,
        tpu.vector_store %arg16[%parallel_loop3A_987, %parallel_loop3A_988], %parallel_loop3A_986 {strides = array<i32>} : memref<80x128xf32, #tpu.memory_space<vmem>>, vector<16xf32>,
        %parallel_loop3A_990 = arith.index_cast %parallel_loop3A_949 : i32 to index
        %parallel_loop3A_991 = arith.constant 80 : index
        %parallel_loop3A_992 = tpu.vector_load %arg16[%parallel_loop3A_990, %parallel_loop3A_991] {strides = array<i32>} : memref<80x128xf32, #tpu.memory_space<vmem>>, vector<16xf32>,
        %parallel_loop3A_993 = arith.mulf %parallel_loop3A_992, %parallel_loop3A_954 : vector<16xf32>
        %parallel_loop3A_994 = arith.index_cast %parallel_loop3A_949 : i32 to index
        %parallel_loop3A_995 = arith.constant 80 : index
        %parallel_loop3A_996 = tpu.vector_load %arg16[%parallel_loop3A_994, %parallel_loop3A_995] {strides = array<i32>} : memref<80x128xf32, #tpu.memory_space<vmem>>, vector<16xf32>,
        tpu.vector_store %arg16[%parallel_loop3A_994, %parallel_loop3A_995], %parallel_loop3A_993 {strides = array<i32>} : memref<80x128xf32, #tpu.memory_space<vmem>>, vector<16xf32>,
        %parallel_loop3A_997 = arith.index_cast %parallel_loop3A_949 : i32 to index
        %parallel_loop3A_998 = arith.constant 96 : index
        %parallel_loop3A_999 = tpu.vector_load %arg16[%parallel_loop3A_997, %parallel_loop3A_998] {strides = array<i32>} : memref<80x128xf32, #tpu.memory_space<vmem>>, vector<16xf32>,
        %parallel_loop3A_1000 = arith.mulf %parallel_loop3A_999, %parallel_loop3A_954 : vector<16xf32>
        %parallel_loop3A_1001 = arith.index_cast %parallel_loop3A_949 : i32 to index
        %parallel_loop3A_1002 = arith.constant 96 : index
        %parallel_loop3A_1003 = tpu.vector_load %arg16[%parallel_loop3A_1001, %parallel_loop3A_1002] {strides = array<i32>} : memref<80x128xf32, #tpu.memory_space<vmem>>, vector<16xf32>,
        tpu.vector_store %arg16[%parallel_loop3A_1001, %parallel_loop3A_1002], %parallel_loop3A_1000 {strides = array<i32>} : memref<80x128xf32, #tpu.memory_space<vmem>>, vector<16xf32>,
        %parallel_loop3A_1004 = arith.index_cast %parallel_loop3A_949 : i32 to index
        %parallel_loop3A_1005 = arith.constant 112 : index
        %parallel_loop3A_1006 = tpu.vector_load %arg16[%parallel_loop3A_1004, %parallel_loop3A_1005] {strides = array<i32>} : memref<80x128xf32, #tpu.memory_space<vmem>>, vector<16xf32>,
        %parallel_loop3A_1007 = arith.mulf %parallel_loop3A_1006, %parallel_loop3A_954 : vector<16xf32>
        %parallel_loop3A_1008 = arith.index_cast %parallel_loop3A_949 : i32 to index
        %parallel_loop3A_1009 = arith.constant 112 : index
        %parallel_loop3A_1010 = tpu.vector_load %arg16[%parallel_loop3A_1008, %parallel_loop3A_1009] {strides = array<i32>} : memref<80x128xf32, #tpu.memory_space<vmem>>, vector<16xf32>,
        tpu.vector_store %arg16[%parallel_loop3A_1008, %parallel_loop3A_1009], %parallel_loop3A_1007 {strides = array<i32>} : memref<80x128xf32, #tpu.memory_space<vmem>>, vector<16xf32>,
      } {sc.loop_unroll_factor = 4 : i64, sc.parallel_access}
      %dma_wait3A_696 = arith.constant 40 : i32
      %dma_wait3A_697 = arith.constant 0 : i32
      %dma_wait3A_698 = tpu.memref_slice %arg16[%dma_wait3A_696, %dma_wait3A_697] : memref<80x128xf32, #tpu.memory_space<vmem>> -> memref<40x128xf32, #tpu.memory_space<vmem>>
      %dma_wait3A_699 = arith.constant 40 : i32
      %dma_wait3A_700 = tpu.memref_slice %arg7[%dma_wait3A_699] : memref<80xi32, #tpu.memory_space<vmem>> -> memref<40xi32, #tpu.memory_space<vmem>>
      %dma_wait3A_701 = arith.constant 0 : i32
      %dma_wait3A_702 = arith.constant 0 : i32
      %dma_wait3A_703 = tpu.memref_slice %arg2[%dma_wait3A_701, %dma_wait3A_702] : memref<10000x128xf32, #tpu.memory_space<hbm>> -> memref<10000x128xf32, #tpu.memory_space<hbm>>
      tpu.wait_indirect_dma semaphore(%arg20 : memref<!tpu.dma_semaphore, #tpu.memory_space<semaphore_mem>>) src(%dma_wait3A_703 : memref<10000x128xf32, #tpu.memory_space<hbm>>) dst(%dma_wait3A_698 : memref<40x128xf32, #tpu.memory_space<vmem>>)
      %parallel_loop3A_704 = arith.constant 40 : i32
      %parallel_loop3A_705 = arith.constant 80 : i32
      %parallel_loop3A_706 = arith.constant 1 : i32
      scf.for %parallel_loop3A_949 = %parallel_loop3A_704 to %parallel_loop3A_705 step %parallel_loop3A_706  : i32 {
        %parallel_loop3A_950 = arith.constant 0 : i32
        %parallel_loop3A_951 = vector.broadcast %parallel_loop3A_950 : i32 to vector<16xi32>
        %parallel_loop3A_952 = vector.broadcast %parallel_loop3A_949 : i32 to vector<16xi32>
        %parallel_loop3A_953 = arith.addi %parallel_loop3A_951, %parallel_loop3A_952 : vector<16xi32>
        %parallel_loop3A_954 = tpu.vector_load_idx %arg15[%parallel_loop3A_953] : memref<80xf32, #tpu.memory_space<vmem>>[vector<16xi32>], vector<16xf32>,
        %parallel_loop3A_955 = arith.index_cast %parallel_loop3A_949 : i32 to index
        %parallel_loop3A_956 = arith.constant 0 : index
        %parallel_loop3A_957 = tpu.vector_load %arg16[%parallel_loop3A_955, %parallel_loop3A_956] {strides = array<i32>} : memref<80x128xf32, #tpu.memory_space<vmem>>, vector<16xf32>,
        %parallel_loop3A_958 = arith.mulf %parallel_loop3A_957, %parallel_loop3A_954 : vector<16xf32>
        %parallel_loop3A_959 = arith.index_cast %parallel_loop3A_949 : i32 to index
        %parallel_loop3A_960 = arith.constant 0 : index
        %parallel_loop3A_961 = tpu.vector_load %arg16[%parallel_loop3A_959, %parallel_loop3A_960] {strides = array<i32>} : memref<80x128xf32, #tpu.memory_space<vmem>>, vector<16xf32>,
        tpu.vector_store %arg16[%parallel_loop3A_959, %parallel_loop3A_960], %parallel_loop3A_958 {strides = array<i32>} : memref<80x128xf32, #tpu.memory_space<vmem>>, vector<16xf32>,
        %parallel_loop3A_962 = arith.index_cast %parallel_loop3A_949 : i32 to index
        %parallel_loop3A_963 = arith.constant 16 : index
        %parallel_loop3A_964 = tpu.vector_load %arg16[%parallel_loop3A_962, %parallel_loop3A_963] {strides = array<i32>} : memref<80x128xf32, #tpu.memory_space<vmem>>, vector<16xf32>,
        %parallel_loop3A_965 = arith.mulf %parallel_loop3A_964, %parallel_loop3A_954 : vector<16xf32>
        %parallel_loop3A_966 = arith.index_cast %parallel_loop3A_949 : i32 to index
        %parallel_loop3A_967 = arith.constant 16 : index
        %parallel_loop3A_968 = tpu.vector_load %arg16[%parallel_loop3A_966, %parallel_loop3A_967] {strides = array<i32>} : memref<80x128xf32, #tpu.memory_space<vmem>>, vector<16xf32>,
        tpu.vector_store %arg16[%parallel_loop3A_966, %parallel_loop3A_967], %parallel_loop3A_965 {strides = array<i32>} : memref<80x128xf32, #tpu.memory_space<vmem>>, vector<16xf32>,
        %parallel_loop3A_969 = arith.index_cast %parallel_loop3A_949 : i32 to index
        %parallel_loop3A_970 = arith.constant 32 : index
        %parallel_loop3A_971 = tpu.vector_load %arg16[%parallel_loop3A_969, %parallel_loop3A_970] {strides = array<i32>} : memref<80x128xf32, #tpu.memory_space<vmem>>, vector<16xf32>,
        %parallel_loop3A_972 = arith.mulf %parallel_loop3A_971, %parallel_loop3A_954 : vector<16xf32>
        %parallel_loop3A_973 = arith.index_cast %parallel_loop3A_949 : i32 to index
        %parallel_loop3A_974 = arith.constant 32 : index
        %parallel_loop3A_975 = tpu.vector_load %arg16[%parallel_loop3A_973, %parallel_loop3A_974] {strides = array<i32>} : memref<80x128xf32, #tpu.memory_space<vmem>>, vector<16xf32>,
        tpu.vector_store %arg16[%parallel_loop3A_973, %parallel_loop3A_974], %parallel_loop3A_972 {strides = array<i32>} : memref<80x128xf32, #tpu.memory_space<vmem>>, vector<16xf32>,
        %parallel_loop3A_976 = arith.index_cast %parallel_loop3A_949 : i32 to index
        %parallel_loop3A_977 = arith.constant 48 : index
        %parallel_loop3A_978 = tpu.vector_load %arg16[%parallel_loop3A_976, %parallel_loop3A_977] {strides = array<i32>} : memref<80x128xf32, #tpu.memory_space<vmem>>, vector<16xf32>,
        %parallel_loop3A_979 = arith.mulf %parallel_loop3A_978, %parallel_loop3A_954 : vector<16xf32>
        %parallel_loop3A_980 = arith.index_cast %parallel_loop3A_949 : i32 to index
        %parallel_loop3A_981 = arith.constant 48 : index
        %parallel_loop3A_982 = tpu.vector_load %arg16[%parallel_loop3A_980, %parallel_loop3A_981] {strides = array<i32>} : memref<80x128xf32, #tpu.memory_space<vmem>>, vector<16xf32>,
        tpu.vector_store %arg16[%parallel_loop3A_980, %parallel_loop3A_981], %parallel_loop3A_979 {strides = array<i32>} : memref<80x128xf32, #tpu.memory_space<vmem>>, vector<16xf32>,
        %parallel_loop3A_983 = arith.index_cast %parallel_loop3A_949 : i32 to index
        %parallel_loop3A_984 = arith.constant 64 : index
        %parallel_loop3A_985 = tpu.vector_load %arg16[%parallel_loop3A_983, %parallel_loop3A_984] {strides = array<i32>} : memref<80x128xf32, #tpu.memory_space<vmem>>, vector<16xf32>,
        %parallel_loop3A_986 = arith.mulf %parallel_loop3A_985, %parallel_loop3A_954 : vector<16xf32>
        %parallel_loop3A_987 = arith.index_cast %parallel_loop3A_949 : i32 to index
        %parallel_loop3A_988 = arith.constant 64 : index
        %parallel_loop3A_989 = tpu.vector_load %arg16[%parallel_loop3A_987, %parallel_loop3A_988] {strides = array<i32>} : memref<80x128xf32, #tpu.memory_space<vmem>>, vector<16xf32>,
        tpu.vector_store %arg16[%parallel_loop3A_987, %parallel_loop3A_988], %parallel_loop3A_986 {strides = array<i32>} : memref<80x128xf32, #tpu.memory_space<vmem>>, vector<16xf32>,
        %parallel_loop3A_990 = arith.index_cast %parallel_loop3A_949 : i32 to index
        %parallel_loop3A_991 = arith.constant 80 : index
        %parallel_loop3A_992 = tpu.vector_load %arg16[%parallel_loop3A_990, %parallel_loop3A_991] {strides = array<i32>} : memref<80x128xf32, #tpu.memory_space<vmem>>, vector<16xf32>,
        %parallel_loop3A_993 = arith.mulf %parallel_loop3A_992, %parallel_loop3A_954 : vector<16xf32>
        %parallel_loop3A_994 = arith.index_cast %parallel_loop3A_949 : i32 to index
        %parallel_loop3A_995 = arith.constant 80 : index
        %parallel_loop3A_996 = tpu.vector_load %arg16[%parallel_loop3A_994, %parallel_loop3A_995] {strides = array<i32>} : memref<80x128xf32, #tpu.memory_space<vmem>>, vector<16xf32>,
        tpu.vector_store %arg16[%parallel_loop3A_994, %parallel_loop3A_995], %parallel_loop3A_993 {strides = array<i32>} : memref<80x128xf32, #tpu.memory_space<vmem>>, vector<16xf32>,
        %parallel_loop3A_997 = arith.index_cast %parallel_loop3A_949 : i32 to index
        %parallel_loop3A_998 = arith.constant 96 : index
        %parallel_loop3A_999 = tpu.vector_load %arg16[%parallel_loop3A_997, %parallel_loop3A_998] {strides = array<i32>} : memref<80x128xf32, #tpu.memory_space<vmem>>, vector<16xf32>,
        %parallel_loop3A_1000 = arith.mulf %parallel_loop3A_999, %parallel_loop3A_954 : vector<16xf32>
        %parallel_loop3A_1001 = arith.index_cast %parallel_loop3A_949 : i32 to index
        %parallel_loop3A_1002 = arith.constant 96 : index
        %parallel_loop3A_1003 = tpu.vector_load %arg16[%parallel_loop3A_1001, %parallel_loop3A_1002] {strides = array<i32>} : memref<80x128xf32, #tpu.memory_space<vmem>>, vector<16xf32>,
        tpu.vector_store %arg16[%parallel_loop3A_1001, %parallel_loop3A_1002], %parallel_loop3A_1000 {strides = array<i32>} : memref<80x128xf32, #tpu.memory_space<vmem>>, vector<16xf32>,
        %parallel_loop3A_1004 = arith.index_cast %parallel_loop3A_949 : i32 to index
        %parallel_loop3A_1005 = arith.constant 112 : index
        %parallel_loop3A_1006 = tpu.vector_load %arg16[%parallel_loop3A_1004, %parallel_loop3A_1005] {strides = array<i32>} : memref<80x128xf32, #tpu.memory_space<vmem>>, vector<16xf32>,
        %parallel_loop3A_1007 = arith.mulf %parallel_loop3A_1006, %parallel_loop3A_954 : vector<16xf32>
        %parallel_loop3A_1008 = arith.index_cast %parallel_loop3A_949 : i32 to index
        %parallel_loop3A_1009 = arith.constant 112 : index
        %parallel_loop3A_1010 = tpu.vector_load %arg16[%parallel_loop3A_1008, %parallel_loop3A_1009] {strides = array<i32>} : memref<80x128xf32, #tpu.memory_space<vmem>>, vector<16xf32>,
        tpu.vector_store %arg16[%parallel_loop3A_1008, %parallel_loop3A_1009], %parallel_loop3A_1007 {strides = array<i32>} : memref<80x128xf32, #tpu.memory_space<vmem>>, vector<16xf32>,
      } {sc.loop_unroll_factor = 4 : i64, sc.parallel_access}
      %dma_start3A_707 = arith.constant 0 : i32
      %dma_start3A_708 = arith.constant 0 : i32
      %dma_start3A_709 = tpu.memref_slice %arg18[%dma_start3A_707, %dma_start3A_708] : memref<10000x128xf32, #tpu.memory_space<vmem_shared>> -> memref<10000x128xf32, #tpu.memory_space<vmem_shared>>
      tpu.enqueue_indirect_dma source(%arg16 : memref<80x128xf32, #tpu.memory_space<vmem>>) target(%dma_start3A_709 : memref<10000x128xf32, #tpu.memory_space<vmem_shared>>) offsets(%arg11 : memref<80xi32, #tpu.memory_space<vmem>>) semaphore(%arg23 : memref<!tpu.dma_semaphore, #tpu.memory_space<semaphore_mem>>) {add = true}
      %add3A_710 = arith.constant 1 : i32
      %add3A_711 = arith.addi %mul3A_461, %add3A_710 : i32
      %lt3A = arith.constant 61 : i32
      %lt3A_712 = arith.cmpi slt, %scan3A_459, %lt3A : i32
      %get3A_713 = arith.constant 0 : index
      %get3A_714 = tpu.vector_load %arg8[%get3A_713] {strides = array<i32>} : memref<80xi32, #tpu.memory_space<vmem>>, vector<16xi32>,
      %get3A_715 = arith.constant 0 : index
      %get3A_716 = tpu.vector_load %arg10[%get3A_715] {strides = array<i32>} : memref<80xi32, #tpu.memory_space<vmem>>, vector<16xi32>,
      %gather3A_717 = tpu.vector_load_idx %arg13[%get3A_714] : memref<10000xi32, #tpu.memory_space<vmem>>[vector<16xi32>], vector<16xi32>,
      %gather3A_718 = tpu.vector_load_idx %arg13[%get3A_716] : memref<10000xi32, #tpu.memory_space<vmem>>[vector<16xi32>], vector<16xi32>,
      %shift_right_arithmetic3A_719 = arith.constant 16 : i32
      %shift_right_arithmetic3A_720 = vector.broadcast %shift_right_arithmetic3A_719 : i32 to vector<16xi32>
      %shift_right_arithmetic3A_721 = arith.shrsi %gather3A_717, %shift_right_arithmetic3A_720 : vector<16xi32>
      %convert_element_type3A_722 = arith.sitofp %shift_right_arithmetic3A_721 : vector<16xi32> to vector<16xf32>
      %mul3A_723 = arith.constant 4.8828125E-4 : f32
      %mul3A_724 = vector.broadcast %mul3A_723 : f32 to vector<16xf32>
      %mul3A_725 = arith.mulf %convert_element_type3A_722, %mul3A_724 : vector<16xf32>
      %shift_left3A_726 = arith.constant 16 : i32
      %shift_left3A_727 = vector.broadcast %shift_left3A_726 : i32 to vector<16xi32>
      %shift_left3A_728 = arith.shli %gather3A_718, %shift_left3A_727 : vector<16xi32>
      %shift_right_arithmetic3A_729 = arith.constant 16 : i32
      %shift_right_arithmetic3A_730 = vector.broadcast %shift_right_arithmetic3A_729 : i32 to vector<16xi32>
      %shift_right_arithmetic3A_731 = arith.shrsi %shift_left3A_728, %shift_right_arithmetic3A_730 : vector<16xi32>
      %convert_element_type3A_732 = arith.sitofp %shift_right_arithmetic3A_731 : vector<16xi32> to vector<16xf32>
      %mul3A_733 = arith.constant 4.8828125E-4 : f32
      %mul3A_734 = vector.broadcast %mul3A_733 : f32 to vector<16xf32>
      %mul3A_735 = arith.mulf %convert_element_type3A_732, %mul3A_734 : vector<16xf32>
      %add3A_736 = arith.addf %mul3A_725, %mul3A_735 : vector<16xf32>
      %mul3A_737 = arith.constant 2.000000e-01 : f32
      %mul3A_738 = vector.broadcast %mul3A_737 : f32 to vector<16xf32>
      %mul3A_739 = arith.mulf %mul3A_738, %add3A_736 : vector<16xf32>
      %max3A_740 = arith.maximumf %add3A_736, %mul3A_739 : vector<16xf32>
      %exp3A_741 = math.exp %max3A_740 : vector<16xf32>
      %swap3A_742 = arith.constant 0 : index
      %swap3A_743 = tpu.vector_load %arg15[%swap3A_742] {strides = array<i32>} : memref<80xf32, #tpu.memory_space<vmem>>, vector<16xf32>,
      tpu.vector_store %arg15[%swap3A_742], %exp3A_741 {strides = array<i32>} : memref<80xf32, #tpu.memory_space<vmem>>, vector<16xf32>,
      tpu.vector_store_idx %arg14[%get3A_716], %exp3A_741 {add = true} : memref<10000xf32, #tpu.memory_space<vmem>>[vector<16xi32>], vector<16xf32>,
      %get3A_744 = arith.constant 16 : index
      %get3A_745 = tpu.vector_load %arg8[%get3A_744] {strides = array<i32>} : memref<80xi32, #tpu.memory_space<vmem>>, vector<16xi32>,
      %get3A_746 = arith.constant 16 : index
      %get3A_747 = tpu.vector_load %arg10[%get3A_746] {strides = array<i32>} : memref<80xi32, #tpu.memory_space<vmem>>, vector<16xi32>,
      %gather3A_748 = tpu.vector_load_idx %arg13[%get3A_745] : memref<10000xi32, #tpu.memory_space<vmem>>[vector<16xi32>], vector<16xi32>,
      %gather3A_749 = tpu.vector_load_idx %arg13[%get3A_747] : memref<10000xi32, #tpu.memory_space<vmem>>[vector<16xi32>], vector<16xi32>,
      %shift_right_arithmetic3A_750 = arith.constant 16 : i32
      %shift_right_arithmetic3A_751 = vector.broadcast %shift_right_arithmetic3A_750 : i32 to vector<16xi32>
      %shift_right_arithmetic3A_752 = arith.shrsi %gather3A_748, %shift_right_arithmetic3A_751 : vector<16xi32>
      %convert_element_type3A_753 = arith.sitofp %shift_right_arithmetic3A_752 : vector<16xi32> to vector<16xf32>
      %mul3A_754 = arith.constant 4.8828125E-4 : f32
      %mul3A_755 = vector.broadcast %mul3A_754 : f32 to vector<16xf32>
      %mul3A_756 = arith.mulf %convert_element_type3A_753, %mul3A_755 : vector<16xf32>
      %shift_left3A_757 = arith.constant 16 : i32
      %shift_left3A_758 = vector.broadcast %shift_left3A_757 : i32 to vector<16xi32>
      %shift_left3A_759 = arith.shli %gather3A_749, %shift_left3A_758 : vector<16xi32>
      %shift_right_arithmetic3A_760 = arith.constant 16 : i32
      %shift_right_arithmetic3A_761 = vector.broadcast %shift_right_arithmetic3A_760 : i32 to vector<16xi32>
      %shift_right_arithmetic3A_762 = arith.shrsi %shift_left3A_759, %shift_right_arithmetic3A_761 : vector<16xi32>
      %convert_element_type3A_763 = arith.sitofp %shift_right_arithmetic3A_762 : vector<16xi32> to vector<16xf32>
      %mul3A_764 = arith.constant 4.8828125E-4 : f32
      %mul3A_765 = vector.broadcast %mul3A_764 : f32 to vector<16xf32>
      %mul3A_766 = arith.mulf %convert_element_type3A_763, %mul3A_765 : vector<16xf32>
      %add3A_767 = arith.addf %mul3A_756, %mul3A_766 : vector<16xf32>
      %mul3A_768 = arith.constant 2.000000e-01 : f32
      %mul3A_769 = vector.broadcast %mul3A_768 : f32 to vector<16xf32>
      %mul3A_770 = arith.mulf %mul3A_769, %add3A_767 : vector<16xf32>
      %max3A_771 = arith.maximumf %add3A_767, %mul3A_770 : vector<16xf32>
      %exp3A_772 = math.exp %max3A_771 : vector<16xf32>
      %swap3A_773 = arith.constant 16 : index
      %swap3A_774 = tpu.vector_load %arg15[%swap3A_773] {strides = array<i32>} : memref<80xf32, #tpu.memory_space<vmem>>, vector<16xf32>,
      tpu.vector_store %arg15[%swap3A_773], %exp3A_772 {strides = array<i32>} : memref<80xf32, #tpu.memory_space<vmem>>, vector<16xf32>,
      tpu.vector_store_idx %arg14[%get3A_747], %exp3A_772 {add = true} : memref<10000xf32, #tpu.memory_space<vmem>>[vector<16xi32>], vector<16xf32>,
      %get3A_775 = arith.constant 32 : index
      %get3A_776 = tpu.vector_load %arg8[%get3A_775] {strides = array<i32>} : memref<80xi32, #tpu.memory_space<vmem>>, vector<16xi32>,
      %get3A_777 = arith.constant 32 : index
      %get3A_778 = tpu.vector_load %arg10[%get3A_777] {strides = array<i32>} : memref<80xi32, #tpu.memory_space<vmem>>, vector<16xi32>,
      %gather3A_779 = tpu.vector_load_idx %arg13[%get3A_776] : memref<10000xi32, #tpu.memory_space<vmem>>[vector<16xi32>], vector<16xi32>,
      %gather3A_780 = tpu.vector_load_idx %arg13[%get3A_778] : memref<10000xi32, #tpu.memory_space<vmem>>[vector<16xi32>], vector<16xi32>,
      %shift_right_arithmetic3A_781 = arith.constant 16 : i32
      %shift_right_arithmetic3A_782 = vector.broadcast %shift_right_arithmetic3A_781 : i32 to vector<16xi32>
      %shift_right_arithmetic3A_783 = arith.shrsi %gather3A_779, %shift_right_arithmetic3A_782 : vector<16xi32>
      %convert_element_type3A_784 = arith.sitofp %shift_right_arithmetic3A_783 : vector<16xi32> to vector<16xf32>
      %mul3A_785 = arith.constant 4.8828125E-4 : f32
      %mul3A_786 = vector.broadcast %mul3A_785 : f32 to vector<16xf32>
      %mul3A_787 = arith.mulf %convert_element_type3A_784, %mul3A_786 : vector<16xf32>
      %shift_left3A_788 = arith.constant 16 : i32
      %shift_left3A_789 = vector.broadcast %shift_left3A_788 : i32 to vector<16xi32>
      %shift_left3A_790 = arith.shli %gather3A_780, %shift_left3A_789 : vector<16xi32>
      %shift_right_arithmetic3A_791 = arith.constant 16 : i32
      %shift_right_arithmetic3A_792 = vector.broadcast %shift_right_arithmetic3A_791 : i32 to vector<16xi32>
      %shift_right_arithmetic3A_793 = arith.shrsi %shift_left3A_790, %shift_right_arithmetic3A_792 : vector<16xi32>
      %convert_element_type3A_794 = arith.sitofp %shift_right_arithmetic3A_793 : vector<16xi32> to vector<16xf32>
      %mul3A_795 = arith.constant 4.8828125E-4 : f32
      %mul3A_796 = vector.broadcast %mul3A_795 : f32 to vector<16xf32>
      %mul3A_797 = arith.mulf %convert_element_type3A_794, %mul3A_796 : vector<16xf32>
      %add3A_798 = arith.addf %mul3A_787, %mul3A_797 : vector<16xf32>
      %mul3A_799 = arith.constant 2.000000e-01 : f32
      %mul3A_800 = vector.broadcast %mul3A_799 : f32 to vector<16xf32>
      %mul3A_801 = arith.mulf %mul3A_800, %add3A_798 : vector<16xf32>
      %max3A_802 = arith.maximumf %add3A_798, %mul3A_801 : vector<16xf32>
      %exp3A_803 = math.exp %max3A_802 : vector<16xf32>
      %swap3A_804 = arith.constant 32 : index
      %swap3A_805 = tpu.vector_load %arg15[%swap3A_804] {strides = array<i32>} : memref<80xf32, #tpu.memory_space<vmem>>, vector<16xf32>,
      tpu.vector_store %arg15[%swap3A_804], %exp3A_803 {strides = array<i32>} : memref<80xf32, #tpu.memory_space<vmem>>, vector<16xf32>,
      tpu.vector_store_idx %arg14[%get3A_778], %exp3A_803 {add = true} : memref<10000xf32, #tpu.memory_space<vmem>>[vector<16xi32>], vector<16xf32>,
      %get3A_806 = arith.constant 48 : index
      %get3A_807 = tpu.vector_load %arg8[%get3A_806] {strides = array<i32>} : memref<80xi32, #tpu.memory_space<vmem>>, vector<16xi32>,
      %get3A_808 = arith.constant 48 : index
      %get3A_809 = tpu.vector_load %arg10[%get3A_808] {strides = array<i32>} : memref<80xi32, #tpu.memory_space<vmem>>, vector<16xi32>,
      %gather3A_810 = tpu.vector_load_idx %arg13[%get3A_807] : memref<10000xi32, #tpu.memory_space<vmem>>[vector<16xi32>], vector<16xi32>,
      %gather3A_811 = tpu.vector_load_idx %arg13[%get3A_809] : memref<10000xi32, #tpu.memory_space<vmem>>[vector<16xi32>], vector<16xi32>,
      %shift_right_arithmetic3A_812 = arith.constant 16 : i32
      %shift_right_arithmetic3A_813 = vector.broadcast %shift_right_arithmetic3A_812 : i32 to vector<16xi32>
      %shift_right_arithmetic3A_814 = arith.shrsi %gather3A_810, %shift_right_arithmetic3A_813 : vector<16xi32>
      %convert_element_type3A_815 = arith.sitofp %shift_right_arithmetic3A_814 : vector<16xi32> to vector<16xf32>
      %mul3A_816 = arith.constant 4.8828125E-4 : f32
      %mul3A_817 = vector.broadcast %mul3A_816 : f32 to vector<16xf32>
      %mul3A_818 = arith.mulf %convert_element_type3A_815, %mul3A_817 : vector<16xf32>
      %shift_left3A_819 = arith.constant 16 : i32
      %shift_left3A_820 = vector.broadcast %shift_left3A_819 : i32 to vector<16xi32>
      %shift_left3A_821 = arith.shli %gather3A_811, %shift_left3A_820 : vector<16xi32>
      %shift_right_arithmetic3A_822 = arith.constant 16 : i32
      %shift_right_arithmetic3A_823 = vector.broadcast %shift_right_arithmetic3A_822 : i32 to vector<16xi32>
      %shift_right_arithmetic3A_824 = arith.shrsi %shift_left3A_821, %shift_right_arithmetic3A_823 : vector<16xi32>
      %convert_element_type3A_825 = arith.sitofp %shift_right_arithmetic3A_824 : vector<16xi32> to vector<16xf32>
      %mul3A_826 = arith.constant 4.8828125E-4 : f32
      %mul3A_827 = vector.broadcast %mul3A_826 : f32 to vector<16xf32>
      %mul3A_828 = arith.mulf %convert_element_type3A_825, %mul3A_827 : vector<16xf32>
      %add3A_829 = arith.addf %mul3A_818, %mul3A_828 : vector<16xf32>
      %mul3A_830 = arith.constant 2.000000e-01 : f32
      %mul3A_831 = vector.broadcast %mul3A_830 : f32 to vector<16xf32>
      %mul3A_832 = arith.mulf %mul3A_831, %add3A_829 : vector<16xf32>
      %max3A_833 = arith.maximumf %add3A_829, %mul3A_832 : vector<16xf32>
      %exp3A_834 = math.exp %max3A_833 : vector<16xf32>
      %swap3A_835 = arith.constant 48 : index
      %swap3A_836 = tpu.vector_load %arg15[%swap3A_835] {strides = array<i32>} : memref<80xf32, #tpu.memory_space<vmem>>, vector<16xf32>,
      tpu.vector_store %arg15[%swap3A_835], %exp3A_834 {strides = array<i32>} : memref<80xf32, #tpu.memory_space<vmem>>, vector<16xf32>,
      tpu.vector_store_idx %arg14[%get3A_809], %exp3A_834 {add = true} : memref<10000xf32, #tpu.memory_space<vmem>>[vector<16xi32>], vector<16xf32>,
      %get3A_837 = arith.constant 64 : index
      %get3A_838 = tpu.vector_load %arg8[%get3A_837] {strides = array<i32>} : memref<80xi32, #tpu.memory_space<vmem>>, vector<16xi32>,
      %get3A_839 = arith.constant 64 : index
      %get3A_840 = tpu.vector_load %arg10[%get3A_839] {strides = array<i32>} : memref<80xi32, #tpu.memory_space<vmem>>, vector<16xi32>,
      %gather3A_841 = tpu.vector_load_idx %arg13[%get3A_838] : memref<10000xi32, #tpu.memory_space<vmem>>[vector<16xi32>], vector<16xi32>,
      %gather3A_842 = tpu.vector_load_idx %arg13[%get3A_840] : memref<10000xi32, #tpu.memory_space<vmem>>[vector<16xi32>], vector<16xi32>,
      %shift_right_arithmetic3A_843 = arith.constant 16 : i32
      %shift_right_arithmetic3A_844 = vector.broadcast %shift_right_arithmetic3A_843 : i32 to vector<16xi32>
      %shift_right_arithmetic3A_845 = arith.shrsi %gather3A_841, %shift_right_arithmetic3A_844 : vector<16xi32>
      %convert_element_type3A_846 = arith.sitofp %shift_right_arithmetic3A_845 : vector<16xi32> to vector<16xf32>
      %mul3A_847 = arith.constant 4.8828125E-4 : f32
      %mul3A_848 = vector.broadcast %mul3A_847 : f32 to vector<16xf32>
      %mul3A_849 = arith.mulf %convert_element_type3A_846, %mul3A_848 : vector<16xf32>
      %shift_left3A_850 = arith.constant 16 : i32
      %shift_left3A_851 = vector.broadcast %shift_left3A_850 : i32 to vector<16xi32>
      %shift_left3A_852 = arith.shli %gather3A_842, %shift_left3A_851 : vector<16xi32>
      %shift_right_arithmetic3A_853 = arith.constant 16 : i32
      %shift_right_arithmetic3A_854 = vector.broadcast %shift_right_arithmetic3A_853 : i32 to vector<16xi32>
      %shift_right_arithmetic3A_855 = arith.shrsi %shift_left3A_852, %shift_right_arithmetic3A_854 : vector<16xi32>
      %convert_element_type3A_856 = arith.sitofp %shift_right_arithmetic3A_855 : vector<16xi32> to vector<16xf32>
      %mul3A_857 = arith.constant 4.8828125E-4 : f32
      %mul3A_858 = vector.broadcast %mul3A_857 : f32 to vector<16xf32>
      %mul3A_859 = arith.mulf %convert_element_type3A_856, %mul3A_858 : vector<16xf32>
      %add3A_860 = arith.addf %mul3A_849, %mul3A_859 : vector<16xf32>
      %mul3A_861 = arith.constant 2.000000e-01 : f32
      %mul3A_862 = vector.broadcast %mul3A_861 : f32 to vector<16xf32>
      %mul3A_863 = arith.mulf %mul3A_862, %add3A_860 : vector<16xf32>
      %max3A_864 = arith.maximumf %add3A_860, %mul3A_863 : vector<16xf32>
      %exp3A_865 = math.exp %max3A_864 : vector<16xf32>
      %swap3A_866 = arith.constant 64 : index
      %swap3A_867 = tpu.vector_load %arg15[%swap3A_866] {strides = array<i32>} : memref<80xf32, #tpu.memory_space<vmem>>, vector<16xf32>,
      tpu.vector_store %arg15[%swap3A_866], %exp3A_865 {strides = array<i32>} : memref<80xf32, #tpu.memory_space<vmem>>, vector<16xf32>,
      tpu.vector_store_idx %arg14[%get3A_840], %exp3A_865 {add = true} : memref<10000xf32, #tpu.memory_space<vmem>>[vector<16xi32>], vector<16xf32>,
      %get3A_868 = arith.constant 0 : index
      %get3A_869 = tpu.vector_load %arg10[%get3A_868] {strides = array<i32>} : memref<80xi32, #tpu.memory_space<vmem>>, vector<16xi32>,
      %swap3A_870 = arith.constant 0 : index
      %swap3A_871 = tpu.vector_load %arg12[%swap3A_870] {strides = array<i32>} : memref<80xi32, #tpu.memory_space<vmem>>, vector<16xi32>,
      tpu.vector_store %arg12[%swap3A_870], %get3A_869 {strides = array<i32>} : memref<80xi32, #tpu.memory_space<vmem>>, vector<16xi32>,
      %get3A_872 = arith.constant 16 : index
      %get3A_873 = tpu.vector_load %arg10[%get3A_872] {strides = array<i32>} : memref<80xi32, #tpu.memory_space<vmem>>, vector<16xi32>,
      %swap3A_874 = arith.constant 16 : index
      %swap3A_875 = tpu.vector_load %arg12[%swap3A_874] {strides = array<i32>} : memref<80xi32, #tpu.memory_space<vmem>>, vector<16xi32>,
      tpu.vector_store %arg12[%swap3A_874], %get3A_873 {strides = array<i32>} : memref<80xi32, #tpu.memory_space<vmem>>, vector<16xi32>,
      %get3A_876 = arith.constant 32 : index
      %get3A_877 = tpu.vector_load %arg10[%get3A_876] {strides = array<i32>} : memref<80xi32, #tpu.memory_space<vmem>>, vector<16xi32>,
      %swap3A_878 = arith.constant 32 : index
      %swap3A_879 = tpu.vector_load %arg12[%swap3A_878] {strides = array<i32>} : memref<80xi32, #tpu.memory_space<vmem>>, vector<16xi32>,
      tpu.vector_store %arg12[%swap3A_878], %get3A_877 {strides = array<i32>} : memref<80xi32, #tpu.memory_space<vmem>>, vector<16xi32>,
      %get3A_880 = arith.constant 48 : index
      %get3A_881 = tpu.vector_load %arg10[%get3A_880] {strides = array<i32>} : memref<80xi32, #tpu.memory_space<vmem>>, vector<16xi32>,
      %swap3A_882 = arith.constant 48 : index
      %swap3A_883 = tpu.vector_load %arg12[%swap3A_882] {strides = array<i32>} : memref<80xi32, #tpu.memory_space<vmem>>, vector<16xi32>,
      tpu.vector_store %arg12[%swap3A_882], %get3A_881 {strides = array<i32>} : memref<80xi32, #tpu.memory_space<vmem>>, vector<16xi32>,
      %get3A_884 = arith.constant 64 : index
      %get3A_885 = tpu.vector_load %arg10[%get3A_884] {strides = array<i32>} : memref<80xi32, #tpu.memory_space<vmem>>, vector<16xi32>,
      %swap3A_886 = arith.constant 64 : index
      %swap3A_887 = tpu.vector_load %arg12[%swap3A_886] {strides = array<i32>} : memref<80xi32, #tpu.memory_space<vmem>>, vector<16xi32>,
      tpu.vector_store %arg12[%swap3A_886], %get3A_885 {strides = array<i32>} : memref<80xi32, #tpu.memory_space<vmem>>, vector<16xi32>,
      %dma_wait3A_888 = arith.constant 0 : i32
      %dma_wait3A_889 = arith.constant 0 : i32
      %dma_wait3A_890 = tpu.memref_slice %arg18[%dma_wait3A_888, %dma_wait3A_889] : memref<10000x128xf32, #tpu.memory_space<vmem_shared>> -> memref<10000x128xf32, #tpu.memory_space<vmem_shared>>
      tpu.wait_indirect_dma semaphore(%arg23 : memref<!tpu.dma_semaphore, #tpu.memory_space<semaphore_mem>>) src(%arg16 : memref<80x128xf32, #tpu.memory_space<vmem>>) dst(%dma_wait3A_890 : memref<10000x128xf32, #tpu.memory_space<vmem_shared>>)
      %add3A_891 = arith.constant 1 : i32
      %add3A_892 = arith.addi %add3A_711, %add3A_891 : i32
      %mul3A_893 = arith.constant 80 : i32
      %mul3A_894 = arith.muli %add3A_892, %mul3A_893 : i32
      %add3A_895 = arith.addi %mul3A_2, %mul3A_894 : i32
      %dma_wait3A_896 = tpu.memref_slice %arg3[%add3A_895] : memref<640000xi32, #tpu.memory_space<hbm>> -> memref<80xi32, #tpu.memory_space<hbm>>
      %dma_wait3A_897 = tpu.memref_slice %arg3[%add3A_895] : memref<640000xi32, #tpu.memory_space<hbm>> -> memref<80xi32, #tpu.memory_space<hbm>>
      tpu.wait_dma2 semaphore(%arg25 : memref<!tpu.dma_semaphore, #tpu.memory_space<semaphore_mem>>) src(%dma_wait3A_897 : memref<80xi32, #tpu.memory_space<hbm>>) dst(%arg7 : memref<80xi32, #tpu.memory_space<vmem>>)
      %add3A_898 = arith.constant 320000 : i32
      %add3A_899 = arith.addi %add3A_898, %mul3A_2 : i32
      %mul3A_900 = arith.constant 80 : i32
      %mul3A_901 = arith.muli %add3A_892, %mul3A_900 : i32
      %add3A_902 = arith.addi %add3A_899, %mul3A_901 : i32
      %dma_wait3A_903 = tpu.memref_slice %arg3[%add3A_902] : memref<640000xi32, #tpu.memory_space<hbm>> -> memref<80xi32, #tpu.memory_space<hbm>>
      %dma_wait3A_904 = tpu.memref_slice %arg3[%add3A_902] : memref<640000xi32, #tpu.memory_space<hbm>> -> memref<80xi32, #tpu.memory_space<hbm>>
      tpu.wait_dma2 semaphore(%arg25 : memref<!tpu.dma_semaphore, #tpu.memory_space<semaphore_mem>>) src(%dma_wait3A_904 : memref<80xi32, #tpu.memory_space<hbm>>) dst(%arg9 : memref<80xi32, #tpu.memory_space<vmem>>)
      %dma_start3A_905 = arith.constant 0 : i32
      %dma_start3A_906 = arith.constant 0 : i32
      %dma_start3A_907 = tpu.memref_slice %arg16[%dma_start3A_905, %dma_start3A_906] : memref<80x128xf32, #tpu.memory_space<vmem>> -> memref<40x128xf32, #tpu.memory_space<vmem>>
      %dma_start3A_908 = arith.constant 0 : i32
      %dma_start3A_909 = tpu.memref_slice %arg7[%dma_start3A_908] : memref<80xi32, #tpu.memory_space<vmem>> -> memref<40xi32, #tpu.memory_space<vmem>>
      %dma_start3A_910 = arith.constant 0 : i32
      %dma_start3A_911 = arith.constant 0 : i32
      %dma_start3A_912 = tpu.memref_slice %arg2[%dma_start3A_910, %dma_start3A_911] : memref<10000x128xf32, #tpu.memory_space<hbm>> -> memref<10000x128xf32, #tpu.memory_space<hbm>>
      tpu.enqueue_indirect_dma source(%dma_start3A_912 : memref<10000x128xf32, #tpu.memory_space<hbm>>) target(%dma_start3A_907 : memref<40x128xf32, #tpu.memory_space<vmem>>) offsets(%dma_start3A_909 : memref<40xi32, #tpu.memory_space<vmem>>) semaphore(%arg19 : memref<!tpu.dma_semaphore, #tpu.memory_space<semaphore_mem>>)
      %dma_start3A_913 = arith.constant 40 : i32
      %dma_start3A_914 = arith.constant 0 : i32
      %dma_start3A_915 = tpu.memref_slice %arg16[%dma_start3A_913, %dma_start3A_914] : memref<80x128xf32, #tpu.memory_space<vmem>> -> memref<40x128xf32, #tpu.memory_space<vmem>>
      %dma_start3A_916 = arith.constant 40 : i32
      %dma_start3A_917 = tpu.memref_slice %arg7[%dma_start3A_916] : memref<80xi32, #tpu.memory_space<vmem>> -> memref<40xi32, #tpu.memory_space<vmem>>
      %dma_start3A_918 = arith.constant 0 : i32
      %dma_start3A_919 = arith.constant 0 : i32
      %dma_start3A_920 = tpu.memref_slice %arg2[%dma_start3A_918, %dma_start3A_919] : memref<10000x128xf32, #tpu.memory_space<hbm>> -> memref<10000x128xf32, #tpu.memory_space<hbm>>
      tpu.enqueue_indirect_dma source(%dma_start3A_920 : memref<10000x128xf32, #tpu.memory_space<hbm>>) target(%dma_start3A_915 : memref<40x128xf32, #tpu.memory_space<vmem>>) offsets(%dma_start3A_917 : memref<40xi32, #tpu.memory_space<vmem>>) semaphore(%arg20 : memref<!tpu.dma_semaphore, #tpu.memory_space<semaphore_mem>>)
      %convert_element_type3A_921 = arith.extui %lt3A_712 : i1 to i32
      %cond3A_922 = arith.constant 0 : i32
      %cond3A_923 = arith.cmpi ne, %convert_element_type3A_921, %cond3A_922 : i32
      scf.if %cond3A_923 {
        %add3A_949 = arith.constant 2 : i32
        %add3A_950 = arith.addi %add3A_711, %add3A_949 : i32
        %mul3A_951 = arith.constant 80 : i32
        %mul3A_952 = arith.muli %add3A_950, %mul3A_951 : i32
        %add3A_953 = arith.addi %mul3A_2, %mul3A_952 : i32
        %dma_start3A_954 = tpu.memref_slice %arg3[%add3A_953] : memref<640000xi32, #tpu.memory_space<hbm>> -> memref<80xi32, #tpu.memory_space<hbm>>
        %dma_start3A_955 = tpu.memref_slice %arg3[%add3A_953] : memref<640000xi32, #tpu.memory_space<hbm>> -> memref<80xi32, #tpu.memory_space<hbm>>
        tpu.enqueue_dma source(%dma_start3A_955 : memref<80xi32, #tpu.memory_space<hbm>>) target(%arg8 : memref<80xi32, #tpu.memory_space<vmem>>) target_semaphore(%arg26 : memref<!tpu.dma_semaphore, #tpu.memory_space<semaphore_mem>>)
        %add3A_956 = arith.constant 320000 : i32
        %add3A_957 = arith.addi %add3A_956, %mul3A_2 : i32
        %mul3A_958 = arith.constant 80 : i32
        %mul3A_959 = arith.muli %add3A_950, %mul3A_958 : i32
        %add3A_960 = arith.addi %add3A_957, %mul3A_959 : i32
        %dma_start3A_961 = tpu.memref_slice %arg3[%add3A_960] : memref<640000xi32, #tpu.memory_space<hbm>> -> memref<80xi32, #tpu.memory_space<hbm>>
        %dma_start3A_962 = tpu.memref_slice %arg3[%add3A_960] : memref<640000xi32, #tpu.memory_space<hbm>> -> memref<80xi32, #tpu.memory_space<hbm>>
        tpu.enqueue_dma source(%dma_start3A_962 : memref<80xi32, #tpu.memory_space<hbm>>) target(%arg10 : memref<80xi32, #tpu.memory_space<vmem>>) target_semaphore(%arg26 : memref<!tpu.dma_semaphore, #tpu.memory_space<semaphore_mem>>)
      } else {
      }
      %dma_wait3A_924 = arith.constant 0 : i32
      %dma_wait3A_925 = arith.constant 0 : i32
      %dma_wait3A_926 = tpu.memref_slice %arg17[%dma_wait3A_924, %dma_wait3A_925] : memref<80x128xf32, #tpu.memory_space<vmem>> -> memref<40x128xf32, #tpu.memory_space<vmem>>
      %dma_wait3A_927 = arith.constant 0 : i32
      %dma_wait3A_928 = tpu.memref_slice %arg8[%dma_wait3A_927] : memref<80xi32, #tpu.memory_space<vmem>> -> memref<40xi32, #tpu.memory_space<vmem>>
      %dma_wait3A_929 = arith.constant 0 : i32
      %dma_wait3A_930 = arith.constant 0 : i32
      %dma_wait3A_931 = tpu.memref_slice %arg2[%dma_wait3A_929, %dma_wait3A_930] : memref<10000x128xf32, #tpu.memory_space<hbm>> -> memref<10000x128xf32, #tpu.memory_space<hbm>>
      tpu.wait_indirect_dma semaphore(%arg21 : memref<!tpu.dma_semaphore, #tpu.memory_space<semaphore_mem>>) src(%dma_wait3A_931 : memref<10000x128xf32, #tpu.memory_space<hbm>>) dst(%dma_wait3A_926 : memref<40x128xf32, #tpu.memory_space<vmem>>)
      %parallel_loop3A_932 = arith.constant 0 : i32
      %parallel_loop3A_933 = arith.constant 40 : i32
      %parallel_loop3A_934 = arith.constant 1 : i32
      scf.for %parallel_loop3A_949 = %parallel_loop3A_932 to %parallel_loop3A_933 step %parallel_loop3A_934  : i32 {
        %parallel_loop3A_950 = arith.constant 0 : i32
        %parallel_loop3A_951 = vector.broadcast %parallel_loop3A_950 : i32 to vector<16xi32>
        %parallel_loop3A_952 = vector.broadcast %parallel_loop3A_949 : i32 to vector<16xi32>
        %parallel_loop3A_953 = arith.addi %parallel_loop3A_951, %parallel_loop3A_952 : vector<16xi32>
        %parallel_loop3A_954 = tpu.vector_load_idx %arg15[%parallel_loop3A_953] : memref<80xf32, #tpu.memory_space<vmem>>[vector<16xi32>], vector<16xf32>,
        %parallel_loop3A_955 = arith.index_cast %parallel_loop3A_949 : i32 to index
        %parallel_loop3A_956 = arith.constant 0 : index
        %parallel_loop3A_957 = tpu.vector_load %arg17[%parallel_loop3A_955, %parallel_loop3A_956] {strides = array<i32>} : memref<80x128xf32, #tpu.memory_space<vmem>>, vector<16xf32>,
        %parallel_loop3A_958 = arith.mulf %parallel_loop3A_957, %parallel_loop3A_954 : vector<16xf32>
        %parallel_loop3A_959 = arith.index_cast %parallel_loop3A_949 : i32 to index
        %parallel_loop3A_960 = arith.constant 0 : index
        %parallel_loop3A_961 = tpu.vector_load %arg17[%parallel_loop3A_959, %parallel_loop3A_960] {strides = array<i32>} : memref<80x128xf32, #tpu.memory_space<vmem>>, vector<16xf32>,
        tpu.vector_store %arg17[%parallel_loop3A_959, %parallel_loop3A_960], %parallel_loop3A_958 {strides = array<i32>} : memref<80x128xf32, #tpu.memory_space<vmem>>, vector<16xf32>,
        %parallel_loop3A_962 = arith.index_cast %parallel_loop3A_949 : i32 to index
        %parallel_loop3A_963 = arith.constant 16 : index
        %parallel_loop3A_964 = tpu.vector_load %arg17[%parallel_loop3A_962, %parallel_loop3A_963] {strides = array<i32>} : memref<80x128xf32, #tpu.memory_space<vmem>>, vector<16xf32>,
        %parallel_loop3A_965 = arith.mulf %parallel_loop3A_964, %parallel_loop3A_954 : vector<16xf32>
        %parallel_loop3A_966 = arith.index_cast %parallel_loop3A_949 : i32 to index
        %parallel_loop3A_967 = arith.constant 16 : index
        %parallel_loop3A_968 = tpu.vector_load %arg17[%parallel_loop3A_966, %parallel_loop3A_967] {strides = array<i32>} : memref<80x128xf32, #tpu.memory_space<vmem>>, vector<16xf32>,
        tpu.vector_store %arg17[%parallel_loop3A_966, %parallel_loop3A_967], %parallel_loop3A_965 {strides = array<i32>} : memref<80x128xf32, #tpu.memory_space<vmem>>, vector<16xf32>,
        %parallel_loop3A_969 = arith.index_cast %parallel_loop3A_949 : i32 to index
        %parallel_loop3A_970 = arith.constant 32 : index
        %parallel_loop3A_971 = tpu.vector_load %arg17[%parallel_loop3A_969, %parallel_loop3A_970] {strides = array<i32>} : memref<80x128xf32, #tpu.memory_space<vmem>>, vector<16xf32>,
        %parallel_loop3A_972 = arith.mulf %parallel_loop3A_971, %parallel_loop3A_954 : vector<16xf32>
        %parallel_loop3A_973 = arith.index_cast %parallel_loop3A_949 : i32 to index
        %parallel_loop3A_974 = arith.constant 32 : index
        %parallel_loop3A_975 = tpu.vector_load %arg17[%parallel_loop3A_973, %parallel_loop3A_974] {strides = array<i32>} : memref<80x128xf32, #tpu.memory_space<vmem>>, vector<16xf32>,
        tpu.vector_store %arg17[%parallel_loop3A_973, %parallel_loop3A_974], %parallel_loop3A_972 {strides = array<i32>} : memref<80x128xf32, #tpu.memory_space<vmem>>, vector<16xf32>,
        %parallel_loop3A_976 = arith.index_cast %parallel_loop3A_949 : i32 to index
        %parallel_loop3A_977 = arith.constant 48 : index
        %parallel_loop3A_978 = tpu.vector_load %arg17[%parallel_loop3A_976, %parallel_loop3A_977] {strides = array<i32>} : memref<80x128xf32, #tpu.memory_space<vmem>>, vector<16xf32>,
        %parallel_loop3A_979 = arith.mulf %parallel_loop3A_978, %parallel_loop3A_954 : vector<16xf32>
        %parallel_loop3A_980 = arith.index_cast %parallel_loop3A_949 : i32 to index
        %parallel_loop3A_981 = arith.constant 48 : index
        %parallel_loop3A_982 = tpu.vector_load %arg17[%parallel_loop3A_980, %parallel_loop3A_981] {strides = array<i32>} : memref<80x128xf32, #tpu.memory_space<vmem>>, vector<16xf32>,
        tpu.vector_store %arg17[%parallel_loop3A_980, %parallel_loop3A_981], %parallel_loop3A_979 {strides = array<i32>} : memref<80x128xf32, #tpu.memory_space<vmem>>, vector<16xf32>,
        %parallel_loop3A_983 = arith.index_cast %parallel_loop3A_949 : i32 to index
        %parallel_loop3A_984 = arith.constant 64 : index
        %parallel_loop3A_985 = tpu.vector_load %arg17[%parallel_loop3A_983, %parallel_loop3A_984] {strides = array<i32>} : memref<80x128xf32, #tpu.memory_space<vmem>>, vector<16xf32>,
        %parallel_loop3A_986 = arith.mulf %parallel_loop3A_985, %parallel_loop3A_954 : vector<16xf32>
        %parallel_loop3A_987 = arith.index_cast %parallel_loop3A_949 : i32 to index
        %parallel_loop3A_988 = arith.constant 64 : index
        %parallel_loop3A_989 = tpu.vector_load %arg17[%parallel_loop3A_987, %parallel_loop3A_988] {strides = array<i32>} : memref<80x128xf32, #tpu.memory_space<vmem>>, vector<16xf32>,
        tpu.vector_store %arg17[%parallel_loop3A_987, %parallel_loop3A_988], %parallel_loop3A_986 {strides = array<i32>} : memref<80x128xf32, #tpu.memory_space<vmem>>, vector<16xf32>,
        %parallel_loop3A_990 = arith.index_cast %parallel_loop3A_949 : i32 to index
        %parallel_loop3A_991 = arith.constant 80 : index
        %parallel_loop3A_992 = tpu.vector_load %arg17[%parallel_loop3A_990, %parallel_loop3A_991] {strides = array<i32>} : memref<80x128xf32, #tpu.memory_space<vmem>>, vector<16xf32>,
        %parallel_loop3A_993 = arith.mulf %parallel_loop3A_992, %parallel_loop3A_954 : vector<16xf32>
        %parallel_loop3A_994 = arith.index_cast %parallel_loop3A_949 : i32 to index
        %parallel_loop3A_995 = arith.constant 80 : index
        %parallel_loop3A_996 = tpu.vector_load %arg17[%parallel_loop3A_994, %parallel_loop3A_995] {strides = array<i32>} : memref<80x128xf32, #tpu.memory_space<vmem>>, vector<16xf32>,
        tpu.vector_store %arg17[%parallel_loop3A_994, %parallel_loop3A_995], %parallel_loop3A_993 {strides = array<i32>} : memref<80x128xf32, #tpu.memory_space<vmem>>, vector<16xf32>,
        %parallel_loop3A_997 = arith.index_cast %parallel_loop3A_949 : i32 to index
        %parallel_loop3A_998 = arith.constant 96 : index
        %parallel_loop3A_999 = tpu.vector_load %arg17[%parallel_loop3A_997, %parallel_loop3A_998] {strides = array<i32>} : memref<80x128xf32, #tpu.memory_space<vmem>>, vector<16xf32>,
        %parallel_loop3A_1000 = arith.mulf %parallel_loop3A_999, %parallel_loop3A_954 : vector<16xf32>
        %parallel_loop3A_1001 = arith.index_cast %parallel_loop3A_949 : i32 to index
        %parallel_loop3A_1002 = arith.constant 96 : index
        %parallel_loop3A_1003 = tpu.vector_load %arg17[%parallel_loop3A_1001, %parallel_loop3A_1002] {strides = array<i32>} : memref<80x128xf32, #tpu.memory_space<vmem>>, vector<16xf32>,
        tpu.vector_store %arg17[%parallel_loop3A_1001, %parallel_loop3A_1002], %parallel_loop3A_1000 {strides = array<i32>} : memref<80x128xf32, #tpu.memory_space<vmem>>, vector<16xf32>,
        %parallel_loop3A_1004 = arith.index_cast %parallel_loop3A_949 : i32 to index
        %parallel_loop3A_1005 = arith.constant 112 : index
        %parallel_loop3A_1006 = tpu.vector_load %arg17[%parallel_loop3A_1004, %parallel_loop3A_1005] {strides = array<i32>} : memref<80x128xf32, #tpu.memory_space<vmem>>, vector<16xf32>,
        %parallel_loop3A_1007 = arith.mulf %parallel_loop3A_1006, %parallel_loop3A_954 : vector<16xf32>
        %parallel_loop3A_1008 = arith.index_cast %parallel_loop3A_949 : i32 to index
        %parallel_loop3A_1009 = arith.constant 112 : index
        %parallel_loop3A_1010 = tpu.vector_load %arg17[%parallel_loop3A_1008, %parallel_loop3A_1009] {strides = array<i32>} : memref<80x128xf32, #tpu.memory_space<vmem>>, vector<16xf32>,
        tpu.vector_store %arg17[%parallel_loop3A_1008, %parallel_loop3A_1009], %parallel_loop3A_1007 {strides = array<i32>} : memref<80x128xf32, #tpu.memory_space<vmem>>, vector<16xf32>,
      } {sc.loop_unroll_factor = 4 : i64, sc.parallel_access}
      %dma_wait3A_935 = arith.constant 40 : i32
      %dma_wait3A_936 = arith.constant 0 : i32
      %dma_wait3A_937 = tpu.memref_slice %arg17[%dma_wait3A_935, %dma_wait3A_936] : memref<80x128xf32, #tpu.memory_space<vmem>> -> memref<40x128xf32, #tpu.memory_space<vmem>>
      %dma_wait3A_938 = arith.constant 40 : i32
      %dma_wait3A_939 = tpu.memref_slice %arg8[%dma_wait3A_938] : memref<80xi32, #tpu.memory_space<vmem>> -> memref<40xi32, #tpu.memory_space<vmem>>
      %dma_wait3A_940 = arith.constant 0 : i32
      %dma_wait3A_941 = arith.constant 0 : i32
      %dma_wait3A_942 = tpu.memref_slice %arg2[%dma_wait3A_940, %dma_wait3A_941] : memref<10000x128xf32, #tpu.memory_space<hbm>> -> memref<10000x128xf32, #tpu.memory_space<hbm>>
      tpu.wait_indirect_dma semaphore(%arg22 : memref<!tpu.dma_semaphore, #tpu.memory_space<semaphore_mem>>) src(%dma_wait3A_942 : memref<10000x128xf32, #tpu.memory_space<hbm>>) dst(%dma_wait3A_937 : memref<40x128xf32, #tpu.memory_space<vmem>>)
      %parallel_loop3A_943 = arith.constant 40 : i32
      %parallel_loop3A_944 = arith.constant 80 : i32
      %parallel_loop3A_945 = arith.constant 1 : i32
      scf.for %parallel_loop3A_949 = %parallel_loop3A_943 to %parallel_loop3A_944 step %parallel_loop3A_945  : i32 {
        %parallel_loop3A_950 = arith.constant 0 : i32
        %parallel_loop3A_951 = vector.broadcast %parallel_loop3A_950 : i32 to vector<16xi32>
        %parallel_loop3A_952 = vector.broadcast %parallel_loop3A_949 : i32 to vector<16xi32>
        %parallel_loop3A_953 = arith.addi %parallel_loop3A_951, %parallel_loop3A_952 : vector<16xi32>
        %parallel_loop3A_954 = tpu.vector_load_idx %arg15[%parallel_loop3A_953] : memref<80xf32, #tpu.memory_space<vmem>>[vector<16xi32>], vector<16xf32>,
        %parallel_loop3A_955 = arith.index_cast %parallel_loop3A_949 : i32 to index
        %parallel_loop3A_956 = arith.constant 0 : index
        %parallel_loop3A_957 = tpu.vector_load %arg17[%parallel_loop3A_955, %parallel_loop3A_956] {strides = array<i32>} : memref<80x128xf32, #tpu.memory_space<vmem>>, vector<16xf32>,
        %parallel_loop3A_958 = arith.mulf %parallel_loop3A_957, %parallel_loop3A_954 : vector<16xf32>
        %parallel_loop3A_959 = arith.index_cast %parallel_loop3A_949 : i32 to index
        %parallel_loop3A_960 = arith.constant 0 : index
        %parallel_loop3A_961 = tpu.vector_load %arg17[%parallel_loop3A_959, %parallel_loop3A_960] {strides = array<i32>} : memref<80x128xf32, #tpu.memory_space<vmem>>, vector<16xf32>,
        tpu.vector_store %arg17[%parallel_loop3A_959, %parallel_loop3A_960], %parallel_loop3A_958 {strides = array<i32>} : memref<80x128xf32, #tpu.memory_space<vmem>>, vector<16xf32>,
        %parallel_loop3A_962 = arith.index_cast %parallel_loop3A_949 : i32 to index
        %parallel_loop3A_963 = arith.constant 16 : index
        %parallel_loop3A_964 = tpu.vector_load %arg17[%parallel_loop3A_962, %parallel_loop3A_963] {strides = array<i32>} : memref<80x128xf32, #tpu.memory_space<vmem>>, vector<16xf32>,
        %parallel_loop3A_965 = arith.mulf %parallel_loop3A_964, %parallel_loop3A_954 : vector<16xf32>
        %parallel_loop3A_966 = arith.index_cast %parallel_loop3A_949 : i32 to index
        %parallel_loop3A_967 = arith.constant 16 : index
        %parallel_loop3A_968 = tpu.vector_load %arg17[%parallel_loop3A_966, %parallel_loop3A_967] {strides = array<i32>} : memref<80x128xf32, #tpu.memory_space<vmem>>, vector<16xf32>,
        tpu.vector_store %arg17[%parallel_loop3A_966, %parallel_loop3A_967], %parallel_loop3A_965 {strides = array<i32>} : memref<80x128xf32, #tpu.memory_space<vmem>>, vector<16xf32>,
        %parallel_loop3A_969 = arith.index_cast %parallel_loop3A_949 : i32 to index
        %parallel_loop3A_970 = arith.constant 32 : index
        %parallel_loop3A_971 = tpu.vector_load %arg17[%parallel_loop3A_969, %parallel_loop3A_970] {strides = array<i32>} : memref<80x128xf32, #tpu.memory_space<vmem>>, vector<16xf32>,
        %parallel_loop3A_972 = arith.mulf %parallel_loop3A_971, %parallel_loop3A_954 : vector<16xf32>
        %parallel_loop3A_973 = arith.index_cast %parallel_loop3A_949 : i32 to index
        %parallel_loop3A_974 = arith.constant 32 : index
        %parallel_loop3A_975 = tpu.vector_load %arg17[%parallel_loop3A_973, %parallel_loop3A_974] {strides = array<i32>} : memref<80x128xf32, #tpu.memory_space<vmem>>, vector<16xf32>,
        tpu.vector_store %arg17[%parallel_loop3A_973, %parallel_loop3A_974], %parallel_loop3A_972 {strides = array<i32>} : memref<80x128xf32, #tpu.memory_space<vmem>>, vector<16xf32>,
        %parallel_loop3A_976 = arith.index_cast %parallel_loop3A_949 : i32 to index
        %parallel_loop3A_977 = arith.constant 48 : index
        %parallel_loop3A_978 = tpu.vector_load %arg17[%parallel_loop3A_976, %parallel_loop3A_977] {strides = array<i32>} : memref<80x128xf32, #tpu.memory_space<vmem>>, vector<16xf32>,
        %parallel_loop3A_979 = arith.mulf %parallel_loop3A_978, %parallel_loop3A_954 : vector<16xf32>
        %parallel_loop3A_980 = arith.index_cast %parallel_loop3A_949 : i32 to index
        %parallel_loop3A_981 = arith.constant 48 : index
        %parallel_loop3A_982 = tpu.vector_load %arg17[%parallel_loop3A_980, %parallel_loop3A_981] {strides = array<i32>} : memref<80x128xf32, #tpu.memory_space<vmem>>, vector<16xf32>,
        tpu.vector_store %arg17[%parallel_loop3A_980, %parallel_loop3A_981], %parallel_loop3A_979 {strides = array<i32>} : memref<80x128xf32, #tpu.memory_space<vmem>>, vector<16xf32>,
        %parallel_loop3A_983 = arith.index_cast %parallel_loop3A_949 : i32 to index
        %parallel_loop3A_984 = arith.constant 64 : index
        %parallel_loop3A_985 = tpu.vector_load %arg17[%parallel_loop3A_983, %parallel_loop3A_984] {strides = array<i32>} : memref<80x128xf32, #tpu.memory_space<vmem>>, vector<16xf32>,
        %parallel_loop3A_986 = arith.mulf %parallel_loop3A_985, %parallel_loop3A_954 : vector<16xf32>
        %parallel_loop3A_987 = arith.index_cast %parallel_loop3A_949 : i32 to index
        %parallel_loop3A_988 = arith.constant 64 : index
        %parallel_loop3A_989 = tpu.vector_load %arg17[%parallel_loop3A_987, %parallel_loop3A_988] {strides = array<i32>} : memref<80x128xf32, #tpu.memory_space<vmem>>, vector<16xf32>,
        tpu.vector_store %arg17[%parallel_loop3A_987, %parallel_loop3A_988], %parallel_loop3A_986 {strides = array<i32>} : memref<80x128xf32, #tpu.memory_space<vmem>>, vector<16xf32>,
        %parallel_loop3A_990 = arith.index_cast %parallel_loop3A_949 : i32 to index
        %parallel_loop3A_991 = arith.constant 80 : index
        %parallel_loop3A_992 = tpu.vector_load %arg17[%parallel_loop3A_990, %parallel_loop3A_991] {strides = array<i32>} : memref<80x128xf32, #tpu.memory_space<vmem>>, vector<16xf32>,
        %parallel_loop3A_993 = arith.mulf %parallel_loop3A_992, %parallel_loop3A_954 : vector<16xf32>
        %parallel_loop3A_994 = arith.index_cast %parallel_loop3A_949 : i32 to index
        %parallel_loop3A_995 = arith.constant 80 : index
        %parallel_loop3A_996 = tpu.vector_load %arg17[%parallel_loop3A_994, %parallel_loop3A_995] {strides = array<i32>} : memref<80x128xf32, #tpu.memory_space<vmem>>, vector<16xf32>,
        tpu.vector_store %arg17[%parallel_loop3A_994, %parallel_loop3A_995], %parallel_loop3A_993 {strides = array<i32>} : memref<80x128xf32, #tpu.memory_space<vmem>>, vector<16xf32>,
        %parallel_loop3A_997 = arith.index_cast %parallel_loop3A_949 : i32 to index
        %parallel_loop3A_998 = arith.constant 96 : index
        %parallel_loop3A_999 = tpu.vector_load %arg17[%parallel_loop3A_997, %parallel_loop3A_998] {strides = array<i32>} : memref<80x128xf32, #tpu.memory_space<vmem>>, vector<16xf32>,
        %parallel_loop3A_1000 = arith.mulf %parallel_loop3A_999, %parallel_loop3A_954 : vector<16xf32>
        %parallel_loop3A_1001 = arith.index_cast %parallel_loop3A_949 : i32 to index
        %parallel_loop3A_1002 = arith.constant 96 : index
        %parallel_loop3A_1003 = tpu.vector_load %arg17[%parallel_loop3A_1001, %parallel_loop3A_1002] {strides = array<i32>} : memref<80x128xf32, #tpu.memory_space<vmem>>, vector<16xf32>,
        tpu.vector_store %arg17[%parallel_loop3A_1001, %parallel_loop3A_1002], %parallel_loop3A_1000 {strides = array<i32>} : memref<80x128xf32, #tpu.memory_space<vmem>>, vector<16xf32>,
        %parallel_loop3A_1004 = arith.index_cast %parallel_loop3A_949 : i32 to index
        %parallel_loop3A_1005 = arith.constant 112 : index
        %parallel_loop3A_1006 = tpu.vector_load %arg17[%parallel_loop3A_1004, %parallel_loop3A_1005] {strides = array<i32>} : memref<80x128xf32, #tpu.memory_space<vmem>>, vector<16xf32>,
        %parallel_loop3A_1007 = arith.mulf %parallel_loop3A_1006, %parallel_loop3A_954 : vector<16xf32>
        %parallel_loop3A_1008 = arith.index_cast %parallel_loop3A_949 : i32 to index
        %parallel_loop3A_1009 = arith.constant 112 : index
        %parallel_loop3A_1010 = tpu.vector_load %arg17[%parallel_loop3A_1008, %parallel_loop3A_1009] {strides = array<i32>} : memref<80x128xf32, #tpu.memory_space<vmem>>, vector<16xf32>,
        tpu.vector_store %arg17[%parallel_loop3A_1008, %parallel_loop3A_1009], %parallel_loop3A_1007 {strides = array<i32>} : memref<80x128xf32, #tpu.memory_space<vmem>>, vector<16xf32>,
      } {sc.loop_unroll_factor = 4 : i64, sc.parallel_access}
      %dma_start3A_946 = arith.constant 0 : i32
      %dma_start3A_947 = arith.constant 0 : i32
      %dma_start3A_948 = tpu.memref_slice %arg18[%dma_start3A_946, %dma_start3A_947] : memref<10000x128xf32, #tpu.memory_space<vmem_shared>> -> memref<10000x128xf32, #tpu.memory_space<vmem_shared>>
      tpu.enqueue_indirect_dma source(%arg17 : memref<80x128xf32, #tpu.memory_space<vmem>>) target(%dma_start3A_948 : memref<10000x128xf32, #tpu.memory_space<vmem_shared>>) offsets(%arg12 : memref<80xi32, #tpu.memory_space<vmem>>) semaphore(%arg24 : memref<!tpu.dma_semaphore, #tpu.memory_space<semaphore_mem>>) {add = true}
    }
    %scan3A_253 = arith.constant 62 : i32
    %get3A = arith.constant 0 : index
    %get3A_254 = tpu.vector_load %arg7[%get3A] {strides = array<i32>} : memref<80xi32, #tpu.memory_space<vmem>>, vector<16xi32>,
    %get3A_255 = arith.constant 0 : index
    %get3A_256 = tpu.vector_load %arg9[%get3A_255] {strides = array<i32>} : memref<80xi32, #tpu.memory_space<vmem>>, vector<16xi32>,
    %gather3A = tpu.vector_load_idx %arg13[%get3A_254] : memref<10000xi32, #tpu.memory_space<vmem>>[vector<16xi32>], vector<16xi32>,
    %gather3A_257 = tpu.vector_load_idx %arg13[%get3A_256] : memref<10000xi32, #tpu.memory_space<vmem>>[vector<16xi32>], vector<16xi32>,
    %shift_right_arithmetic3A = arith.constant 16 : i32
    %shift_right_arithmetic3A_258 = vector.broadcast %shift_right_arithmetic3A : i32 to vector<16xi32>
    %shift_right_arithmetic3A_259 = arith.shrsi %gather3A, %shift_right_arithmetic3A_258 : vector<16xi32>
    %convert_element_type3A_260 = arith.sitofp %shift_right_arithmetic3A_259 : vector<16xi32> to vector<16xf32>
    %mul3A_261 = arith.constant 4.8828125E-4 : f32
    %mul3A_262 = vector.broadcast %mul3A_261 : f32 to vector<16xf32>
    %mul3A_263 = arith.mulf %convert_element_type3A_260, %mul3A_262 : vector<16xf32>
    %shift_left3A = arith.constant 16 : i32
    %shift_left3A_264 = vector.broadcast %shift_left3A : i32 to vector<16xi32>
    %shift_left3A_265 = arith.shli %gather3A_257, %shift_left3A_264 : vector<16xi32>
    %shift_right_arithmetic3A_266 = arith.constant 16 : i32
    %shift_right_arithmetic3A_267 = vector.broadcast %shift_right_arithmetic3A_266 : i32 to vector<16xi32>
    %shift_right_arithmetic3A_268 = arith.shrsi %shift_left3A_265, %shift_right_arithmetic3A_267 : vector<16xi32>
    %convert_element_type3A_269 = arith.sitofp %shift_right_arithmetic3A_268 : vector<16xi32> to vector<16xf32>
    %mul3A_270 = arith.constant 4.8828125E-4 : f32
    %mul3A_271 = vector.broadcast %mul3A_270 : f32 to vector<16xf32>
    %mul3A_272 = arith.mulf %convert_element_type3A_269, %mul3A_271 : vector<16xf32>
    %add3A_273 = arith.addf %mul3A_263, %mul3A_272 : vector<16xf32>
    %mul3A_274 = arith.constant 2.000000e-01 : f32
    %mul3A_275 = vector.broadcast %mul3A_274 : f32 to vector<16xf32>
    %mul3A_276 = arith.mulf %mul3A_275, %add3A_273 : vector<16xf32>
    %max3A = arith.maximumf %add3A_273, %mul3A_276 : vector<16xf32>
    %exp3A = math.exp %max3A : vector<16xf32>
    %swap3A = arith.constant 0 : index
    %swap3A_277 = tpu.vector_load %arg15[%swap3A] {strides = array<i32>} : memref<80xf32, #tpu.memory_space<vmem>>, vector<16xf32>,
    tpu.vector_store %arg15[%swap3A], %exp3A {strides = array<i32>} : memref<80xf32, #tpu.memory_space<vmem>>, vector<16xf32>,
    tpu.vector_store_idx %arg14[%get3A_256], %exp3A {add = true} : memref<10000xf32, #tpu.memory_space<vmem>>[vector<16xi32>], vector<16xf32>,
    %get3A_278 = arith.constant 16 : index
    %get3A_279 = tpu.vector_load %arg7[%get3A_278] {strides = array<i32>} : memref<80xi32, #tpu.memory_space<vmem>>, vector<16xi32>,
    %get3A_280 = arith.constant 16 : index
    %get3A_281 = tpu.vector_load %arg9[%get3A_280] {strides = array<i32>} : memref<80xi32, #tpu.memory_space<vmem>>, vector<16xi32>,
    %gather3A_282 = tpu.vector_load_idx %arg13[%get3A_279] : memref<10000xi32, #tpu.memory_space<vmem>>[vector<16xi32>], vector<16xi32>,
    %gather3A_283 = tpu.vector_load_idx %arg13[%get3A_281] : memref<10000xi32, #tpu.memory_space<vmem>>[vector<16xi32>], vector<16xi32>,
    %shift_right_arithmetic3A_284 = arith.constant 16 : i32
    %shift_right_arithmetic3A_285 = vector.broadcast %shift_right_arithmetic3A_284 : i32 to vector<16xi32>
    %shift_right_arithmetic3A_286 = arith.shrsi %gather3A_282, %shift_right_arithmetic3A_285 : vector<16xi32>
    %convert_element_type3A_287 = arith.sitofp %shift_right_arithmetic3A_286 : vector<16xi32> to vector<16xf32>
    %mul3A_288 = arith.constant 4.8828125E-4 : f32
    %mul3A_289 = vector.broadcast %mul3A_288 : f32 to vector<16xf32>
    %mul3A_290 = arith.mulf %convert_element_type3A_287, %mul3A_289 : vector<16xf32>
    %shift_left3A_291 = arith.constant 16 : i32
    %shift_left3A_292 = vector.broadcast %shift_left3A_291 : i32 to vector<16xi32>
    %shift_left3A_293 = arith.shli %gather3A_283, %shift_left3A_292 : vector<16xi32>
    %shift_right_arithmetic3A_294 = arith.constant 16 : i32
    %shift_right_arithmetic3A_295 = vector.broadcast %shift_right_arithmetic3A_294 : i32 to vector<16xi32>
    %shift_right_arithmetic3A_296 = arith.shrsi %shift_left3A_293, %shift_right_arithmetic3A_295 : vector<16xi32>
    %convert_element_type3A_297 = arith.sitofp %shift_right_arithmetic3A_296 : vector<16xi32> to vector<16xf32>
    %mul3A_298 = arith.constant 4.8828125E-4 : f32
    %mul3A_299 = vector.broadcast %mul3A_298 : f32 to vector<16xf32>
    %mul3A_300 = arith.mulf %convert_element_type3A_297, %mul3A_299 : vector<16xf32>
    %add3A_301 = arith.addf %mul3A_290, %mul3A_300 : vector<16xf32>
    %mul3A_302 = arith.constant 2.000000e-01 : f32
    %mul3A_303 = vector.broadcast %mul3A_302 : f32 to vector<16xf32>
    %mul3A_304 = arith.mulf %mul3A_303, %add3A_301 : vector<16xf32>
    %max3A_305 = arith.maximumf %add3A_301, %mul3A_304 : vector<16xf32>
    %exp3A_306 = math.exp %max3A_305 : vector<16xf32>
    %swap3A_307 = arith.constant 16 : index
    %swap3A_308 = tpu.vector_load %arg15[%swap3A_307] {strides = array<i32>} : memref<80xf32, #tpu.memory_space<vmem>>, vector<16xf32>,
    tpu.vector_store %arg15[%swap3A_307], %exp3A_306 {strides = array<i32>} : memref<80xf32, #tpu.memory_space<vmem>>, vector<16xf32>,
    tpu.vector_store_idx %arg14[%get3A_281], %exp3A_306 {add = true} : memref<10000xf32, #tpu.memory_space<vmem>>[vector<16xi32>], vector<16xf32>,
    %get3A_309 = arith.constant 32 : index
    %get3A_310 = tpu.vector_load %arg7[%get3A_309] {strides = array<i32>} : memref<80xi32, #tpu.memory_space<vmem>>, vector<16xi32>,
    %get3A_311 = arith.constant 32 : index
    %get3A_312 = tpu.vector_load %arg9[%get3A_311] {strides = array<i32>} : memref<80xi32, #tpu.memory_space<vmem>>, vector<16xi32>,
    %gather3A_313 = tpu.vector_load_idx %arg13[%get3A_310] : memref<10000xi32, #tpu.memory_space<vmem>>[vector<16xi32>], vector<16xi32>,
    %gather3A_314 = tpu.vector_load_idx %arg13[%get3A_312] : memref<10000xi32, #tpu.memory_space<vmem>>[vector<16xi32>], vector<16xi32>,
    %shift_right_arithmetic3A_315 = arith.constant 16 : i32
    %shift_right_arithmetic3A_316 = vector.broadcast %shift_right_arithmetic3A_315 : i32 to vector<16xi32>
    %shift_right_arithmetic3A_317 = arith.shrsi %gather3A_313, %shift_right_arithmetic3A_316 : vector<16xi32>
    %convert_element_type3A_318 = arith.sitofp %shift_right_arithmetic3A_317 : vector<16xi32> to vector<16xf32>
    %mul3A_319 = arith.constant 4.8828125E-4 : f32
    %mul3A_320 = vector.broadcast %mul3A_319 : f32 to vector<16xf32>
    %mul3A_321 = arith.mulf %convert_element_type3A_318, %mul3A_320 : vector<16xf32>
    %shift_left3A_322 = arith.constant 16 : i32
    %shift_left3A_323 = vector.broadcast %shift_left3A_322 : i32 to vector<16xi32>
    %shift_left3A_324 = arith.shli %gather3A_314, %shift_left3A_323 : vector<16xi32>
    %shift_right_arithmetic3A_325 = arith.constant 16 : i32
    %shift_right_arithmetic3A_326 = vector.broadcast %shift_right_arithmetic3A_325 : i32 to vector<16xi32>
    %shift_right_arithmetic3A_327 = arith.shrsi %shift_left3A_324, %shift_right_arithmetic3A_326 : vector<16xi32>
    %convert_element_type3A_328 = arith.sitofp %shift_right_arithmetic3A_327 : vector<16xi32> to vector<16xf32>
    %mul3A_329 = arith.constant 4.8828125E-4 : f32
    %mul3A_330 = vector.broadcast %mul3A_329 : f32 to vector<16xf32>
    %mul3A_331 = arith.mulf %convert_element_type3A_328, %mul3A_330 : vector<16xf32>
    %add3A_332 = arith.addf %mul3A_321, %mul3A_331 : vector<16xf32>
    %mul3A_333 = arith.constant 2.000000e-01 : f32
    %mul3A_334 = vector.broadcast %mul3A_333 : f32 to vector<16xf32>
    %mul3A_335 = arith.mulf %mul3A_334, %add3A_332 : vector<16xf32>
    %max3A_336 = arith.maximumf %add3A_332, %mul3A_335 : vector<16xf32>
    %exp3A_337 = math.exp %max3A_336 : vector<16xf32>
    %swap3A_338 = arith.constant 32 : index
    %swap3A_339 = tpu.vector_load %arg15[%swap3A_338] {strides = array<i32>} : memref<80xf32, #tpu.memory_space<vmem>>, vector<16xf32>,
    tpu.vector_store %arg15[%swap3A_338], %exp3A_337 {strides = array<i32>} : memref<80xf32, #tpu.memory_space<vmem>>, vector<16xf32>,
    tpu.vector_store_idx %arg14[%get3A_312], %exp3A_337 {add = true} : memref<10000xf32, #tpu.memory_space<vmem>>[vector<16xi32>], vector<16xf32>,
    %get3A_340 = arith.constant 48 : index
    %get3A_341 = tpu.vector_load %arg7[%get3A_340] {strides = array<i32>} : memref<80xi32, #tpu.memory_space<vmem>>, vector<16xi32>,
    %get3A_342 = arith.constant 48 : index
    %get3A_343 = tpu.vector_load %arg9[%get3A_342] {strides = array<i32>} : memref<80xi32, #tpu.memory_space<vmem>>, vector<16xi32>,
    %gather3A_344 = tpu.vector_load_idx %arg13[%get3A_341] : memref<10000xi32, #tpu.memory_space<vmem>>[vector<16xi32>], vector<16xi32>,
    %gather3A_345 = tpu.vector_load_idx %arg13[%get3A_343] : memref<10000xi32, #tpu.memory_space<vmem>>[vector<16xi32>], vector<16xi32>,
    %shift_right_arithmetic3A_346 = arith.constant 16 : i32
    %shift_right_arithmetic3A_347 = vector.broadcast %shift_right_arithmetic3A_346 : i32 to vector<16xi32>
    %shift_right_arithmetic3A_348 = arith.shrsi %gather3A_344, %shift_right_arithmetic3A_347 : vector<16xi32>
    %convert_element_type3A_349 = arith.sitofp %shift_right_arithmetic3A_348 : vector<16xi32> to vector<16xf32>
    %mul3A_350 = arith.constant 4.8828125E-4 : f32
    %mul3A_351 = vector.broadcast %mul3A_350 : f32 to vector<16xf32>
    %mul3A_352 = arith.mulf %convert_element_type3A_349, %mul3A_351 : vector<16xf32>
    %shift_left3A_353 = arith.constant 16 : i32
    %shift_left3A_354 = vector.broadcast %shift_left3A_353 : i32 to vector<16xi32>
    %shift_left3A_355 = arith.shli %gather3A_345, %shift_left3A_354 : vector<16xi32>
    %shift_right_arithmetic3A_356 = arith.constant 16 : i32
    %shift_right_arithmetic3A_357 = vector.broadcast %shift_right_arithmetic3A_356 : i32 to vector<16xi32>
    %shift_right_arithmetic3A_358 = arith.shrsi %shift_left3A_355, %shift_right_arithmetic3A_357 : vector<16xi32>
    %convert_element_type3A_359 = arith.sitofp %shift_right_arithmetic3A_358 : vector<16xi32> to vector<16xf32>
    %mul3A_360 = arith.constant 4.8828125E-4 : f32
    %mul3A_361 = vector.broadcast %mul3A_360 : f32 to vector<16xf32>
    %mul3A_362 = arith.mulf %convert_element_type3A_359, %mul3A_361 : vector<16xf32>
    %add3A_363 = arith.addf %mul3A_352, %mul3A_362 : vector<16xf32>
    %mul3A_364 = arith.constant 2.000000e-01 : f32
    %mul3A_365 = vector.broadcast %mul3A_364 : f32 to vector<16xf32>
    %mul3A_366 = arith.mulf %mul3A_365, %add3A_363 : vector<16xf32>
    %max3A_367 = arith.maximumf %add3A_363, %mul3A_366 : vector<16xf32>
    %exp3A_368 = math.exp %max3A_367 : vector<16xf32>
    %swap3A_369 = arith.constant 48 : index
    %swap3A_370 = tpu.vector_load %arg15[%swap3A_369] {strides = array<i32>} : memref<80xf32, #tpu.memory_space<vmem>>, vector<16xf32>,
    tpu.vector_store %arg15[%swap3A_369], %exp3A_368 {strides = array<i32>} : memref<80xf32, #tpu.memory_space<vmem>>, vector<16xf32>,
    tpu.vector_store_idx %arg14[%get3A_343], %exp3A_368 {add = true} : memref<10000xf32, #tpu.memory_space<vmem>>[vector<16xi32>], vector<16xf32>,
    %get3A_371 = arith.constant 64 : index
    %get3A_372 = tpu.vector_load %arg7[%get3A_371] {strides = array<i32>} : memref<80xi32, #tpu.memory_space<vmem>>, vector<16xi32>,
    %get3A_373 = arith.constant 64 : index
    %get3A_374 = tpu.vector_load %arg9[%get3A_373] {strides = array<i32>} : memref<80xi32, #tpu.memory_space<vmem>>, vector<16xi32>,
    %gather3A_375 = tpu.vector_load_idx %arg13[%get3A_372] : memref<10000xi32, #tpu.memory_space<vmem>>[vector<16xi32>], vector<16xi32>,
    %gather3A_376 = tpu.vector_load_idx %arg13[%get3A_374] : memref<10000xi32, #tpu.memory_space<vmem>>[vector<16xi32>], vector<16xi32>,
    %shift_right_arithmetic3A_377 = arith.constant 16 : i32
    %shift_right_arithmetic3A_378 = vector.broadcast %shift_right_arithmetic3A_377 : i32 to vector<16xi32>
    %shift_right_arithmetic3A_379 = arith.shrsi %gather3A_375, %shift_right_arithmetic3A_378 : vector<16xi32>
    %convert_element_type3A_380 = arith.sitofp %shift_right_arithmetic3A_379 : vector<16xi32> to vector<16xf32>
    %mul3A_381 = arith.constant 4.8828125E-4 : f32
    %mul3A_382 = vector.broadcast %mul3A_381 : f32 to vector<16xf32>
    %mul3A_383 = arith.mulf %convert_element_type3A_380, %mul3A_382 : vector<16xf32>
    %shift_left3A_384 = arith.constant 16 : i32
    %shift_left3A_385 = vector.broadcast %shift_left3A_384 : i32 to vector<16xi32>
    %shift_left3A_386 = arith.shli %gather3A_376, %shift_left3A_385 : vector<16xi32>
    %shift_right_arithmetic3A_387 = arith.constant 16 : i32
    %shift_right_arithmetic3A_388 = vector.broadcast %shift_right_arithmetic3A_387 : i32 to vector<16xi32>
    %shift_right_arithmetic3A_389 = arith.shrsi %shift_left3A_386, %shift_right_arithmetic3A_388 : vector<16xi32>
    %convert_element_type3A_390 = arith.sitofp %shift_right_arithmetic3A_389 : vector<16xi32> to vector<16xf32>
    %mul3A_391 = arith.constant 4.8828125E-4 : f32
    %mul3A_392 = vector.broadcast %mul3A_391 : f32 to vector<16xf32>
    %mul3A_393 = arith.mulf %convert_element_type3A_390, %mul3A_392 : vector<16xf32>
    %add3A_394 = arith.addf %mul3A_383, %mul3A_393 : vector<16xf32>
    %mul3A_395 = arith.constant 2.000000e-01 : f32
    %mul3A_396 = vector.broadcast %mul3A_395 : f32 to vector<16xf32>
    %mul3A_397 = arith.mulf %mul3A_396, %add3A_394 : vector<16xf32>
    %max3A_398 = arith.maximumf %add3A_394, %mul3A_397 : vector<16xf32>
    %exp3A_399 = math.exp %max3A_398 : vector<16xf32>
    %swap3A_400 = arith.constant 64 : index
    %swap3A_401 = tpu.vector_load %arg15[%swap3A_400] {strides = array<i32>} : memref<80xf32, #tpu.memory_space<vmem>>, vector<16xf32>,
    tpu.vector_store %arg15[%swap3A_400], %exp3A_399 {strides = array<i32>} : memref<80xf32, #tpu.memory_space<vmem>>, vector<16xf32>,
    tpu.vector_store_idx %arg14[%get3A_374], %exp3A_399 {add = true} : memref<10000xf32, #tpu.memory_space<vmem>>[vector<16xi32>], vector<16xf32>,
    %get3A_402 = arith.constant 0 : index
    %get3A_403 = tpu.vector_load %arg9[%get3A_402] {strides = array<i32>} : memref<80xi32, #tpu.memory_space<vmem>>, vector<16xi32>,
    %swap3A_404 = arith.constant 0 : index
    %swap3A_405 = tpu.vector_load %arg11[%swap3A_404] {strides = array<i32>} : memref<80xi32, #tpu.memory_space<vmem>>, vector<16xi32>,
    tpu.vector_store %arg11[%swap3A_404], %get3A_403 {strides = array<i32>} : memref<80xi32, #tpu.memory_space<vmem>>, vector<16xi32>,
    %get3A_406 = arith.constant 16 : index
    %get3A_407 = tpu.vector_load %arg9[%get3A_406] {strides = array<i32>} : memref<80xi32, #tpu.memory_space<vmem>>, vector<16xi32>,
    %swap3A_408 = arith.constant 16 : index
    %swap3A_409 = tpu.vector_load %arg11[%swap3A_408] {strides = array<i32>} : memref<80xi32, #tpu.memory_space<vmem>>, vector<16xi32>,
    tpu.vector_store %arg11[%swap3A_408], %get3A_407 {strides = array<i32>} : memref<80xi32, #tpu.memory_space<vmem>>, vector<16xi32>,
    %get3A_410 = arith.constant 32 : index
    %get3A_411 = tpu.vector_load %arg9[%get3A_410] {strides = array<i32>} : memref<80xi32, #tpu.memory_space<vmem>>, vector<16xi32>,
    %swap3A_412 = arith.constant 32 : index
    %swap3A_413 = tpu.vector_load %arg11[%swap3A_412] {strides = array<i32>} : memref<80xi32, #tpu.memory_space<vmem>>, vector<16xi32>,
    tpu.vector_store %arg11[%swap3A_412], %get3A_411 {strides = array<i32>} : memref<80xi32, #tpu.memory_space<vmem>>, vector<16xi32>,
    %get3A_414 = arith.constant 48 : index
    %get3A_415 = tpu.vector_load %arg9[%get3A_414] {strides = array<i32>} : memref<80xi32, #tpu.memory_space<vmem>>, vector<16xi32>,
    %swap3A_416 = arith.constant 48 : index
    %swap3A_417 = tpu.vector_load %arg11[%swap3A_416] {strides = array<i32>} : memref<80xi32, #tpu.memory_space<vmem>>, vector<16xi32>,
    tpu.vector_store %arg11[%swap3A_416], %get3A_415 {strides = array<i32>} : memref<80xi32, #tpu.memory_space<vmem>>, vector<16xi32>,
    %get3A_418 = arith.constant 64 : index
    %get3A_419 = tpu.vector_load %arg9[%get3A_418] {strides = array<i32>} : memref<80xi32, #tpu.memory_space<vmem>>, vector<16xi32>,
    %swap3A_420 = arith.constant 64 : index
    %swap3A_421 = tpu.vector_load %arg11[%swap3A_420] {strides = array<i32>} : memref<80xi32, #tpu.memory_space<vmem>>, vector<16xi32>,
    tpu.vector_store %arg11[%swap3A_420], %get3A_419 {strides = array<i32>} : memref<80xi32, #tpu.memory_space<vmem>>, vector<16xi32>,
    %dma_wait3A_422 = arith.constant 0 : i32
    %dma_wait3A_423 = arith.constant 0 : i32
    %dma_wait3A_424 = tpu.memref_slice %arg18[%dma_wait3A_422, %dma_wait3A_423] : memref<10000x128xf32, #tpu.memory_space<vmem_shared>> -> memref<10000x128xf32, #tpu.memory_space<vmem_shared>>
    tpu.wait_indirect_dma semaphore(%arg24 : memref<!tpu.dma_semaphore, #tpu.memory_space<semaphore_mem>>) src(%arg17 : memref<80x128xf32, #tpu.memory_space<vmem>>) dst(%dma_wait3A_424 : memref<10000x128xf32, #tpu.memory_space<vmem_shared>>)
    %dma_wait3A_425 = arith.constant 0 : i32
    %dma_wait3A_426 = arith.constant 0 : i32
    %dma_wait3A_427 = tpu.memref_slice %arg16[%dma_wait3A_425, %dma_wait3A_426] : memref<80x128xf32, #tpu.memory_space<vmem>> -> memref<40x128xf32, #tpu.memory_space<vmem>>
    %dma_wait3A_428 = arith.constant 0 : i32
    %dma_wait3A_429 = tpu.memref_slice %arg7[%dma_wait3A_428] : memref<80xi32, #tpu.memory_space<vmem>> -> memref<40xi32, #tpu.memory_space<vmem>>
    %dma_wait3A_430 = arith.constant 0 : i32
    %dma_wait3A_431 = arith.constant 0 : i32
    %dma_wait3A_432 = tpu.memref_slice %arg2[%dma_wait3A_430, %dma_wait3A_431] : memref<10000x128xf32, #tpu.memory_space<hbm>> -> memref<10000x128xf32, #tpu.memory_space<hbm>>
    tpu.wait_indirect_dma semaphore(%arg19 : memref<!tpu.dma_semaphore, #tpu.memory_space<semaphore_mem>>) src(%dma_wait3A_432 : memref<10000x128xf32, #tpu.memory_space<hbm>>) dst(%dma_wait3A_427 : memref<40x128xf32, #tpu.memory_space<vmem>>)
    %parallel_loop3A_433 = arith.constant 0 : i32
    %parallel_loop3A_434 = arith.constant 40 : i32
    %parallel_loop3A_435 = arith.constant 1 : i32
    scf.for %parallel_loop3A_459 = %parallel_loop3A_433 to %parallel_loop3A_434 step %parallel_loop3A_435  : i32 {
      %parallel_loop3A_460 = arith.constant 0 : i32
      %parallel_loop3A_461 = vector.broadcast %parallel_loop3A_460 : i32 to vector<16xi32>
      %parallel_loop3A_462 = vector.broadcast %parallel_loop3A_459 : i32 to vector<16xi32>
      %parallel_loop3A_463 = arith.addi %parallel_loop3A_461, %parallel_loop3A_462 : vector<16xi32>
      %parallel_loop3A_464 = tpu.vector_load_idx %arg15[%parallel_loop3A_463] : memref<80xf32, #tpu.memory_space<vmem>>[vector<16xi32>], vector<16xf32>,
      %parallel_loop3A_465 = arith.index_cast %parallel_loop3A_459 : i32 to index
      %parallel_loop3A_466 = arith.constant 0 : index
      %parallel_loop3A_467 = tpu.vector_load %arg16[%parallel_loop3A_465, %parallel_loop3A_466] {strides = array<i32>} : memref<80x128xf32, #tpu.memory_space<vmem>>, vector<16xf32>,
      %parallel_loop3A_468 = arith.mulf %parallel_loop3A_467, %parallel_loop3A_464 : vector<16xf32>
      %parallel_loop3A_469 = arith.index_cast %parallel_loop3A_459 : i32 to index
      %parallel_loop3A_470 = arith.constant 0 : index
      %parallel_loop3A_471 = tpu.vector_load %arg16[%parallel_loop3A_469, %parallel_loop3A_470] {strides = array<i32>} : memref<80x128xf32, #tpu.memory_space<vmem>>, vector<16xf32>,
      tpu.vector_store %arg16[%parallel_loop3A_469, %parallel_loop3A_470], %parallel_loop3A_468 {strides = array<i32>} : memref<80x128xf32, #tpu.memory_space<vmem>>, vector<16xf32>,
      %parallel_loop3A_472 = arith.index_cast %parallel_loop3A_459 : i32 to index
      %parallel_loop3A_473 = arith.constant 16 : index
      %parallel_loop3A_474 = tpu.vector_load %arg16[%parallel_loop3A_472, %parallel_loop3A_473] {strides = array<i32>} : memref<80x128xf32, #tpu.memory_space<vmem>>, vector<16xf32>,
      %parallel_loop3A_475 = arith.mulf %parallel_loop3A_474, %parallel_loop3A_464 : vector<16xf32>
      %parallel_loop3A_476 = arith.index_cast %parallel_loop3A_459 : i32 to index
      %parallel_loop3A_477 = arith.constant 16 : index
      %parallel_loop3A_478 = tpu.vector_load %arg16[%parallel_loop3A_476, %parallel_loop3A_477] {strides = array<i32>} : memref<80x128xf32, #tpu.memory_space<vmem>>, vector<16xf32>,
      tpu.vector_store %arg16[%parallel_loop3A_476, %parallel_loop3A_477], %parallel_loop3A_475 {strides = array<i32>} : memref<80x128xf32, #tpu.memory_space<vmem>>, vector<16xf32>,
      %parallel_loop3A_479 = arith.index_cast %parallel_loop3A_459 : i32 to index
      %parallel_loop3A_480 = arith.constant 32 : index
      %parallel_loop3A_481 = tpu.vector_load %arg16[%parallel_loop3A_479, %parallel_loop3A_480] {strides = array<i32>} : memref<80x128xf32, #tpu.memory_space<vmem>>, vector<16xf32>,
      %parallel_loop3A_482 = arith.mulf %parallel_loop3A_481, %parallel_loop3A_464 : vector<16xf32>
      %parallel_loop3A_483 = arith.index_cast %parallel_loop3A_459 : i32 to index
      %parallel_loop3A_484 = arith.constant 32 : index
      %parallel_loop3A_485 = tpu.vector_load %arg16[%parallel_loop3A_483, %parallel_loop3A_484] {strides = array<i32>} : memref<80x128xf32, #tpu.memory_space<vmem>>, vector<16xf32>,
      tpu.vector_store %arg16[%parallel_loop3A_483, %parallel_loop3A_484], %parallel_loop3A_482 {strides = array<i32>} : memref<80x128xf32, #tpu.memory_space<vmem>>, vector<16xf32>,
      %parallel_loop3A_486 = arith.index_cast %parallel_loop3A_459 : i32 to index
      %parallel_loop3A_487 = arith.constant 48 : index
      %parallel_loop3A_488 = tpu.vector_load %arg16[%parallel_loop3A_486, %parallel_loop3A_487] {strides = array<i32>} : memref<80x128xf32, #tpu.memory_space<vmem>>, vector<16xf32>,
      %parallel_loop3A_489 = arith.mulf %parallel_loop3A_488, %parallel_loop3A_464 : vector<16xf32>
      %parallel_loop3A_490 = arith.index_cast %parallel_loop3A_459 : i32 to index
      %parallel_loop3A_491 = arith.constant 48 : index
      %parallel_loop3A_492 = tpu.vector_load %arg16[%parallel_loop3A_490, %parallel_loop3A_491] {strides = array<i32>} : memref<80x128xf32, #tpu.memory_space<vmem>>, vector<16xf32>,
      tpu.vector_store %arg16[%parallel_loop3A_490, %parallel_loop3A_491], %parallel_loop3A_489 {strides = array<i32>} : memref<80x128xf32, #tpu.memory_space<vmem>>, vector<16xf32>,
      %parallel_loop3A_493 = arith.index_cast %parallel_loop3A_459 : i32 to index
      %parallel_loop3A_494 = arith.constant 64 : index
      %parallel_loop3A_495 = tpu.vector_load %arg16[%parallel_loop3A_493, %parallel_loop3A_494] {strides = array<i32>} : memref<80x128xf32, #tpu.memory_space<vmem>>, vector<16xf32>,
      %parallel_loop3A_496 = arith.mulf %parallel_loop3A_495, %parallel_loop3A_464 : vector<16xf32>
      %parallel_loop3A_497 = arith.index_cast %parallel_loop3A_459 : i32 to index
      %parallel_loop3A_498 = arith.constant 64 : index
      %parallel_loop3A_499 = tpu.vector_load %arg16[%parallel_loop3A_497, %parallel_loop3A_498] {strides = array<i32>} : memref<80x128xf32, #tpu.memory_space<vmem>>, vector<16xf32>,
      tpu.vector_store %arg16[%parallel_loop3A_497, %parallel_loop3A_498], %parallel_loop3A_496 {strides = array<i32>} : memref<80x128xf32, #tpu.memory_space<vmem>>, vector<16xf32>,
      %parallel_loop3A_500 = arith.index_cast %parallel_loop3A_459 : i32 to index
      %parallel_loop3A_501 = arith.constant 80 : index
      %parallel_loop3A_502 = tpu.vector_load %arg16[%parallel_loop3A_500, %parallel_loop3A_501] {strides = array<i32>} : memref<80x128xf32, #tpu.memory_space<vmem>>, vector<16xf32>,
      %parallel_loop3A_503 = arith.mulf %parallel_loop3A_502, %parallel_loop3A_464 : vector<16xf32>
      %parallel_loop3A_504 = arith.index_cast %parallel_loop3A_459 : i32 to index
      %parallel_loop3A_505 = arith.constant 80 : index
      %parallel_loop3A_506 = tpu.vector_load %arg16[%parallel_loop3A_504, %parallel_loop3A_505] {strides = array<i32>} : memref<80x128xf32, #tpu.memory_space<vmem>>, vector<16xf32>,
      tpu.vector_store %arg16[%parallel_loop3A_504, %parallel_loop3A_505], %parallel_loop3A_503 {strides = array<i32>} : memref<80x128xf32, #tpu.memory_space<vmem>>, vector<16xf32>,
      %parallel_loop3A_507 = arith.index_cast %parallel_loop3A_459 : i32 to index
      %parallel_loop3A_508 = arith.constant 96 : index
      %parallel_loop3A_509 = tpu.vector_load %arg16[%parallel_loop3A_507, %parallel_loop3A_508] {strides = array<i32>} : memref<80x128xf32, #tpu.memory_space<vmem>>, vector<16xf32>,
      %parallel_loop3A_510 = arith.mulf %parallel_loop3A_509, %parallel_loop3A_464 : vector<16xf32>
      %parallel_loop3A_511 = arith.index_cast %parallel_loop3A_459 : i32 to index
      %parallel_loop3A_512 = arith.constant 96 : index
      %parallel_loop3A_513 = tpu.vector_load %arg16[%parallel_loop3A_511, %parallel_loop3A_512] {strides = array<i32>} : memref<80x128xf32, #tpu.memory_space<vmem>>, vector<16xf32>,
      tpu.vector_store %arg16[%parallel_loop3A_511, %parallel_loop3A_512], %parallel_loop3A_510 {strides = array<i32>} : memref<80x128xf32, #tpu.memory_space<vmem>>, vector<16xf32>,
      %parallel_loop3A_514 = arith.index_cast %parallel_loop3A_459 : i32 to index
      %parallel_loop3A_515 = arith.constant 112 : index
      %parallel_loop3A_516 = tpu.vector_load %arg16[%parallel_loop3A_514, %parallel_loop3A_515] {strides = array<i32>} : memref<80x128xf32, #tpu.memory_space<vmem>>, vector<16xf32>,
      %parallel_loop3A_517 = arith.mulf %parallel_loop3A_516, %parallel_loop3A_464 : vector<16xf32>
      %parallel_loop3A_518 = arith.index_cast %parallel_loop3A_459 : i32 to index
      %parallel_loop3A_519 = arith.constant 112 : index
      %parallel_loop3A_520 = tpu.vector_load %arg16[%parallel_loop3A_518, %parallel_loop3A_519] {strides = array<i32>} : memref<80x128xf32, #tpu.memory_space<vmem>>, vector<16xf32>,
      tpu.vector_store %arg16[%parallel_loop3A_518, %parallel_loop3A_519], %parallel_loop3A_517 {strides = array<i32>} : memref<80x128xf32, #tpu.memory_space<vmem>>, vector<16xf32>,
    } {sc.loop_unroll_factor = 4 : i64, sc.parallel_access}
    %dma_wait3A_436 = arith.constant 40 : i32
    %dma_wait3A_437 = arith.constant 0 : i32
    %dma_wait3A_438 = tpu.memref_slice %arg16[%dma_wait3A_436, %dma_wait3A_437] : memref<80x128xf32, #tpu.memory_space<vmem>> -> memref<40x128xf32, #tpu.memory_space<vmem>>
    %dma_wait3A_439 = arith.constant 40 : i32
    %dma_wait3A_440 = tpu.memref_slice %arg7[%dma_wait3A_439] : memref<80xi32, #tpu.memory_space<vmem>> -> memref<40xi32, #tpu.memory_space<vmem>>
    %dma_wait3A_441 = arith.constant 0 : i32
    %dma_wait3A_442 = arith.constant 0 : i32
    %dma_wait3A_443 = tpu.memref_slice %arg2[%dma_wait3A_441, %dma_wait3A_442] : memref<10000x128xf32, #tpu.memory_space<hbm>> -> memref<10000x128xf32, #tpu.memory_space<hbm>>
    tpu.wait_indirect_dma semaphore(%arg20 : memref<!tpu.dma_semaphore, #tpu.memory_space<semaphore_mem>>) src(%dma_wait3A_443 : memref<10000x128xf32, #tpu.memory_space<hbm>>) dst(%dma_wait3A_438 : memref<40x128xf32, #tpu.memory_space<vmem>>)
    %parallel_loop3A_444 = arith.constant 40 : i32
    %parallel_loop3A_445 = arith.constant 80 : i32
    %parallel_loop3A_446 = arith.constant 1 : i32
    scf.for %parallel_loop3A_459 = %parallel_loop3A_444 to %parallel_loop3A_445 step %parallel_loop3A_446  : i32 {
      %parallel_loop3A_460 = arith.constant 0 : i32
      %parallel_loop3A_461 = vector.broadcast %parallel_loop3A_460 : i32 to vector<16xi32>
      %parallel_loop3A_462 = vector.broadcast %parallel_loop3A_459 : i32 to vector<16xi32>
      %parallel_loop3A_463 = arith.addi %parallel_loop3A_461, %parallel_loop3A_462 : vector<16xi32>
      %parallel_loop3A_464 = tpu.vector_load_idx %arg15[%parallel_loop3A_463] : memref<80xf32, #tpu.memory_space<vmem>>[vector<16xi32>], vector<16xf32>,
      %parallel_loop3A_465 = arith.index_cast %parallel_loop3A_459 : i32 to index
      %parallel_loop3A_466 = arith.constant 0 : index
      %parallel_loop3A_467 = tpu.vector_load %arg16[%parallel_loop3A_465, %parallel_loop3A_466] {strides = array<i32>} : memref<80x128xf32, #tpu.memory_space<vmem>>, vector<16xf32>,
      %parallel_loop3A_468 = arith.mulf %parallel_loop3A_467, %parallel_loop3A_464 : vector<16xf32>
      %parallel_loop3A_469 = arith.index_cast %parallel_loop3A_459 : i32 to index
      %parallel_loop3A_470 = arith.constant 0 : index
      %parallel_loop3A_471 = tpu.vector_load %arg16[%parallel_loop3A_469, %parallel_loop3A_470] {strides = array<i32>} : memref<80x128xf32, #tpu.memory_space<vmem>>, vector<16xf32>,
      tpu.vector_store %arg16[%parallel_loop3A_469, %parallel_loop3A_470], %parallel_loop3A_468 {strides = array<i32>} : memref<80x128xf32, #tpu.memory_space<vmem>>, vector<16xf32>,
      %parallel_loop3A_472 = arith.index_cast %parallel_loop3A_459 : i32 to index
      %parallel_loop3A_473 = arith.constant 16 : index
      %parallel_loop3A_474 = tpu.vector_load %arg16[%parallel_loop3A_472, %parallel_loop3A_473] {strides = array<i32>} : memref<80x128xf32, #tpu.memory_space<vmem>>, vector<16xf32>,
      %parallel_loop3A_475 = arith.mulf %parallel_loop3A_474, %parallel_loop3A_464 : vector<16xf32>
      %parallel_loop3A_476 = arith.index_cast %parallel_loop3A_459 : i32 to index
      %parallel_loop3A_477 = arith.constant 16 : index
      %parallel_loop3A_478 = tpu.vector_load %arg16[%parallel_loop3A_476, %parallel_loop3A_477] {strides = array<i32>} : memref<80x128xf32, #tpu.memory_space<vmem>>, vector<16xf32>,
      tpu.vector_store %arg16[%parallel_loop3A_476, %parallel_loop3A_477], %parallel_loop3A_475 {strides = array<i32>} : memref<80x128xf32, #tpu.memory_space<vmem>>, vector<16xf32>,
      %parallel_loop3A_479 = arith.index_cast %parallel_loop3A_459 : i32 to index
      %parallel_loop3A_480 = arith.constant 32 : index
      %parallel_loop3A_481 = tpu.vector_load %arg16[%parallel_loop3A_479, %parallel_loop3A_480] {strides = array<i32>} : memref<80x128xf32, #tpu.memory_space<vmem>>, vector<16xf32>,
      %parallel_loop3A_482 = arith.mulf %parallel_loop3A_481, %parallel_loop3A_464 : vector<16xf32>
      %parallel_loop3A_483 = arith.index_cast %parallel_loop3A_459 : i32 to index
      %parallel_loop3A_484 = arith.constant 32 : index
      %parallel_loop3A_485 = tpu.vector_load %arg16[%parallel_loop3A_483, %parallel_loop3A_484] {strides = array<i32>} : memref<80x128xf32, #tpu.memory_space<vmem>>, vector<16xf32>,
      tpu.vector_store %arg16[%parallel_loop3A_483, %parallel_loop3A_484], %parallel_loop3A_482 {strides = array<i32>} : memref<80x128xf32, #tpu.memory_space<vmem>>, vector<16xf32>,
      %parallel_loop3A_486 = arith.index_cast %parallel_loop3A_459 : i32 to index
      %parallel_loop3A_487 = arith.constant 48 : index
      %parallel_loop3A_488 = tpu.vector_load %arg16[%parallel_loop3A_486, %parallel_loop3A_487] {strides = array<i32>} : memref<80x128xf32, #tpu.memory_space<vmem>>, vector<16xf32>,
      %parallel_loop3A_489 = arith.mulf %parallel_loop3A_488, %parallel_loop3A_464 : vector<16xf32>
      %parallel_loop3A_490 = arith.index_cast %parallel_loop3A_459 : i32 to index
      %parallel_loop3A_491 = arith.constant 48 : index
      %parallel_loop3A_492 = tpu.vector_load %arg16[%parallel_loop3A_490, %parallel_loop3A_491] {strides = array<i32>} : memref<80x128xf32, #tpu.memory_space<vmem>>, vector<16xf32>,
      tpu.vector_store %arg16[%parallel_loop3A_490, %parallel_loop3A_491], %parallel_loop3A_489 {strides = array<i32>} : memref<80x128xf32, #tpu.memory_space<vmem>>, vector<16xf32>,
      %parallel_loop3A_493 = arith.index_cast %parallel_loop3A_459 : i32 to index
      %parallel_loop3A_494 = arith.constant 64 : index
      %parallel_loop3A_495 = tpu.vector_load %arg16[%parallel_loop3A_493, %parallel_loop3A_494] {strides = array<i32>} : memref<80x128xf32, #tpu.memory_space<vmem>>, vector<16xf32>,
      %parallel_loop3A_496 = arith.mulf %parallel_loop3A_495, %parallel_loop3A_464 : vector<16xf32>
      %parallel_loop3A_497 = arith.index_cast %parallel_loop3A_459 : i32 to index
      %parallel_loop3A_498 = arith.constant 64 : index
      %parallel_loop3A_499 = tpu.vector_load %arg16[%parallel_loop3A_497, %parallel_loop3A_498] {strides = array<i32>} : memref<80x128xf32, #tpu.memory_space<vmem>>, vector<16xf32>,
      tpu.vector_store %arg16[%parallel_loop3A_497, %parallel_loop3A_498], %parallel_loop3A_496 {strides = array<i32>} : memref<80x128xf32, #tpu.memory_space<vmem>>, vector<16xf32>,
      %parallel_loop3A_500 = arith.index_cast %parallel_loop3A_459 : i32 to index
      %parallel_loop3A_501 = arith.constant 80 : index
      %parallel_loop3A_502 = tpu.vector_load %arg16[%parallel_loop3A_500, %parallel_loop3A_501] {strides = array<i32>} : memref<80x128xf32, #tpu.memory_space<vmem>>, vector<16xf32>,
      %parallel_loop3A_503 = arith.mulf %parallel_loop3A_502, %parallel_loop3A_464 : vector<16xf32>
      %parallel_loop3A_504 = arith.index_cast %parallel_loop3A_459 : i32 to index
      %parallel_loop3A_505 = arith.constant 80 : index
      %parallel_loop3A_506 = tpu.vector_load %arg16[%parallel_loop3A_504, %parallel_loop3A_505] {strides = array<i32>} : memref<80x128xf32, #tpu.memory_space<vmem>>, vector<16xf32>,
      tpu.vector_store %arg16[%parallel_loop3A_504, %parallel_loop3A_505], %parallel_loop3A_503 {strides = array<i32>} : memref<80x128xf32, #tpu.memory_space<vmem>>, vector<16xf32>,
      %parallel_loop3A_507 = arith.index_cast %parallel_loop3A_459 : i32 to index
      %parallel_loop3A_508 = arith.constant 96 : index
      %parallel_loop3A_509 = tpu.vector_load %arg16[%parallel_loop3A_507, %parallel_loop3A_508] {strides = array<i32>} : memref<80x128xf32, #tpu.memory_space<vmem>>, vector<16xf32>,
      %parallel_loop3A_510 = arith.mulf %parallel_loop3A_509, %parallel_loop3A_464 : vector<16xf32>
      %parallel_loop3A_511 = arith.index_cast %parallel_loop3A_459 : i32 to index
      %parallel_loop3A_512 = arith.constant 96 : index
      %parallel_loop3A_513 = tpu.vector_load %arg16[%parallel_loop3A_511, %parallel_loop3A_512] {strides = array<i32>} : memref<80x128xf32, #tpu.memory_space<vmem>>, vector<16xf32>,
      tpu.vector_store %arg16[%parallel_loop3A_511, %parallel_loop3A_512], %parallel_loop3A_510 {strides = array<i32>} : memref<80x128xf32, #tpu.memory_space<vmem>>, vector<16xf32>,
      %parallel_loop3A_514 = arith.index_cast %parallel_loop3A_459 : i32 to index
      %parallel_loop3A_515 = arith.constant 112 : index
      %parallel_loop3A_516 = tpu.vector_load %arg16[%parallel_loop3A_514, %parallel_loop3A_515] {strides = array<i32>} : memref<80x128xf32, #tpu.memory_space<vmem>>, vector<16xf32>,
      %parallel_loop3A_517 = arith.mulf %parallel_loop3A_516, %parallel_loop3A_464 : vector<16xf32>
      %parallel_loop3A_518 = arith.index_cast %parallel_loop3A_459 : i32 to index
      %parallel_loop3A_519 = arith.constant 112 : index
      %parallel_loop3A_520 = tpu.vector_load %arg16[%parallel_loop3A_518, %parallel_loop3A_519] {strides = array<i32>} : memref<80x128xf32, #tpu.memory_space<vmem>>, vector<16xf32>,
      tpu.vector_store %arg16[%parallel_loop3A_518, %parallel_loop3A_519], %parallel_loop3A_517 {strides = array<i32>} : memref<80x128xf32, #tpu.memory_space<vmem>>, vector<16xf32>,
    } {sc.loop_unroll_factor = 4 : i64, sc.parallel_access}
    %dma_start3A_447 = arith.constant 0 : i32
    %dma_start3A_448 = arith.constant 0 : i32
    %dma_start3A_449 = tpu.memref_slice %arg18[%dma_start3A_447, %dma_start3A_448] : memref<10000x128xf32, #tpu.memory_space<vmem_shared>> -> memref<10000x128xf32, #tpu.memory_space<vmem_shared>>
    tpu.enqueue_indirect_dma source(%arg16 : memref<80x128xf32, #tpu.memory_space<vmem>>) target(%dma_start3A_449 : memref<10000x128xf32, #tpu.memory_space<vmem_shared>>) offsets(%arg11 : memref<80xi32, #tpu.memory_space<vmem>>) semaphore(%arg23 : memref<!tpu.dma_semaphore, #tpu.memory_space<semaphore_mem>>) {add = true}
    %dma_wait3A_450 = arith.constant 0 : i32
    %dma_wait3A_451 = arith.constant 0 : i32
    %dma_wait3A_452 = tpu.memref_slice %arg18[%dma_wait3A_450, %dma_wait3A_451] : memref<10000x128xf32, #tpu.memory_space<vmem_shared>> -> memref<10000x128xf32, #tpu.memory_space<vmem_shared>>
    tpu.wait_indirect_dma semaphore(%arg23 : memref<!tpu.dma_semaphore, #tpu.memory_space<semaphore_mem>>) src(%arg16 : memref<80x128xf32, #tpu.memory_space<vmem>>) dst(%dma_wait3A_452 : memref<10000x128xf32, #tpu.memory_space<vmem_shared>>)
    "tpu.region"() ({
      %run_scoped3A = tpu.sem_alloc : memref<!tpu.dma_semaphore, #tpu.memory_space<semaphore_mem>>
      %dma_start3A_459 = arith.constant 0 : i32
      %dma_start3A_460 = tpu.memref_slice %arg6[%add3A, %dma_start3A_459] : memref<32x10000xf32, #tpu.memory_space<hbm>> -> memref<1x10000xf32, #tpu.memory_space<hbm>>
      %dma_start3A_461 = tpu.memref_squeeze %dma_start3A_460 : memref<1x10000xf32, #tpu.memory_space<hbm>> -> memref<10000xf32, #tpu.memory_space<hbm>>
      %dma_start3A_462 = arith.constant 0 : i32
      %dma_start3A_463 = tpu.memref_slice %arg6[%add3A, %dma_start3A_462] : memref<32x10000xf32, #tpu.memory_space<hbm>> -> memref<1x10000xf32, #tpu.memory_space<hbm>>
      %dma_start3A_464 = tpu.memref_squeeze %dma_start3A_463 : memref<1x10000xf32, #tpu.memory_space<hbm>> -> memref<10000xf32, #tpu.memory_space<hbm>>
      tpu.enqueue_dma source(%arg14 : memref<10000xf32, #tpu.memory_space<vmem>>) target(%dma_start3A_464 : memref<10000xf32, #tpu.memory_space<hbm>>) target_semaphore(%run_scoped3A : memref<!tpu.dma_semaphore, #tpu.memory_space<semaphore_mem>>)
      %dma_wait3A_465 = arith.constant 0 : i32
      %dma_wait3A_466 = tpu.memref_slice %arg6[%add3A, %dma_wait3A_465] : memref<32x10000xf32, #tpu.memory_space<hbm>> -> memref<1x10000xf32, #tpu.memory_space<hbm>>
      %dma_wait3A_467 = tpu.memref_squeeze %dma_wait3A_466 : memref<1x10000xf32, #tpu.memory_space<hbm>> -> memref<10000xf32, #tpu.memory_space<hbm>>
      %dma_wait3A_468 = arith.constant 0 : i32
      %dma_wait3A_469 = tpu.memref_slice %arg6[%add3A, %dma_wait3A_468] : memref<32x10000xf32, #tpu.memory_space<hbm>> -> memref<1x10000xf32, #tpu.memory_space<hbm>>
      %dma_wait3A_470 = tpu.memref_squeeze %dma_wait3A_469 : memref<1x10000xf32, #tpu.memory_space<hbm>> -> memref<10000xf32, #tpu.memory_space<hbm>>
      tpu.wait_dma2 semaphore(%run_scoped3A : memref<!tpu.dma_semaphore, #tpu.memory_space<semaphore_mem>>) src(%arg14 : memref<10000xf32, #tpu.memory_space<vmem>>) dst(%dma_wait3A_470 : memref<10000xf32, #tpu.memory_space<hbm>>)
      tpu.yield
    }) : () -> ()
    %barrier3A_453 = arith.constant 0 : index
    tpu.barrier barrier_id(%barrier3A_453)
    "tpu.region"() ({
      %run_scoped3A = tpu.sem_alloc : memref<!tpu.dma_semaphore, #tpu.memory_space<semaphore_mem>>
      %dma_start3A_459 = arith.constant 0 : i32
      %dma_start3A_460 = tpu.memref_slice %arg5[%arg0, %mul3A_10, %dma_start3A_459] : memref<2x10000x128xf32, #tpu.memory_space<hbm>> -> memref<1x624x128xf32, #tpu.memory_space<hbm>>
      %dma_start3A_461 = tpu.memref_squeeze %dma_start3A_460 : memref<1x624x128xf32, #tpu.memory_space<hbm>> -> memref<624x128xf32, #tpu.memory_space<hbm>>
      %dma_start3A_462 = arith.constant 0 : i32
      %dma_start3A_463 = tpu.memref_slice %arg18[%mul3A_10, %dma_start3A_462] : memref<10000x128xf32, #tpu.memory_space<vmem_shared>> -> memref<624x128xf32, #tpu.memory_space<vmem_shared>>
      tpu.enqueue_dma source(%dma_start3A_463 : memref<624x128xf32, #tpu.memory_space<vmem_shared>>) target(%dma_start3A_461 : memref<624x128xf32, #tpu.memory_space<hbm>>) target_semaphore(%run_scoped3A : memref<!tpu.dma_semaphore, #tpu.memory_space<semaphore_mem>>)
      %dma_wait3A_464 = arith.constant 0 : i32
      %dma_wait3A_465 = tpu.memref_slice %arg5[%arg0, %mul3A_10, %dma_wait3A_464] : memref<2x10000x128xf32, #tpu.memory_space<hbm>> -> memref<1x624x128xf32, #tpu.memory_space<hbm>>
      %dma_wait3A_466 = tpu.memref_squeeze %dma_wait3A_465 : memref<1x624x128xf32, #tpu.memory_space<hbm>> -> memref<624x128xf32, #tpu.memory_space<hbm>>
      %dma_wait3A_467 = arith.constant 0 : i32
      %dma_wait3A_468 = tpu.memref_slice %arg18[%mul3A_10, %dma_wait3A_467] : memref<10000x128xf32, #tpu.memory_space<vmem_shared>> -> memref<624x128xf32, #tpu.memory_space<vmem_shared>>
      tpu.wait_dma2 semaphore(%run_scoped3A : memref<!tpu.dma_semaphore, #tpu.memory_space<semaphore_mem>>) src(%dma_wait3A_468 : memref<624x128xf32, #tpu.memory_space<vmem_shared>>) dst(%dma_wait3A_466 : memref<624x128xf32, #tpu.memory_space<hbm>>)
      tpu.yield
    }) : () -> ()
    %eq3A_454 = arith.constant 0 : i32
    %eq3A_455 = arith.cmpi eq, %arg1, %eq3A_454 : i32
    %convert_element_type3A_456 = arith.extui %eq3A_455 : i1 to i32
    %cond3A_457 = arith.constant 0 : i32
    %cond3A_458 = arith.cmpi ne, %convert_element_type3A_456, %cond3A_457 : i32
    scf.if %cond3A_458 {
      "tpu.region"() ({
        %run_scoped3A = tpu.sem_alloc : memref<!tpu.dma_semaphore, #tpu.memory_space<semaphore_mem>>
        %dma_start3A_459 = arith.constant 9984 : i32
        %dma_start3A_460 = arith.constant 0 : i32
        %dma_start3A_461 = tpu.memref_slice %arg5[%arg0, %dma_start3A_459, %dma_start3A_460] : memref<2x10000x128xf32, #tpu.memory_space<hbm>> -> memref<1x16x128xf32, #tpu.memory_space<hbm>>
        %dma_start3A_462 = tpu.memref_squeeze %dma_start3A_461 : memref<1x16x128xf32, #tpu.memory_space<hbm>> -> memref<16x128xf32, #tpu.memory_space<hbm>>
        %dma_start3A_463 = arith.constant 9984 : i32
        %dma_start3A_464 = arith.constant 0 : i32
        %dma_start3A_465 = tpu.memref_slice %arg18[%dma_start3A_463, %dma_start3A_464] : memref<10000x128xf32, #tpu.memory_space<vmem_shared>> -> memref<16x128xf32, #tpu.memory_space<vmem_shared>>
        tpu.enqueue_dma source(%dma_start3A_465 : memref<16x128xf32, #tpu.memory_space<vmem_shared>>) target(%dma_start3A_462 : memref<16x128xf32, #tpu.memory_space<hbm>>) target_semaphore(%run_scoped3A : memref<!tpu.dma_semaphore, #tpu.memory_space<semaphore_mem>>)
        %dma_wait3A_466 = arith.constant 9984 : i32
        %dma_wait3A_467 = arith.constant 0 : i32
        %dma_wait3A_468 = tpu.memref_slice %arg5[%arg0, %dma_wait3A_466, %dma_wait3A_467] : memref<2x10000x128xf32, #tpu.memory_space<hbm>> -> memref<1x16x128xf32, #tpu.memory_space<hbm>>
        %dma_wait3A_469 = tpu.memref_squeeze %dma_wait3A_468 : memref<1x16x128xf32, #tpu.memory_space<hbm>> -> memref<16x128xf32, #tpu.memory_space<hbm>>
        %dma_wait3A_470 = arith.constant 9984 : i32
        %dma_wait3A_471 = arith.constant 0 : i32
        %dma_wait3A_472 = tpu.memref_slice %arg18[%dma_wait3A_470, %dma_wait3A_471] : memref<10000x128xf32, #tpu.memory_space<vmem_shared>> -> memref<16x128xf32, #tpu.memory_space<vmem_shared>>
        tpu.wait_dma2 semaphore(%run_scoped3A : memref<!tpu.dma_semaphore, #tpu.memory_space<semaphore_mem>>) src(%dma_wait3A_472 : memref<16x128xf32, #tpu.memory_space<vmem_shared>>) dst(%dma_wait3A_469 : memref<16x128xf32, #tpu.memory_space<hbm>>)
        tpu.yield
      }) : () -> ()
    } else {
    }
    return
  }
}

module attributes {stable_mosaic.version = 14 : i64} {
  func.func @_proj_body(%arg0: i32, %arg1: memref<2000x128xf32, #tpu.memory_space<vmem>>, %arg2: memref<128x128xf32, #tpu.memory_space<vmem>>, %arg3: memref<128x1xf32, #tpu.memory_space<vmem>>, %arg4: memref<128x1xf32, #tpu.memory_space<vmem>>, %arg5: memref<2000x128xf32, #tpu.memory_space<vmem>>, %arg6: memref<2000x2xf32, #tpu.memory_space<vmem>>, %arg7: memref<2000x1xi32, #tpu.memory_space<vmem>>) attributes {dimension_semantics = [#tpu.dimension_semantics<arbitrary>], iteration_bounds = array<i64: 5>, scalar_prefetch = 0 : i64, scratch_operands = 0 : i64, tpu.core_type = #tpu.core_type<tc>, window_params = [{transform_indices = @transform_0, window_bounds = array<i64: 2000, 128>}, {pipeline_mode = #tpu.pipeline_mode<synchronous>, transform_indices = @transform_1, window_bounds = array<i64: 128, 128>}, {pipeline_mode = #tpu.pipeline_mode<synchronous>, transform_indices = @transform_2, window_bounds = array<i64: 128, 1>}, {pipeline_mode = #tpu.pipeline_mode<synchronous>, transform_indices = @transform_3, window_bounds = array<i64: 128, 1>}, {transform_indices = @transform_4, window_bounds = array<i64: 2000, 128>}, {transform_indices = @transform_5, window_bounds = array<i64: 2000, 2>}, {transform_indices = @transform_6, window_bounds = array<i64: 2000, 1>}]} {
    %get3A = arith.constant 0 : index
    %get3A_0 = arith.constant 0 : index
    %get3A_1 = vector.load %arg1[%get3A, %get3A_0] : memref<2000x128xf32, #tpu.memory_space<vmem>>, vector<2000x128xf32>
    %get3A_2 = arith.constant 0 : index
    %get3A_3 = arith.constant 0 : index
    %get3A_4 = vector.load %arg2[%get3A_2, %get3A_3] : memref<128x128xf32, #tpu.memory_space<vmem>>, vector<128x128xf32>
    %dot_general3A = arith.constant dense<0.000000e+00> : vector<2000x128xf32>
    %dot_general3A_5 = tpu.matmul %get3A_1, %get3A_4, %dot_general3A {dimension_numbers = #tpu.dot_dimension_numbers<[1], [0], [0], [1], [0, 0, 1, 1], [], []>, transpose_lhs_hint = false} : vector<2000x128xf32>, vector<128x128xf32>, vector<2000x128xf32> -> vector<2000x128xf32>
    %swap3A = arith.constant 0 : index
    %swap3A_6 = arith.constant 0 : index
    %swap3A_7 = vector.load %arg5[%swap3A, %swap3A_6] : memref<2000x128xf32, #tpu.memory_space<vmem>>, vector<2000x128xf32>
    tpu.vector_store %arg5[%swap3A, %swap3A_6], %dot_general3A_5 {strides = array<i32>} : memref<2000x128xf32, #tpu.memory_space<vmem>>, vector<2000x128xf32>,
    %get3A_8 = arith.constant 0 : index
    %get3A_9 = arith.constant 0 : index
    %get3A_10 = vector.load %arg3[%get3A_8, %get3A_9] : memref<128x1xf32, #tpu.memory_space<vmem>>, vector<128x1xf32>
    %get3A_11 = arith.constant 0 : index
    %get3A_12 = arith.constant 0 : index
    %get3A_13 = vector.load %arg4[%get3A_11, %get3A_12] : memref<128x1xf32, #tpu.memory_space<vmem>>, vector<128x1xf32>
    %concatenate3A = tpu.concatenate %get3A_10, %get3A_13 in 1 : vector<128x1xf32>, vector<128x1xf32> -> vector<128x2xf32>
    %dot_general3A_14 = arith.constant dense<0.000000e+00> : vector<2000x2xf32>
    %dot_general3A_15 = tpu.matmul %dot_general3A_5, %concatenate3A, %dot_general3A_14 {dimension_numbers = #tpu.dot_dimension_numbers<[1], [0], [0], [1], [0, 0, 1, 1], [], []>, transpose_lhs_hint = false} : vector<2000x128xf32>, vector<128x2xf32>, vector<2000x2xf32> -> vector<2000x2xf32>
    %swap3A_16 = arith.constant 0 : index
    %swap3A_17 = arith.constant 0 : index
    %swap3A_18 = vector.load %arg6[%swap3A_16, %swap3A_17] : memref<2000x2xf32, #tpu.memory_space<vmem>>, vector<2000x2xf32>
    tpu.vector_store %arg6[%swap3A_16, %swap3A_17], %dot_general3A_15 {strides = array<i32>} : memref<2000x2xf32, #tpu.memory_space<vmem>>, vector<2000x2xf32>,
    %mul3A = arith.constant 2.048000e+03 : f32
    %mul3A_19 = vector.broadcast %mul3A : f32 to vector<2000x2xf32>
    %mul3A_20 = arith.mulf %dot_general3A_15, %mul3A_19 : vector<2000x2xf32>
    %round3A = math.roundeven %mul3A_20 : vector<2000x2xf32>
    %jit3A = arith.constant -3.276700e+04 : f32
    %jit3A_21 = arith.constant 3.276700e+04 : f32
    %max3A = vector.broadcast %jit3A : f32 to vector<2000x2xf32>
    %max3A_22 = arith.maximumf %max3A, %round3A : vector<2000x2xf32>
    %min3A = vector.broadcast %jit3A_21 : f32 to vector<2000x2xf32>
    %min3A_23 = arith.minimumf %min3A, %max3A_22 : vector<2000x2xf32>
    %convert_element_type3A = arith.fptosi %min3A_23 : vector<2000x2xf32> to vector<2000x2xi32>
    %slice3A = vector.extract_strided_slice %convert_element_type3A {offsets = [0, 0], sizes = [2000, 1], strides = [1, 1]} : vector<2000x2xi32> to vector<2000x1xi32>
    %shift_left3A = arith.constant 16 : i32
    %shift_left3A_24 = vector.broadcast %shift_left3A : i32 to vector<2000x1xi32>
    %shift_left3A_25 = arith.shli %slice3A, %shift_left3A_24 : vector<2000x1xi32>
    %slice3A_26 = vector.extract_strided_slice %convert_element_type3A {offsets = [0, 1], sizes = [2000, 1], strides = [1, 1]} : vector<2000x2xi32> to vector<2000x1xi32>
    %and3A = arith.constant 65535 : i32
    %and3A_27 = vector.broadcast %and3A : i32 to vector<2000x1xi32>
    %and3A_28 = arith.andi %slice3A_26, %and3A_27 : vector<2000x1xi32>
    %or3A = arith.ori %shift_left3A_25, %and3A_28 : vector<2000x1xi32>
    %swap3A_29 = arith.constant 0 : index
    %swap3A_30 = arith.constant 0 : index
    %swap3A_31 = vector.load %arg7[%swap3A_29, %swap3A_30] : memref<2000x1xi32, #tpu.memory_space<vmem>>, vector<2000x1xi32>
    tpu.vector_store %arg7[%swap3A_29, %swap3A_30], %or3A {strides = array<i32>} : memref<2000x1xi32, #tpu.memory_space<vmem>>, vector<2000x1xi32>,
    return
  }
  func.func @transform_0(%arg0: i32) -> (i32, i32) {
    %c0_i32 = arith.constant 0 : i32
    %c0_i32_0 = arith.constant 0 : i32
    return %arg0, %c0_i32 : i32, i32
  }
  func.func @transform_1(%arg0: i32) -> (i32, i32) {
    %c0_i32 = arith.constant 0 : i32
    %c0_i32_0 = arith.constant 0 : i32
    %c0_i32_1 = arith.constant 0 : i32
    return %c0_i32, %c0_i32_0 : i32, i32
  }
  func.func @transform_2(%arg0: i32) -> (i32, i32) {
    %c0_i32 = arith.constant 0 : i32
    %c0_i32_0 = arith.constant 0 : i32
    %c0_i32_1 = arith.constant 0 : i32
    return %c0_i32, %c0_i32_0 : i32, i32
  }
  func.func @transform_3(%arg0: i32) -> (i32, i32) {
    %c0_i32 = arith.constant 0 : i32
    %c0_i32_0 = arith.constant 0 : i32
    %c0_i32_1 = arith.constant 0 : i32
    return %c0_i32, %c0_i32_0 : i32, i32
  }
  func.func @transform_4(%arg0: i32) -> (i32, i32) {
    %c0_i32 = arith.constant 0 : i32
    %c0_i32_0 = arith.constant 0 : i32
    return %arg0, %c0_i32 : i32, i32
  }
  func.func @transform_5(%arg0: i32) -> (i32, i32) {
    %c0_i32 = arith.constant 0 : i32
    %c0_i32_0 = arith.constant 0 : i32
    return %arg0, %c0_i32 : i32, i32
  }
  func.func @transform_6(%arg0: i32) -> (i32, i32) {
    %c0_i32 = arith.constant 0 : i32
    %c0_i32_0 = arith.constant 0 : i32
    return %arg0, %c0_i32 : i32, i32
  }
}

module attributes {stable_mosaic.version = 14 : i64} {
  func.func @_combine_body(%arg0: i32, %arg1: memref<2000x128xf32, #tpu.memory_space<vmem>>, %arg2: memref<2000x128xf32, #tpu.memory_space<vmem>>, %arg3: memref<2000x128xf32, #tpu.memory_space<vmem>>, %arg4: memref<2000x1xf32, #tpu.memory_space<vmem>>, %arg5: memref<2000x2xf32, #tpu.memory_space<vmem>>, %arg6: memref<1x128xf32, #tpu.memory_space<vmem>>, %arg7: memref<2000x128xf32, #tpu.memory_space<vmem>>) attributes {dimension_semantics = [#tpu.dimension_semantics<arbitrary>], iteration_bounds = array<i64: 5>, scalar_prefetch = 0 : i64, scratch_operands = 0 : i64, tpu.core_type = #tpu.core_type<tc>, window_params = [{transform_indices = @transform_0, window_bounds = array<i64: 2000, 128>}, {transform_indices = @transform_1, window_bounds = array<i64: 2000, 128>}, {transform_indices = @transform_2, window_bounds = array<i64: 2000, 128>}, {transform_indices = @transform_3, window_bounds = array<i64: 2000, 1>}, {transform_indices = @transform_4, window_bounds = array<i64: 2000, 2>}, {pipeline_mode = #tpu.pipeline_mode<synchronous>, transform_indices = @transform_5, window_bounds = array<i64: 1, 128>}, {transform_indices = @transform_6, window_bounds = array<i64: 2000, 128>}]} {
    %get3A = arith.constant 0 : index
    %get3A_0 = arith.constant 0 : index
    %get3A_1 = vector.load %arg5[%get3A, %get3A_0] : memref<2000x2xf32, #tpu.memory_space<vmem>>, vector<2000x1xf32>
    %get3A_2 = vector.shape_cast %get3A_1 : vector<2000x1xf32> to vector<2000xf32>
    %get3A_3 = arith.constant 0 : index
    %get3A_4 = arith.constant 1 : index
    %get3A_5 = vector.load %arg5[%get3A_3, %get3A_4] : memref<2000x2xf32, #tpu.memory_space<vmem>>, vector<2000x1xf32>
    %get3A_6 = vector.shape_cast %get3A_5 : vector<2000x1xf32> to vector<2000xf32>
    %add3A = arith.addf %get3A_2, %get3A_6 : vector<2000xf32>
    %mul3A = arith.constant 2.000000e-01 : f32
    %mul3A_7 = vector.broadcast %mul3A : f32 to vector<2000xf32>
    %mul3A_8 = arith.mulf %mul3A_7, %add3A : vector<2000xf32>
    %max3A = arith.maximumf %add3A, %mul3A_8 : vector<2000xf32>
    %exp3A = math.exp %max3A : vector<2000xf32>
    %get3A_9 = arith.constant 0 : index
    %get3A_10 = arith.constant 0 : index
    %get3A_11 = vector.load %arg4[%get3A_9, %get3A_10] : memref<2000x1xf32, #tpu.memory_space<vmem>>, vector<2000x1xf32>
    %get3A_12 = vector.shape_cast %get3A_11 : vector<2000x1xf32> to vector<2000xf32>
    %add3A_13 = arith.addf %get3A_12, %exp3A : vector<2000xf32>
    %add3A_14 = arith.constant 1.000000e-16 : f32
    %add3A_15 = vector.broadcast %add3A_14 : f32 to vector<2000xf32>
    %add3A_16 = arith.addf %add3A_13, %add3A_15 : vector<2000xf32>
    %get3A_17 = arith.constant 0 : index
    %get3A_18 = arith.constant 0 : index
    %get3A_19 = vector.load %arg1[%get3A_17, %get3A_18] : memref<2000x128xf32, #tpu.memory_space<vmem>>, vector<2000x128xf32>
    %get3A_20 = arith.constant 0 : index
    %get3A_21 = arith.constant 0 : index
    %get3A_22 = vector.load %arg2[%get3A_20, %get3A_21] : memref<2000x128xf32, #tpu.memory_space<vmem>>, vector<2000x128xf32>
    %add3A_23 = arith.addf %get3A_19, %get3A_22 : vector<2000x128xf32>
    %get3A_24 = arith.constant 0 : index
    %get3A_25 = arith.constant 0 : index
    %get3A_26 = vector.load %arg3[%get3A_24, %get3A_25] : memref<2000x128xf32, #tpu.memory_space<vmem>>, vector<2000x128xf32>
    %broadcast_in_dim3A = vector.shape_cast %exp3A : vector<2000xf32> to vector<2000x1xf32>
    %mul3A_27 = vector.broadcast %broadcast_in_dim3A : vector<2000x1xf32> to vector<2000x128xf32>
    %mul3A_28 = arith.mulf %get3A_26, %mul3A_27 : vector<2000x128xf32>
    %add3A_29 = arith.addf %add3A_23, %mul3A_28 : vector<2000x128xf32>
    %broadcast_in_dim3A_30 = vector.shape_cast %add3A_16 : vector<2000xf32> to vector<2000x1xf32>
    %div3A = vector.broadcast %broadcast_in_dim3A_30 : vector<2000x1xf32> to vector<2000x128xf32>
    %div3A_31 = arith.divf %add3A_29, %div3A : vector<2000x128xf32>
    %get3A_32 = arith.constant 0 : index
    %get3A_33 = arith.constant 0 : index
    %get3A_34 = vector.load %arg6[%get3A_32, %get3A_33] : memref<1x128xf32, #tpu.memory_space<vmem>>, vector<1x128xf32>
    %add3A_35 = vector.broadcast %get3A_34 : vector<1x128xf32> to vector<2000x128xf32>
    %add3A_36 = arith.addf %div3A_31, %add3A_35 : vector<2000x128xf32>
    %swap3A = arith.constant 0 : index
    %swap3A_37 = arith.constant 0 : index
    %swap3A_38 = vector.load %arg7[%swap3A, %swap3A_37] : memref<2000x128xf32, #tpu.memory_space<vmem>>, vector<2000x128xf32>
    tpu.vector_store %arg7[%swap3A, %swap3A_37], %add3A_36 {strides = array<i32>} : memref<2000x128xf32, #tpu.memory_space<vmem>>, vector<2000x128xf32>,
    return
  }
  func.func @transform_0(%arg0: i32) -> (i32, i32) {
    %c0_i32 = arith.constant 0 : i32
    %c0_i32_0 = arith.constant 0 : i32
    return %arg0, %c0_i32 : i32, i32
  }
  func.func @transform_1(%arg0: i32) -> (i32, i32) {
    %c0_i32 = arith.constant 0 : i32
    %c0_i32_0 = arith.constant 0 : i32
    return %arg0, %c0_i32 : i32, i32
  }
  func.func @transform_2(%arg0: i32) -> (i32, i32) {
    %c0_i32 = arith.constant 0 : i32
    %c0_i32_0 = arith.constant 0 : i32
    return %arg0, %c0_i32 : i32, i32
  }
  func.func @transform_3(%arg0: i32) -> (i32, i32) {
    %c0_i32 = arith.constant 0 : i32
    %c0_i32_0 = arith.constant 0 : i32
    return %arg0, %c0_i32 : i32, i32
  }
  func.func @transform_4(%arg0: i32) -> (i32, i32) {
    %c0_i32 = arith.constant 0 : i32
    %c0_i32_0 = arith.constant 0 : i32
    return %arg0, %c0_i32 : i32, i32
  }
  func.func @transform_5(%arg0: i32) -> (i32, i32) {
    %c0_i32 = arith.constant 0 : i32
    %c0_i32_0 = arith.constant 0 : i32
    %c0_i32_1 = arith.constant 0 : i32
    return %c0_i32, %c0_i32_0 : i32, i32
  }
  func.func @transform_6(%arg0: i32) -> (i32, i32) {
    %c0_i32 = arith.constant 0 : i32
    %c0_i32_0 = arith.constant 0 : i32
    return %arg0, %c0_i32 : i32, i32
  }
}

</mosaic_0001>

<sc_bundles>
// kernel: kernel.5.cloned.1.call-start
scs
__scs_entry_jumppad:
0x0: {  	(pc) =	sbr.rel $0x88, $3  }
0x1: {  	(tag) =	ssettag $0x0;
	lr =	simm.s32 $0x1  }
0x2: {  	[smem:$0x3F9B] =	sst lr;
	_ =	strace $0xD0000000  }
0x3: {  	_ = 	snop  }
0x4: {  	_ = 	snop  }
0x5: {  	_ = 	snop  }
0x6: {  	_ = 	snop  }
0x7: {  	_ = 	snop  }
__scs_overlays_trampoline_lowered:
0x8: {  	[smem:$0x3FAA] =	sst s0  }
0x9: {  	[smem:$0x3FAB] =	sst s1  }
0xa: {  	[smem:$0x3FAC] =	sst s2  }
0xb: {  	[smem:$0x3FAD] =	sst s3  }
0xc: {  	[smem:$0x3FAE] =	sst s4  }
0xd: {  	[smem:$0x3FAF] =	sst s5  }
0xe: {  	[smem:$0x3FB0] =	sst s6  }
0xf: {  	[smem:$0x3FB1] =	sst s7  }
0x10: {  	[smem:$0x3FB2] =	sst s8  }
0x11: {  	[smem:$0x3FB3] =	sst s9;
	s0 =	simm.s32 @!p0 $0x0  }
0x12: {  	s1 =	sld [smem:$0x3F99];
	s0 =	simm.s32 @p0 $0x1  }
0x13: {  	[smem:$0x3FB4] =	sst s0;
	s0 =	simm.s32 @!p1 $0x0  }
0x14: {  	s2 =	sld [smem:$0x3F98];
	s0 =	simm.s32 @p1 $0x1  }
0x15: {  	[smem:$0x3FB5] =	sst s0;
	s0 =	simm.s32 @!p2 $0x0  }
0x16: {  	s3 =	sld [smem:$0x3FDB];
	s0 =	simm.s32 @p2 $0x1  }
0x17: {  	s4 =	simm.s32 $0x1BF5;
	[smem:$0x3FB7] =	sst s0  }
0x18: {  	s0 =	sld [smem:$0x3F9A];
	_ =	swait.ge [sflag:s4], $0x0  }
0x19: {  	s7 =	sld [smem:$0x3F9B]  }
0x1a: {  	s8 =	sadd.s32 $0xFFFFE003, lr  }
0x1b: {  	s9 =	sadd.s32 $0xFFFFFEF7, lr;
	s5 =	simm.s32 $0xFFFFFFFF;
	p2 =	slt.u32 s8, $0xFFFFF086  }
0x1c: {  	p1 =	slt.u32 s9, $0xF7A;
	s5 =	simm.s32 @!p2 $0x0  }
0x1d: {  	s5 =	simm.s32 @p1 $0x1;
	p0 =	seq.s32 s7, s2  }
0x1e: {  	s7 =	smul.u32 @!p0 $0xF7A, s2;
	p2 =	seq.s32 @!p0 s5, $0x0  }
0x1f: {  	s9 =	smul.u32 $0xF7A, s1;
	s8 =	simm.s32 @!p0 $0x1BF5;
	p2 =	por !p2, p0  }
0x20: {  	[sflag:s8] =	ssyncset.s32 @!p0 $0xFFFFF086;
	s6 =	sadd.s32 @!p0 s3, s7;
	s7 =	simm.s32 @!p0 $0x108  }
0x21: {  	s3 =	sadd.s32 s3, s9;
	s6 =	sadd.s32 @!p0 $0x88, s6;
	s7 =	simm.s32 @p2 $0x1082  }
0x22: {  	[simem:s7], [sflag:s8] =	dma.local @!p0 [hbm:s6], $0xF7A  }
0x23: {  	s9 =	sor.u32 $0xD0000000, s2;
	s6 =	simm.s32 $0x108;
	_ =	swait.ge @!p0 [sflag:s8], $0x0  }
0x24: {  	s3 =	sadd.s32 $0x88, s3;
	s6 =	simm.s32 @!p1 $0x1082;
	[sflag:s4] =	ssyncset.s32 $0xFFFFF086  }
0x25: {  	[simem:s6], [sflag:s4] =	dma.local [hbm:s3], $0xF7A  }
0x26: {  	[smem:$0x3F9B] =	sst s1;
	(tag) =	ssettag s2;
	_ =	strace s9  }
0x27: {  	s1 =	sld [smem:$0x3FAB]  }
0x28: {  	s2 =	sld [smem:$0x3FAC]  }
0x29: {  	s4 =	sld [smem:$0x3FAE]  }
0x2a: {  	p0 =	seq.s32 s5, $0x0;
	s5 =	sld [smem:$0x3FAF]  }
0x2b: {  	s6 =	sld [smem:$0x3FB0]  }
0x2c: {  	s7 =	sld [smem:$0x3FB1]  }
0x2d: {  	s3 =	simm.s32 $0x108;
	s8 =	sld [smem:$0x3FB2]  }
0x2e: {  	s3 =	simm.s32 @!p0 $0x1082;
	s9 =	sld [smem:$0x3FB3]  }
0x2f: {  	lr =	sadd.s32 s0, s3;
	s0 =	sld [smem:$0x3FAA]  }
0x30: {  	s3 =	sld [smem:$0x3FAD]  }
0x31: {  	[smem:$0x3FB6] =	sst s10  }
0x32: {  	s10 =	sld [smem:$0x3FB4];
	_ =	sdelay $0x3  }
0x33: {  	p0 =	seq.s32 s10, $0x1;
	s10 =	sld [smem:$0x3FB6];
	_ =	sdelay $0x3  }
0x34: {  	[smem:$0x3FB6] =	sst s10  }
0x35: {  	s10 =	sld [smem:$0x3FB5];
	_ =	sdelay $0x3  }
0x36: {  	p1 =	seq.s32 s10, $0x1;
	s10 =	sld [smem:$0x3FB6];
	_ =	sdelay $0x3  }
0x37: {  	[smem:$0x3FB6] =	sst s10  }
0x38: {  	s10 =	sld [smem:$0x3FB7]  }
0x39: {  	_ = 	snop;
	(pc) =	sbr.ind lr, $3  }
0x3a: {  	_ = 	snop  }
0x3b: {  	_ = 	snop  }
0x3c: {  	p2 =	seq.s32 s10, $0x1;
	s10 =	sld [smem:$0x3FB6]  }
0x3d: {  	_ =	shalt  }
0x3e: {  	_ =	shalt  }
0x3f: {  	_ =	shalt  }
0x40: {  	_ =	shalt  }
0x41: {  	_ =	shalt  }
0x42: {  	_ =	shalt  }
0x43: {  	_ =	shalt  }
0x44: {  	_ =	shalt  }
0x45: {  	_ =	shalt  }
0x46: {  	_ =	shalt  }
0x47: {  	_ =	shalt  }
0x48: {  	_ =	shalt  }
0x49: {  	_ =	shalt  }
0x4a: {  	_ =	shalt  }
0x4b: {  	_ =	shalt  }
0x4c: {  	_ =	shalt  }
0x4d: {  	_ =	shalt  }
0x4e: {  	_ =	shalt  }
0x4f: {  	_ =	shalt  }
0x50: {  	_ =	shalt  }
0x51: {  	_ =	shalt  }
0x52: {  	_ =	shalt  }
0x53: {  	_ =	shalt  }
0x54: {  	_ =	shalt  }
0x55: {  	_ =	shalt  }
0x56: {  	_ =	shalt  }
0x57: {  	_ =	shalt  }
0x58: {  	_ =	shalt  }
0x59: {  	_ =	shalt  }
0x5a: {  	_ =	shalt  }
0x5b: {  	_ =	shalt  }
0x5c: {  	_ =	shalt  }
0x5d: {  	_ =	shalt  }
0x5e: {  	_ =	shalt  }
0x5f: {  	_ =	shalt  }
0x60: {  	_ =	shalt  }
0x61: {  	_ =	shalt  }
0x62: {  	_ =	shalt  }
0x63: {  	_ =	shalt  }
0x64: {  	_ =	shalt  }
0x65: {  	_ =	shalt  }
0x66: {  	_ =	shalt  }
0x67: {  	_ =	shalt  }
0x68: {  	_ =	shalt  }
0x69: {  	_ =	shalt  }
0x6a: {  	_ =	shalt  }
0x6b: {  	_ =	shalt  }
0x6c: {  	_ =	shalt  }
0x6d: {  	_ =	shalt  }
0x6e: {  	_ =	shalt  }
0x6f: {  	_ =	shalt  }
0x70: {  	_ =	shalt  }
0x71: {  	_ =	shalt  }
0x72: {  	_ =	shalt  }
0x73: {  	_ =	shalt  }
0x74: {  	_ =	shalt  }
0x75: {  	_ =	shalt  }
0x76: {  	_ =	shalt  }
0x77: {  	_ =	shalt  }
0x78: {  	_ =	shalt  }
0x79: {  	_ =	shalt  }
0x7a: {  	_ =	shalt  }
0x7b: {  	_ =	shalt  }
0x7c: {  	_ =	shalt  }
0x7d: {  	_ =	shalt  }
0x7e: {  	_ =	shalt  }
0x7f: {  	_ =	shalt  }
0x80: {  	_ =	shalt  }
0x81: {  	_ =	shalt  }
0x82: {  	_ =	shalt  }
0x83: {  	_ =	shalt  }
0x84: {  	_ =	shalt  }
0x85: {  	_ =	shalt  }
0x86: {  	_ =	shalt  }
0x87: {  	_ =	shalt  }
.Lfunc_end0:
.L_simem_size_0:
called_computation_lowered:
.L_overlay_start_0:
0x88: {  	s2 =	sld [smem:$0x3FD9]  }
0x89: {  	s3 =	sld [smem:$0x3FFE];
	_ =	sdelay $0x1  }
0x8a: {  	s1 =	srdreg.scid  }
0x8b: {  	s0 =	sand.u32 $0x1, s1  }
0x8c: {  	s17 =	sshll.u32 s0, $0xA;
	s2 =	sadd.s32 s3, s2  }
0x8d: {  	s2 =	sadd.s32 s2, s17  }
0x8e: {  	[smem:$0x3FC2] =	sst s2  }
0x8f: {  	_ = 	snop  }
0x90: {  	s2 =	sld [smem:$0x3FD0];
	(tm) =	ssettm $0x1  }
0x91: {  	s18 =	sld [smem:$0x3FFB];
	_ =	sdelay $0x3  }
0x92: {  	_ =	strace s18  }
0x93: {  	s3 =	sld [smem:$0x3FFC];
	_ =	sdelay $0x3  }
0x94: {  	_ =	strace s3  }
0x95: {  	s3 =	sld [smem:$0x3FFD];
	_ =	sdelay $0x3  }
0x96: {  	_ =	strace s3  }
0x97: {  	_ =	strace $0x8FFFFFFF  }
0x98: {  	s19 =	sld [smem:$0x3FDB];
	_ =	sdelay $0x1  }
0x99: {  	s4 =	simm.s32 $_scs_section_size  }
0x9a: {  	s5 =	simm.s32 $_size__tile_overlayer_lowered;
	s6 =	simm.s32 $_tile_overlayer_lowered  }
0x9b: {  	s22 =	simm.s32 $0x1BFF;
	s21 =	sshll.u32 s6, $0x1;
	s3 =	sadd.s32 s4, s19  }
0x9c: {  	s7 =	simm.s32 $0x0;
	s20 =	sshll.u32 s5, $0x1;
	s5 =	sadd.s32 s21, s3  }
0x9d: {  	[timem:s7], [sflag:s22] =	dma.local [hbm:s5], s20  }
0x9e: {  	_ =	swait.ge [sflag:s22], s20  }
0x9f: {  	s4 =	ssub.s32 $0x0, s20;
	[sflag:s22] =	ssyncset.done $0x0  }
0xa0: {  	[sflag:s22] =	ssyncadd.s32 s4;
	_ =	sdelay $0x1  }
0xa1: {  	s23 =	simm.s32 $0x1B8B  }
0xa2: {  	_ =	swait.ge [sflag:s23], $0x1  }
0xa3: {  	[sflag:s23] =	ssyncset.done $0x0  }
0xa4: {  	s25 =	simm.s32 $0x1B8E;
	s24 =	sld [smem:$0x3FFE];
	[sflag:s23] =	ssyncadd.s32 $0xFFFFFFFF  }
0xa5: {  	s26 =	simm.s32 $execute0_lowered;
	[smem:$0x3FD2] =	sst s25  }
0xa6: {  	s5 =	sshll.u32 s26, $0x1;
	_ =	strace $0x80000046;
	[dreg:$0x1] =	wrdreg $0xFFFFFFFF  }
0xa7: {  	s28 =	simm.s32 $_size_execute0_lowered;
	s3 =	sadd.s32 s3, s5;
	[dreg:$0x0] =	wrdreg $0x0  }
0xa8: {  	s5 =	sshll.u32 s28, $0x1;
	[dreg:$0x2] =	wrdreg s3  }
0xa9: {  	[dreg:$0x3] =	wrdreg s5  }
0xaa: {  	[dreg:$0x4] =	wrdreg $0xC0  }
0xab: {  	_ =	task [dreg:s7], $0x5FFFF  }
0xac: {  	[dreg:$0x1] =	wrdreg $0xFFFFFFFF  }
0xad: {  	[dreg:$0x0] =	wrdreg $0x60  }
0xae: {  	[dreg:$0x2] =	wrdreg s2  }
0xaf: {  	[dreg:$0x3] =	wrdreg s24  }
0xb0: {  	[dreg:$0x4] =	wrdreg $0xA2800  }
0xb1: {  	[dreg:$0x5] =	wrdreg $0x9  }
0xb2: {  	_ =	task.clear_ibuf [dreg:s7], $0x6FFFF;
	_ =	strace $0x90000046  }
0xb3: {  	s29 =	simm.s32 $0x9;
	_ =	strace $0x80000048  }
0xb4: {  	_ =	swait.ge [sflag:s29], $0x1  }
0xb5: {  	[sflag:s29] =	ssyncadd.s32 $0xFFFFFFFF  }
0xb6: {  	_ =	strace $0x90000048  }
0xb7: {  	_ =	sfence  }
0xb8: {  	s30 =	sld [smem:$0x0];
	_ =	sdelay $0x2  }
0xb9: {  	s31 =	sshll.u32 s1, $0xD;
	s1 =	sshrl.u32 s1, $0x2  }
0xba: {  	s3 =	sand.u32 $0x4000, s31;
	s1 =	sadd.s32 s1, s30  }
0xbb: {  	s0 =	sor.u32 s3, s0;
	s1 =	sshll.u32 s1, $0x11  }
0xbc: {  	s0 =	sor.u32 s1, s0  }
0xbd: {  	s0 =	sadd.s32 $0x8F2B, s0  }
0xbe: {  	[sflag:s0] =	ssyncadd.remote.s32 $0x1  }
0xbf: {  	_ =	sfence.sel $0xFFFF  }
0xc0: {  	[dreg:$0x0] =	wrdreg $0xFFFFFFFF;
	(pc) =	sbr.abs _section_cstart, $3  }
0xc1: {  	[dreg:$0x1] =	wrdreg $0xFFFFFFFF  }
0xc2: {  	_ =	task.clear_ibuf [dreg:s7], $0x2FFFF;
	_ =	strace $0x9FFFFFFF  }
0xc3: {  	(tm) =	ssettm $0x7FFFFFFF  }
tec
execute0_lowered:
.L_overlay_start_1:
0x0: {  	(tag) =	ssettag $0x1  }
0x1: {  	s0 =	rddreg [dreg:$0x0]  }
0x2: {  	s1 =	srdreg.scid;
	s3 =	rddreg [dreg:$0x1]  }
0x3: {  	s2 =	rddreg [dreg:$0x2];
	s4 =	stileid.u32  }
0x4: {  	s7 =	simm.s32 $0x0;
	s29 =	simm.s32 $0x5280;
	s30 =	simm.s32 $0x1  }
0x5: {  	s31 =	simm.s32 $0x100;
	s1 =	sand.u32 $0x1, s1;
	[smem:$0x7FF] =	sst s7  }
0x6: {  	s8 =	sshll.u32 s4, $0x7;
	s9 =	smul.u32 $0x4E000, s4;
	s10 =	sadd.s32 $0x3C200, s3  }
0x7: {  	s12 =	sadd.s32 $0x3C800, s3;
	s23 =	smul.u32 $0x13800, s4;
	p0 =	sne.s32 s4, $0x0  }
0x8: {  	s5 =	sshll.u32 s1, $0x4;
	_ =	strace $0x80000047;
	s9 =	sshrl.u32 s9, $0x2  }
0x9: {  	s8 =	sand.u32 $0x380, s8;
	[dreg:$0x4] =	wrdreg s10;
	s14 =	sadd.s32 s9, s2  }
0xa: {  	s13 =	ssub.s32 $0x2, s1;
	s16 =	sadd.s32 $0x2800, s14;
	[dreg:$0x5] =	wrdreg s14  }
0xb: {  	s1 =	smul.u32 $0x138800, s1;
	s17 =	sadd.s32 $0x5000, s14;
	[dreg:$0x6] =	wrdreg s16  }
0xc: {  	s10 =	simm.s32 $0x2A80;
	s18 =	sadd.s32 $0x7800, s14;
	[dreg:$0x7] =	wrdreg s17  }
0xd: {  	s6 =	sor.u32 s4, s5;
	s19 =	sadd.s32 $0xA000, s14;
	[dreg:$0x8] =	wrdreg s18  }
0xe: {  	s15 =	sshrl.u32 s13, $0x1;
	s20 =	sadd.s32 $0xC800, s14;
	[dreg:$0x9] =	wrdreg s19  }
0xf: {  	s5 =	sshrl.u32 s6, $0x3;
	s21 =	sadd.s32 $0xF000, s14;
	[dreg:$0xa] =	wrdreg s20  }
0x10: {  	s11 =	smul.u32 $0x13C00, s5;
	s22 =	sadd.s32 $0x11800, s14;
	[dreg:$0xb] =	wrdreg s21  }
0x11: {  	s5 =	sadd.s32 $0x1600, s3;
	[dreg:$0xc] =	wrdreg s22;
	s17 =	sadd.s32 $0x138000, s2  }
0x12: {  	s18 =	simm.s32 $0x9;
	s19 =	simm.s32 $0x2;
	s20 =	simm.s32 $0x50  }
0x13: {  	s21 =	simm.s32 $0x200;
	s22 =	simm.s32 $0x5;
	s7 =	sor.u32 s8, s11  }
0x14: {  	s8 =	smul.u32 $0x2710, s6;
	s6 =	sadd.s32 s23, s1;
	s1 =	sshrl.u32 s1, $0x3  }
0x15: {  	s23 =	simm.s32 $0x3;
	[dreg:$0xd] =	wrdreg s17;
	s7 =	sshrl.u32 s7, $0x3  }
0x16: {  	s6 =	sshrl.u32 s6, $0x3;
	s1 =	sadd.s32 s12, s1;
	s3 =	sadd.s32 s7, s3  }
0x17: {  	s7 =	ssub.s32 s13, s15;
	s16 =	sadd.s32 $0x4E200, s8;
	s24 =	sshrl.u32 s8, $0x3  }
0x18: {  	s6 =	sadd.s32 s12, s6;
	s1 =	sadd.s32 $0x27000, s1;
	s12 =	simm.s32 $0x7A80  }
0x19: {  	s15 =	simm.s32 $0x5200;
	s13 =	simm.s32 $0x0;
	[dreg:$0x11] =	wrdreg s6  }
0x1a: {  	s11 =	sshrl.u32 s16, $0x3;
	s9 =	sadd.s32 s5, s24;
	[dreg:$0x14] =	wrdreg s1  }
0x1b: {  	s3 =	sadd.s32 $0x8AA00, s3;
	s28 =	smax.u32 s7, $0x1;
	[dreg:$0xe] =	wrdreg s9  }
0x1c: {  	s1 =	simm.s32 $0x80;
	s6 =	simm.s32 $0x28;
	[dreg:$0x13] =	wrdreg s3  }
0x1d: {  	s24 =	simm.s32 $0x4;
	s11 =	sadd.s32 s5, s11;
	[dreg:$0x15] =	wrdreg s28  }
0x1e: {  	s25 =	sadd.s32 $0xA, s9;
	s26 =	sadd.s32 $0x9C4A, s9;
	[dreg:$0xf] =	wrdreg s11  }
0x1f: {  	s3 =	simm.s32 $0x7;
	s9 =	simm.s32 $0x6680;
	[dreg:$0x10] =	wrdreg s25  }
0x20: {  	v0 =	vimm.f32 $0.0e+00;
	[dreg:$0x12] =	wrdreg s26;
	s26 =	simm.s32 $0x300;
	s11 =	simm.s32 $0x8  }
.LBB2_1:
0x21: {  	[dreg:$0x16] =	wrdreg s13  }
0x22: {  	s4 =	simm.s32 $0x0;
	s7 =	rddreg [dreg:$0x4]  }
0x23: {  	[tilespmem:s26], [sflag:$0x9] =	stream.linear.gather [hbm4b:s7+s4], $0x2780, $0x38;
	[tilespmem:$0x1DB00] =	vst v63  }
0x24: {  	_ =	swait.ge [sflag:s18], $0x2780  }
0x25: {  	[sflag:s18] =	ssyncset.done $0x0  }
0x26: {  	s7 =	simm.s32 $0x2AC0;
	[sflag:s18] =	ssyncadd.s32 $0xFFFFD880  }
0x27: {  	[tilespmem:s7+$0xFFFFFFC0] =	vst v0  }
0x28: {  	[tilespmem:s7+$0x30] =	vst v0  }
0x29: {  	[tilespmem:s7+$0x20] =	vst v0  }
0x2a: {  	[tilespmem:s7+$0x10] =	vst v0  }
0x2b: {  	[tilespmem:s7+$0x0] =	vst v0  }
0x2c: {  	[tilespmem:s7+$0xFFFFFFF0] =	vst v0  }
0x2d: {  	s13 =	simm.s32 $0x0;
	[tilespmem:s7+$0xFFFFFFE0] =	vst v0  }
.LBB2_2:
0x2e: {  	s13 =	sadd.s32 $0x8, s13;
	[tilespmem:s7+$0xFFFFFFD0] =	vst v0;
	s7 =	sadd.s32 $0x80, s7  }
0x2f: {  	[tilespmem:s7+$0xFFFFFFC0] =	vst v0;
	p1 =	slt.u32 s13, $0x268  }
0x30: {  	[tilespmem:s7+$0x30] =	vst v0  }
.Ltmp0:
0x31: {  	[tilespmem:s7+$0x20] =	vst v0;
	(pc) =	sbr.rel @p1 .LBB2_2-.Ltmp0, $4  }
0x32: {  	[tilespmem:s7+$0x10] =	vst v0  }
0x33: {  	[tilespmem:s7+$0x0] =	vst v0  }
0x34: {  	[tilespmem:s7+$0xFFFFFFF0] =	vst v0  }
0x35: {  	[tilespmem:s7+$0xFFFFFFE0] =	vst v0  }
0x36: {  	[tilespmem:s7+$0xFFFFFFD0] =	vst v0  }
0x37: {  	s7 =	simm.s32 $0x5380;
	[tilespmem:$0x5180] =	vst v0  }
0x38: {  	[tilespmem:s7+$0xFFFFFF00] =	vst v0  }
0x39: {  	[tilespmem:s7+$0xF0] =	vst v0  }
0x3a: {  	[tilespmem:s7+$0xE0] =	vst v0  }
0x3b: {  	[tilespmem:s7+$0xD0] =	vst v0  }
0x3c: {  	[tilespmem:s7+$0xC0] =	vst v0  }
0x3d: {  	[tilespmem:s7+$0xB0] =	vst v0  }
0x3e: {  	[tilespmem:s7+$0xA0] =	vst v0  }
0x3f: {  	[tilespmem:s7+$0x90] =	vst v0  }
0x40: {  	[tilespmem:s7+$0x80] =	vst v0  }
0x41: {  	[tilespmem:s7+$0x70] =	vst v0  }
0x42: {  	[tilespmem:s7+$0x60] =	vst v0  }
0x43: {  	[tilespmem:s7+$0x50] =	vst v0  }
0x44: {  	[tilespmem:s7+$0x40] =	vst v0  }
0x45: {  	[tilespmem:s7+$0x30] =	vst v0  }
0x46: {  	[tilespmem:s7+$0x20] =	vst v0  }
0x47: {  	[tilespmem:s7+$0x10] =	vst v0  }
0x48: {  	[tilespmem:s7+$0x0] =	vst v0  }
0x49: {  	[tilespmem:s7+$0xFFFFFFF0] =	vst v0  }
0x4a: {  	[tilespmem:s7+$0xFFFFFFE0] =	vst v0  }
0x4b: {  	[tilespmem:s7+$0xFFFFFFD0] =	vst v0  }
0x4c: {  	[tilespmem:s7+$0xFFFFFFC0] =	vst v0  }
0x4d: {  	[tilespmem:s7+$0xFFFFFFB0] =	vst v0  }
0x4e: {  	[tilespmem:s7+$0xFFFFFFA0] =	vst v0  }
0x4f: {  	[tilespmem:s7+$0xFFFFFF90] =	vst v0  }
0x50: {  	[tilespmem:s7+$0xFFFFFF80] =	vst v0  }
0x51: {  	[tilespmem:s7+$0xFFFFFF70] =	vst v0  }
0x52: {  	[tilespmem:s7+$0xFFFFFF60] =	vst v0  }
0x53: {  	[tilespmem:s7+$0xFFFFFF50] =	vst v0  }
0x54: {  	[tilespmem:s7+$0xFFFFFF40] =	vst v0  }
0x55: {  	[tilespmem:s7+$0xFFFFFF30] =	vst v0  }
0x56: {  	s13 =	simm.s32 $0x0;
	[tilespmem:s7+$0xFFFFFF20] =	vst v0  }
.LBB2_4:
0x57: {  	s13 =	sadd.s32 $0x4, s13;
	[tilespmem:s7+$0xFFFFFF10] =	vst v0;
	s7 =	sadd.s32 $0x200, s7  }
0x58: {  	[tilespmem:s7+$0xFFFFFF00] =	vst v0;
	p1 =	slt.u32 s13, $0x4C  }
0x59: {  	[tilespmem:s7+$0xF0] =	vst v0  }
0x5a: {  	[tilespmem:s7+$0xE0] =	vst v0  }
0x5b: {  	[tilespmem:s7+$0xD0] =	vst v0  }
0x5c: {  	[tilespmem:s7+$0xC0] =	vst v0  }
0x5d: {  	[tilespmem:s7+$0xB0] =	vst v0  }
0x5e: {  	[tilespmem:s7+$0xA0] =	vst v0  }
0x5f: {  	[tilespmem:s7+$0x90] =	vst v0  }
0x60: {  	[tilespmem:s7+$0x80] =	vst v0  }
0x61: {  	[tilespmem:s7+$0x70] =	vst v0  }
0x62: {  	[tilespmem:s7+$0x60] =	vst v0  }
0x63: {  	[tilespmem:s7+$0x50] =	vst v0  }
0x64: {  	[tilespmem:s7+$0x40] =	vst v0  }
0x65: {  	[tilespmem:s7+$0x30] =	vst v0  }
0x66: {  	[tilespmem:s7+$0x20] =	vst v0  }
0x67: {  	[tilespmem:s7+$0x10] =	vst v0  }
0x68: {  	[tilespmem:s7+$0x0] =	vst v0  }
0x69: {  	[tilespmem:s7+$0xFFFFFFF0] =	vst v0  }
0x6a: {  	[tilespmem:s7+$0xFFFFFFE0] =	vst v0  }
0x6b: {  	[tilespmem:s7+$0xFFFFFFD0] =	vst v0  }
0x6c: {  	[tilespmem:s7+$0xFFFFFFC0] =	vst v0  }
0x6d: {  	[tilespmem:s7+$0xFFFFFFB0] =	vst v0  }
0x6e: {  	[tilespmem:s7+$0xFFFFFFA0] =	vst v0  }
0x6f: {  	[tilespmem:s7+$0xFFFFFF90] =	vst v0  }
0x70: {  	[tilespmem:s7+$0xFFFFFF80] =	vst v0  }
0x71: {  	[tilespmem:s7+$0xFFFFFF70] =	vst v0  }
.Ltmp1:
0x72: {  	[tilespmem:s7+$0xFFFFFF60] =	vst v0;
	(pc) =	sbr.rel @p1 .LBB2_4-.Ltmp1, $4  }
0x73: {  	[tilespmem:s7+$0xFFFFFF50] =	vst v0  }
0x74: {  	[tilespmem:s7+$0xFFFFFF40] =	vst v0  }
0x75: {  	[tilespmem:s7+$0xFFFFFF30] =	vst v0  }
0x76: {  	[tilespmem:s7+$0xFFFFFF20] =	vst v0  }
0x77: {  	[tilespmem:s7+$0xFFFFFF10] =	vst v0  }
0x78: {  	[spmem:s14] =	stream.linear.scatter [tilespmem:s29], [sflag:$0x1], $0x2800, $0x38;
	[tilespmem:$0x1DB00] =	vst v63  }
0x79: {  	s4 =	rddreg [dreg:$0x6]  }
0x7a: {  	[spmem:s4] =	stream.linear.scatter [tilespmem:s29], [sflag:$0x1], $0x2800, $0x38;
	[tilespmem:$0x1DB00] =	vst v63  }
0x7b: {  	s13 =	rddreg [dreg:$0x7]  }
0x7c: {  	[spmem:s13] =	stream.linear.scatter [tilespmem:s29], [sflag:$0x1], $0x2800, $0x38;
	[tilespmem:$0x1DB00] =	vst v63  }
0x7d: {  	s14 =	rddreg [dreg:$0x8]  }
0x7e: {  	[spmem:s14] =	stream.linear.scatter [tilespmem:s29], [sflag:$0x1], $0x2800, $0x38;
	[tilespmem:$0x1DB00] =	vst v63  }
0x7f: {  	s18 =	rddreg [dreg:$0x9]  }
0x80: {  	[spmem:s18] =	stream.linear.scatter [tilespmem:s29], [sflag:$0x1], $0x2800, $0x38;
	[tilespmem:$0x1DB00] =	vst v63  }
0x81: {  	s25 =	rddreg [dreg:$0xa]  }
0x82: {  	[spmem:s25] =	stream.linear.scatter [tilespmem:s29], [sflag:$0x1], $0x2800, $0x38;
	[tilespmem:$0x1DB00] =	vst v63  }
0x83: {  	s28 =	rddreg [dreg:$0xb]  }
0x84: {  	[spmem:s28] =	stream.linear.scatter [tilespmem:s29], [sflag:$0x1], $0x2800, $0x38;
	[tilespmem:$0x1DB00] =	vst v63  }
0x85: {  	s7 =	rddreg [dreg:$0xc]  }
0x86: {  	[spmem:s7] =	stream.linear.scatter [tilespmem:s29], [sflag:$0x1], $0x2000, $0x38;
	[tilespmem:$0x1DB00] =	vst v63  }
0x87: {  	_ =	swait.ge [sflag:s30], $0x2800  }
0x88: {  	[sflag:s30] =	ssyncset.done $0x0  }
0x89: {  	[sflag:s30] =	ssyncadd.s32 $0xFFFFD800  }
0x8a: {  	_ =	swait.ge [sflag:s30], $0x2800  }
0x8b: {  	[sflag:s30] =	ssyncset.done $0x0  }
0x8c: {  	[sflag:s30] =	ssyncadd.s32 $0xFFFFD800  }
0x8d: {  	_ =	swait.ge [sflag:s30], $0x2800  }
0x8e: {  	[sflag:s30] =	ssyncset.done $0x0  }
0x8f: {  	[sflag:s30] =	ssyncadd.s32 $0xFFFFD800  }
0x90: {  	_ =	swait.ge [sflag:s30], $0x2800  }
0x91: {  	[sflag:s30] =	ssyncset.done $0x0  }
0x92: {  	[sflag:s30] =	ssyncadd.s32 $0xFFFFD800  }
0x93: {  	_ =	swait.ge [sflag:s30], $0x2800  }
0x94: {  	[sflag:s30] =	ssyncset.done $0x0  }
0x95: {  	[sflag:s30] =	ssyncadd.s32 $0xFFFFD800  }
0x96: {  	_ =	swait.ge [sflag:s30], $0x2800  }
0x97: {  	[sflag:s30] =	ssyncset.done $0x0  }
0x98: {  	[sflag:s30] =	ssyncadd.s32 $0xFFFFD800  }
0x99: {  	_ =	swait.ge [sflag:s30], $0x2800  }
0x9a: {  	[sflag:s30] =	ssyncset.done $0x0  }
0x9b: {  	[sflag:s30] =	ssyncadd.s32 $0xFFFFD800  }
0x9c: {  	_ =	swait.ge [sflag:s30], $0x2000  }
0x9d: {  	[sflag:s30] =	ssyncset.done $0x0  }
0x9e: {  	s7 =	simm.s32 @!p0 $0x5280;
	[sflag:s30] =	ssyncadd.s32 $0xFFFFE000  }
0x9f: {  	[spmem:s17] =	stream.linear.scatter @!p0 [tilespmem:s7], [sflag:$0x9], $0x800, $0x38;
	[tilespmem:$0x1DB00] =	vst v63  }
0xa0: {  	s7 =	simm.s32 @!p0 $0x9  }
0xa1: {  	_ =	swait.ge @!p0 [sflag:s7], $0x800  }
0xa2: {  	[sflag:s7] =	ssyncset.done @!p0 $0x0  }
0xa3: {  	[sflag:s7] =	ssyncadd.s32 @!p0 $0xFFFFF800  }
0xa4: {  	[bflag:$0x0] =	sbarrier.arrive $0xFFFF  }
0xa5: {  	s17 =	simm.s32 $0x0;
	s13 =	rddreg [dreg:$0xe]  }
0xa6: {  	[tilespmem:s17], [sflag:$0x7] =	stream.linear.gather [hbm4b:s13+s17], $0x50, $0x38;
	[tilespmem:$0x1DB00] =	vst v63  }
0xa7: {  	s14 =	rddreg [dreg:$0xf]  }
0xa8: {  	[tilespmem:s31], [sflag:$0x7] =	stream.linear.gather [hbm4b:s14+s17], $0x50, $0x38;
	[tilespmem:$0x1DB00] =	vst v63  }
0xa9: {  	s18 =	rddreg [dreg:$0x10]  }
0xaa: {  	[tilespmem:s1], [sflag:$0x8] =	stream.linear.gather [hbm4b:s18+s17], $0x50, $0x38;
	[tilespmem:$0x1DB00] =	vst v63  }
0xab: {  	s28 =	simm.s32 $0x180;
	s25 =	rddreg [dreg:$0x12]  }
0xac: {  	[tilespmem:s28], [sflag:$0x8] =	stream.linear.gather [hbm4b:s25+s17], $0x50, $0x38;
	[tilespmem:$0x1DB00] =	vst v63  }
0xad: {  	_ =	swait.ge [sflag:s3], $0x50  }
0xae: {  	[sflag:s3] =	ssyncset.done $0x0  }
0xaf: {  	[sflag:s3] =	ssyncadd.s32 $0xFFFFFFB0  }
0xb0: {  	_ =	swait.ge [sflag:s3], $0x50  }
0xb1: {  	[sflag:s3] =	ssyncset.done $0x0  }
0xb2: {  	[sflag:s3] =	ssyncadd.s32 $0xFFFFFFB0  }
0xb3: {  	[tilespmem:s29], [sflag:$0x1] =	stream.indirect.gather [hbm4b:s0+s6], $0x80, s17, s6, $0xb8;
	[tilespmem:$0x1DB00] =	vst v63  }
0xb4: {  	s7 =	simm.s32 $0x0  }
0xb5: {  	[tilespmem:s9], [sflag:$0x2] =	stream.indirect.gather [hbm4b:s0+s6], $0x80, s6, s6, $0xb8;
	[tilespmem:$0x1DB00] =	vst v63  }
.LBB2_6:
0xb6: {  	v1 =	vld [tilespmem:$0x100]  }
0xb7: {  	v2 =	vld [tilespmem:$0x0];
	_ =	sdelay $0x6  }
0xb8: {  	v3 =	vld.idx.msk [tilespmem:v1+s26+$0x0], $0xffff  }
0xb9: {  	v2 =	vld.idx.msk [tilespmem:v2+s26+$0x0], $0xffff;
	_ =	sdelay $0x3  }
0xba: {  	v3 =	vshll.u32 v3, $0x10  }
0xbb: {  	v2 =	vshra.s32 v2, $0x10;
	v3 =	vshra.s32 v3, $0x10  }
0xbc: {  	v2 =	vcvt.s32.f32 v2;
	v3 =	vcvt.s32.f32 v3;
	_ =	sdelay $0x1  }
0xbd: {  	v2 =	vmul.f32 $4.882812500e-04, v2;
	v3 =	vmul.f32 $4.882812500e-04, v3;
	_ =	sdelay $0x1  }
0xbe: {  	v2 =	vadd.f32 v3, v2;
	_ =	sdelay $0x1  }
0xbf: {  	v3 =	vmul.f32 $2.000000030e-01, v2;
	_ =	sdelay $0x1  }
0xc0: {  	v2 =	vmax.f32 v2, v3  }
0xc1: {  	v2 =	vmul.f32 $1.442695020e+00, v2;
	_ =	sdelay $0x1  }
0xc2: {  	(erf) = vpow2.f32 v2;
	_ =	sdelay $0x8  }
0xc3: {  	v2 =	vpop (erf)  }
0xc4: {  	[tilespmem:$0x5200] =	vst v2  }
0xc5: {  	[tilespmem:v1+s10+$0x0] =	vst.idx.add.f32.msk $0xffff, v2  }
0xc6: {  	v1 =	vld [tilespmem:$0x110]  }
0xc7: {  	v2 =	vld [tilespmem:$0x10];
	_ =	sdelay $0x6  }
0xc8: {  	v3 =	vld.idx.msk [tilespmem:v1+s26+$0x0], $0xffff  }
0xc9: {  	v2 =	vld.idx.msk [tilespmem:v2+s26+$0x0], $0xffff;
	_ =	sdelay $0x3  }
0xca: {  	v3 =	vshll.u32 v3, $0x10  }
0xcb: {  	v2 =	vshra.s32 v2, $0x10;
	v3 =	vshra.s32 v3, $0x10  }
0xcc: {  	v2 =	vcvt.s32.f32 v2;
	v3 =	vcvt.s32.f32 v3;
	_ =	sdelay $0x1  }
0xcd: {  	v2 =	vmul.f32 $4.882812500e-04, v2;
	v3 =	vmul.f32 $4.882812500e-04, v3;
	_ =	sdelay $0x1  }
0xce: {  	v2 =	vadd.f32 v3, v2;
	_ =	sdelay $0x1  }
0xcf: {  	v3 =	vmul.f32 $2.000000030e-01, v2;
	_ =	sdelay $0x1  }
0xd0: {  	v2 =	vmax.f32 v2, v3  }
0xd1: {  	v2 =	vmul.f32 $1.442695020e+00, v2;
	_ =	sdelay $0x1  }
0xd2: {  	(erf) = vpow2.f32 v2;
	_ =	sdelay $0x8  }
0xd3: {  	v2 =	vpop (erf)  }
0xd4: {  	[tilespmem:$0x5210] =	vst v2  }
0xd5: {  	[tilespmem:v1+s10+$0x0] =	vst.idx.add.f32.msk $0xffff, v2  }
0xd6: {  	v1 =	vld [tilespmem:$0x120]  }
0xd7: {  	v2 =	vld [tilespmem:$0x20];
	_ =	sdelay $0x6  }
0xd8: {  	v3 =	vld.idx.msk [tilespmem:v1+s26+$0x0], $0xffff  }
0xd9: {  	v2 =	vld.idx.msk [tilespmem:v2+s26+$0x0], $0xffff;
	_ =	sdelay $0x3  }
0xda: {  	v3 =	vshll.u32 v3, $0x10  }
0xdb: {  	v2 =	vshra.s32 v2, $0x10;
	v3 =	vshra.s32 v3, $0x10  }
0xdc: {  	v2 =	vcvt.s32.f32 v2;
	v3 =	vcvt.s32.f32 v3;
	_ =	sdelay $0x1  }
0xdd: {  	v2 =	vmul.f32 $4.882812500e-04, v2;
	v3 =	vmul.f32 $4.882812500e-04, v3;
	_ =	sdelay $0x1  }
0xde: {  	v2 =	vadd.f32 v3, v2;
	_ =	sdelay $0x1  }
0xdf: {  	v3 =	vmul.f32 $2.000000030e-01, v2;
	_ =	sdelay $0x1  }
0xe0: {  	v2 =	vmax.f32 v2, v3  }
0xe1: {  	v2 =	vmul.f32 $1.442695020e+00, v2;
	_ =	sdelay $0x1  }
0xe2: {  	(erf) = vpow2.f32 v2;
	_ =	sdelay $0x8  }
0xe3: {  	v2 =	vpop (erf)  }
0xe4: {  	[tilespmem:$0x5220] =	vst v2  }
0xe5: {  	[tilespmem:v1+s10+$0x0] =	vst.idx.add.f32.msk $0xffff, v2  }
0xe6: {  	v1 =	vld [tilespmem:$0x130]  }
0xe7: {  	v2 =	vld [tilespmem:$0x30];
	_ =	sdelay $0x6  }
0xe8: {  	v3 =	vld.idx.msk [tilespmem:v1+s26+$0x0], $0xffff  }
0xe9: {  	v2 =	vld.idx.msk [tilespmem:v2+s26+$0x0], $0xffff;
	_ =	sdelay $0x3  }
0xea: {  	v3 =	vshll.u32 v3, $0x10  }
0xeb: {  	v2 =	vshra.s32 v2, $0x10;
	v3 =	vshra.s32 v3, $0x10  }
0xec: {  	v2 =	vcvt.s32.f32 v2;
	v3 =	vcvt.s32.f32 v3;
	_ =	sdelay $0x1  }
0xed: {  	v2 =	vmul.f32 $4.882812500e-04, v2;
	v3 =	vmul.f32 $4.882812500e-04, v3;
	_ =	sdelay $0x1  }
0xee: {  	v2 =	vadd.f32 v3, v2;
	_ =	sdelay $0x1  }
0xef: {  	v3 =	vmul.f32 $2.000000030e-01, v2;
	_ =	sdelay $0x1  }
0xf0: {  	v2 =	vmax.f32 v2, v3  }
0xf1: {  	v2 =	vmul.f32 $1.442695020e+00, v2;
	_ =	sdelay $0x1  }
0xf2: {  	(erf) = vpow2.f32 v2;
	_ =	sdelay $0x8  }
0xf3: {  	v2 =	vpop (erf)  }
0xf4: {  	[tilespmem:$0x5230] =	vst v2  }
0xf5: {  	[tilespmem:v1+s10+$0x0] =	vst.idx.add.f32.msk $0xffff, v2  }
0xf6: {  	v1 =	vld [tilespmem:$0x140]  }
0xf7: {  	v2 =	vld [tilespmem:$0x40];
	_ =	sdelay $0x6  }
0xf8: {  	v3 =	vld.idx.msk [tilespmem:v1+s26+$0x0], $0xffff  }
0xf9: {  	v2 =	vld.idx.msk [tilespmem:v2+s26+$0x0], $0xffff;
	_ =	sdelay $0x3  }
0xfa: {  	v3 =	vshll.u32 v3, $0x10  }
0xfb: {  	v2 =	vshra.s32 v2, $0x10;
	v3 =	vshra.s32 v3, $0x10  }
0xfc: {  	v2 =	vcvt.s32.f32 v2;
	v3 =	vcvt.s32.f32 v3;
	_ =	sdelay $0x1  }
0xfd: {  	v2 =	vmul.f32 $4.882812500e-04, v2;
	v3 =	vmul.f32 $4.882812500e-04, v3;
	_ =	sdelay $0x1  }
0xfe: {  	v2 =	vadd.f32 v3, v2;
	_ =	sdelay $0x1  }
0xff: {  	v3 =	vmul.f32 $2.000000030e-01, v2;
	_ =	sdelay $0x1  }
0x100: {  	v2 =	vmax.f32 v2, v3  }
0x101: {  	v2 =	vmul.f32 $1.442695020e+00, v2;
	_ =	sdelay $0x1  }
0x102: {  	(erf) = vpow2.f32 v2;
	_ =	sdelay $0x8  }
0x103: {  	v2 =	vpop (erf)  }
0x104: {  	[tilespmem:$0x5240] =	vst v2  }
0x105: {  	[tilespmem:v1+s10+$0x0] =	vst.idx.add.f32.msk $0xffff, v2  }
0x106: {  	v1 =	vld [tilespmem:$0x100]  }
0x107: {  	v2 =	vld [tilespmem:$0x110]  }
0x108: {  	v3 =	vld [tilespmem:$0x120]  }
0x109: {  	v4 =	vld [tilespmem:$0x130]  }
0x10a: {  	v5 =	vld [tilespmem:$0x140]  }
0x10b: {  	[tilespmem:$0x200] =	vst v1  }
0x10c: {  	[tilespmem:$0x210] =	vst v2  }
0x10d: {  	[tilespmem:$0x220] =	vst v3  }
0x10e: {  	p1 =	seq.s32 s7, $0x0;
	[tilespmem:$0x230] =	vst v4  }
0x10f: {  	s13 =	simm.s32 @!p1 $0x6;
	[tilespmem:$0x240] =	vst v5  }
0x110: {  	_ =	swait.ge @!p1 [sflag:s13], $0x2800  }
0x111: {  	[sflag:s13] =	ssyncset.done @!p1 $0x0  }
0x112: {  	[sflag:s13] =	ssyncadd.s32 @!p1 $0xFFFFD800  }
0x113: {  	_ =	swait.ge [sflag:s11], $0x50  }
0x114: {  	[sflag:s11] =	ssyncset.done $0x0  }
0x115: {  	s28 =	smul.u32 $0xA0, s7;
	[sflag:s11] =	ssyncadd.s32 $0xFFFFFFB0  }
0x116: {  	_ =	swait.ge [sflag:s11], $0x50  }
0x117: {  	s25 =	sadd.s32 $0xA0, s28;
	[sflag:s11] =	ssyncset.done $0x0  }
0x118: {  	s4 =	simm.s32 $0xA8;
	s14 =	sadd.s32 s8, s25;
	[sflag:s11] =	ssyncadd.s32 $0xFFFFFFB0  }
0x119: {  	[tilespmem:s12], [sflag:$0x3] =	stream.indirect.gather [hbm4b:s0+s6], $0x80, s1, s6, $0xb8;
	[tilespmem:$0x1DB00] =	vst v63  }
0x11a: {  	s18 =	simm.s32 $0x8E80;
	s14 =	sshrl.u32 s14, $0x3;
	s13 =	sadd.s32 s16, s25  }
0x11b: {  	v1 =	vmov s17;
	[tilespmem:s18], [sflag:$0x4] =	stream.indirect.gather [hbm4b:s0+s6], $0x80, s4, s6, $0xb8;
	[tilespmem:$0x1DB00] =	vst v63  }
0x11c: {  	s14 =	sadd.s32 s5, s14;
	v1 =	vand.u32 $0xFFFFFFFC, v1;
	s13 =	sshrl.u32 s13, $0x3  }
0x11d: {  	v1 =	vbroadcast v1, $0x0;
	[tilespmem:s17], [sflag:$0x7] =	stream.linear.gather [hbm4b:s14+s17], $0x50, $0x38;
	[tilespmem:$0x1DB00] =	vst v63  }
0x11e: {  	s13 =	sadd.s32 s5, s13;
	s4 =	simm.s32 $0x2  }
0x11f: {  	[tilespmem:s31], [sflag:$0x7] =	stream.linear.gather [hbm4b:s13+s17], $0x50, $0x38;
	[tilespmem:$0x1DB00] =	vst v63  }
0x120: {  	v2 =	vmov s4;
	_ =	swait.ge [sflag:s30], $0x1400  }
0x121: {  	v2 =	vand.u32 $0xFFFFFFFE, v2;
	[sflag:s30] =	ssyncset.done $0x0  }
0x122: {  	v2 =	vbroadcast v2, $0x0;
	[sflag:s30] =	ssyncadd.s32 $0xFFFFEC00  }
0x123: {  	s18 =	simm.s32 $0x5380;
	v1 =	vld.idx.msk [tilespmem:v1+s15+$0x0], $0xffff  }
0x124: {  	v4 =	vld [tilespmem:s18+$0x70]  }
0x125: {  	s14 =	simm.s32 $0x1;
	v5 =	vld [tilespmem:s18+$0xFFFFFF00]  }
0x126: {  	v3 =	vmov s14;
	v6 =	vld [tilespmem:s18+$0xFFFFFF10]  }
0x127: {  	v3 =	vand.u32 $0xFFFFFFFD, v3;
	v7 =	vld [tilespmem:s18+$0xFFFFFF20]  }
0x128: {  	v3 =	vbroadcast v3, $0x0;
	v2 =	vld.idx.msk [tilespmem:v2+s15+$0x0], $0xffff  }
0x129: {  	v8 =	vld [tilespmem:s18+$0xFFFFFF30]  }
0x12a: {  	v9 =	vld [tilespmem:s18+$0xFFFFFF40]  }
0x12b: {  	v10 =	vld [tilespmem:s18+$0xFFFFFF50]  }
0x12c: {  	v11 =	vld [tilespmem:s18+$0xFFFFFF60];
	v5 =	vmul.f32 v5, v1  }
0x12d: {  	v13 =	vld [tilespmem:s18+$0x40];
	v4 =	vmul.f32 v4, v2  }
0x12e: {  	v3 =	vld.idx.msk [tilespmem:v3+s15+$0x0], $0xffff;
	[tilespmem:s18+$0xFFFFFF00] =	vst v5;
	v5 =	vmul.f32 v6, v1  }
0x12f: {  	v6 =	vld [tilespmem:s18+$0xFFFFFF70];
	[tilespmem:s18+$0x70] =	vst v4;
	v4 =	vmul.f32 v7, v1  }
0x130: {  	v7 =	vld [tilespmem:s18+$0xFFFFFF80];
	[tilespmem:s18+$0xFFFFFF10] =	vst v5;
	v5 =	vmul.f32 v8, v1  }
0x131: {  	v8 =	vld [tilespmem:s18+$0xFFFFFF90];
	[tilespmem:s18+$0xFFFFFF20] =	vst v4;
	v4 =	vmul.f32 v9, v1  }
0x132: {  	v9 =	vld [tilespmem:s18+$0xFFFFFFA0];
	[tilespmem:s18+$0xFFFFFF30] =	vst v5;
	v5 =	vmul.f32 v10, v1  }
0x133: {  	v10 =	vld [tilespmem:s18+$0xFFFFFFB0];
	[tilespmem:s18+$0xFFFFFF40] =	vst v4;
	v4 =	vmul.f32 v11, v1  }
0x134: {  	v11 =	vld [tilespmem:s18+$0xFFFFFFC0];
	v6 =	vmul.f32 v6, v1;
	[tilespmem:s18+$0xFFFFFF50] =	vst v5  }
0x135: {  	v5 =	vmul.f32 v7, v3;
	v7 =	vld [tilespmem:s18+$0xFFFFFFD0];
	[tilespmem:s18+$0xFFFFFF60] =	vst v4  }
0x136: {  	s25 =	simm.s32 $0x3;
	v4 =	vld [tilespmem:s18+$0xFFFFFFE0];
	v8 =	vmul.f32 v8, v3;
	[tilespmem:s18+$0xFFFFFF70] =	vst v6  }
0x137: {  	v12 =	vmov s25;
	v6 =	vld [tilespmem:s18+$0xFFFFFFF0];
	[tilespmem:s18+$0xFFFFFF80] =	vst v5;
	v5 =	vmul.f32 v9, v3  }
0x138: {  	v9 =	vld [tilespmem:s18+$0x0];
	[tilespmem:s18+$0xFFFFFF90] =	vst v8;
	v8 =	vmul.f32 v10, v3  }
0x139: {  	v10 =	vld [tilespmem:s18+$0x10];
	[tilespmem:s18+$0xFFFFFFA0] =	vst v5;
	v5 =	vmul.f32 v11, v3  }
0x13a: {  	[tilespmem:s18+$0xFFFFFFB0] =	vst v8;
	v7 =	vmul.f32 v7, v3;
	v8 =	vld [tilespmem:s18+$0x20]  }
0x13b: {  	v11 =	vld [tilespmem:s18+$0x30];
	[tilespmem:s18+$0xFFFFFFC0] =	vst v5;
	v4 =	vmul.f32 v4, v3  }
0x13c: {  	v1 =	vld.idx.msk [tilespmem:v12+s15+$0x0], $0xffff;
	v3 =	vmul.f32 v6, v3;
	[tilespmem:s18+$0xFFFFFFD0] =	vst v7  }
0x13d: {  	v5 =	vmul.f32 v9, v2;
	[tilespmem:s18+$0xFFFFFFE0] =	vst v4;
	v4 =	vld [tilespmem:s18+$0x50]  }
0x13e: {  	s4 =	simm.s32 $0x4;
	[tilespmem:s18+$0xFFFFFFF0] =	vst v3;
	v6 =	vmul.f32 v10, v2;
	v3 =	vld [tilespmem:s18+$0x60]  }
0x13f: {  	s14 =	simm.s32 $0x7;
	v7 =	vmov s4;
	[tilespmem:s18+$0x0] =	vst v5;
	v9 =	vmul.f32 v8, v2;
	v8 =	vld [tilespmem:s18+$0x80]  }
0x140: {  	s25 =	simm.s32 $0x5;
	v12 =	vand.u32 $0xFFFFFFFC, v7;
	v7 =	vld [tilespmem:s18+$0x90];
	v5 =	vmov s14;
	v10 =	vmul.f32 v11, v2;
	[tilespmem:s18+$0x10] =	vst v6  }
0x141: {  	s13 =	simm.s32 $0x5380;
	s14 =	simm.s32 $0x8;
	v11 =	vmul.f32 v13, v2;
	v6 =	vbroadcast v12, $0x0;
	v12 =	vmov s25;
	s25 =	simm.s32 $0x6;
	[tilespmem:s18+$0x20] =	vst v9;
	v9 =	vld [tilespmem:s18+$0xA0]  }
.LBB2_7:
0x142: {  	p1 =	slt.u32 s14, $0x24;
	v12 =	vand.u32 $0xFFFFFFFD, v12;
	v13 =	vmov s25;
	[tilespmem:s18+$0x30] =	vst v10;
	v4 =	vmul.f32 v4, v2;
	v10 =	vld [tilespmem:s18+$0xB0]  }
0x143: {  	v12 =	vbroadcast v12, $0x0;
	v13 =	vand.u32 $0xFFFFFFFE, v13;
	[tilespmem:s18+$0x40] =	vst v11;
	v2 =	vmul.f32 v3, v2;
	v3 =	vld [tilespmem:s18+$0xC0]  }
0x144: {  	v11 =	vbroadcast v13, $0x0;
	[tilespmem:s18+$0x50] =	vst v4;
	v4 =	vmul.f32 v8, v1;
	v8 =	vld [tilespmem:s18+$0xD0]  }
0x145: {  	[tilespmem:s18+$0x60] =	vst v2;
	v2 =	vmul.f32 v7, v1;
	v7 =	vld [tilespmem:s18+$0xE0]  }
0x146: {  	[tilespmem:s18+$0x80] =	vst v4;
	v4 =	vmul.f32 v9, v1;
	v9 =	vld [tilespmem:s18+$0xF0]  }
0x147: {  	v5 =	vld.idx.msk [tilespmem:v5+s15+$0x0], $0xffff;
	[tilespmem:s18+$0x90] =	vst v2;
	v2 =	vmul.f32 v10, v1  }
0x148: {  	v6 =	vld.idx.msk [tilespmem:v6+s15+$0x0], $0xffff;
	[tilespmem:s18+$0xA0] =	vst v4;
	v3 =	vmul.f32 v3, v1  }
0x149: {  	v4 =	vld.idx.msk [tilespmem:v12+s15+$0x0], $0xffff;
	[tilespmem:s18+$0xB0] =	vst v2;
	v8 =	vmul.f32 v8, v1  }
0x14a: {  	s18 =	sadd.s32 $0x200, s18;
	v2 =	vld.idx.msk [tilespmem:v11+s15+$0x0], $0xffff;
	[tilespmem:s13+$0xC0] =	vst v3;
	v3 =	vmul.f32 v7, v1  }
0x14b: {  	v7 =	vld [tilespmem:s18+$0x70];
	[tilespmem:s13+$0xD0] =	vst v8;
	v9 =	vmul.f32 v9, v1  }
0x14c: {  	v8 =	vld [tilespmem:s18+$0xFFFFFF00];
	[tilespmem:s13+$0xE0] =	vst v3  }
0x14d: {  	v1 =	vmov v5;
	v3 =	vld [tilespmem:s18+$0xFFFFFF10];
	[tilespmem:s13+$0xF0] =	vst v9;
	s13 =	smov.u32 s18  }
0x14e: {  	v5 =	vld [tilespmem:s18+$0xFFFFFF20]  }
0x14f: {  	v9 =	vld [tilespmem:s18+$0xFFFFFF30]  }
0x150: {  	v10 =	vld [tilespmem:s18+$0xFFFFFF40];
	v7 =	vmul.f32 v7, v2  }
0x151: {  	v8 =	vmul.f32 v8, v6;
	v11 =	vld [tilespmem:s18+$0xFFFFFF50]  }
0x152: {  	v3 =	vmul.f32 v3, v6;
	v12 =	vld [tilespmem:s18+$0xFFFFFF60];
	[tilespmem:s18+$0x70] =	vst v7  }
0x153: {  	[tilespmem:s18+$0xFFFFFF00] =	vst v8;
	v5 =	vmul.f32 v5, v6;
	v7 =	vld [tilespmem:s18+$0xFFFFFF70]  }
0x154: {  	[tilespmem:s18+$0xFFFFFF10] =	vst v3;
	v3 =	vmul.f32 v9, v6;
	v8 =	vld [tilespmem:s18+$0xFFFFFF80]  }
0x155: {  	[tilespmem:s18+$0xFFFFFF20] =	vst v5;
	v5 =	vmul.f32 v10, v6;
	v9 =	vld [tilespmem:s18+$0xFFFFFF90]  }
0x156: {  	[tilespmem:s18+$0xFFFFFF30] =	vst v3;
	v3 =	vmul.f32 v11, v6;
	v10 =	vld [tilespmem:s18+$0xFFFFFFA0]  }
0x157: {  	[tilespmem:s18+$0xFFFFFF40] =	vst v5;
	v5 =	vmul.f32 v12, v6;
	v11 =	vld [tilespmem:s18+$0xFFFFFFB0]  }
0x158: {  	[tilespmem:s18+$0xFFFFFF50] =	vst v3;
	v3 =	vmul.f32 v7, v6;
	v6 =	vld [tilespmem:s18+$0xFFFFFFC0]  }
0x159: {  	[tilespmem:s18+$0xFFFFFF60] =	vst v5;
	v5 =	vmul.f32 v8, v4;
	v7 =	vld [tilespmem:s18+$0xFFFFFFD0]  }
0x15a: {  	[tilespmem:s18+$0xFFFFFF70] =	vst v3;
	v3 =	vmul.f32 v9, v4;
	v8 =	vld [tilespmem:s18+$0xFFFFFFE0]  }
0x15b: {  	[tilespmem:s18+$0xFFFFFF80] =	vst v5;
	v5 =	vmul.f32 v10, v4;
	v9 =	vld [tilespmem:s18+$0xFFFFFFF0]  }
0x15c: {  	[tilespmem:s18+$0xFFFFFF90] =	vst v3;
	v3 =	vmul.f32 v11, v4;
	v10 =	vld [tilespmem:s18+$0x0]  }
0x15d: {  	[tilespmem:s18+$0xFFFFFFA0] =	vst v5;
	v5 =	vmul.f32 v6, v4;
	v6 =	vld [tilespmem:s18+$0x10]  }
0x15e: {  	[tilespmem:s18+$0xFFFFFFB0] =	vst v3;
	v3 =	vmul.f32 v7, v4;
	v7 =	vld [tilespmem:s18+$0x20]  }
0x15f: {  	[tilespmem:s18+$0xFFFFFFC0] =	vst v5;
	v5 =	vmul.f32 v8, v4;
	v11 =	vld [tilespmem:s18+$0x30]  }
0x160: {  	[tilespmem:s18+$0xFFFFFFD0] =	vst v3;
	v3 =	vmul.f32 v9, v4;
	v9 =	vld [tilespmem:s18+$0x40]  }
.Ltmp2:
0x161: {  	[tilespmem:s18+$0xFFFFFFE0] =	vst v5;
	v5 =	vmul.f32 v10, v2;
	v4 =	vld [tilespmem:s18+$0x50];
	(pc) =	sbr.rel @p1 .LBB2_7-.Ltmp2, $4  }
0x162: {  	[tilespmem:s18+$0xFFFFFFF0] =	vst v3;
	v6 =	vmul.f32 v6, v2;
	v3 =	vld [tilespmem:s18+$0x60]  }
0x163: {  	s25 =	sadd.s32 $0x3, s14;
	v10 =	vmov s14;
	[tilespmem:s18+$0x0] =	vst v5;
	v13 =	vmul.f32 v7, v2;
	v8 =	vld [tilespmem:s18+$0x80]  }
0x164: {  	s4 =	sadd.s32 $0x1, s14;
	v12 =	vand.u32 $0xFFFFFFFC, v10;
	v5 =	vmov s25;
	[tilespmem:s18+$0x10] =	vst v6;
	v10 =	vmul.f32 v11, v2;
	v7 =	vld [tilespmem:s18+$0x90]  }
0x165: {  	s25 =	sadd.s32 $0x2, s14;
	s14 =	sadd.s32 $0x4, s14;
	v6 =	vbroadcast v12, $0x0;
	v12 =	vmov s4;
	[tilespmem:s18+$0x20] =	vst v13;
	v11 =	vmul.f32 v9, v2;
	v9 =	vld [tilespmem:s18+$0xA0]  }
0x166: {  	v13 =	vld [tilespmem:s18+$0xB0]  }
0x167: {  	v15 =	vld [tilespmem:s18+$0xC0]  }
0x168: {  	v14 =	vmov s25;
	v16 =	vld [tilespmem:s18+$0xD0]  }
0x169: {  	v17 =	vld [tilespmem:s18+$0xE0];
	[tilespmem:s18+$0x30] =	vst v10;
	v4 =	vmul.f32 v4, v2;
	v14 =	vand.u32 $0xFFFFFFFE, v14  }
0x16a: {  	v12 =	vand.u32 $0xFFFFFFFD, v12;
	v5 =	vld.idx.msk [tilespmem:v5+s15+$0x0], $0xffff;
	[tilespmem:s18+$0x40] =	vst v11;
	v2 =	vmul.f32 v3, v2;
	v14 =	vbroadcast v14, $0x0  }
0x16b: {  	s14 =	sadd.s32 $0x200, s18;
	v12 =	vbroadcast v12, $0x0;
	v3 =	vld.idx.msk [tilespmem:v6+s15+$0x0], $0xffff;
	v8 =	vmul.f32 v8, v1;
	[tilespmem:s18+$0x50] =	vst v4  }
0x16c: {  	v10 =	vld [tilespmem:s14+$0xFFFFFF00];
	v4 =	vmul.f32 v7, v1;
	[tilespmem:s18+$0x60] =	vst v2  }
0x16d: {  	[tilespmem:s18+$0x80] =	vst v8;
	v8 =	vld [tilespmem:s18+$0xF0];
	v2 =	vmul.f32 v9, v1  }
0x16e: {  	v11 =	vld [tilespmem:s14+$0xFFFFFF10];
	[tilespmem:s18+$0x90] =	vst v4;
	v4 =	vmul.f32 v13, v1  }
0x16f: {  	v9 =	vld [tilespmem:s14+$0x70];
	[tilespmem:s18+$0xA0] =	vst v2;
	v2 =	vmul.f32 v15, v1  }
0x170: {  	[tilespmem:s18+$0xB0] =	vst v4;
	v4 =	vmul.f32 v16, v1;
	v7 =	vld.idx.msk [tilespmem:v14+s15+$0x0], $0xffff  }
0x171: {  	v6 =	vld.idx.msk [tilespmem:v12+s15+$0x0], $0xffff;
	[tilespmem:s13+$0xC0] =	vst v2;
	v2 =	vmul.f32 v17, v1  }
0x172: {  	v12 =	vld [tilespmem:s14+$0xFFFFFF20];
	[tilespmem:s13+$0xD0] =	vst v4;
	v1 =	vmul.f32 v8, v1  }
0x173: {  	v4 =	vld [tilespmem:s14+$0xFFFFFF30];
	[tilespmem:s13+$0xE0] =	vst v2  }
0x174: {  	v2 =	vld [tilespmem:s14+$0xFFFFFF40];
	[tilespmem:s13+$0xF0] =	vst v1;
	v1 =	vmul.f32 v10, v3  }
0x175: {  	v8 =	vmul.f32 v9, v7;
	v9 =	vld [tilespmem:s14+$0xFFFFFF50]  }
0x176: {  	v10 =	vmul.f32 v11, v3;
	v11 =	vld [tilespmem:s14+$0xFFFFFF60];
	[tilespmem:s14+$0xFFFFFF00] =	vst v1  }
0x177: {  	v1 =	vmul.f32 v12, v3;
	[tilespmem:s14+$0x70] =	vst v8;
	v8 =	vld [tilespmem:s14+$0xFFFFFF70]  }
0x178: {  	[tilespmem:s14+$0xFFFFFF10] =	vst v10;
	v10 =	vld [tilespmem:s14+$0xFFFFFF80];
	v4 =	vmul.f32 v4, v3  }
0x179: {  	[tilespmem:s14+$0xFFFFFF20] =	vst v1;
	v1 =	vmul.f32 v2, v3;
	v2 =	vld [tilespmem:s14+$0xFFFFFF90]  }
0x17a: {  	[tilespmem:s14+$0xFFFFFF30] =	vst v4;
	v4 =	vmul.f32 v9, v3;
	v9 =	vld [tilespmem:s14+$0xFFFFFFA0]  }
0x17b: {  	[tilespmem:s14+$0xFFFFFF40] =	vst v1;
	v1 =	vmul.f32 v11, v3;
	v11 =	vld [tilespmem:s14+$0xFFFFFFB0]  }
0x17c: {  	[tilespmem:s14+$0xFFFFFF50] =	vst v4;
	v3 =	vmul.f32 v8, v3;
	v4 =	vld [tilespmem:s14+$0xFFFFFFC0]  }
0x17d: {  	[tilespmem:s14+$0xFFFFFF60] =	vst v1;
	v1 =	vmul.f32 v10, v6;
	v8 =	vld [tilespmem:s14+$0xFFFFFFD0]  }
0x17e: {  	v2 =	vmul.f32 v2, v6;
	[tilespmem:s14+$0xFFFFFF70] =	vst v3;
	v3 =	vld [tilespmem:s14+$0xFFFFFFE0]  }
0x17f: {  	[tilespmem:s14+$0xFFFFFF80] =	vst v1;
	v1 =	vmul.f32 v9, v6;
	v9 =	vld [tilespmem:s14+$0xFFFFFFF0]  }
0x180: {  	v10 =	vld [tilespmem:s14+$0x0];
	[tilespmem:s14+$0xFFFFFF90] =	vst v2;
	v2 =	vmul.f32 v11, v6  }
0x181: {  	[tilespmem:s14+$0xFFFFFFA0] =	vst v1;
	v1 =	vmul.f32 v4, v6;
	v4 =	vld [tilespmem:s14+$0x10]  }
0x182: {  	[tilespmem:s14+$0xFFFFFFB0] =	vst v2;
	v2 =	vmul.f32 v8, v6;
	v8 =	vld [tilespmem:s14+$0x20]  }
0x183: {  	[tilespmem:s14+$0xFFFFFFC0] =	vst v1;
	v1 =	vmul.f32 v3, v6;
	v3 =	vld [tilespmem:s14+$0x30]  }
0x184: {  	[tilespmem:s14+$0xFFFFFFD0] =	vst v2;
	v2 =	vmul.f32 v9, v6;
	v6 =	vld [tilespmem:s14+$0x40]  }
0x185: {  	v9 =	vld [tilespmem:s14+$0x50];
	[tilespmem:s14+$0xFFFFFFE0] =	vst v1;
	v1 =	vmul.f32 v10, v7  }
0x186: {  	[tilespmem:s14+$0xFFFFFFF0] =	vst v2;
	v2 =	vmul.f32 v4, v7;
	v4 =	vld [tilespmem:s14+$0x60]  }
0x187: {  	[tilespmem:s14+$0x0] =	vst v1;
	v1 =	vmul.f32 v8, v7;
	v8 =	vld [tilespmem:s14+$0x80]  }
0x188: {  	[tilespmem:s14+$0x10] =	vst v2;
	v2 =	vmul.f32 v3, v7;
	v3 =	vld [tilespmem:s14+$0x90]  }
0x189: {  	[tilespmem:s14+$0x20] =	vst v1;
	v1 =	vmul.f32 v6, v7;
	v6 =	vld [tilespmem:s14+$0xA0]  }
0x18a: {  	[tilespmem:s14+$0x30] =	vst v2;
	v2 =	vmul.f32 v9, v7;
	v9 =	vld [tilespmem:s14+$0xB0]  }
0x18b: {  	[tilespmem:s14+$0x40] =	vst v1;
	v1 =	vmul.f32 v4, v7;
	v4 =	vld [tilespmem:s14+$0xC0]  }
0x18c: {  	v7 =	vld [tilespmem:s14+$0xD0];
	[tilespmem:s14+$0x50] =	vst v2;
	v2 =	vmul.f32 v8, v5  }
0x18d: {  	[tilespmem:s14+$0x60] =	vst v1;
	v1 =	vmul.f32 v3, v5;
	v3 =	vld [tilespmem:s14+$0xE0]  }
0x18e: {  	[tilespmem:s14+$0x80] =	vst v2;
	v2 =	vmul.f32 v6, v5;
	v6 =	vld [tilespmem:s14+$0xF0]  }
0x18f: {  	[tilespmem:s14+$0x90] =	vst v1;
	v1 =	vmul.f32 v9, v5  }
0x190: {  	s4 =	simm.s32 $0x28;
	[tilespmem:s14+$0xA0] =	vst v2;
	v2 =	vmul.f32 v4, v5  }
0x191: {  	v4 =	vmov s4;
	[tilespmem:s14+$0xB0] =	vst v1;
	v1 =	vmul.f32 v7, v5  }
0x192: {  	[tilespmem:s14+$0xC0] =	vst v2;
	v2 =	vmul.f32 v3, v5;
	v3 =	vand.u32 $0xFFFFFFFC, v4  }
0x193: {  	[tilespmem:s14+$0xD0] =	vst v1;
	v1 =	vmul.f32 v6, v5;
	v3 =	vbroadcast v3, $0x0  }
0x194: {  	[tilespmem:s14+$0xE0] =	vst v2  }
0x195: {  	s13 =	simm.s32 $0x2A;
	[tilespmem:s14+$0xF0] =	vst v1  }
0x196: {  	v4 =	vmov s13;
	_ =	swait.ge [sflag:s19], $0x1400  }
0x197: {  	v4 =	vand.u32 $0xFFFFFFFE, v4;
	[sflag:s19] =	ssyncset.done $0x0  }
0x198: {  	v2 =	vbroadcast v4, $0x0;
	[sflag:s19] =	ssyncadd.s32 $0xFFFFEC00  }
0x199: {  	s18 =	simm.s32 $0x6870;
	v1 =	vld.idx.msk [tilespmem:v3+s15+$0x0], $0xffff  }
0x19a: {  	v4 =	vld [tilespmem:s18+$0xFFFFFF80]  }
0x19b: {  	v5 =	vld [tilespmem:s18+$0xFFFFFE10]  }
0x19c: {  	s14 =	simm.s32 $0x29;
	v6 =	vld [tilespmem:s18+$0xFFFFFE20]  }
0x19d: {  	v3 =	vmov s14;
	v7 =	vld [tilespmem:s18+$0xFFFFFE30]  }
0x19e: {  	v2 =	vld.idx.msk [tilespmem:v2+s15+$0x0], $0xffff;
	v3 =	vand.u32 $0xFFFFFFFD, v3  }
0x19f: {  	v8 =	vld [tilespmem:s18+$0xFFFFFE40];
	v3 =	vbroadcast v3, $0x0  }
0x1a0: {  	v9 =	vld [tilespmem:s18+$0xFFFFFE50]  }
0x1a1: {  	v10 =	vld [tilespmem:s18+$0xFFFFFE60]  }
0x1a2: {  	v11 =	vld [tilespmem:s18+$0xFFFFFE70];
	v5 =	vmul.f32 v5, v1  }
0x1a3: {  	v13 =	vld [tilespmem:s18+$0xFFFFFF50];
	v4 =	vmul.f32 v4, v2  }
0x1a4: {  	[tilespmem:s18+$0xFFFFFE10] =	vst v5;
	v5 =	vmul.f32 v6, v1;
	v6 =	vld [tilespmem:s18+$0xFFFFFE80]  }
0x1a5: {  	v3 =	vld.idx.msk [tilespmem:v3+s15+$0x0], $0xffff;
	[tilespmem:s18+$0xFFFFFF80] =	vst v4;
	v4 =	vmul.f32 v7, v1  }
0x1a6: {  	v7 =	vld [tilespmem:s18+$0xFFFFFE90];
	[tilespmem:s18+$0xFFFFFE20] =	vst v5;
	v5 =	vmul.f32 v8, v1  }
0x1a7: {  	v8 =	vld [tilespmem:s18+$0xFFFFFEA0];
	[tilespmem:s18+$0xFFFFFE30] =	vst v4;
	v4 =	vmul.f32 v9, v1  }
0x1a8: {  	v9 =	vld [tilespmem:s18+$0xFFFFFEB0];
	[tilespmem:s18+$0xFFFFFE40] =	vst v5;
	v5 =	vmul.f32 v10, v1  }
0x1a9: {  	v10 =	vld [tilespmem:s18+$0xFFFFFEC0];
	[tilespmem:s18+$0xFFFFFE50] =	vst v4;
	v4 =	vmul.f32 v11, v1  }
0x1aa: {  	v11 =	vld [tilespmem:s18+$0xFFFFFED0];
	v6 =	vmul.f32 v6, v1;
	[tilespmem:s18+$0xFFFFFE60] =	vst v5  }
0x1ab: {  	v5 =	vmul.f32 v7, v3;
	v7 =	vld [tilespmem:s18+$0xFFFFFEE0];
	[tilespmem:s18+$0xFFFFFE70] =	vst v4  }
0x1ac: {  	s25 =	simm.s32 $0x2B;
	v4 =	vld [tilespmem:s18+$0xFFFFFEF0];
	v8 =	vmul.f32 v8, v3;
	[tilespmem:s18+$0xFFFFFE80] =	vst v6  }
0x1ad: {  	v12 =	vmov s25;
	v6 =	vld [tilespmem:s18+$0xFFFFFF00];
	[tilespmem:s18+$0xFFFFFE90] =	vst v5;
	v5 =	vmul.f32 v9, v3  }
0x1ae: {  	v9 =	vld [tilespmem:s18+$0xFFFFFF10];
	[tilespmem:s18+$0xFFFFFEA0] =	vst v8;
	v8 =	vmul.f32 v10, v3  }
0x1af: {  	v10 =	vld [tilespmem:s18+$0xFFFFFF20];
	[tilespmem:s18+$0xFFFFFEB0] =	vst v5;
	v5 =	vmul.f32 v11, v3  }
0x1b0: {  	[tilespmem:s18+$0xFFFFFEC0] =	vst v8;
	v7 =	vmul.f32 v7, v3;
	v8 =	vld [tilespmem:s18+$0xFFFFFF30]  }
0x1b1: {  	v11 =	vld [tilespmem:s18+$0xFFFFFF40];
	[tilespmem:s18+$0xFFFFFED0] =	vst v5;
	v4 =	vmul.f32 v4, v3  }
0x1b2: {  	v1 =	vld.idx.msk [tilespmem:v12+s15+$0x0], $0xffff;
	v3 =	vmul.f32 v6, v3;
	[tilespmem:s18+$0xFFFFFEE0] =	vst v7  }
0x1b3: {  	v5 =	vmul.f32 v9, v2;
	[tilespmem:s18+$0xFFFFFEF0] =	vst v4;
	v4 =	vld [tilespmem:s18+$0xFFFFFF60]  }
0x1b4: {  	s13 =	simm.s32 $0x2C;
	[tilespmem:s18+$0xFFFFFF00] =	vst v3;
	v6 =	vmul.f32 v10, v2;
	v3 =	vld [tilespmem:s18+$0xFFFFFF70]  }
0x1b5: {  	s14 =	simm.s32 $0x2F;
	v7 =	vmov s13;
	[tilespmem:s18+$0xFFFFFF10] =	vst v5;
	v9 =	vmul.f32 v8, v2;
	v8 =	vld [tilespmem:s18+$0xFFFFFF90]  }
0x1b6: {  	s25 =	simm.s32 $0x2D;
	v12 =	vand.u32 $0xFFFFFFFC, v7;
	v7 =	vld [tilespmem:s18+$0xFFFFFFA0];
	v5 =	vmov s14;
	v10 =	vmul.f32 v11, v2;
	[tilespmem:s18+$0xFFFFFF20] =	vst v6  }
0x1b7: {  	s13 =	simm.s32 $0x6870;
	s14 =	simm.s32 $0x30;
	v11 =	vmul.f32 v13, v2;
	v6 =	vbroadcast v12, $0x0;
	v12 =	vmov s25;
	s25 =	simm.s32 $0x2E;
	[tilespmem:s18+$0xFFFFFF30] =	vst v9;
	v9 =	vld [tilespmem:s18+$0xFFFFFFB0]  }
.LBB2_9:
0x1b8: {  	p1 =	slt.u32 s14, $0x4C;
	v12 =	vand.u32 $0xFFFFFFFD, v12;
	v13 =	vmov s25;
	[tilespmem:s18+$0xFFFFFF40] =	vst v10;
	v4 =	vmul.f32 v4, v2;
	v10 =	vld [tilespmem:s18+$0xFFFFFFC0]  }
0x1b9: {  	v12 =	vbroadcast v12, $0x0;
	v13 =	vand.u32 $0xFFFFFFFE, v13;
	[tilespmem:s18+$0xFFFFFF50] =	vst v11;
	v2 =	vmul.f32 v3, v2;
	v3 =	vld [tilespmem:s18+$0xFFFFFFD0]  }
0x1ba: {  	v11 =	vbroadcast v13, $0x0;
	[tilespmem:s18+$0xFFFFFF60] =	vst v4;
	v4 =	vmul.f32 v8, v1;
	v8 =	vld [tilespmem:s18+$0xFFFFFFE0]  }
0x1bb: {  	[tilespmem:s18+$0xFFFFFF70] =	vst v2;
	v2 =	vmul.f32 v7, v1;
	v7 =	vld [tilespmem:s18+$0xFFFFFFF0]  }
0x1bc: {  	[tilespmem:s18+$0xFFFFFF90] =	vst v4;
	v4 =	vmul.f32 v9, v1;
	v9 =	vld [tilespmem:s18+$0x0]  }
0x1bd: {  	v5 =	vld.idx.msk [tilespmem:v5+s15+$0x0], $0xffff;
	[tilespmem:s18+$0xFFFFFFA0] =	vst v2;
	v2 =	vmul.f32 v10, v1  }
0x1be: {  	v6 =	vld.idx.msk [tilespmem:v6+s15+$0x0], $0xffff;
	[tilespmem:s18+$0xFFFFFFB0] =	vst v4;
	v3 =	vmul.f32 v3, v1  }
0x1bf: {  	v4 =	vld.idx.msk [tilespmem:v12+s15+$0x0], $0xffff;
	[tilespmem:s18+$0xFFFFFFC0] =	vst v2;
	v8 =	vmul.f32 v8, v1  }
0x1c0: {  	s18 =	sadd.s32 $0x200, s18;
	v2 =	vld.idx.msk [tilespmem:v11+s15+$0x0], $0xffff;
	[tilespmem:s13+$0xFFFFFFD0] =	vst v3;
	v3 =	vmul.f32 v7, v1  }
0x1c1: {  	v7 =	vld [tilespmem:s18+$0xFFFFFF80];
	[tilespmem:s13+$0xFFFFFFE0] =	vst v8;
	v9 =	vmul.f32 v9, v1  }
0x1c2: {  	v8 =	vld [tilespmem:s18+$0xFFFFFE10];
	[tilespmem:s13+$0xFFFFFFF0] =	vst v3  }
0x1c3: {  	v1 =	vmov v5;
	v3 =	vld [tilespmem:s18+$0xFFFFFE20];
	[tilespmem:s13+$0x0] =	vst v9;
	s13 =	smov.u32 s18  }
0x1c4: {  	v5 =	vld [tilespmem:s18+$0xFFFFFE30]  }
0x1c5: {  	v9 =	vld [tilespmem:s18+$0xFFFFFE40]  }
0x1c6: {  	v10 =	vld [tilespmem:s18+$0xFFFFFE50];
	v7 =	vmul.f32 v7, v2  }
0x1c7: {  	v8 =	vmul.f32 v8, v6;
	v11 =	vld [tilespmem:s18+$0xFFFFFE60]  }
0x1c8: {  	v3 =	vmul.f32 v3, v6;
	v12 =	vld [tilespmem:s18+$0xFFFFFE70];
	[tilespmem:s18+$0xFFFFFF80] =	vst v7  }
0x1c9: {  	[tilespmem:s18+$0xFFFFFE10] =	vst v8;
	v5 =	vmul.f32 v5, v6;
	v7 =	vld [tilespmem:s18+$0xFFFFFE80]  }
0x1ca: {  	[tilespmem:s18+$0xFFFFFE20] =	vst v3;
	v3 =	vmul.f32 v9, v6;
	v8 =	vld [tilespmem:s18+$0xFFFFFE90]  }
0x1cb: {  	[tilespmem:s18+$0xFFFFFE30] =	vst v5;
	v5 =	vmul.f32 v10, v6;
	v9 =	vld [tilespmem:s18+$0xFFFFFEA0]  }
0x1cc: {  	[tilespmem:s18+$0xFFFFFE40] =	vst v3;
	v3 =	vmul.f32 v11, v6;
	v10 =	vld [tilespmem:s18+$0xFFFFFEB0]  }
0x1cd: {  	[tilespmem:s18+$0xFFFFFE50] =	vst v5;
	v5 =	vmul.f32 v12, v6;
	v11 =	vld [tilespmem:s18+$0xFFFFFEC0]  }
0x1ce: {  	[tilespmem:s18+$0xFFFFFE60] =	vst v3;
	v3 =	vmul.f32 v7, v6;
	v6 =	vld [tilespmem:s18+$0xFFFFFED0]  }
0x1cf: {  	[tilespmem:s18+$0xFFFFFE70] =	vst v5;
	v5 =	vmul.f32 v8, v4;
	v7 =	vld [tilespmem:s18+$0xFFFFFEE0]  }
0x1d0: {  	[tilespmem:s18+$0xFFFFFE80] =	vst v3;
	v3 =	vmul.f32 v9, v4;
	v8 =	vld [tilespmem:s18+$0xFFFFFEF0]  }
0x1d1: {  	[tilespmem:s18+$0xFFFFFE90] =	vst v5;
	v5 =	vmul.f32 v10, v4;
	v9 =	vld [tilespmem:s18+$0xFFFFFF00]  }
0x1d2: {  	[tilespmem:s18+$0xFFFFFEA0] =	vst v3;
	v3 =	vmul.f32 v11, v4;
	v10 =	vld [tilespmem:s18+$0xFFFFFF10]  }
0x1d3: {  	[tilespmem:s18+$0xFFFFFEB0] =	vst v5;
	v5 =	vmul.f32 v6, v4;
	v6 =	vld [tilespmem:s18+$0xFFFFFF20]  }
0x1d4: {  	[tilespmem:s18+$0xFFFFFEC0] =	vst v3;
	v3 =	vmul.f32 v7, v4;
	v7 =	vld [tilespmem:s18+$0xFFFFFF30]  }
0x1d5: {  	[tilespmem:s18+$0xFFFFFED0] =	vst v5;
	v5 =	vmul.f32 v8, v4;
	v11 =	vld [tilespmem:s18+$0xFFFFFF40]  }
0x1d6: {  	[tilespmem:s18+$0xFFFFFEE0] =	vst v3;
	v3 =	vmul.f32 v9, v4;
	v9 =	vld [tilespmem:s18+$0xFFFFFF50]  }
.Ltmp3:
0x1d7: {  	[tilespmem:s18+$0xFFFFFEF0] =	vst v5;
	v5 =	vmul.f32 v10, v2;
	v4 =	vld [tilespmem:s18+$0xFFFFFF60];
	(pc) =	sbr.rel @p1 .LBB2_9-.Ltmp3, $4  }
0x1d8: {  	[tilespmem:s18+$0xFFFFFF00] =	vst v3;
	v6 =	vmul.f32 v6, v2;
	v3 =	vld [tilespmem:s18+$0xFFFFFF70]  }
0x1d9: {  	s4 =	sadd.s32 $0x3, s14;
	v10 =	vmov s14;
	[tilespmem:s18+$0xFFFFFF10] =	vst v5;
	v13 =	vmul.f32 v7, v2;
	v8 =	vld [tilespmem:s18+$0xFFFFFF90]  }
0x1da: {  	s25 =	sadd.s32 $0x1, s14;
	v12 =	vand.u32 $0xFFFFFFFC, v10;
	v5 =	vmov s4;
	[tilespmem:s18+$0xFFFFFF20] =	vst v6;
	v10 =	vmul.f32 v11, v2;
	v7 =	vld [tilespmem:s18+$0xFFFFFFA0]  }
0x1db: {  	v6 =	vbroadcast v12, $0x0;
	v12 =	vmov s25;
	s25 =	sadd.s32 $0x2, s14;
	s14 =	sadd.s32 $0x4, s14;
	[tilespmem:s18+$0xFFFFFF30] =	vst v13;
	v11 =	vmul.f32 v9, v2;
	v9 =	vld [tilespmem:s18+$0xFFFFFFB0]  }
0x1dc: {  	v13 =	vld [tilespmem:s18+$0xFFFFFFC0]  }
0x1dd: {  	v15 =	vld [tilespmem:s18+$0xFFFFFFD0]  }
0x1de: {  	v14 =	vmov s25;
	v16 =	vld [tilespmem:s18+$0xFFFFFFE0]  }
0x1df: {  	v17 =	vld [tilespmem:s18+$0xFFFFFFF0];
	[tilespmem:s18+$0xFFFFFF40] =	vst v10;
	v4 =	vmul.f32 v4, v2;
	v14 =	vand.u32 $0xFFFFFFFE, v14  }
0x1e0: {  	v12 =	vand.u32 $0xFFFFFFFD, v12;
	v5 =	vld.idx.msk [tilespmem:v5+s15+$0x0], $0xffff;
	[tilespmem:s18+$0xFFFFFF50] =	vst v11;
	v2 =	vmul.f32 v3, v2;
	v14 =	vbroadcast v14, $0x0  }
0x1e1: {  	s14 =	sadd.s32 $0x200, s18;
	v12 =	vbroadcast v12, $0x0;
	v3 =	vld.idx.msk [tilespmem:v6+s15+$0x0], $0xffff;
	v8 =	vmul.f32 v8, v1;
	[tilespmem:s18+$0xFFFFFF60] =	vst v4  }
0x1e2: {  	v10 =	vld [tilespmem:s14+$0xFFFFFE10];
	v4 =	vmul.f32 v7, v1;
	[tilespmem:s18+$0xFFFFFF70] =	vst v2  }
0x1e3: {  	[tilespmem:s18+$0xFFFFFF90] =	vst v8;
	v8 =	vld [tilespmem:s18+$0x0];
	v2 =	vmul.f32 v9, v1  }
0x1e4: {  	v11 =	vld [tilespmem:s14+$0xFFFFFE20];
	[tilespmem:s18+$0xFFFFFFA0] =	vst v4;
	v4 =	vmul.f32 v13, v1  }
0x1e5: {  	v9 =	vld [tilespmem:s14+$0xFFFFFF80];
	[tilespmem:s18+$0xFFFFFFB0] =	vst v2;
	v2 =	vmul.f32 v15, v1  }
0x1e6: {  	[tilespmem:s18+$0xFFFFFFC0] =	vst v4;
	v4 =	vmul.f32 v16, v1;
	v7 =	vld.idx.msk [tilespmem:v14+s15+$0x0], $0xffff  }
0x1e7: {  	v6 =	vld.idx.msk [tilespmem:v12+s15+$0x0], $0xffff;
	[tilespmem:s13+$0xFFFFFFD0] =	vst v2;
	v2 =	vmul.f32 v17, v1  }
0x1e8: {  	v12 =	vld [tilespmem:s14+$0xFFFFFE30];
	[tilespmem:s13+$0xFFFFFFE0] =	vst v4;
	v1 =	vmul.f32 v8, v1  }
0x1e9: {  	v4 =	vld [tilespmem:s14+$0xFFFFFE40];
	[tilespmem:s13+$0xFFFFFFF0] =	vst v2  }
0x1ea: {  	v2 =	vld [tilespmem:s14+$0xFFFFFE50];
	[tilespmem:s13+$0x0] =	vst v1;
	v1 =	vmul.f32 v10, v3  }
0x1eb: {  	v8 =	vmul.f32 v9, v7;
	v9 =	vld [tilespmem:s14+$0xFFFFFE60]  }
0x1ec: {  	v10 =	vmul.f32 v11, v3;
	v11 =	vld [tilespmem:s14+$0xFFFFFE70];
	[tilespmem:s14+$0xFFFFFE10] =	vst v1  }
0x1ed: {  	v1 =	vmul.f32 v12, v3;
	[tilespmem:s14+$0xFFFFFF80] =	vst v8;
	v8 =	vld [tilespmem:s14+$0xFFFFFE80]  }
0x1ee: {  	[tilespmem:s14+$0xFFFFFE20] =	vst v10;
	v10 =	vld [tilespmem:s14+$0xFFFFFE90];
	v4 =	vmul.f32 v4, v3  }
0x1ef: {  	[tilespmem:s14+$0xFFFFFE30] =	vst v1;
	v1 =	vmul.f32 v2, v3;
	v2 =	vld [tilespmem:s14+$0xFFFFFEA0]  }
0x1f0: {  	[tilespmem:s14+$0xFFFFFE40] =	vst v4;
	v4 =	vmul.f32 v9, v3;
	v9 =	vld [tilespmem:s14+$0xFFFFFEB0]  }
0x1f1: {  	[tilespmem:s14+$0xFFFFFE50] =	vst v1;
	v1 =	vmul.f32 v11, v3;
	v11 =	vld [tilespmem:s14+$0xFFFFFEC0]  }
0x1f2: {  	[tilespmem:s14+$0xFFFFFE60] =	vst v4;
	v3 =	vmul.f32 v8, v3;
	v4 =	vld [tilespmem:s14+$0xFFFFFED0]  }
0x1f3: {  	[tilespmem:s14+$0xFFFFFE70] =	vst v1;
	v1 =	vmul.f32 v10, v6;
	v8 =	vld [tilespmem:s14+$0xFFFFFEE0]  }
0x1f4: {  	v2 =	vmul.f32 v2, v6;
	[tilespmem:s14+$0xFFFFFE80] =	vst v3;
	v3 =	vld [tilespmem:s14+$0xFFFFFEF0]  }
0x1f5: {  	[tilespmem:s14+$0xFFFFFE90] =	vst v1;
	v1 =	vmul.f32 v9, v6;
	v9 =	vld [tilespmem:s14+$0xFFFFFF00]  }
0x1f6: {  	v10 =	vld [tilespmem:s14+$0xFFFFFF10];
	[tilespmem:s14+$0xFFFFFEA0] =	vst v2;
	v2 =	vmul.f32 v11, v6  }
0x1f7: {  	[tilespmem:s14+$0xFFFFFEB0] =	vst v1;
	v1 =	vmul.f32 v4, v6;
	v4 =	vld [tilespmem:s14+$0xFFFFFF20]  }
0x1f8: {  	[tilespmem:s14+$0xFFFFFEC0] =	vst v2;
	v2 =	vmul.f32 v8, v6;
	v8 =	vld [tilespmem:s14+$0xFFFFFF30]  }
0x1f9: {  	[tilespmem:s14+$0xFFFFFED0] =	vst v1;
	v1 =	vmul.f32 v3, v6;
	v3 =	vld [tilespmem:s14+$0xFFFFFF40]  }
0x1fa: {  	[tilespmem:s14+$0xFFFFFEE0] =	vst v2;
	v2 =	vmul.f32 v9, v6;
	v6 =	vld [tilespmem:s14+$0xFFFFFF50]  }
0x1fb: {  	v9 =	vld [tilespmem:s14+$0xFFFFFF60];
	[tilespmem:s14+$0xFFFFFEF0] =	vst v1;
	v1 =	vmul.f32 v10, v7  }
0x1fc: {  	[tilespmem:s14+$0xFFFFFF00] =	vst v2;
	v2 =	vmul.f32 v4, v7;
	v4 =	vld [tilespmem:s14+$0xFFFFFF70]  }
0x1fd: {  	[tilespmem:s14+$0xFFFFFF10] =	vst v1;
	v1 =	vmul.f32 v8, v7;
	v8 =	vld [tilespmem:s14+$0xFFFFFF90]  }
0x1fe: {  	[tilespmem:s14+$0xFFFFFF20] =	vst v2;
	v2 =	vmul.f32 v3, v7;
	v3 =	vld [tilespmem:s14+$0xFFFFFFA0]  }
0x1ff: {  	[tilespmem:s14+$0xFFFFFF30] =	vst v1;
	v1 =	vmul.f32 v6, v7;
	v6 =	vld [tilespmem:s14+$0xFFFFFFB0]  }
0x200: {  	[tilespmem:s14+$0xFFFFFF40] =	vst v2;
	v2 =	vmul.f32 v9, v7;
	v9 =	vld [tilespmem:s14+$0xFFFFFFC0]  }
0x201: {  	[tilespmem:s14+$0xFFFFFF50] =	vst v1;
	v1 =	vmul.f32 v4, v7;
	v4 =	vld [tilespmem:s14+$0xFFFFFFD0]  }
0x202: {  	v7 =	vld [tilespmem:s14+$0xFFFFFFE0];
	[tilespmem:s14+$0xFFFFFF60] =	vst v2;
	v2 =	vmul.f32 v8, v5  }
0x203: {  	[tilespmem:s14+$0xFFFFFF70] =	vst v1;
	v1 =	vmul.f32 v3, v5;
	v3 =	vld [tilespmem:s14+$0xFFFFFFF0]  }
0x204: {  	[tilespmem:s14+$0xFFFFFF90] =	vst v2;
	v2 =	vmul.f32 v6, v5;
	v6 =	vld [tilespmem:s14+$0x0]  }
0x205: {  	[tilespmem:s14+$0xFFFFFFA0] =	vst v1;
	v1 =	vmul.f32 v9, v5  }
0x206: {  	[tilespmem:s14+$0xFFFFFFB0] =	vst v2;
	v2 =	vmul.f32 v4, v5  }
0x207: {  	[tilespmem:s14+$0xFFFFFFC0] =	vst v1;
	v1 =	vmul.f32 v7, v5  }
0x208: {  	[tilespmem:s14+$0xFFFFFFD0] =	vst v2;
	v2 =	vmul.f32 v3, v5  }
0x209: {  	[tilespmem:s14+$0xFFFFFFE0] =	vst v1;
	v1 =	vmul.f32 v6, v5  }
0x20a: {  	[tilespmem:s14+$0xFFFFFFF0] =	vst v2  }
0x20b: {  	[tilespmem:s14+$0x0] =	vst v1  }
0x20c: {  	[spmem:s2] =	stream.indirect.scatter.add.f32 [tilespmem:s29], [sflag:$0x5], $0x80, s21, s20, $0xb8;
	[tilespmem:$0x1DB00] =	vst v63  }
0x20d: {  	v1 =	vld [tilespmem:$0x180]  }
0x20e: {  	v2 =	vld [tilespmem:$0x80];
	_ =	sdelay $0x6  }
0x20f: {  	v3 =	vld.idx.msk [tilespmem:v1+s26+$0x0], $0xffff  }
0x210: {  	v2 =	vld.idx.msk [tilespmem:v2+s26+$0x0], $0xffff;
	_ =	sdelay $0x3  }
0x211: {  	v3 =	vshll.u32 v3, $0x10  }
0x212: {  	v2 =	vshra.s32 v2, $0x10;
	v3 =	vshra.s32 v3, $0x10  }
0x213: {  	v2 =	vcvt.s32.f32 v2;
	v3 =	vcvt.s32.f32 v3;
	_ =	sdelay $0x1  }
0x214: {  	v2 =	vmul.f32 $4.882812500e-04, v2;
	v3 =	vmul.f32 $4.882812500e-04, v3;
	_ =	sdelay $0x1  }
0x215: {  	v2 =	vadd.f32 v3, v2;
	_ =	sdelay $0x1  }
0x216: {  	v3 =	vmul.f32 $2.000000030e-01, v2;
	_ =	sdelay $0x1  }
0x217: {  	v2 =	vmax.f32 v2, v3  }
0x218: {  	v2 =	vmul.f32 $1.442695020e+00, v2;
	_ =	sdelay $0x1  }
0x219: {  	(erf) = vpow2.f32 v2;
	_ =	sdelay $0x8  }
0x21a: {  	v2 =	vpop (erf)  }
0x21b: {  	[tilespmem:$0x5200] =	vst v2  }
0x21c: {  	[tilespmem:v1+s10+$0x0] =	vst.idx.add.f32.msk $0xffff, v2  }
0x21d: {  	v1 =	vld [tilespmem:$0x190]  }
0x21e: {  	v2 =	vld [tilespmem:$0x90];
	_ =	sdelay $0x6  }
0x21f: {  	v3 =	vld.idx.msk [tilespmem:v1+s26+$0x0], $0xffff  }
0x220: {  	v2 =	vld.idx.msk [tilespmem:v2+s26+$0x0], $0xffff;
	_ =	sdelay $0x3  }
0x221: {  	v3 =	vshll.u32 v3, $0x10  }
0x222: {  	v2 =	vshra.s32 v2, $0x10;
	v3 =	vshra.s32 v3, $0x10  }
0x223: {  	v2 =	vcvt.s32.f32 v2;
	v3 =	vcvt.s32.f32 v3;
	_ =	sdelay $0x1  }
0x224: {  	v2 =	vmul.f32 $4.882812500e-04, v2;
	v3 =	vmul.f32 $4.882812500e-04, v3;
	_ =	sdelay $0x1  }
0x225: {  	v2 =	vadd.f32 v3, v2;
	_ =	sdelay $0x1  }
0x226: {  	v3 =	vmul.f32 $2.000000030e-01, v2;
	_ =	sdelay $0x1  }
0x227: {  	v2 =	vmax.f32 v2, v3  }
0x228: {  	v2 =	vmul.f32 $1.442695020e+00, v2;
	_ =	sdelay $0x1  }
0x229: {  	(erf) = vpow2.f32 v2;
	_ =	sdelay $0x8  }
0x22a: {  	v2 =	vpop (erf)  }
0x22b: {  	[tilespmem:$0x5210] =	vst v2  }
0x22c: {  	[tilespmem:v1+s10+$0x0] =	vst.idx.add.f32.msk $0xffff, v2  }
0x22d: {  	v1 =	vld [tilespmem:$0x1A0]  }
0x22e: {  	v2 =	vld [tilespmem:$0xA0];
	_ =	sdelay $0x6  }
0x22f: {  	v3 =	vld.idx.msk [tilespmem:v1+s26+$0x0], $0xffff  }
0x230: {  	v2 =	vld.idx.msk [tilespmem:v2+s26+$0x0], $0xffff;
	_ =	sdelay $0x3  }
0x231: {  	v3 =	vshll.u32 v3, $0x10  }
0x232: {  	v2 =	vshra.s32 v2, $0x10;
	v3 =	vshra.s32 v3, $0x10  }
0x233: {  	v2 =	vcvt.s32.f32 v2;
	v3 =	vcvt.s32.f32 v3;
	_ =	sdelay $0x1  }
0x234: {  	v2 =	vmul.f32 $4.882812500e-04, v2;
	v3 =	vmul.f32 $4.882812500e-04, v3;
	_ =	sdelay $0x1  }
0x235: {  	v2 =	vadd.f32 v3, v2;
	_ =	sdelay $0x1  }
0x236: {  	v3 =	vmul.f32 $2.000000030e-01, v2;
	_ =	sdelay $0x1  }
0x237: {  	v2 =	vmax.f32 v2, v3  }
0x238: {  	v2 =	vmul.f32 $1.442695020e+00, v2;
	_ =	sdelay $0x1  }
0x239: {  	(erf) = vpow2.f32 v2;
	_ =	sdelay $0x8  }
0x23a: {  	v2 =	vpop (erf)  }
0x23b: {  	[tilespmem:$0x5220] =	vst v2  }
0x23c: {  	[tilespmem:v1+s10+$0x0] =	vst.idx.add.f32.msk $0xffff, v2  }
0x23d: {  	v1 =	vld [tilespmem:$0x1B0]  }
0x23e: {  	v2 =	vld [tilespmem:$0xB0];
	_ =	sdelay $0x6  }
0x23f: {  	v3 =	vld.idx.msk [tilespmem:v1+s26+$0x0], $0xffff  }
0x240: {  	v2 =	vld.idx.msk [tilespmem:v2+s26+$0x0], $0xffff;
	_ =	sdelay $0x3  }
0x241: {  	v3 =	vshll.u32 v3, $0x10  }
0x242: {  	v2 =	vshra.s32 v2, $0x10;
	v3 =	vshra.s32 v3, $0x10  }
0x243: {  	v2 =	vcvt.s32.f32 v2;
	v3 =	vcvt.s32.f32 v3;
	_ =	sdelay $0x1  }
0x244: {  	v2 =	vmul.f32 $4.882812500e-04, v2;
	v3 =	vmul.f32 $4.882812500e-04, v3;
	_ =	sdelay $0x1  }
0x245: {  	v2 =	vadd.f32 v3, v2;
	_ =	sdelay $0x1  }
0x246: {  	v3 =	vmul.f32 $2.000000030e-01, v2;
	_ =	sdelay $0x1  }
0x247: {  	v2 =	vmax.f32 v2, v3  }
0x248: {  	v2 =	vmul.f32 $1.442695020e+00, v2;
	_ =	sdelay $0x1  }
0x249: {  	(erf) = vpow2.f32 v2;
	_ =	sdelay $0x8  }
0x24a: {  	v2 =	vpop (erf)  }
0x24b: {  	[tilespmem:$0x5230] =	vst v2  }
0x24c: {  	[tilespmem:v1+s10+$0x0] =	vst.idx.add.f32.msk $0xffff, v2  }
0x24d: {  	v1 =	vld [tilespmem:$0x1C0]  }
0x24e: {  	v2 =	vld [tilespmem:$0xC0];
	_ =	sdelay $0x6  }
0x24f: {  	v3 =	vld.idx.msk [tilespmem:v1+s26+$0x0], $0xffff  }
0x250: {  	v2 =	vld.idx.msk [tilespmem:v2+s26+$0x0], $0xffff;
	_ =	sdelay $0x3  }
0x251: {  	v3 =	vshll.u32 v3, $0x10  }
0x252: {  	v2 =	vshra.s32 v2, $0x10;
	v3 =	vshra.s32 v3, $0x10  }
0x253: {  	v2 =	vcvt.s32.f32 v2;
	v3 =	vcvt.s32.f32 v3;
	_ =	sdelay $0x1  }
0x254: {  	v2 =	vmul.f32 $4.882812500e-04, v2;
	v3 =	vmul.f32 $4.882812500e-04, v3;
	_ =	sdelay $0x1  }
0x255: {  	v2 =	vadd.f32 v3, v2;
	_ =	sdelay $0x1  }
0x256: {  	v3 =	vmul.f32 $2.000000030e-01, v2;
	_ =	sdelay $0x1  }
0x257: {  	v2 =	vmax.f32 v2, v3  }
0x258: {  	v2 =	vmul.f32 $1.442695020e+00, v2;
	_ =	sdelay $0x1  }
0x259: {  	(erf) = vpow2.f32 v2;
	_ =	sdelay $0x8  }
0x25a: {  	v2 =	vpop (erf)  }
0x25b: {  	[tilespmem:$0x5240] =	vst v2  }
0x25c: {  	[tilespmem:v1+s10+$0x0] =	vst.idx.add.f32.msk $0xffff, v2  }
0x25d: {  	v1 =	vld [tilespmem:$0x180]  }
0x25e: {  	v2 =	vld [tilespmem:$0x190]  }
0x25f: {  	v3 =	vld [tilespmem:$0x1A0]  }
0x260: {  	v4 =	vld [tilespmem:$0x1B0]  }
0x261: {  	v5 =	vld [tilespmem:$0x1C0]  }
0x262: {  	[tilespmem:$0x280] =	vst v1  }
0x263: {  	[tilespmem:$0x290] =	vst v2  }
0x264: {  	[tilespmem:$0x2A0] =	vst v3  }
0x265: {  	[tilespmem:$0x2B0] =	vst v4  }
0x266: {  	[tilespmem:$0x2C0] =	vst v5  }
0x267: {  	_ =	swait.ge [sflag:s22], $0x2800  }
0x268: {  	[sflag:s22] =	ssyncset.done $0x0  }
0x269: {  	[sflag:s22] =	ssyncadd.s32 $0xFFFFD800  }
0x26a: {  	_ =	swait.ge [sflag:s3], $0x50  }
0x26b: {  	[sflag:s3] =	ssyncset.done $0x0  }
0x26c: {  	[sflag:s3] =	ssyncadd.s32 $0xFFFFFFB0  }
0x26d: {  	_ =	swait.ge [sflag:s3], $0x50  }
0x26e: {  	[sflag:s3] =	ssyncset.done $0x0  }
0x26f: {  	s4 =	simm.s32 $0x0;
	p1 =	seq.s32 s7, $0x3D;
	[sflag:s3] =	ssyncadd.s32 $0xFFFFFFB0  }
0x270: {  	[tilespmem:s29], [sflag:$0x1] =	stream.indirect.gather [hbm4b:s0+s6], $0x80, s4, s6, $0xb8;
	[tilespmem:$0x1DB00] =	vst v63  }
0x271: {  	s4 =	sadd.s32 @!p1 $0xF0, s28  }
0x272: {  	s25 =	simm.s32 $0x2;
	s13 =	sadd.s32 @!p1 s8, s4  }
0x273: {  	[tilespmem:s9], [sflag:$0x2] =	stream.indirect.gather [hbm4b:s0+s6], $0x80, s6, s6, $0xb8;
	[tilespmem:$0x1DB00] =	vst v63  }
0x274: {  	s18 =	simm.s32 @!p1 $0x80;
	v2 =	vmov s25;
	s4 =	sadd.s32 @!p1 s16, s4;
	s13 =	sshrl.u32 @!p1 s13, $0x3  }
0x275: {  	s14 =	simm.s32 @!p1 $0x0;
	v2 =	vand.u32 $0xFFFFFFFE, v2;
	s4 =	sshrl.u32 @!p1 s4, $0x3;
	s13 =	sadd.s32 @!p1 s5, s13  }
0x276: {  	v2 =	vbroadcast v2, $0x0;
	[tilespmem:s18], [sflag:$0x8] =	stream.linear.gather @!p1 [hbm4b:s13+s14], $0x50, $0x38;
	[tilespmem:$0x1DB00] =	vst v63  }
0x277: {  	s4 =	sadd.s32 @!p1 s5, s4;
	s18 =	simm.s32 $0x0;
	s13 =	simm.s32 @!p1 $0x180  }
0x278: {  	[tilespmem:s13], [sflag:$0x8] =	stream.linear.gather @!p1 [hbm4b:s4+s14], $0x50, $0x38;
	[tilespmem:$0x1DB00] =	vst v63  }
0x279: {  	v1 =	vmov s18;
	_ =	swait.ge [sflag:s23], $0x1400  }
0x27a: {  	v1 =	vand.u32 $0xFFFFFFFC, v1;
	[sflag:s23] =	ssyncset.done $0x0  }
0x27b: {  	v1 =	vbroadcast v1, $0x0;
	[sflag:s23] =	ssyncadd.s32 $0xFFFFEC00  }
0x27c: {  	s18 =	simm.s32 $0x7B80;
	v2 =	vld.idx.msk [tilespmem:v2+s15+$0x0], $0xffff  }
0x27d: {  	s28 =	simm.s32 $0x1;
	v4 =	vld [tilespmem:s18+$0x70]  }
0x27e: {  	v3 =	vmov s28;
	v5 =	vld [tilespmem:s18+$0xFFFFFF00]  }
0x27f: {  	v3 =	vand.u32 $0xFFFFFFFD, v3;
	v6 =	vld [tilespmem:s18+$0xFFFFFF10]  }
0x280: {  	v3 =	vbroadcast v3, $0x0;
	v7 =	vld [tilespmem:s18+$0xFFFFFF20]  }
0x281: {  	v1 =	vld.idx.msk [tilespmem:v1+s15+$0x0], $0xffff  }
0x282: {  	v8 =	vld [tilespmem:s18+$0xFFFFFF30]  }
0x283: {  	v9 =	vld [tilespmem:s18+$0xFFFFFF40]  }
0x284: {  	v10 =	vld [tilespmem:s18+$0xFFFFFF50]  }
0x285: {  	v11 =	vld [tilespmem:s18+$0xFFFFFF60];
	v4 =	vmul.f32 v4, v2  }
0x286: {  	v3 =	vld.idx.msk [tilespmem:v3+s15+$0x0], $0xffff;
	v5 =	vmul.f32 v5, v1  }
0x287: {  	v13 =	vld [tilespmem:s18+$0x40];
	[tilespmem:s18+$0x70] =	vst v4;
	v4 =	vmul.f32 v7, v1  }
0x288: {  	[tilespmem:s18+$0xFFFFFF00] =	vst v5;
	v5 =	vmul.f32 v6, v1;
	v6 =	vld [tilespmem:s18+$0xFFFFFF70]  }
0x289: {  	v7 =	vld [tilespmem:s18+$0xFFFFFF80];
	[tilespmem:s18+$0xFFFFFF20] =	vst v4;
	v4 =	vmul.f32 v9, v1  }
0x28a: {  	[tilespmem:s18+$0xFFFFFF10] =	vst v5;
	v5 =	vmul.f32 v8, v1;
	v8 =	vld [tilespmem:s18+$0xFFFFFF90]  }
0x28b: {  	v9 =	vld [tilespmem:s18+$0xFFFFFFA0];
	[tilespmem:s18+$0xFFFFFF40] =	vst v4;
	v4 =	vmul.f32 v11, v1  }
0x28c: {  	[tilespmem:s18+$0xFFFFFF30] =	vst v5;
	v5 =	vmul.f32 v10, v1;
	v10 =	vld [tilespmem:s18+$0xFFFFFFB0]  }
0x28d: {  	[tilespmem:s18+$0xFFFFFF60] =	vst v4;
	v4 =	vld [tilespmem:s18+$0xFFFFFFE0];
	v6 =	vmul.f32 v6, v1  }
0x28e: {  	v11 =	vld [tilespmem:s18+$0xFFFFFFC0];
	[tilespmem:s18+$0xFFFFFF50] =	vst v5;
	v5 =	vmul.f32 v7, v3  }
0x28f: {  	s13 =	simm.s32 $0x3;
	v7 =	vld [tilespmem:s18+$0xFFFFFFD0];
	v8 =	vmul.f32 v8, v3;
	[tilespmem:s18+$0xFFFFFF70] =	vst v6  }
0x290: {  	v12 =	vmov s13;
	v6 =	vld [tilespmem:s18+$0xFFFFFFF0];
	[tilespmem:s18+$0xFFFFFF80] =	vst v5;
	v5 =	vmul.f32 v9, v3  }
0x291: {  	v9 =	vld [tilespmem:s18+$0x0];
	[tilespmem:s18+$0xFFFFFF90] =	vst v8;
	v8 =	vmul.f32 v10, v3  }
0x292: {  	v10 =	vld [tilespmem:s18+$0x10];
	v4 =	vmul.f32 v4, v3;
	[tilespmem:s18+$0xFFFFFFA0] =	vst v5  }
0x293: {  	v5 =	vmul.f32 v11, v3;
	[tilespmem:s18+$0xFFFFFFB0] =	vst v8;
	v8 =	vld [tilespmem:s18+$0x20]  }
0x294: {  	v11 =	vld [tilespmem:s18+$0x30];
	v7 =	vmul.f32 v7, v3;
	[tilespmem:s18+$0xFFFFFFE0] =	vst v4  }
0x295: {  	v1 =	vld.idx.msk [tilespmem:v12+s15+$0x0], $0xffff;
	[tilespmem:s18+$0xFFFFFFC0] =	vst v5;
	v3 =	vmul.f32 v6, v3  }
0x296: {  	v4 =	vld [tilespmem:s18+$0x50];
	[tilespmem:s18+$0xFFFFFFD0] =	vst v7;
	v5 =	vmul.f32 v9, v2  }
0x297: {  	s14 =	simm.s32 $0x4;
	[tilespmem:s18+$0xFFFFFFF0] =	vst v3;
	v6 =	vmul.f32 v10, v2;
	v3 =	vld [tilespmem:s18+$0x60]  }
0x298: {  	s25 =	simm.s32 $0x7;
	v7 =	vmov s14;
	[tilespmem:s18+$0x0] =	vst v5;
	v9 =	vmul.f32 v8, v2;
	v8 =	vld [tilespmem:s18+$0x80]  }
0x299: {  	s28 =	simm.s32 $0x5;
	v12 =	vand.u32 $0xFFFFFFFC, v7;
	v7 =	vld [tilespmem:s18+$0x90];
	v5 =	vmov s25;
	v10 =	vmul.f32 v11, v2;
	[tilespmem:s18+$0x10] =	vst v6  }
0x29a: {  	s13 =	simm.s32 $0x7B80;
	s14 =	simm.s32 $0x8;
	s25 =	simm.s32 $0x6;
	v11 =	vmul.f32 v13, v2;
	v6 =	vbroadcast v12, $0x0;
	v12 =	vmov s28;
	[tilespmem:s18+$0x20] =	vst v9;
	v9 =	vld [tilespmem:s18+$0xA0]  }
.LBB2_11:
0x29b: {  	p1 =	slt.u32 s14, $0x24;
	v12 =	vand.u32 $0xFFFFFFFD, v12;
	v13 =	vmov s25;
	[tilespmem:s18+$0x30] =	vst v10;
	v4 =	vmul.f32 v4, v2;
	v10 =	vld [tilespmem:s18+$0xB0]  }
0x29c: {  	v12 =	vbroadcast v12, $0x0;
	v13 =	vand.u32 $0xFFFFFFFE, v13;
	[tilespmem:s18+$0x40] =	vst v11;
	v2 =	vmul.f32 v3, v2;
	v3 =	vld [tilespmem:s18+$0xC0]  }
0x29d: {  	v11 =	vbroadcast v13, $0x0;
	[tilespmem:s18+$0x50] =	vst v4;
	v4 =	vmul.f32 v8, v1;
	v8 =	vld [tilespmem:s18+$0xD0]  }
0x29e: {  	[tilespmem:s18+$0x60] =	vst v2;
	v2 =	vmul.f32 v7, v1;
	v7 =	vld [tilespmem:s18+$0xE0]  }
0x29f: {  	[tilespmem:s18+$0x80] =	vst v4;
	v4 =	vmul.f32 v9, v1;
	v9 =	vld [tilespmem:s18+$0xF0]  }
0x2a0: {  	v5 =	vld.idx.msk [tilespmem:v5+s15+$0x0], $0xffff;
	[tilespmem:s18+$0x90] =	vst v2;
	v2 =	vmul.f32 v10, v1  }
0x2a1: {  	v6 =	vld.idx.msk [tilespmem:v6+s15+$0x0], $0xffff;
	[tilespmem:s18+$0xA0] =	vst v4;
	v3 =	vmul.f32 v3, v1  }
0x2a2: {  	v4 =	vld.idx.msk [tilespmem:v12+s15+$0x0], $0xffff;
	[tilespmem:s18+$0xB0] =	vst v2;
	v8 =	vmul.f32 v8, v1  }
0x2a3: {  	s18 =	sadd.s32 $0x200, s18;
	v2 =	vld.idx.msk [tilespmem:v11+s15+$0x0], $0xffff;
	[tilespmem:s13+$0xC0] =	vst v3;
	v3 =	vmul.f32 v7, v1  }
0x2a4: {  	v7 =	vld [tilespmem:s18+$0x70];
	[tilespmem:s13+$0xD0] =	vst v8;
	v9 =	vmul.f32 v9, v1  }
0x2a5: {  	v8 =	vld [tilespmem:s18+$0xFFFFFF00];
	[tilespmem:s13+$0xE0] =	vst v3  }
0x2a6: {  	v1 =	vmov v5;
	v3 =	vld [tilespmem:s18+$0xFFFFFF10];
	[tilespmem:s13+$0xF0] =	vst v9;
	s13 =	smov.u32 s18  }
0x2a7: {  	v5 =	vld [tilespmem:s18+$0xFFFFFF20]  }
0x2a8: {  	v9 =	vld [tilespmem:s18+$0xFFFFFF30]  }
0x2a9: {  	v10 =	vld [tilespmem:s18+$0xFFFFFF40];
	v7 =	vmul.f32 v7, v2  }
0x2aa: {  	v8 =	vmul.f32 v8, v6;
	v11 =	vld [tilespmem:s18+$0xFFFFFF50]  }
0x2ab: {  	v3 =	vmul.f32 v3, v6;
	v12 =	vld [tilespmem:s18+$0xFFFFFF60];
	[tilespmem:s18+$0x70] =	vst v7  }
0x2ac: {  	[tilespmem:s18+$0xFFFFFF00] =	vst v8;
	v5 =	vmul.f32 v5, v6;
	v7 =	vld [tilespmem:s18+$0xFFFFFF70]  }
0x2ad: {  	[tilespmem:s18+$0xFFFFFF10] =	vst v3;
	v3 =	vmul.f32 v9, v6;
	v8 =	vld [tilespmem:s18+$0xFFFFFF80]  }
0x2ae: {  	[tilespmem:s18+$0xFFFFFF20] =	vst v5;
	v5 =	vmul.f32 v10, v6;
	v9 =	vld [tilespmem:s18+$0xFFFFFF90]  }
0x2af: {  	[tilespmem:s18+$0xFFFFFF30] =	vst v3;
	v3 =	vmul.f32 v11, v6;
	v10 =	vld [tilespmem:s18+$0xFFFFFFA0]  }
0x2b0: {  	[tilespmem:s18+$0xFFFFFF40] =	vst v5;
	v5 =	vmul.f32 v12, v6;
	v11 =	vld [tilespmem:s18+$0xFFFFFFB0]  }
0x2b1: {  	[tilespmem:s18+$0xFFFFFF50] =	vst v3;
	v3 =	vmul.f32 v7, v6;
	v6 =	vld [tilespmem:s18+$0xFFFFFFC0]  }
0x2b2: {  	[tilespmem:s18+$0xFFFFFF60] =	vst v5;
	v5 =	vmul.f32 v8, v4;
	v7 =	vld [tilespmem:s18+$0xFFFFFFD0]  }
0x2b3: {  	[tilespmem:s18+$0xFFFFFF70] =	vst v3;
	v3 =	vmul.f32 v9, v4;
	v8 =	vld [tilespmem:s18+$0xFFFFFFE0]  }
0x2b4: {  	[tilespmem:s18+$0xFFFFFF80] =	vst v5;
	v5 =	vmul.f32 v10, v4;
	v9 =	vld [tilespmem:s18+$0xFFFFFFF0]  }
0x2b5: {  	[tilespmem:s18+$0xFFFFFF90] =	vst v3;
	v3 =	vmul.f32 v11, v4;
	v10 =	vld [tilespmem:s18+$0x0]  }
0x2b6: {  	[tilespmem:s18+$0xFFFFFFA0] =	vst v5;
	v5 =	vmul.f32 v6, v4;
	v6 =	vld [tilespmem:s18+$0x10]  }
0x2b7: {  	[tilespmem:s18+$0xFFFFFFB0] =	vst v3;
	v3 =	vmul.f32 v7, v4;
	v7 =	vld [tilespmem:s18+$0x20]  }
0x2b8: {  	[tilespmem:s18+$0xFFFFFFC0] =	vst v5;
	v5 =	vmul.f32 v8, v4;
	v11 =	vld [tilespmem:s18+$0x30]  }
0x2b9: {  	[tilespmem:s18+$0xFFFFFFD0] =	vst v3;
	v3 =	vmul.f32 v9, v4;
	v9 =	vld [tilespmem:s18+$0x40]  }
.Ltmp4:
0x2ba: {  	[tilespmem:s18+$0xFFFFFFE0] =	vst v5;
	v5 =	vmul.f32 v10, v2;
	v4 =	vld [tilespmem:s18+$0x50];
	(pc) =	sbr.rel @p1 .LBB2_11-.Ltmp4, $4  }
0x2bb: {  	[tilespmem:s18+$0xFFFFFFF0] =	vst v3;
	v6 =	vmul.f32 v6, v2;
	v3 =	vld [tilespmem:s18+$0x60]  }
0x2bc: {  	s4 =	sadd.s32 $0x3, s14;
	v10 =	vmov s14;
	[tilespmem:s18+$0x0] =	vst v5;
	v13 =	vmul.f32 v7, v2;
	v8 =	vld [tilespmem:s18+$0x80]  }
0x2bd: {  	s25 =	sadd.s32 $0x1, s14;
	v12 =	vand.u32 $0xFFFFFFFC, v10;
	v5 =	vmov s4;
	[tilespmem:s18+$0x10] =	vst v6;
	v10 =	vmul.f32 v11, v2;
	v7 =	vld [tilespmem:s18+$0x90]  }
0x2be: {  	v6 =	vbroadcast v12, $0x0;
	v12 =	vmov s25;
	s25 =	sadd.s32 $0x2, s14;
	s14 =	sadd.s32 $0x4, s14;
	[tilespmem:s18+$0x20] =	vst v13;
	v11 =	vmul.f32 v9, v2;
	v9 =	vld [tilespmem:s18+$0xA0]  }
0x2bf: {  	v13 =	vld [tilespmem:s18+$0xB0]  }
0x2c0: {  	v15 =	vld [tilespmem:s18+$0xC0]  }
0x2c1: {  	v14 =	vmov s25;
	v16 =	vld [tilespmem:s18+$0xD0]  }
0x2c2: {  	v17 =	vld [tilespmem:s18+$0xE0];
	[tilespmem:s18+$0x30] =	vst v10;
	v4 =	vmul.f32 v4, v2;
	v14 =	vand.u32 $0xFFFFFFFE, v14  }
0x2c3: {  	v12 =	vand.u32 $0xFFFFFFFD, v12;
	v5 =	vld.idx.msk [tilespmem:v5+s15+$0x0], $0xffff;
	[tilespmem:s18+$0x40] =	vst v11;
	v2 =	vmul.f32 v3, v2;
	v14 =	vbroadcast v14, $0x0  }
0x2c4: {  	s14 =	sadd.s32 $0x200, s18;
	v12 =	vbroadcast v12, $0x0;
	v3 =	vld.idx.msk [tilespmem:v6+s15+$0x0], $0xffff;
	v8 =	vmul.f32 v8, v1;
	[tilespmem:s18+$0x50] =	vst v4  }
0x2c5: {  	v10 =	vld [tilespmem:s14+$0xFFFFFF00];
	v4 =	vmul.f32 v7, v1;
	[tilespmem:s18+$0x60] =	vst v2  }
0x2c6: {  	[tilespmem:s18+$0x80] =	vst v8;
	v8 =	vld [tilespmem:s18+$0xF0];
	v2 =	vmul.f32 v9, v1  }
0x2c7: {  	v11 =	vld [tilespmem:s14+$0xFFFFFF10];
	[tilespmem:s18+$0x90] =	vst v4;
	v4 =	vmul.f32 v13, v1  }
0x2c8: {  	v9 =	vld [tilespmem:s14+$0x70];
	[tilespmem:s18+$0xA0] =	vst v2;
	v2 =	vmul.f32 v15, v1  }
0x2c9: {  	[tilespmem:s18+$0xB0] =	vst v4;
	v4 =	vmul.f32 v16, v1;
	v7 =	vld.idx.msk [tilespmem:v14+s15+$0x0], $0xffff  }
0x2ca: {  	v6 =	vld.idx.msk [tilespmem:v12+s15+$0x0], $0xffff;
	[tilespmem:s13+$0xC0] =	vst v2;
	v2 =	vmul.f32 v17, v1  }
0x2cb: {  	v12 =	vld [tilespmem:s14+$0xFFFFFF20];
	[tilespmem:s13+$0xD0] =	vst v4;
	v1 =	vmul.f32 v8, v1  }
0x2cc: {  	v4 =	vld [tilespmem:s14+$0xFFFFFF30];
	[tilespmem:s13+$0xE0] =	vst v2  }
0x2cd: {  	v2 =	vld [tilespmem:s14+$0xFFFFFF40];
	[tilespmem:s13+$0xF0] =	vst v1;
	v1 =	vmul.f32 v10, v3  }
0x2ce: {  	v8 =	vmul.f32 v9, v7;
	v9 =	vld [tilespmem:s14+$0xFFFFFF50]  }
0x2cf: {  	v10 =	vmul.f32 v11, v3;
	v11 =	vld [tilespmem:s14+$0xFFFFFF60];
	[tilespmem:s14+$0xFFFFFF00] =	vst v1  }
0x2d0: {  	v1 =	vmul.f32 v12, v3;
	[tilespmem:s14+$0x70] =	vst v8;
	v8 =	vld [tilespmem:s14+$0xFFFFFF70]  }
0x2d1: {  	[tilespmem:s14+$0xFFFFFF10] =	vst v10;
	v10 =	vld [tilespmem:s14+$0xFFFFFF80];
	v4 =	vmul.f32 v4, v3  }
0x2d2: {  	[tilespmem:s14+$0xFFFFFF20] =	vst v1;
	v1 =	vmul.f32 v2, v3;
	v2 =	vld [tilespmem:s14+$0xFFFFFF90]  }
0x2d3: {  	[tilespmem:s14+$0xFFFFFF30] =	vst v4;
	v4 =	vmul.f32 v9, v3;
	v9 =	vld [tilespmem:s14+$0xFFFFFFA0]  }
0x2d4: {  	[tilespmem:s14+$0xFFFFFF40] =	vst v1;
	v1 =	vmul.f32 v11, v3;
	v11 =	vld [tilespmem:s14+$0xFFFFFFB0]  }
0x2d5: {  	[tilespmem:s14+$0xFFFFFF50] =	vst v4;
	v3 =	vmul.f32 v8, v3;
	v4 =	vld [tilespmem:s14+$0xFFFFFFC0]  }
0x2d6: {  	[tilespmem:s14+$0xFFFFFF60] =	vst v1;
	v1 =	vmul.f32 v10, v6;
	v8 =	vld [tilespmem:s14+$0xFFFFFFD0]  }
0x2d7: {  	v2 =	vmul.f32 v2, v6;
	[tilespmem:s14+$0xFFFFFF70] =	vst v3;
	v3 =	vld [tilespmem:s14+$0xFFFFFFE0]  }
0x2d8: {  	[tilespmem:s14+$0xFFFFFF80] =	vst v1;
	v1 =	vmul.f32 v9, v6;
	v9 =	vld [tilespmem:s14+$0xFFFFFFF0]  }
0x2d9: {  	v10 =	vld [tilespmem:s14+$0x0];
	[tilespmem:s14+$0xFFFFFF90] =	vst v2;
	v2 =	vmul.f32 v11, v6  }
0x2da: {  	[tilespmem:s14+$0xFFFFFFA0] =	vst v1;
	v1 =	vmul.f32 v4, v6;
	v4 =	vld [tilespmem:s14+$0x10]  }
0x2db: {  	[tilespmem:s14+$0xFFFFFFB0] =	vst v2;
	v2 =	vmul.f32 v8, v6;
	v8 =	vld [tilespmem:s14+$0x20]  }
0x2dc: {  	[tilespmem:s14+$0xFFFFFFC0] =	vst v1;
	v1 =	vmul.f32 v3, v6;
	v3 =	vld [tilespmem:s14+$0x30]  }
0x2dd: {  	[tilespmem:s14+$0xFFFFFFD0] =	vst v2;
	v2 =	vmul.f32 v9, v6;
	v6 =	vld [tilespmem:s14+$0x40]  }
0x2de: {  	v9 =	vld [tilespmem:s14+$0x50];
	[tilespmem:s14+$0xFFFFFFE0] =	vst v1;
	v1 =	vmul.f32 v10, v7  }
0x2df: {  	[tilespmem:s14+$0xFFFFFFF0] =	vst v2;
	v2 =	vmul.f32 v4, v7;
	v4 =	vld [tilespmem:s14+$0x60]  }
0x2e0: {  	[tilespmem:s14+$0x0] =	vst v1;
	v1 =	vmul.f32 v8, v7;
	v8 =	vld [tilespmem:s14+$0x80]  }
0x2e1: {  	[tilespmem:s14+$0x10] =	vst v2;
	v2 =	vmul.f32 v3, v7;
	v3 =	vld [tilespmem:s14+$0x90]  }
0x2e2: {  	[tilespmem:s14+$0x20] =	vst v1;
	v1 =	vmul.f32 v6, v7;
	v6 =	vld [tilespmem:s14+$0xA0]  }
0x2e3: {  	[tilespmem:s14+$0x30] =	vst v2;
	v2 =	vmul.f32 v9, v7;
	v9 =	vld [tilespmem:s14+$0xB0]  }
0x2e4: {  	[tilespmem:s14+$0x40] =	vst v1;
	v1 =	vmul.f32 v4, v7;
	v4 =	vld [tilespmem:s14+$0xC0]  }
0x2e5: {  	v7 =	vld [tilespmem:s14+$0xD0];
	[tilespmem:s14+$0x50] =	vst v2;
	v2 =	vmul.f32 v8, v5  }
0x2e6: {  	[tilespmem:s14+$0x60] =	vst v1;
	v1 =	vmul.f32 v3, v5;
	v3 =	vld [tilespmem:s14+$0xE0]  }
0x2e7: {  	[tilespmem:s14+$0x80] =	vst v2;
	v2 =	vmul.f32 v6, v5;
	v6 =	vld [tilespmem:s14+$0xF0]  }
0x2e8: {  	[tilespmem:s14+$0x90] =	vst v1;
	v1 =	vmul.f32 v9, v5  }
0x2e9: {  	s4 =	simm.s32 $0x28;
	[tilespmem:s14+$0xA0] =	vst v2;
	v2 =	vmul.f32 v4, v5  }
0x2ea: {  	v4 =	vmov s4;
	[tilespmem:s14+$0xB0] =	vst v1;
	v1 =	vmul.f32 v7, v5  }
0x2eb: {  	[tilespmem:s14+$0xC0] =	vst v2;
	v2 =	vmul.f32 v3, v5;
	v3 =	vand.u32 $0xFFFFFFFC, v4  }
0x2ec: {  	[tilespmem:s14+$0xD0] =	vst v1;
	v1 =	vmul.f32 v6, v5;
	v3 =	vbroadcast v3, $0x0  }
0x2ed: {  	[tilespmem:s14+$0xE0] =	vst v2  }
0x2ee: {  	s25 =	simm.s32 $0x2A;
	[tilespmem:s14+$0xF0] =	vst v1  }
0x2ef: {  	v4 =	vmov s25;
	_ =	swait.ge [sflag:s24], $0x1400  }
0x2f0: {  	v4 =	vand.u32 $0xFFFFFFFE, v4;
	[sflag:s24] =	ssyncset.done $0x0  }
0x2f1: {  	v2 =	vbroadcast v4, $0x0;
	[sflag:s24] =	ssyncadd.s32 $0xFFFFEC00  }
0x2f2: {  	s18 =	simm.s32 $0x9070;
	v1 =	vld.idx.msk [tilespmem:v3+s15+$0x0], $0xffff  }
0x2f3: {  	v4 =	vld [tilespmem:s18+$0xFFFFFF80]  }
0x2f4: {  	v5 =	vld [tilespmem:s18+$0xFFFFFE10]  }
0x2f5: {  	s28 =	simm.s32 $0x29;
	v6 =	vld [tilespmem:s18+$0xFFFFFE20]  }
0x2f6: {  	v3 =	vmov s28;
	v7 =	vld [tilespmem:s18+$0xFFFFFE30]  }
0x2f7: {  	v2 =	vld.idx.msk [tilespmem:v2+s15+$0x0], $0xffff;
	v3 =	vand.u32 $0xFFFFFFFD, v3  }
0x2f8: {  	v8 =	vld [tilespmem:s18+$0xFFFFFE40];
	v3 =	vbroadcast v3, $0x0  }
0x2f9: {  	v9 =	vld [tilespmem:s18+$0xFFFFFE50]  }
0x2fa: {  	v10 =	vld [tilespmem:s18+$0xFFFFFE60]  }
0x2fb: {  	v11 =	vld [tilespmem:s18+$0xFFFFFE70];
	v5 =	vmul.f32 v5, v1  }
0x2fc: {  	v13 =	vld [tilespmem:s18+$0xFFFFFF50];
	v4 =	vmul.f32 v4, v2  }
0x2fd: {  	[tilespmem:s18+$0xFFFFFE10] =	vst v5;
	v5 =	vmul.f32 v6, v1;
	v6 =	vld [tilespmem:s18+$0xFFFFFE80]  }
0x2fe: {  	v3 =	vld.idx.msk [tilespmem:v3+s15+$0x0], $0xffff;
	[tilespmem:s18+$0xFFFFFF80] =	vst v4;
	v4 =	vmul.f32 v7, v1  }
0x2ff: {  	v7 =	vld [tilespmem:s18+$0xFFFFFE90];
	[tilespmem:s18+$0xFFFFFE20] =	vst v5;
	v5 =	vmul.f32 v8, v1  }
0x300: {  	v8 =	vld [tilespmem:s18+$0xFFFFFEA0];
	[tilespmem:s18+$0xFFFFFE30] =	vst v4;
	v4 =	vmul.f32 v9, v1  }
0x301: {  	v9 =	vld [tilespmem:s18+$0xFFFFFEB0];
	[tilespmem:s18+$0xFFFFFE40] =	vst v5;
	v5 =	vmul.f32 v10, v1  }
0x302: {  	v10 =	vld [tilespmem:s18+$0xFFFFFEC0];
	[tilespmem:s18+$0xFFFFFE50] =	vst v4;
	v4 =	vmul.f32 v11, v1  }
0x303: {  	v11 =	vld [tilespmem:s18+$0xFFFFFED0];
	v6 =	vmul.f32 v6, v1;
	[tilespmem:s18+$0xFFFFFE60] =	vst v5  }
0x304: {  	v5 =	vmul.f32 v7, v3;
	v7 =	vld [tilespmem:s18+$0xFFFFFEE0];
	[tilespmem:s18+$0xFFFFFE70] =	vst v4  }
0x305: {  	s13 =	simm.s32 $0x2B;
	v4 =	vld [tilespmem:s18+$0xFFFFFEF0];
	v8 =	vmul.f32 v8, v3;
	[tilespmem:s18+$0xFFFFFE80] =	vst v6  }
0x306: {  	v12 =	vmov s13;
	v6 =	vld [tilespmem:s18+$0xFFFFFF00];
	[tilespmem:s18+$0xFFFFFE90] =	vst v5;
	v5 =	vmul.f32 v9, v3  }
0x307: {  	v9 =	vld [tilespmem:s18+$0xFFFFFF10];
	[tilespmem:s18+$0xFFFFFEA0] =	vst v8;
	v8 =	vmul.f32 v10, v3  }
0x308: {  	v10 =	vld [tilespmem:s18+$0xFFFFFF20];
	[tilespmem:s18+$0xFFFFFEB0] =	vst v5;
	v5 =	vmul.f32 v11, v3  }
0x309: {  	[tilespmem:s18+$0xFFFFFEC0] =	vst v8;
	v7 =	vmul.f32 v7, v3;
	v8 =	vld [tilespmem:s18+$0xFFFFFF30]  }
0x30a: {  	v11 =	vld [tilespmem:s18+$0xFFFFFF40];
	[tilespmem:s18+$0xFFFFFED0] =	vst v5;
	v4 =	vmul.f32 v4, v3  }
0x30b: {  	v1 =	vld.idx.msk [tilespmem:v12+s15+$0x0], $0xffff;
	v3 =	vmul.f32 v6, v3;
	[tilespmem:s18+$0xFFFFFEE0] =	vst v7  }
0x30c: {  	v5 =	vmul.f32 v9, v2;
	[tilespmem:s18+$0xFFFFFEF0] =	vst v4;
	v4 =	vld [tilespmem:s18+$0xFFFFFF60]  }
0x30d: {  	s14 =	simm.s32 $0x2C;
	[tilespmem:s18+$0xFFFFFF00] =	vst v3;
	v6 =	vmul.f32 v10, v2;
	v3 =	vld [tilespmem:s18+$0xFFFFFF70]  }
0x30e: {  	s25 =	simm.s32 $0x2F;
	v7 =	vmov s14;
	[tilespmem:s18+$0xFFFFFF10] =	vst v5;
	v9 =	vmul.f32 v8, v2;
	v8 =	vld [tilespmem:s18+$0xFFFFFF90]  }
0x30f: {  	s28 =	simm.s32 $0x2D;
	v12 =	vand.u32 $0xFFFFFFFC, v7;
	v7 =	vld [tilespmem:s18+$0xFFFFFFA0];
	v5 =	vmov s25;
	v10 =	vmul.f32 v11, v2;
	[tilespmem:s18+$0xFFFFFF20] =	vst v6  }
0x310: {  	s13 =	simm.s32 $0x9070;
	s14 =	simm.s32 $0x30;
	s25 =	simm.s32 $0x2E;
	v11 =	vmul.f32 v13, v2;
	v6 =	vbroadcast v12, $0x0;
	v12 =	vmov s28;
	[tilespmem:s18+$0xFFFFFF30] =	vst v9;
	v9 =	vld [tilespmem:s18+$0xFFFFFFB0]  }
.LBB2_13:
0x311: {  	p1 =	slt.u32 s14, $0x4C;
	v12 =	vand.u32 $0xFFFFFFFD, v12;
	v13 =	vmov s25;
	[tilespmem:s18+$0xFFFFFF40] =	vst v10;
	v4 =	vmul.f32 v4, v2;
	v10 =	vld [tilespmem:s18+$0xFFFFFFC0]  }
0x312: {  	v12 =	vbroadcast v12, $0x0;
	v13 =	vand.u32 $0xFFFFFFFE, v13;
	[tilespmem:s18+$0xFFFFFF50] =	vst v11;
	v2 =	vmul.f32 v3, v2;
	v3 =	vld [tilespmem:s18+$0xFFFFFFD0]  }
0x313: {  	v11 =	vbroadcast v13, $0x0;
	[tilespmem:s18+$0xFFFFFF60] =	vst v4;
	v4 =	vmul.f32 v8, v1;
	v8 =	vld [tilespmem:s18+$0xFFFFFFE0]  }
0x314: {  	[tilespmem:s18+$0xFFFFFF70] =	vst v2;
	v2 =	vmul.f32 v7, v1;
	v7 =	vld [tilespmem:s18+$0xFFFFFFF0]  }
0x315: {  	[tilespmem:s18+$0xFFFFFF90] =	vst v4;
	v4 =	vmul.f32 v9, v1;
	v9 =	vld [tilespmem:s18+$0x0]  }
0x316: {  	v5 =	vld.idx.msk [tilespmem:v5+s15+$0x0], $0xffff;
	[tilespmem:s18+$0xFFFFFFA0] =	vst v2;
	v2 =	vmul.f32 v10, v1  }
0x317: {  	v6 =	vld.idx.msk [tilespmem:v6+s15+$0x0], $0xffff;
	[tilespmem:s18+$0xFFFFFFB0] =	vst v4;
	v3 =	vmul.f32 v3, v1  }
0x318: {  	v4 =	vld.idx.msk [tilespmem:v12+s15+$0x0], $0xffff;
	[tilespmem:s18+$0xFFFFFFC0] =	vst v2;
	v8 =	vmul.f32 v8, v1  }
0x319: {  	s18 =	sadd.s32 $0x200, s18;
	v2 =	vld.idx.msk [tilespmem:v11+s15+$0x0], $0xffff;
	[tilespmem:s13+$0xFFFFFFD0] =	vst v3;
	v3 =	vmul.f32 v7, v1  }
0x31a: {  	v7 =	vld [tilespmem:s18+$0xFFFFFF80];
	[tilespmem:s13+$0xFFFFFFE0] =	vst v8;
	v9 =	vmul.f32 v9, v1  }
0x31b: {  	v8 =	vld [tilespmem:s18+$0xFFFFFE10];
	[tilespmem:s13+$0xFFFFFFF0] =	vst v3  }
0x31c: {  	v1 =	vmov v5;
	v3 =	vld [tilespmem:s18+$0xFFFFFE20];
	[tilespmem:s13+$0x0] =	vst v9;
	s13 =	smov.u32 s18  }
0x31d: {  	v5 =	vld [tilespmem:s18+$0xFFFFFE30]  }
0x31e: {  	v9 =	vld [tilespmem:s18+$0xFFFFFE40]  }
0x31f: {  	v10 =	vld [tilespmem:s18+$0xFFFFFE50];
	v7 =	vmul.f32 v7, v2  }
0x320: {  	v8 =	vmul.f32 v8, v6;
	v11 =	vld [tilespmem:s18+$0xFFFFFE60]  }
0x321: {  	v3 =	vmul.f32 v3, v6;
	v12 =	vld [tilespmem:s18+$0xFFFFFE70];
	[tilespmem:s18+$0xFFFFFF80] =	vst v7  }
0x322: {  	[tilespmem:s18+$0xFFFFFE10] =	vst v8;
	v5 =	vmul.f32 v5, v6;
	v7 =	vld [tilespmem:s18+$0xFFFFFE80]  }
0x323: {  	[tilespmem:s18+$0xFFFFFE20] =	vst v3;
	v3 =	vmul.f32 v9, v6;
	v8 =	vld [tilespmem:s18+$0xFFFFFE90]  }
0x324: {  	[tilespmem:s18+$0xFFFFFE30] =	vst v5;
	v5 =	vmul.f32 v10, v6;
	v9 =	vld [tilespmem:s18+$0xFFFFFEA0]  }
0x325: {  	[tilespmem:s18+$0xFFFFFE40] =	vst v3;
	v3 =	vmul.f32 v11, v6;
	v10 =	vld [tilespmem:s18+$0xFFFFFEB0]  }
0x326: {  	[tilespmem:s18+$0xFFFFFE50] =	vst v5;
	v5 =	vmul.f32 v12, v6;
	v11 =	vld [tilespmem:s18+$0xFFFFFEC0]  }
0x327: {  	[tilespmem:s18+$0xFFFFFE60] =	vst v3;
	v3 =	vmul.f32 v7, v6;
	v6 =	vld [tilespmem:s18+$0xFFFFFED0]  }
0x328: {  	[tilespmem:s18+$0xFFFFFE70] =	vst v5;
	v5 =	vmul.f32 v8, v4;
	v7 =	vld [tilespmem:s18+$0xFFFFFEE0]  }
0x329: {  	[tilespmem:s18+$0xFFFFFE80] =	vst v3;
	v3 =	vmul.f32 v9, v4;
	v8 =	vld [tilespmem:s18+$0xFFFFFEF0]  }
0x32a: {  	[tilespmem:s18+$0xFFFFFE90] =	vst v5;
	v5 =	vmul.f32 v10, v4;
	v9 =	vld [tilespmem:s18+$0xFFFFFF00]  }
0x32b: {  	[tilespmem:s18+$0xFFFFFEA0] =	vst v3;
	v3 =	vmul.f32 v11, v4;
	v10 =	vld [tilespmem:s18+$0xFFFFFF10]  }
0x32c: {  	[tilespmem:s18+$0xFFFFFEB0] =	vst v5;
	v5 =	vmul.f32 v6, v4;
	v6 =	vld [tilespmem:s18+$0xFFFFFF20]  }
0x32d: {  	[tilespmem:s18+$0xFFFFFEC0] =	vst v3;
	v3 =	vmul.f32 v7, v4;
	v7 =	vld [tilespmem:s18+$0xFFFFFF30]  }
0x32e: {  	[tilespmem:s18+$0xFFFFFED0] =	vst v5;
	v5 =	vmul.f32 v8, v4;
	v11 =	vld [tilespmem:s18+$0xFFFFFF40]  }
0x32f: {  	[tilespmem:s18+$0xFFFFFEE0] =	vst v3;
	v3 =	vmul.f32 v9, v4;
	v9 =	vld [tilespmem:s18+$0xFFFFFF50]  }
.Ltmp5:
0x330: {  	[tilespmem:s18+$0xFFFFFEF0] =	vst v5;
	v5 =	vmul.f32 v10, v2;
	v4 =	vld [tilespmem:s18+$0xFFFFFF60];
	(pc) =	sbr.rel @p1 .LBB2_13-.Ltmp5, $4  }
0x331: {  	[tilespmem:s18+$0xFFFFFF00] =	vst v3;
	v6 =	vmul.f32 v6, v2;
	v3 =	vld [tilespmem:s18+$0xFFFFFF70]  }
0x332: {  	s4 =	sadd.s32 $0x3, s14;
	v10 =	vmov s14;
	[tilespmem:s18+$0xFFFFFF10] =	vst v5;
	v13 =	vmul.f32 v7, v2;
	v8 =	vld [tilespmem:s18+$0xFFFFFF90]  }
0x333: {  	s25 =	sadd.s32 $0x1, s14;
	v12 =	vand.u32 $0xFFFFFFFC, v10;
	v5 =	vmov s4;
	[tilespmem:s18+$0xFFFFFF20] =	vst v6;
	v10 =	vmul.f32 v11, v2;
	v7 =	vld [tilespmem:s18+$0xFFFFFFA0]  }
0x334: {  	v6 =	vbroadcast v12, $0x0;
	v12 =	vmov s25;
	s25 =	sadd.s32 $0x2, s14;
	s14 =	sadd.s32 $0x4, s14;
	[tilespmem:s18+$0xFFFFFF30] =	vst v13;
	v11 =	vmul.f32 v9, v2;
	v9 =	vld [tilespmem:s18+$0xFFFFFFB0]  }
0x335: {  	v13 =	vld [tilespmem:s18+$0xFFFFFFC0]  }
0x336: {  	v15 =	vld [tilespmem:s18+$0xFFFFFFD0]  }
0x337: {  	v16 =	vld [tilespmem:s18+$0xFFFFFFE0]  }
0x338: {  	v17 =	vld [tilespmem:s18+$0xFFFFFFF0]  }
0x339: {  	v29 =	vld [tilespmem:s18+$0x0];
	[tilespmem:s18+$0xFFFFFF40] =	vst v10;
	v4 =	vmul.f32 v4, v2  }
0x33a: {  	v5 =	vld.idx.msk [tilespmem:v5+s15+$0x0], $0xffff;
	[tilespmem:s18+$0xFFFFFF50] =	vst v11;
	v2 =	vmul.f32 v3, v2  }
0x33b: {  	s14 =	sadd.s32 $0x200, s18;
	v3 =	vld.idx.msk [tilespmem:v6+s15+$0x0], $0xffff;
	v8 =	vmul.f32 v8, v1;
	[tilespmem:s18+$0xFFFFFF60] =	vst v4  }
0x33c: {  	v14 =	vmov s25;
	v34 =	vld [tilespmem:s14+$0xFFFFFF80];
	v30 =	vmul.f32 v7, v1;
	[tilespmem:s18+$0xFFFFFF70] =	vst v2  }
0x33d: {  	v14 =	vand.u32 $0xFFFFFFFE, v14;
	v35 =	vld [tilespmem:s14+$0xFFFFFE10];
	[tilespmem:s18+$0xFFFFFF90] =	vst v8;
	v2 =	vmul.f32 v9, v1  }
0x33e: {  	v37 =	vld [tilespmem:s14+$0xFFFFFE20];
	v14 =	vbroadcast v14, $0x0;
	[tilespmem:s18+$0xFFFFFFA0] =	vst v30;
	v33 =	vmul.f32 v13, v1  }
0x33f: {  	v38 =	vld [tilespmem:s14+$0xFFFFFE30];
	[tilespmem:s18+$0xFFFFFFB0] =	vst v2;
	v2 =	vmul.f32 v15, v1  }
0x340: {  	v12 =	vand.u32 $0xFFFFFFFD, v12;
	v39 =	vld [tilespmem:s14+$0xFFFFFE40];
	v36 =	vmul.f32 v16, v1;
	[tilespmem:s18+$0xFFFFFFC0] =	vst v33  }
0x341: {  	v12 =	vbroadcast v12, $0x0;
	v41 =	vld [tilespmem:s14+$0xFFFFFE60];
	[tilespmem:s13+$0xFFFFFFD0] =	vst v2;
	v2 =	vmul.f32 v17, v1  }
0x342: {  	v43 =	vld [tilespmem:s14+$0xFFFFFE70];
	[tilespmem:s13+$0xFFFFFFE0] =	vst v36;
	v1 =	vmul.f32 v29, v1  }
0x343: {  	v42 =	vmul.f32 v37, v3;
	[tilespmem:s13+$0xFFFFFFF0] =	vst v2;
	v2 =	vld [tilespmem:s14+$0xFFFFFE50]  }
0x344: {  	v32 =	vld.idx.msk [tilespmem:v14+s15+$0x0], $0xffff;
	[tilespmem:s13+$0x0] =	vst v1;
	v1 =	vmul.f32 v35, v3  }
0x345: {  	v44 =	vld [tilespmem:s14+$0xFFFFFE80];
	v4 =	vmul.f32 v39, v3;
	[tilespmem:s14+$0xFFFFFE20] =	vst v42  }
0x346: {  	v45 =	vld [tilespmem:s14+$0xFFFFFE90];
	[tilespmem:s14+$0xFFFFFE10] =	vst v1;
	v1 =	vmul.f32 v38, v3  }
0x347: {  	v46 =	vmul.f32 v41, v3;
	v31 =	vld.idx.msk [tilespmem:v12+s15+$0x0], $0xffff;
	[tilespmem:s14+$0xFFFFFE40] =	vst v4  }
0x348: {  	[tilespmem:s14+$0xFFFFFE30] =	vst v1;
	v1 =	vmul.f32 v2, v3;
	v2 =	vld [tilespmem:s14+$0xFFFFFEA0]  }
0x349: {  	v47 =	vld [tilespmem:s14+$0xFFFFFEB0];
	[tilespmem:s14+$0xFFFFFE60] =	vst v46;
	v40 =	vmul.f32 v34, v32  }
0x34a: {  	v48 =	vld [tilespmem:s14+$0xFFFFFEC0];
	[tilespmem:s14+$0xFFFFFE50] =	vst v1;
	v1 =	vmul.f32 v43, v3  }
0x34b: {  	v49 =	vld [tilespmem:s14+$0xFFFFFED0];
	[tilespmem:s14+$0xFFFFFF80] =	vst v40;
	v3 =	vmul.f32 v44, v3  }
0x34c: {  	v50 =	vld [tilespmem:s14+$0xFFFFFEE0];
	[tilespmem:s14+$0xFFFFFE70] =	vst v1;
	v1 =	vmul.f32 v45, v31  }
0x34d: {  	[tilespmem:s14+$0xFFFFFE80] =	vst v3;
	v3 =	vld [tilespmem:s14+$0xFFFFFEF0];
	v2 =	vmul.f32 v2, v31  }
0x34e: {  	v51 =	vld [tilespmem:s14+$0xFFFFFF00];
	[tilespmem:s14+$0xFFFFFE90] =	vst v1;
	v1 =	vmul.f32 v47, v31  }
0x34f: {  	v52 =	vld [tilespmem:s14+$0xFFFFFF10];
	[tilespmem:s14+$0xFFFFFEA0] =	vst v2;
	v2 =	vmul.f32 v48, v31  }
0x350: {  	v53 =	vld [tilespmem:s14+$0xFFFFFF20];
	[tilespmem:s14+$0xFFFFFEB0] =	vst v1;
	v1 =	vmul.f32 v49, v31  }
0x351: {  	v54 =	vld [tilespmem:s14+$0xFFFFFF30];
	[tilespmem:s14+$0xFFFFFEC0] =	vst v2;
	v2 =	vmul.f32 v50, v31  }
0x352: {  	[tilespmem:s14+$0xFFFFFED0] =	vst v1;
	v1 =	vmul.f32 v3, v31;
	v3 =	vld [tilespmem:s14+$0xFFFFFF40]  }
0x353: {  	v55 =	vld [tilespmem:s14+$0xFFFFFF50];
	[tilespmem:s14+$0xFFFFFEE0] =	vst v2;
	v2 =	vmul.f32 v51, v31  }
0x354: {  	v56 =	vld [tilespmem:s14+$0xFFFFFF60];
	[tilespmem:s14+$0xFFFFFEF0] =	vst v1;
	v1 =	vmul.f32 v52, v32  }
0x355: {  	v57 =	vld [tilespmem:s14+$0xFFFFFF70];
	[tilespmem:s14+$0xFFFFFF00] =	vst v2;
	v2 =	vmul.f32 v53, v32  }
0x356: {  	v58 =	vld [tilespmem:s14+$0xFFFFFF90];
	[tilespmem:s14+$0xFFFFFF10] =	vst v1;
	v1 =	vmul.f32 v54, v32  }
0x357: {  	[tilespmem:s14+$0xFFFFFF20] =	vst v2;
	v2 =	vmul.f32 v3, v32;
	v3 =	vld [tilespmem:s14+$0xFFFFFFA0]  }
0x358: {  	v59 =	vld [tilespmem:s14+$0xFFFFFFB0];
	[tilespmem:s14+$0xFFFFFF30] =	vst v1;
	v1 =	vmul.f32 v55, v32  }
0x359: {  	v60 =	vld [tilespmem:s14+$0xFFFFFFC0];
	[tilespmem:s14+$0xFFFFFF40] =	vst v2;
	v2 =	vmul.f32 v56, v32  }
0x35a: {  	v61 =	vld [tilespmem:s14+$0xFFFFFFD0];
	[tilespmem:s14+$0xFFFFFF50] =	vst v1;
	v1 =	vmul.f32 v57, v32  }
0x35b: {  	v62 =	vld [tilespmem:s14+$0xFFFFFFE0];
	[tilespmem:s14+$0xFFFFFF60] =	vst v2;
	v2 =	vmul.f32 v58, v5  }
0x35c: {  	[tilespmem:s14+$0xFFFFFF70] =	vst v1;
	v1 =	vmul.f32 v3, v5;
	v3 =	vld [tilespmem:s14+$0xFFFFFFF0]  }
0x35d: {  	v63 =	vld [tilespmem:s14+$0x0];
	[tilespmem:s14+$0xFFFFFF90] =	vst v2;
	v2 =	vmul.f32 v59, v5  }
0x35e: {  	[tilespmem:s14+$0xFFFFFFA0] =	vst v1;
	v1 =	vmul.f32 v60, v5  }
0x35f: {  	s7 =	sadd.s32 $0x1, s7;
	[tilespmem:s14+$0xFFFFFFB0] =	vst v2;
	v2 =	vmul.f32 v61, v5  }
0x360: {  	p1 =	sne.s32 s7, $0x3E;
	[tilespmem:s14+$0xFFFFFFC0] =	vst v1;
	v1 =	vmul.f32 v62, v5  }
.Ltmp6:
0x361: {  	[tilespmem:s14+$0xFFFFFFD0] =	vst v2;
	v2 =	vmul.f32 v3, v5;
	(pc) =	sbr.rel @p1 .LBB2_6-.Ltmp6, $4  }
0x362: {  	[tilespmem:s14+$0xFFFFFFE0] =	vst v1;
	v1 =	vmul.f32 v63, v5  }
0x363: {  	[tilespmem:s14+$0xFFFFFFF0] =	vst v2  }
0x364: {  	s4 =	simm.s32 $0x280;
	[tilespmem:s14+$0x0] =	vst v1  }
0x365: {  	[spmem:s2] =	stream.indirect.scatter.add.f32 [tilespmem:s12], [sflag:$0x6], $0x80, s4, s20, $0xb8;
	[tilespmem:$0x1DB00] =	vst v63  }
0x366: {  	v1 =	vld [tilespmem:$0x100]  }
0x367: {  	v2 =	vld [tilespmem:$0x0];
	_ =	sdelay $0x6  }
0x368: {  	v3 =	vld.idx.msk [tilespmem:v1+s26+$0x0], $0xffff  }
0x369: {  	v2 =	vld.idx.msk [tilespmem:v2+s26+$0x0], $0xffff;
	_ =	sdelay $0x3  }
0x36a: {  	v3 =	vshll.u32 v3, $0x10  }
0x36b: {  	v2 =	vshra.s32 v2, $0x10;
	v3 =	vshra.s32 v3, $0x10  }
0x36c: {  	v2 =	vcvt.s32.f32 v2;
	v3 =	vcvt.s32.f32 v3;
	_ =	sdelay $0x1  }
0x36d: {  	v2 =	vmul.f32 $4.882812500e-04, v2;
	v3 =	vmul.f32 $4.882812500e-04, v3;
	_ =	sdelay $0x1  }
0x36e: {  	v2 =	vadd.f32 v3, v2;
	_ =	sdelay $0x1  }
0x36f: {  	v3 =	vmul.f32 $2.000000030e-01, v2;
	_ =	sdelay $0x1  }
0x370: {  	v2 =	vmax.f32 v2, v3  }
0x371: {  	v2 =	vmul.f32 $1.442695020e+00, v2;
	_ =	sdelay $0x1  }
0x372: {  	(erf) = vpow2.f32 v2;
	_ =	sdelay $0x8  }
0x373: {  	v2 =	vpop (erf)  }
0x374: {  	[tilespmem:$0x5200] =	vst v2  }
0x375: {  	[tilespmem:v1+s10+$0x0] =	vst.idx.add.f32.msk $0xffff, v2  }
0x376: {  	v1 =	vld [tilespmem:$0x110]  }
0x377: {  	v2 =	vld [tilespmem:$0x10];
	_ =	sdelay $0x6  }
0x378: {  	v3 =	vld.idx.msk [tilespmem:v1+s26+$0x0], $0xffff  }
0x379: {  	v2 =	vld.idx.msk [tilespmem:v2+s26+$0x0], $0xffff;
	_ =	sdelay $0x3  }
0x37a: {  	v3 =	vshll.u32 v3, $0x10  }
0x37b: {  	v2 =	vshra.s32 v2, $0x10;
	v3 =	vshra.s32 v3, $0x10  }
0x37c: {  	v2 =	vcvt.s32.f32 v2;
	v3 =	vcvt.s32.f32 v3;
	_ =	sdelay $0x1  }
0x37d: {  	v2 =	vmul.f32 $4.882812500e-04, v2;
	v3 =	vmul.f32 $4.882812500e-04, v3;
	_ =	sdelay $0x1  }
0x37e: {  	v2 =	vadd.f32 v3, v2;
	_ =	sdelay $0x1  }
0x37f: {  	v3 =	vmul.f32 $2.000000030e-01, v2;
	_ =	sdelay $0x1  }
0x380: {  	v2 =	vmax.f32 v2, v3  }
0x381: {  	v2 =	vmul.f32 $1.442695020e+00, v2;
	_ =	sdelay $0x1  }
0x382: {  	(erf) = vpow2.f32 v2;
	_ =	sdelay $0x8  }
0x383: {  	v2 =	vpop (erf)  }
0x384: {  	[tilespmem:$0x5210] =	vst v2  }
0x385: {  	[tilespmem:v1+s10+$0x0] =	vst.idx.add.f32.msk $0xffff, v2  }
0x386: {  	v1 =	vld [tilespmem:$0x120]  }
0x387: {  	v2 =	vld [tilespmem:$0x20];
	_ =	sdelay $0x6  }
0x388: {  	v3 =	vld.idx.msk [tilespmem:v1+s26+$0x0], $0xffff  }
0x389: {  	v2 =	vld.idx.msk [tilespmem:v2+s26+$0x0], $0xffff;
	_ =	sdelay $0x3  }
0x38a: {  	v3 =	vshll.u32 v3, $0x10  }
0x38b: {  	v2 =	vshra.s32 v2, $0x10;
	v3 =	vshra.s32 v3, $0x10  }
0x38c: {  	v2 =	vcvt.s32.f32 v2;
	v3 =	vcvt.s32.f32 v3;
	_ =	sdelay $0x1  }
0x38d: {  	v2 =	vmul.f32 $4.882812500e-04, v2;
	v3 =	vmul.f32 $4.882812500e-04, v3;
	_ =	sdelay $0x1  }
0x38e: {  	v2 =	vadd.f32 v3, v2;
	_ =	sdelay $0x1  }
0x38f: {  	v3 =	vmul.f32 $2.000000030e-01, v2;
	_ =	sdelay $0x1  }
0x390: {  	v2 =	vmax.f32 v2, v3  }
0x391: {  	v2 =	vmul.f32 $1.442695020e+00, v2;
	_ =	sdelay $0x1  }
0x392: {  	(erf) = vpow2.f32 v2;
	_ =	sdelay $0x8  }
0x393: {  	v2 =	vpop (erf)  }
0x394: {  	[tilespmem:$0x5220] =	vst v2  }
0x395: {  	[tilespmem:v1+s10+$0x0] =	vst.idx.add.f32.msk $0xffff, v2  }
0x396: {  	v1 =	vld [tilespmem:$0x130]  }
0x397: {  	v2 =	vld [tilespmem:$0x30];
	_ =	sdelay $0x6  }
0x398: {  	v3 =	vld.idx.msk [tilespmem:v1+s26+$0x0], $0xffff  }
0x399: {  	v2 =	vld.idx.msk [tilespmem:v2+s26+$0x0], $0xffff;
	_ =	sdelay $0x3  }
0x39a: {  	v3 =	vshll.u32 v3, $0x10  }
0x39b: {  	v2 =	vshra.s32 v2, $0x10;
	v3 =	vshra.s32 v3, $0x10  }
0x39c: {  	v2 =	vcvt.s32.f32 v2;
	v3 =	vcvt.s32.f32 v3;
	_ =	sdelay $0x1  }
0x39d: {  	v2 =	vmul.f32 $4.882812500e-04, v2;
	v3 =	vmul.f32 $4.882812500e-04, v3;
	_ =	sdelay $0x1  }
0x39e: {  	v2 =	vadd.f32 v3, v2;
	_ =	sdelay $0x1  }
0x39f: {  	v3 =	vmul.f32 $2.000000030e-01, v2;
	_ =	sdelay $0x1  }
0x3a0: {  	v2 =	vmax.f32 v2, v3  }
0x3a1: {  	v2 =	vmul.f32 $1.442695020e+00, v2;
	_ =	sdelay $0x1  }
0x3a2: {  	(erf) = vpow2.f32 v2;
	_ =	sdelay $0x8  }
0x3a3: {  	v2 =	vpop (erf)  }
0x3a4: {  	[tilespmem:$0x5230] =	vst v2  }
0x3a5: {  	[tilespmem:v1+s10+$0x0] =	vst.idx.add.f32.msk $0xffff, v2  }
0x3a6: {  	v1 =	vld [tilespmem:$0x140]  }
0x3a7: {  	v2 =	vld [tilespmem:$0x40];
	_ =	sdelay $0x6  }
0x3a8: {  	v3 =	vld.idx.msk [tilespmem:v1+s26+$0x0], $0xffff  }
0x3a9: {  	v2 =	vld.idx.msk [tilespmem:v2+s26+$0x0], $0xffff;
	_ =	sdelay $0x3  }
0x3aa: {  	v3 =	vshll.u32 v3, $0x10  }
0x3ab: {  	v2 =	vshra.s32 v2, $0x10;
	v3 =	vshra.s32 v3, $0x10  }
0x3ac: {  	v2 =	vcvt.s32.f32 v2;
	v3 =	vcvt.s32.f32 v3;
	_ =	sdelay $0x1  }
0x3ad: {  	v2 =	vmul.f32 $4.882812500e-04, v2;
	v3 =	vmul.f32 $4.882812500e-04, v3;
	_ =	sdelay $0x1  }
0x3ae: {  	v2 =	vadd.f32 v3, v2;
	_ =	sdelay $0x1  }
0x3af: {  	v3 =	vmul.f32 $2.000000030e-01, v2;
	_ =	sdelay $0x1  }
0x3b0: {  	v2 =	vmax.f32 v2, v3  }
0x3b1: {  	v2 =	vmul.f32 $1.442695020e+00, v2;
	_ =	sdelay $0x1  }
0x3b2: {  	(erf) = vpow2.f32 v2;
	_ =	sdelay $0x8  }
0x3b3: {  	v2 =	vpop (erf)  }
0x3b4: {  	[tilespmem:$0x5240] =	vst v2  }
0x3b5: {  	[tilespmem:v1+s10+$0x0] =	vst.idx.add.f32.msk $0xffff, v2  }
0x3b6: {  	v1 =	vld [tilespmem:$0x100]  }
0x3b7: {  	v2 =	vld [tilespmem:$0x110]  }
0x3b8: {  	v3 =	vld [tilespmem:$0x120]  }
0x3b9: {  	v4 =	vld [tilespmem:$0x130]  }
0x3ba: {  	v5 =	vld [tilespmem:$0x140]  }
0x3bb: {  	[tilespmem:$0x200] =	vst v1  }
0x3bc: {  	[tilespmem:$0x210] =	vst v2  }
0x3bd: {  	[tilespmem:$0x220] =	vst v3  }
0x3be: {  	[tilespmem:$0x230] =	vst v4  }
0x3bf: {  	s14 =	simm.s32 $0x6;
	[tilespmem:$0x240] =	vst v5  }
0x3c0: {  	_ =	swait.ge [sflag:s14], $0x2800  }
0x3c1: {  	s4 =	simm.s32 $0x0;
	[sflag:s14] =	ssyncset.done $0x0  }
0x3c2: {  	s13 =	simm.s32 $0x2;
	v1 =	vmov s4;
	[sflag:s14] =	ssyncadd.s32 $0xFFFFD800  }
0x3c3: {  	v2 =	vmov s13;
	v1 =	vand.u32 $0xFFFFFFFC, v1;
	_ =	swait.ge [sflag:s30], $0x1400  }
0x3c4: {  	v2 =	vand.u32 $0xFFFFFFFE, v2;
	v1 =	vbroadcast v1, $0x0;
	[sflag:s30] =	ssyncset.done $0x0  }
0x3c5: {  	s7 =	simm.s32 $0x5380;
	v2 =	vbroadcast v2, $0x0;
	[sflag:s30] =	ssyncadd.s32 $0xFFFFEC00  }
0x3c6: {  	v4 =	vld [tilespmem:s7+$0x70]  }
0x3c7: {  	v5 =	vld [tilespmem:s7+$0xFFFFFF00]  }
0x3c8: {  	s17 =	simm.s32 $0x1;
	v6 =	vld [tilespmem:s7+$0xFFFFFF10]  }
0x3c9: {  	v3 =	vmov s17;
	v7 =	vld [tilespmem:s7+$0xFFFFFF20]  }
0x3ca: {  	v3 =	vand.u32 $0xFFFFFFFD, v3;
	v1 =	vld.idx.msk [tilespmem:v1+s15+$0x0], $0xffff  }
0x3cb: {  	v3 =	vbroadcast v3, $0x0;
	v2 =	vld.idx.msk [tilespmem:v2+s15+$0x0], $0xffff  }
0x3cc: {  	v8 =	vld [tilespmem:s7+$0xFFFFFF30]  }
0x3cd: {  	v9 =	vld [tilespmem:s7+$0xFFFFFF40]  }
0x3ce: {  	v10 =	vld [tilespmem:s7+$0xFFFFFF50]  }
0x3cf: {  	v11 =	vld [tilespmem:s7+$0xFFFFFF60];
	v5 =	vmul.f32 v5, v1  }
0x3d0: {  	v13 =	vld [tilespmem:s7+$0x40];
	v4 =	vmul.f32 v4, v2  }
0x3d1: {  	v3 =	vld.idx.msk [tilespmem:v3+s15+$0x0], $0xffff;
	[tilespmem:s7+$0xFFFFFF00] =	vst v5;
	v5 =	vmul.f32 v6, v1  }
0x3d2: {  	v6 =	vld [tilespmem:s7+$0xFFFFFF70];
	[tilespmem:s7+$0x70] =	vst v4;
	v4 =	vmul.f32 v7, v1  }
0x3d3: {  	v7 =	vld [tilespmem:s7+$0xFFFFFF80];
	[tilespmem:s7+$0xFFFFFF10] =	vst v5;
	v5 =	vmul.f32 v8, v1  }
0x3d4: {  	v8 =	vld [tilespmem:s7+$0xFFFFFF90];
	[tilespmem:s7+$0xFFFFFF20] =	vst v4;
	v4 =	vmul.f32 v9, v1  }
0x3d5: {  	v9 =	vld [tilespmem:s7+$0xFFFFFFA0];
	[tilespmem:s7+$0xFFFFFF30] =	vst v5;
	v5 =	vmul.f32 v10, v1  }
0x3d6: {  	v10 =	vld [tilespmem:s7+$0xFFFFFFB0];
	[tilespmem:s7+$0xFFFFFF40] =	vst v4;
	v4 =	vmul.f32 v11, v1  }
0x3d7: {  	v11 =	vld [tilespmem:s7+$0xFFFFFFC0];
	v6 =	vmul.f32 v6, v1;
	[tilespmem:s7+$0xFFFFFF50] =	vst v5  }
0x3d8: {  	v5 =	vmul.f32 v7, v3;
	v7 =	vld [tilespmem:s7+$0xFFFFFFD0];
	[tilespmem:s7+$0xFFFFFF60] =	vst v4  }
0x3d9: {  	s18 =	simm.s32 $0x3;
	v4 =	vld [tilespmem:s7+$0xFFFFFFE0];
	v8 =	vmul.f32 v8, v3;
	[tilespmem:s7+$0xFFFFFF70] =	vst v6  }
0x3da: {  	v12 =	vmov s18;
	v6 =	vld [tilespmem:s7+$0xFFFFFFF0];
	[tilespmem:s7+$0xFFFFFF80] =	vst v5;
	v5 =	vmul.f32 v9, v3  }
0x3db: {  	v9 =	vld [tilespmem:s7+$0x0];
	[tilespmem:s7+$0xFFFFFF90] =	vst v8;
	v8 =	vmul.f32 v10, v3  }
0x3dc: {  	v10 =	vld [tilespmem:s7+$0x10];
	[tilespmem:s7+$0xFFFFFFA0] =	vst v5;
	v5 =	vmul.f32 v11, v3  }
0x3dd: {  	[tilespmem:s7+$0xFFFFFFB0] =	vst v8;
	v7 =	vmul.f32 v7, v3;
	v8 =	vld [tilespmem:s7+$0x20]  }
0x3de: {  	v11 =	vld [tilespmem:s7+$0x30];
	v4 =	vmul.f32 v4, v3;
	[tilespmem:s7+$0xFFFFFFC0] =	vst v5  }
0x3df: {  	v1 =	vld.idx.msk [tilespmem:v12+s15+$0x0], $0xffff;
	v3 =	vmul.f32 v6, v3;
	[tilespmem:s7+$0xFFFFFFD0] =	vst v7  }
0x3e0: {  	[tilespmem:s7+$0xFFFFFFE0] =	vst v4;
	v5 =	vmul.f32 v9, v2;
	v4 =	vld [tilespmem:s7+$0x50]  }
0x3e1: {  	s25 =	simm.s32 $0x4;
	[tilespmem:s7+$0xFFFFFFF0] =	vst v3;
	v6 =	vmul.f32 v10, v2;
	v3 =	vld [tilespmem:s7+$0x60]  }
0x3e2: {  	s28 =	simm.s32 $0x7;
	v7 =	vmov s25;
	[tilespmem:s7+$0x0] =	vst v5;
	v9 =	vmul.f32 v8, v2;
	v8 =	vld [tilespmem:s7+$0x80]  }
0x3e3: {  	s13 =	simm.s32 $0x5;
	v12 =	vand.u32 $0xFFFFFFFC, v7;
	v7 =	vld [tilespmem:s7+$0x90];
	v5 =	vmov s28;
	v10 =	vmul.f32 v11, v2;
	[tilespmem:s7+$0x10] =	vst v6  }
0x3e4: {  	s17 =	simm.s32 $0x6;
	s14 =	simm.s32 $0x8;
	v11 =	vmul.f32 v13, v2;
	v6 =	vbroadcast v12, $0x0;
	v12 =	vmov s13;
	s13 =	simm.s32 $0x5380;
	[tilespmem:s7+$0x20] =	vst v9;
	v9 =	vld [tilespmem:s7+$0xA0]  }
.LBB2_16:
0x3e5: {  	p1 =	slt.u32 s14, $0x24;
	v12 =	vand.u32 $0xFFFFFFFD, v12;
	v13 =	vmov s17;
	[tilespmem:s7+$0x30] =	vst v10;
	v4 =	vmul.f32 v4, v2;
	v10 =	vld [tilespmem:s7+$0xB0]  }
0x3e6: {  	v12 =	vbroadcast v12, $0x0;
	v13 =	vand.u32 $0xFFFFFFFE, v13;
	[tilespmem:s7+$0x40] =	vst v11;
	v2 =	vmul.f32 v3, v2;
	v3 =	vld [tilespmem:s7+$0xC0]  }
0x3e7: {  	v11 =	vbroadcast v13, $0x0;
	[tilespmem:s7+$0x50] =	vst v4;
	v4 =	vmul.f32 v8, v1;
	v8 =	vld [tilespmem:s7+$0xD0]  }
0x3e8: {  	[tilespmem:s7+$0x60] =	vst v2;
	v2 =	vmul.f32 v7, v1;
	v7 =	vld [tilespmem:s7+$0xE0]  }
0x3e9: {  	[tilespmem:s7+$0x80] =	vst v4;
	v4 =	vmul.f32 v9, v1;
	v9 =	vld [tilespmem:s7+$0xF0]  }
0x3ea: {  	v5 =	vld.idx.msk [tilespmem:v5+s15+$0x0], $0xffff;
	[tilespmem:s7+$0x90] =	vst v2;
	v2 =	vmul.f32 v10, v1  }
0x3eb: {  	v6 =	vld.idx.msk [tilespmem:v6+s15+$0x0], $0xffff;
	[tilespmem:s7+$0xA0] =	vst v4;
	v3 =	vmul.f32 v3, v1  }
0x3ec: {  	v4 =	vld.idx.msk [tilespmem:v12+s15+$0x0], $0xffff;
	[tilespmem:s7+$0xB0] =	vst v2;
	v8 =	vmul.f32 v8, v1  }
0x3ed: {  	s7 =	sadd.s32 $0x200, s7;
	v2 =	vld.idx.msk [tilespmem:v11+s15+$0x0], $0xffff;
	[tilespmem:s13+$0xC0] =	vst v3;
	v3 =	vmul.f32 v7, v1  }
0x3ee: {  	v7 =	vld [tilespmem:s7+$0x70];
	[tilespmem:s13+$0xD0] =	vst v8;
	v9 =	vmul.f32 v9, v1  }
0x3ef: {  	v8 =	vld [tilespmem:s7+$0xFFFFFF00];
	[tilespmem:s13+$0xE0] =	vst v3  }
0x3f0: {  	v1 =	vmov v5;
	v3 =	vld [tilespmem:s7+$0xFFFFFF10];
	[tilespmem:s13+$0xF0] =	vst v9;
	s13 =	smov.u32 s7  }
0x3f1: {  	v5 =	vld [tilespmem:s7+$0xFFFFFF20]  }
0x3f2: {  	v9 =	vld [tilespmem:s7+$0xFFFFFF30]  }
0x3f3: {  	v10 =	vld [tilespmem:s7+$0xFFFFFF40];
	v7 =	vmul.f32 v7, v2  }
0x3f4: {  	v8 =	vmul.f32 v8, v6;
	v11 =	vld [tilespmem:s7+$0xFFFFFF50]  }
0x3f5: {  	v3 =	vmul.f32 v3, v6;
	v12 =	vld [tilespmem:s7+$0xFFFFFF60];
	[tilespmem:s7+$0x70] =	vst v7  }
0x3f6: {  	[tilespmem:s7+$0xFFFFFF00] =	vst v8;
	v5 =	vmul.f32 v5, v6;
	v7 =	vld [tilespmem:s7+$0xFFFFFF70]  }
0x3f7: {  	[tilespmem:s7+$0xFFFFFF10] =	vst v3;
	v3 =	vmul.f32 v9, v6;
	v8 =	vld [tilespmem:s7+$0xFFFFFF80]  }
0x3f8: {  	[tilespmem:s7+$0xFFFFFF20] =	vst v5;
	v5 =	vmul.f32 v10, v6;
	v9 =	vld [tilespmem:s7+$0xFFFFFF90]  }
0x3f9: {  	[tilespmem:s7+$0xFFFFFF30] =	vst v3;
	v3 =	vmul.f32 v11, v6;
	v10 =	vld [tilespmem:s7+$0xFFFFFFA0]  }
0x3fa: {  	[tilespmem:s7+$0xFFFFFF40] =	vst v5;
	v5 =	vmul.f32 v12, v6;
	v11 =	vld [tilespmem:s7+$0xFFFFFFB0]  }
0x3fb: {  	[tilespmem:s7+$0xFFFFFF50] =	vst v3;
	v3 =	vmul.f32 v7, v6;
	v6 =	vld [tilespmem:s7+$0xFFFFFFC0]  }
0x3fc: {  	[tilespmem:s7+$0xFFFFFF60] =	vst v5;
	v5 =	vmul.f32 v8, v4;
	v7 =	vld [tilespmem:s7+$0xFFFFFFD0]  }
0x3fd: {  	[tilespmem:s7+$0xFFFFFF70] =	vst v3;
	v3 =	vmul.f32 v9, v4;
	v8 =	vld [tilespmem:s7+$0xFFFFFFE0]  }
0x3fe: {  	[tilespmem:s7+$0xFFFFFF80] =	vst v5;
	v5 =	vmul.f32 v10, v4;
	v9 =	vld [tilespmem:s7+$0xFFFFFFF0]  }
0x3ff: {  	[tilespmem:s7+$0xFFFFFF90] =	vst v3;
	v3 =	vmul.f32 v11, v4;
	v10 =	vld [tilespmem:s7+$0x0]  }
0x400: {  	[tilespmem:s7+$0xFFFFFFA0] =	vst v5;
	v5 =	vmul.f32 v6, v4;
	v6 =	vld [tilespmem:s7+$0x10]  }
0x401: {  	[tilespmem:s7+$0xFFFFFFB0] =	vst v3;
	v3 =	vmul.f32 v7, v4;
	v7 =	vld [tilespmem:s7+$0x20]  }
0x402: {  	[tilespmem:s7+$0xFFFFFFC0] =	vst v5;
	v5 =	vmul.f32 v8, v4;
	v11 =	vld [tilespmem:s7+$0x30]  }
0x403: {  	[tilespmem:s7+$0xFFFFFFD0] =	vst v3;
	v3 =	vmul.f32 v9, v4;
	v9 =	vld [tilespmem:s7+$0x40]  }
.Ltmp7:
0x404: {  	[tilespmem:s7+$0xFFFFFFE0] =	vst v5;
	v5 =	vmul.f32 v10, v2;
	v4 =	vld [tilespmem:s7+$0x50];
	(pc) =	sbr.rel @p1 .LBB2_16-.Ltmp7, $4  }
0x405: {  	[tilespmem:s7+$0xFFFFFFF0] =	vst v3;
	v6 =	vmul.f32 v6, v2;
	v3 =	vld [tilespmem:s7+$0x60]  }
0x406: {  	s4 =	sadd.s32 $0x3, s14;
	v10 =	vmov s14;
	[tilespmem:s7+$0x0] =	vst v5;
	v13 =	vmul.f32 v7, v2;
	v8 =	vld [tilespmem:s7+$0x80]  }
0x407: {  	s17 =	sadd.s32 $0x1, s14;
	v12 =	vand.u32 $0xFFFFFFFC, v10;
	v5 =	vmov s4;
	[tilespmem:s7+$0x10] =	vst v6;
	v10 =	vmul.f32 v11, v2;
	v7 =	vld [tilespmem:s7+$0x90]  }
0x408: {  	v6 =	vbroadcast v12, $0x0;
	v12 =	vmov s17;
	s17 =	sadd.s32 $0x2, s14;
	s14 =	sadd.s32 $0x4, s14;
	[tilespmem:s7+$0x20] =	vst v13;
	v11 =	vmul.f32 v9, v2;
	v9 =	vld [tilespmem:s7+$0xA0]  }
0x409: {  	v13 =	vld [tilespmem:s7+$0xB0]  }
0x40a: {  	v15 =	vld [tilespmem:s7+$0xC0]  }
0x40b: {  	v14 =	vmov s17;
	v16 =	vld [tilespmem:s7+$0xD0]  }
0x40c: {  	v17 =	vld [tilespmem:s7+$0xE0];
	[tilespmem:s7+$0x30] =	vst v10;
	v4 =	vmul.f32 v4, v2;
	v14 =	vand.u32 $0xFFFFFFFE, v14  }
0x40d: {  	v12 =	vand.u32 $0xFFFFFFFD, v12;
	v5 =	vld.idx.msk [tilespmem:v5+s15+$0x0], $0xffff;
	[tilespmem:s7+$0x40] =	vst v11;
	v2 =	vmul.f32 v3, v2;
	v14 =	vbroadcast v14, $0x0  }
0x40e: {  	s14 =	sadd.s32 $0x200, s7;
	v12 =	vbroadcast v12, $0x0;
	v3 =	vld.idx.msk [tilespmem:v6+s15+$0x0], $0xffff;
	v8 =	vmul.f32 v8, v1;
	[tilespmem:s7+$0x50] =	vst v4  }
0x40f: {  	v10 =	vld [tilespmem:s14+$0xFFFFFF00];
	v4 =	vmul.f32 v7, v1;
	[tilespmem:s7+$0x60] =	vst v2  }
0x410: {  	[tilespmem:s7+$0x80] =	vst v8;
	v8 =	vld [tilespmem:s7+$0xF0];
	v2 =	vmul.f32 v9, v1  }
0x411: {  	v11 =	vld [tilespmem:s14+$0xFFFFFF10];
	[tilespmem:s7+$0x90] =	vst v4;
	v4 =	vmul.f32 v13, v1  }
0x412: {  	v9 =	vld [tilespmem:s14+$0x70];
	[tilespmem:s7+$0xA0] =	vst v2;
	v2 =	vmul.f32 v15, v1  }
0x413: {  	[tilespmem:s7+$0xB0] =	vst v4;
	v4 =	vmul.f32 v16, v1;
	v7 =	vld.idx.msk [tilespmem:v14+s15+$0x0], $0xffff  }
0x414: {  	v6 =	vld.idx.msk [tilespmem:v12+s15+$0x0], $0xffff;
	[tilespmem:s13+$0xC0] =	vst v2;
	v2 =	vmul.f32 v17, v1  }
0x415: {  	v12 =	vld [tilespmem:s14+$0xFFFFFF20];
	[tilespmem:s13+$0xD0] =	vst v4;
	v1 =	vmul.f32 v8, v1  }
0x416: {  	v4 =	vld [tilespmem:s14+$0xFFFFFF30];
	[tilespmem:s13+$0xE0] =	vst v2  }
0x417: {  	v2 =	vld [tilespmem:s14+$0xFFFFFF40];
	[tilespmem:s13+$0xF0] =	vst v1;
	v1 =	vmul.f32 v10, v3  }
0x418: {  	v8 =	vmul.f32 v9, v7;
	v9 =	vld [tilespmem:s14+$0xFFFFFF50]  }
0x419: {  	v10 =	vmul.f32 v11, v3;
	v11 =	vld [tilespmem:s14+$0xFFFFFF60];
	[tilespmem:s14+$0xFFFFFF00] =	vst v1  }
0x41a: {  	v1 =	vmul.f32 v12, v3;
	[tilespmem:s14+$0x70] =	vst v8;
	v8 =	vld [tilespmem:s14+$0xFFFFFF70]  }
0x41b: {  	[tilespmem:s14+$0xFFFFFF10] =	vst v10;
	v10 =	vld [tilespmem:s14+$0xFFFFFF80];
	v4 =	vmul.f32 v4, v3  }
0x41c: {  	[tilespmem:s14+$0xFFFFFF20] =	vst v1;
	v1 =	vmul.f32 v2, v3;
	v2 =	vld [tilespmem:s14+$0xFFFFFF90]  }
0x41d: {  	[tilespmem:s14+$0xFFFFFF30] =	vst v4;
	v4 =	vmul.f32 v9, v3;
	v9 =	vld [tilespmem:s14+$0xFFFFFFA0]  }
0x41e: {  	[tilespmem:s14+$0xFFFFFF40] =	vst v1;
	v1 =	vmul.f32 v11, v3;
	v11 =	vld [tilespmem:s14+$0xFFFFFFB0]  }
0x41f: {  	[tilespmem:s14+$0xFFFFFF50] =	vst v4;
	v3 =	vmul.f32 v8, v3;
	v4 =	vld [tilespmem:s14+$0xFFFFFFC0]  }
0x420: {  	[tilespmem:s14+$0xFFFFFF60] =	vst v1;
	v1 =	vmul.f32 v10, v6;
	v8 =	vld [tilespmem:s14+$0xFFFFFFD0]  }
0x421: {  	v2 =	vmul.f32 v2, v6;
	[tilespmem:s14+$0xFFFFFF70] =	vst v3;
	v3 =	vld [tilespmem:s14+$0xFFFFFFE0]  }
0x422: {  	[tilespmem:s14+$0xFFFFFF80] =	vst v1;
	v1 =	vmul.f32 v9, v6;
	v9 =	vld [tilespmem:s14+$0xFFFFFFF0]  }
0x423: {  	v10 =	vld [tilespmem:s14+$0x0];
	[tilespmem:s14+$0xFFFFFF90] =	vst v2;
	v2 =	vmul.f32 v11, v6  }
0x424: {  	[tilespmem:s14+$0xFFFFFFA0] =	vst v1;
	v1 =	vmul.f32 v4, v6;
	v4 =	vld [tilespmem:s14+$0x10]  }
0x425: {  	[tilespmem:s14+$0xFFFFFFB0] =	vst v2;
	v2 =	vmul.f32 v8, v6;
	v8 =	vld [tilespmem:s14+$0x20]  }
0x426: {  	[tilespmem:s14+$0xFFFFFFC0] =	vst v1;
	v1 =	vmul.f32 v3, v6;
	v3 =	vld [tilespmem:s14+$0x30]  }
0x427: {  	[tilespmem:s14+$0xFFFFFFD0] =	vst v2;
	v2 =	vmul.f32 v9, v6;
	v6 =	vld [tilespmem:s14+$0x40]  }
0x428: {  	v9 =	vld [tilespmem:s14+$0x50];
	[tilespmem:s14+$0xFFFFFFE0] =	vst v1;
	v1 =	vmul.f32 v10, v7  }
0x429: {  	[tilespmem:s14+$0xFFFFFFF0] =	vst v2;
	v2 =	vmul.f32 v4, v7;
	v4 =	vld [tilespmem:s14+$0x60]  }
0x42a: {  	[tilespmem:s14+$0x0] =	vst v1;
	v1 =	vmul.f32 v8, v7;
	v8 =	vld [tilespmem:s14+$0x80]  }
0x42b: {  	[tilespmem:s14+$0x10] =	vst v2;
	v2 =	vmul.f32 v3, v7;
	v3 =	vld [tilespmem:s14+$0x90]  }
0x42c: {  	[tilespmem:s14+$0x20] =	vst v1;
	v1 =	vmul.f32 v6, v7;
	v6 =	vld [tilespmem:s14+$0xA0]  }
0x42d: {  	[tilespmem:s14+$0x30] =	vst v2;
	v2 =	vmul.f32 v9, v7;
	v9 =	vld [tilespmem:s14+$0xB0]  }
0x42e: {  	[tilespmem:s14+$0x40] =	vst v1;
	v1 =	vmul.f32 v4, v7;
	v4 =	vld [tilespmem:s14+$0xC0]  }
0x42f: {  	v7 =	vld [tilespmem:s14+$0xD0];
	[tilespmem:s14+$0x50] =	vst v2;
	v2 =	vmul.f32 v8, v5  }
0x430: {  	[tilespmem:s14+$0x60] =	vst v1;
	v1 =	vmul.f32 v3, v5;
	v3 =	vld [tilespmem:s14+$0xE0]  }
0x431: {  	[tilespmem:s14+$0x80] =	vst v2;
	v2 =	vmul.f32 v6, v5;
	v6 =	vld [tilespmem:s14+$0xF0]  }
0x432: {  	[tilespmem:s14+$0x90] =	vst v1;
	v1 =	vmul.f32 v9, v5  }
0x433: {  	s4 =	simm.s32 $0x28;
	[tilespmem:s14+$0xA0] =	vst v2;
	v2 =	vmul.f32 v4, v5  }
0x434: {  	v4 =	vmov s4;
	[tilespmem:s14+$0xB0] =	vst v1;
	v1 =	vmul.f32 v7, v5  }
0x435: {  	[tilespmem:s14+$0xC0] =	vst v2;
	v2 =	vmul.f32 v3, v5;
	v3 =	vand.u32 $0xFFFFFFFC, v4  }
0x436: {  	[tilespmem:s14+$0xD0] =	vst v1;
	v1 =	vmul.f32 v6, v5;
	v3 =	vbroadcast v3, $0x0  }
0x437: {  	[tilespmem:s14+$0xE0] =	vst v2  }
0x438: {  	s13 =	simm.s32 $0x2A;
	[tilespmem:s14+$0xF0] =	vst v1  }
0x439: {  	v4 =	vmov s13;
	_ =	swait.ge [sflag:s19], $0x1400  }
0x43a: {  	v4 =	vand.u32 $0xFFFFFFFE, v4;
	[sflag:s19] =	ssyncset.done $0x0  }
0x43b: {  	v2 =	vbroadcast v4, $0x0;
	[sflag:s19] =	ssyncadd.s32 $0xFFFFEC00  }
0x43c: {  	s7 =	simm.s32 $0x6870;
	v1 =	vld.idx.msk [tilespmem:v3+s15+$0x0], $0xffff  }
0x43d: {  	v4 =	vld [tilespmem:s7+$0xFFFFFF80]  }
0x43e: {  	v5 =	vld [tilespmem:s7+$0xFFFFFE10]  }
0x43f: {  	s14 =	simm.s32 $0x29;
	v6 =	vld [tilespmem:s7+$0xFFFFFE20]  }
0x440: {  	v3 =	vmov s14;
	v7 =	vld [tilespmem:s7+$0xFFFFFE30]  }
0x441: {  	v2 =	vld.idx.msk [tilespmem:v2+s15+$0x0], $0xffff;
	v3 =	vand.u32 $0xFFFFFFFD, v3  }
0x442: {  	v8 =	vld [tilespmem:s7+$0xFFFFFE40];
	v3 =	vbroadcast v3, $0x0  }
0x443: {  	v9 =	vld [tilespmem:s7+$0xFFFFFE50]  }
0x444: {  	v10 =	vld [tilespmem:s7+$0xFFFFFE60]  }
0x445: {  	v11 =	vld [tilespmem:s7+$0xFFFFFE70];
	v5 =	vmul.f32 v5, v1  }
0x446: {  	v13 =	vld [tilespmem:s7+$0xFFFFFF50];
	v4 =	vmul.f32 v4, v2  }
0x447: {  	[tilespmem:s7+$0xFFFFFE10] =	vst v5;
	v5 =	vmul.f32 v6, v1;
	v6 =	vld [tilespmem:s7+$0xFFFFFE80]  }
0x448: {  	v3 =	vld.idx.msk [tilespmem:v3+s15+$0x0], $0xffff;
	[tilespmem:s7+$0xFFFFFF80] =	vst v4;
	v4 =	vmul.f32 v7, v1  }
0x449: {  	v7 =	vld [tilespmem:s7+$0xFFFFFE90];
	[tilespmem:s7+$0xFFFFFE20] =	vst v5;
	v5 =	vmul.f32 v8, v1  }
0x44a: {  	v8 =	vld [tilespmem:s7+$0xFFFFFEA0];
	[tilespmem:s7+$0xFFFFFE30] =	vst v4;
	v4 =	vmul.f32 v9, v1  }
0x44b: {  	v9 =	vld [tilespmem:s7+$0xFFFFFEB0];
	[tilespmem:s7+$0xFFFFFE40] =	vst v5;
	v5 =	vmul.f32 v10, v1  }
0x44c: {  	v10 =	vld [tilespmem:s7+$0xFFFFFEC0];
	[tilespmem:s7+$0xFFFFFE50] =	vst v4;
	v4 =	vmul.f32 v11, v1  }
0x44d: {  	v11 =	vld [tilespmem:s7+$0xFFFFFED0];
	v6 =	vmul.f32 v6, v1;
	[tilespmem:s7+$0xFFFFFE60] =	vst v5  }
0x44e: {  	v5 =	vmul.f32 v7, v3;
	v7 =	vld [tilespmem:s7+$0xFFFFFEE0];
	[tilespmem:s7+$0xFFFFFE70] =	vst v4  }
0x44f: {  	s17 =	simm.s32 $0x2B;
	v4 =	vld [tilespmem:s7+$0xFFFFFEF0];
	v8 =	vmul.f32 v8, v3;
	[tilespmem:s7+$0xFFFFFE80] =	vst v6  }
0x450: {  	v12 =	vmov s17;
	v6 =	vld [tilespmem:s7+$0xFFFFFF00];
	[tilespmem:s7+$0xFFFFFE90] =	vst v5;
	v5 =	vmul.f32 v9, v3  }
0x451: {  	v9 =	vld [tilespmem:s7+$0xFFFFFF10];
	[tilespmem:s7+$0xFFFFFEA0] =	vst v8;
	v8 =	vmul.f32 v10, v3  }
0x452: {  	v10 =	vld [tilespmem:s7+$0xFFFFFF20];
	[tilespmem:s7+$0xFFFFFEB0] =	vst v5;
	v5 =	vmul.f32 v11, v3  }
0x453: {  	[tilespmem:s7+$0xFFFFFEC0] =	vst v8;
	v7 =	vmul.f32 v7, v3;
	v8 =	vld [tilespmem:s7+$0xFFFFFF30]  }
0x454: {  	v11 =	vld [tilespmem:s7+$0xFFFFFF40];
	[tilespmem:s7+$0xFFFFFED0] =	vst v5;
	v4 =	vmul.f32 v4, v3  }
0x455: {  	v1 =	vld.idx.msk [tilespmem:v12+s15+$0x0], $0xffff;
	v3 =	vmul.f32 v6, v3;
	[tilespmem:s7+$0xFFFFFEE0] =	vst v7  }
0x456: {  	v5 =	vmul.f32 v9, v2;
	[tilespmem:s7+$0xFFFFFEF0] =	vst v4;
	v4 =	vld [tilespmem:s7+$0xFFFFFF60]  }
0x457: {  	s18 =	simm.s32 $0x2C;
	[tilespmem:s7+$0xFFFFFF00] =	vst v3;
	v6 =	vmul.f32 v10, v2;
	v3 =	vld [tilespmem:s7+$0xFFFFFF70]  }
0x458: {  	s25 =	simm.s32 $0x2F;
	v7 =	vmov s18;
	[tilespmem:s7+$0xFFFFFF10] =	vst v5;
	v9 =	vmul.f32 v8, v2;
	v8 =	vld [tilespmem:s7+$0xFFFFFF90]  }
0x459: {  	s28 =	simm.s32 $0x2D;
	s17 =	simm.s32 $0x2E;
	v12 =	vand.u32 $0xFFFFFFFC, v7;
	v7 =	vld [tilespmem:s7+$0xFFFFFFA0];
	v5 =	vmov s25;
	v10 =	vmul.f32 v11, v2;
	[tilespmem:s7+$0xFFFFFF20] =	vst v6  }
0x45a: {  	s13 =	simm.s32 $0x6870;
	s14 =	simm.s32 $0x30;
	s18 =	simm.s32 $0x9;
	v11 =	vmul.f32 v13, v2;
	v6 =	vbroadcast v12, $0x0;
	v12 =	vmov s28;
	[tilespmem:s7+$0xFFFFFF30] =	vst v9;
	v9 =	vld [tilespmem:s7+$0xFFFFFFB0]  }
.LBB2_18:
0x45b: {  	p1 =	slt.u32 s14, $0x4C;
	v12 =	vand.u32 $0xFFFFFFFD, v12;
	v13 =	vmov s17;
	[tilespmem:s7+$0xFFFFFF40] =	vst v10;
	v4 =	vmul.f32 v4, v2;
	v10 =	vld [tilespmem:s7+$0xFFFFFFC0]  }
0x45c: {  	v12 =	vbroadcast v12, $0x0;
	v13 =	vand.u32 $0xFFFFFFFE, v13;
	[tilespmem:s7+$0xFFFFFF50] =	vst v11;
	v2 =	vmul.f32 v3, v2;
	v3 =	vld [tilespmem:s7+$0xFFFFFFD0]  }
0x45d: {  	v11 =	vbroadcast v13, $0x0;
	[tilespmem:s7+$0xFFFFFF60] =	vst v4;
	v4 =	vmul.f32 v8, v1;
	v8 =	vld [tilespmem:s7+$0xFFFFFFE0]  }
0x45e: {  	[tilespmem:s7+$0xFFFFFF70] =	vst v2;
	v2 =	vmul.f32 v7, v1;
	v7 =	vld [tilespmem:s7+$0xFFFFFFF0]  }
0x45f: {  	[tilespmem:s7+$0xFFFFFF90] =	vst v4;
	v4 =	vmul.f32 v9, v1;
	v9 =	vld [tilespmem:s7+$0x0]  }
0x460: {  	v5 =	vld.idx.msk [tilespmem:v5+s15+$0x0], $0xffff;
	[tilespmem:s7+$0xFFFFFFA0] =	vst v2;
	v2 =	vmul.f32 v10, v1  }
0x461: {  	v6 =	vld.idx.msk [tilespmem:v6+s15+$0x0], $0xffff;
	[tilespmem:s7+$0xFFFFFFB0] =	vst v4;
	v3 =	vmul.f32 v3, v1  }
0x462: {  	v4 =	vld.idx.msk [tilespmem:v12+s15+$0x0], $0xffff;
	[tilespmem:s7+$0xFFFFFFC0] =	vst v2;
	v8 =	vmul.f32 v8, v1  }
0x463: {  	s7 =	sadd.s32 $0x200, s7;
	v2 =	vld.idx.msk [tilespmem:v11+s15+$0x0], $0xffff;
	[tilespmem:s13+$0xFFFFFFD0] =	vst v3;
	v3 =	vmul.f32 v7, v1  }
0x464: {  	v7 =	vld [tilespmem:s7+$0xFFFFFF80];
	[tilespmem:s13+$0xFFFFFFE0] =	vst v8;
	v9 =	vmul.f32 v9, v1  }
0x465: {  	v8 =	vld [tilespmem:s7+$0xFFFFFE10];
	[tilespmem:s13+$0xFFFFFFF0] =	vst v3  }
0x466: {  	v1 =	vmov v5;
	v3 =	vld [tilespmem:s7+$0xFFFFFE20];
	[tilespmem:s13+$0x0] =	vst v9;
	s13 =	smov.u32 s7  }
0x467: {  	v5 =	vld [tilespmem:s7+$0xFFFFFE30]  }
0x468: {  	v9 =	vld [tilespmem:s7+$0xFFFFFE40]  }
0x469: {  	v10 =	vld [tilespmem:s7+$0xFFFFFE50];
	v7 =	vmul.f32 v7, v2  }
0x46a: {  	v8 =	vmul.f32 v8, v6;
	v11 =	vld [tilespmem:s7+$0xFFFFFE60]  }
0x46b: {  	v3 =	vmul.f32 v3, v6;
	v12 =	vld [tilespmem:s7+$0xFFFFFE70];
	[tilespmem:s7+$0xFFFFFF80] =	vst v7  }
0x46c: {  	[tilespmem:s7+$0xFFFFFE10] =	vst v8;
	v5 =	vmul.f32 v5, v6;
	v7 =	vld [tilespmem:s7+$0xFFFFFE80]  }
0x46d: {  	[tilespmem:s7+$0xFFFFFE20] =	vst v3;
	v3 =	vmul.f32 v9, v6;
	v8 =	vld [tilespmem:s7+$0xFFFFFE90]  }
0x46e: {  	[tilespmem:s7+$0xFFFFFE30] =	vst v5;
	v5 =	vmul.f32 v10, v6;
	v9 =	vld [tilespmem:s7+$0xFFFFFEA0]  }
0x46f: {  	[tilespmem:s7+$0xFFFFFE40] =	vst v3;
	v3 =	vmul.f32 v11, v6;
	v10 =	vld [tilespmem:s7+$0xFFFFFEB0]  }
0x470: {  	[tilespmem:s7+$0xFFFFFE50] =	vst v5;
	v5 =	vmul.f32 v12, v6;
	v11 =	vld [tilespmem:s7+$0xFFFFFEC0]  }
0x471: {  	[tilespmem:s7+$0xFFFFFE60] =	vst v3;
	v3 =	vmul.f32 v7, v6;
	v6 =	vld [tilespmem:s7+$0xFFFFFED0]  }
0x472: {  	[tilespmem:s7+$0xFFFFFE70] =	vst v5;
	v5 =	vmul.f32 v8, v4;
	v7 =	vld [tilespmem:s7+$0xFFFFFEE0]  }
0x473: {  	[tilespmem:s7+$0xFFFFFE80] =	vst v3;
	v3 =	vmul.f32 v9, v4;
	v8 =	vld [tilespmem:s7+$0xFFFFFEF0]  }
0x474: {  	[tilespmem:s7+$0xFFFFFE90] =	vst v5;
	v5 =	vmul.f32 v10, v4;
	v9 =	vld [tilespmem:s7+$0xFFFFFF00]  }
0x475: {  	[tilespmem:s7+$0xFFFFFEA0] =	vst v3;
	v3 =	vmul.f32 v11, v4;
	v10 =	vld [tilespmem:s7+$0xFFFFFF10]  }
0x476: {  	[tilespmem:s7+$0xFFFFFEB0] =	vst v5;
	v5 =	vmul.f32 v6, v4;
	v6 =	vld [tilespmem:s7+$0xFFFFFF20]  }
0x477: {  	[tilespmem:s7+$0xFFFFFEC0] =	vst v3;
	v3 =	vmul.f32 v7, v4;
	v7 =	vld [tilespmem:s7+$0xFFFFFF30]  }
0x478: {  	[tilespmem:s7+$0xFFFFFED0] =	vst v5;
	v5 =	vmul.f32 v8, v4;
	v11 =	vld [tilespmem:s7+$0xFFFFFF40]  }
0x479: {  	[tilespmem:s7+$0xFFFFFEE0] =	vst v3;
	v3 =	vmul.f32 v9, v4;
	v9 =	vld [tilespmem:s7+$0xFFFFFF50]  }
.Ltmp8:
0x47a: {  	[tilespmem:s7+$0xFFFFFEF0] =	vst v5;
	v5 =	vmul.f32 v10, v2;
	v4 =	vld [tilespmem:s7+$0xFFFFFF60];
	(pc) =	sbr.rel @p1 .LBB2_18-.Ltmp8, $4  }
0x47b: {  	[tilespmem:s7+$0xFFFFFF00] =	vst v3;
	v6 =	vmul.f32 v6, v2;
	v3 =	vld [tilespmem:s7+$0xFFFFFF70]  }
0x47c: {  	s4 =	sadd.s32 $0x3, s14;
	v10 =	vmov s14;
	[tilespmem:s7+$0xFFFFFF10] =	vst v5;
	v13 =	vmul.f32 v7, v2;
	v8 =	vld [tilespmem:s7+$0xFFFFFF90]  }
0x47d: {  	s17 =	sadd.s32 $0x1, s14;
	v12 =	vand.u32 $0xFFFFFFFC, v10;
	v5 =	vmov s4;
	[tilespmem:s7+$0xFFFFFF20] =	vst v6;
	v10 =	vmul.f32 v11, v2;
	v7 =	vld [tilespmem:s7+$0xFFFFFFA0]  }
0x47e: {  	v6 =	vbroadcast v12, $0x0;
	v12 =	vmov s17;
	s17 =	sadd.s32 $0x2, s14;
	s14 =	sadd.s32 $0x4, s14;
	[tilespmem:s7+$0xFFFFFF30] =	vst v13;
	v11 =	vmul.f32 v9, v2;
	v9 =	vld [tilespmem:s7+$0xFFFFFFB0]  }
0x47f: {  	v13 =	vld [tilespmem:s7+$0xFFFFFFC0]  }
0x480: {  	v15 =	vld [tilespmem:s7+$0xFFFFFFD0]  }
0x481: {  	v16 =	vld [tilespmem:s7+$0xFFFFFFE0]  }
0x482: {  	v17 =	vld [tilespmem:s7+$0xFFFFFFF0]  }
0x483: {  	v29 =	vld [tilespmem:s7+$0x0];
	[tilespmem:s7+$0xFFFFFF40] =	vst v10;
	v4 =	vmul.f32 v4, v2  }
0x484: {  	v5 =	vld.idx.msk [tilespmem:v5+s15+$0x0], $0xffff;
	[tilespmem:s7+$0xFFFFFF50] =	vst v11;
	v2 =	vmul.f32 v3, v2  }
0x485: {  	s14 =	sadd.s32 $0x200, s7;
	v3 =	vld.idx.msk [tilespmem:v6+s15+$0x0], $0xffff;
	v8 =	vmul.f32 v8, v1;
	[tilespmem:s7+$0xFFFFFF60] =	vst v4  }
0x486: {  	v14 =	vmov s17;
	v34 =	vld [tilespmem:s14+$0xFFFFFF80];
	v30 =	vmul.f32 v7, v1;
	[tilespmem:s7+$0xFFFFFF70] =	vst v2  }
0x487: {  	v14 =	vand.u32 $0xFFFFFFFE, v14;
	v35 =	vld [tilespmem:s14+$0xFFFFFE10];
	[tilespmem:s7+$0xFFFFFF90] =	vst v8;
	v2 =	vmul.f32 v9, v1  }
0x488: {  	v37 =	vld [tilespmem:s14+$0xFFFFFE20];
	v14 =	vbroadcast v14, $0x0;
	[tilespmem:s7+$0xFFFFFFA0] =	vst v30;
	v33 =	vmul.f32 v13, v1  }
0x489: {  	v38 =	vld [tilespmem:s14+$0xFFFFFE30];
	[tilespmem:s7+$0xFFFFFFB0] =	vst v2;
	v2 =	vmul.f32 v15, v1  }
0x48a: {  	v12 =	vand.u32 $0xFFFFFFFD, v12;
	v39 =	vld [tilespmem:s14+$0xFFFFFE40];
	v36 =	vmul.f32 v16, v1;
	[tilespmem:s7+$0xFFFFFFC0] =	vst v33  }
0x48b: {  	v12 =	vbroadcast v12, $0x0;
	v41 =	vld [tilespmem:s14+$0xFFFFFE60];
	[tilespmem:s13+$0xFFFFFFD0] =	vst v2;
	v2 =	vmul.f32 v17, v1  }
0x48c: {  	v43 =	vld [tilespmem:s14+$0xFFFFFE70];
	[tilespmem:s13+$0xFFFFFFE0] =	vst v36;
	v1 =	vmul.f32 v29, v1  }
0x48d: {  	v42 =	vmul.f32 v37, v3;
	[tilespmem:s13+$0xFFFFFFF0] =	vst v2;
	v2 =	vld [tilespmem:s14+$0xFFFFFE50]  }
0x48e: {  	v32 =	vld.idx.msk [tilespmem:v14+s15+$0x0], $0xffff;
	[tilespmem:s13+$0x0] =	vst v1;
	v1 =	vmul.f32 v35, v3  }
0x48f: {  	v44 =	vld [tilespmem:s14+$0xFFFFFE80];
	v4 =	vmul.f32 v39, v3;
	[tilespmem:s14+$0xFFFFFE20] =	vst v42  }
0x490: {  	v45 =	vld [tilespmem:s14+$0xFFFFFE90];
	[tilespmem:s14+$0xFFFFFE10] =	vst v1;
	v1 =	vmul.f32 v38, v3  }
0x491: {  	v46 =	vmul.f32 v41, v3;
	v31 =	vld.idx.msk [tilespmem:v12+s15+$0x0], $0xffff;
	[tilespmem:s14+$0xFFFFFE40] =	vst v4  }
0x492: {  	[tilespmem:s14+$0xFFFFFE30] =	vst v1;
	v1 =	vmul.f32 v2, v3;
	v2 =	vld [tilespmem:s14+$0xFFFFFEA0]  }
0x493: {  	v47 =	vld [tilespmem:s14+$0xFFFFFEB0];
	[tilespmem:s14+$0xFFFFFE60] =	vst v46;
	v40 =	vmul.f32 v34, v32  }
0x494: {  	v48 =	vld [tilespmem:s14+$0xFFFFFEC0];
	[tilespmem:s14+$0xFFFFFE50] =	vst v1;
	v1 =	vmul.f32 v43, v3  }
0x495: {  	v49 =	vld [tilespmem:s14+$0xFFFFFED0];
	[tilespmem:s14+$0xFFFFFF80] =	vst v40;
	v3 =	vmul.f32 v44, v3  }
0x496: {  	v50 =	vld [tilespmem:s14+$0xFFFFFEE0];
	[tilespmem:s14+$0xFFFFFE70] =	vst v1;
	v1 =	vmul.f32 v45, v31  }
0x497: {  	[tilespmem:s14+$0xFFFFFE80] =	vst v3;
	v3 =	vld [tilespmem:s14+$0xFFFFFEF0];
	v2 =	vmul.f32 v2, v31  }
0x498: {  	v51 =	vld [tilespmem:s14+$0xFFFFFF00];
	[tilespmem:s14+$0xFFFFFE90] =	vst v1;
	v1 =	vmul.f32 v47, v31  }
0x499: {  	v52 =	vld [tilespmem:s14+$0xFFFFFF10];
	[tilespmem:s14+$0xFFFFFEA0] =	vst v2;
	v2 =	vmul.f32 v48, v31  }
0x49a: {  	v53 =	vld [tilespmem:s14+$0xFFFFFF20];
	[tilespmem:s14+$0xFFFFFEB0] =	vst v1;
	v1 =	vmul.f32 v49, v31  }
0x49b: {  	v54 =	vld [tilespmem:s14+$0xFFFFFF30];
	[tilespmem:s14+$0xFFFFFEC0] =	vst v2;
	v2 =	vmul.f32 v50, v31  }
0x49c: {  	[tilespmem:s14+$0xFFFFFED0] =	vst v1;
	v1 =	vmul.f32 v3, v31;
	v3 =	vld [tilespmem:s14+$0xFFFFFF40]  }
0x49d: {  	v55 =	vld [tilespmem:s14+$0xFFFFFF50];
	[tilespmem:s14+$0xFFFFFEE0] =	vst v2;
	v2 =	vmul.f32 v51, v31  }
0x49e: {  	v56 =	vld [tilespmem:s14+$0xFFFFFF60];
	[tilespmem:s14+$0xFFFFFEF0] =	vst v1;
	v1 =	vmul.f32 v52, v32  }
0x49f: {  	v57 =	vld [tilespmem:s14+$0xFFFFFF70];
	[tilespmem:s14+$0xFFFFFF00] =	vst v2;
	v2 =	vmul.f32 v53, v32  }
0x4a0: {  	v58 =	vld [tilespmem:s14+$0xFFFFFF90];
	[tilespmem:s14+$0xFFFFFF10] =	vst v1;
	v1 =	vmul.f32 v54, v32  }
0x4a1: {  	[tilespmem:s14+$0xFFFFFF20] =	vst v2;
	v2 =	vmul.f32 v3, v32;
	v3 =	vld [tilespmem:s14+$0xFFFFFFA0]  }
0x4a2: {  	v59 =	vld [tilespmem:s14+$0xFFFFFFB0];
	[tilespmem:s14+$0xFFFFFF30] =	vst v1;
	v1 =	vmul.f32 v55, v32  }
0x4a3: {  	v60 =	vld [tilespmem:s14+$0xFFFFFFC0];
	[tilespmem:s14+$0xFFFFFF40] =	vst v2;
	v2 =	vmul.f32 v56, v32  }
0x4a4: {  	v61 =	vld [tilespmem:s14+$0xFFFFFFD0];
	[tilespmem:s14+$0xFFFFFF50] =	vst v1;
	v1 =	vmul.f32 v57, v32  }
0x4a5: {  	v62 =	vld [tilespmem:s14+$0xFFFFFFE0];
	[tilespmem:s14+$0xFFFFFF60] =	vst v2;
	v2 =	vmul.f32 v58, v5  }
0x4a6: {  	[tilespmem:s14+$0xFFFFFF70] =	vst v1;
	v1 =	vmul.f32 v3, v5;
	v3 =	vld [tilespmem:s14+$0xFFFFFFF0]  }
0x4a7: {  	v63 =	vld [tilespmem:s14+$0x0];
	[tilespmem:s14+$0xFFFFFF90] =	vst v2;
	v2 =	vmul.f32 v59, v5  }
0x4a8: {  	[tilespmem:s14+$0xFFFFFFA0] =	vst v1;
	v1 =	vmul.f32 v60, v5  }
0x4a9: {  	[tilespmem:s14+$0xFFFFFFB0] =	vst v2;
	v2 =	vmul.f32 v61, v5  }
0x4aa: {  	[tilespmem:s14+$0xFFFFFFC0] =	vst v1;
	v1 =	vmul.f32 v62, v5  }
0x4ab: {  	[tilespmem:s14+$0xFFFFFFD0] =	vst v2;
	v2 =	vmul.f32 v3, v5  }
0x4ac: {  	[tilespmem:s14+$0xFFFFFFE0] =	vst v1;
	v1 =	vmul.f32 v63, v5  }
0x4ad: {  	[tilespmem:s14+$0xFFFFFFF0] =	vst v2  }
0x4ae: {  	[tilespmem:s14+$0x0] =	vst v1  }
0x4af: {  	[spmem:s2] =	stream.indirect.scatter.add.f32 [tilespmem:s29], [sflag:$0x5], $0x80, s21, s20, $0xb8;
	[tilespmem:$0x1DB00] =	vst v63  }
0x4b0: {  	_ =	swait.ge [sflag:s22], $0x2800  }
0x4b1: {  	[sflag:s22] =	ssyncset.done $0x0  }
0x4b2: {  	s28 =	simm.s32 $0x400;
	s4 =	rddreg [dreg:$0x13];
	[sflag:s22] =	ssyncadd.s32 $0xFFFFD800  }
0x4b3: {  	[hbm4b:s4+s1] =	stream.strided.scatter [tilespmem:s10], [sflag:$0x9], $0x2780, s28, s1, $0x38;
	[tilespmem:$0x1DB00] =	vst v63  }
0x4b4: {  	_ =	swait.ge [sflag:s18], $0x2780  }
0x4b5: {  	[sflag:s18] =	ssyncset.done $0x0  }
0x4b6: {  	[sflag:s18] =	ssyncadd.s32 $0xFFFFD880  }
0x4b7: {  	s7 =	stileid.u32;
	[bflag:$0x0] =	sbarrier.arrive $0xFFFF  }
0x4b8: {  	s4 =	sshll.u32 s7, $0x6;
	s14 =	rddreg [dreg:$0x5]  }
0x4b9: {  	s4 =	sor.u32 $0x1C09, s4;
	s17 =	rddreg [dreg:$0x11];
	s13 =	sshrl.u32 s14, $0x3  }
0x4ba: {  	[hbm:s17], [sflag:s4] =	dma.local [spmem:s13], $0x2700  }
0x4bb: {  	_ =	swait.ge [sflag:s18], $0x2700  }
0x4bc: {  	[sflag:s18] =	ssyncset.done $0x0;
	s17 =	rddreg [dreg:$0xd]  }
0x4bd: {  	s13 =	rddreg [dreg:$0x14];
	[sflag:s18] =	ssyncadd.s32 $0xFFFFD900;
	s7 =	sshrl.u32 @!p0 s17, $0x3  }
0x4be: {  	[hbm:s13], [sflag:s4] =	dma.local @!p0 [spmem:s7], $0x100  }
0x4bf: {  	s4 =	simm.s32 @!p0 $0x9  }
0x4c0: {  	_ =	swait.ge @!p0 [sflag:s4], $0x100  }
0x4c1: {  	s25 =	rddreg [dreg:$0x16]  }
0x4c2: {  	s28 =	rddreg [dreg:$0x15];
	s13 =	sadd.s32 $0x1, s25  }
0x4c3: {  	p1 =	sne.s32 s13, s28  }
.Ltmp9:
0x4c4: {  	_ = 	snop;
	(pc) =	sbr.rel @p1 .LBB2_1-.Ltmp9, $3  }
0x4c5: {  	_ =	sdelay $0x1  }
0x4c6: {  	[sflag:s4] =	ssyncset.done @!p0 $0x0  }
0x4c7: {  	[sflag:s4] =	ssyncadd.s32 @!p0 $0xFFFFFF00  }
0x4c8: {  	_ =	sfence.sel $0x180000  }
0x4c9: {  	[bflag:$0x0] =	sbarrier.arrive $0xFFFF  }
0x4ca: {  	_ =	strace $0x90000047  }
0x4cb: {  	[bflag:$0x2] =	sbarrier.arrive $0xFFFF  }
0x4cc: {  	s0 =	rddreg [dreg:$0x3]  }
0x4cd: {  	s0 =	sadd.s32 @!p0 $0x100000, s0  }
0x4ce: {  	[sflag:s0] =	ssyncadd.tile.s32 @!p0 $0x1;
	_ =	shalt  }
.Lfunc_end2:
_tile_overlayer_lowered:
.L_overlay_start_2:
0x4cf: {  	(tag) =	ssettag $0x2  }
0x4d0: {  	s0 =	rddreg [dreg:$0x0];
	s2 =	stileid.u32  }
0x4d1: {  	s1 =	rddreg [dreg:$0x1];
	p0 =	sne.s32 s2, $0x0  }
0x4d2: {  	s3 =	rddreg [dreg:$0x2];
	[bflag:$0x3] =	sbarrier.arrive $0xFFFF;
	s2 =	simm.s32 @!p0 $0x1C09  }
0x4d3: {  	[timem:s3], [sflag:s2] =	dma.local @!p0 [hbm:s0], s1  }
0x4d4: {  	s0 =	simm.s32 @!p0 $0x9  }
0x4d5: {  	_ =	swait.ge @!p0 [sflag:s0], s1  }
0x4d6: {  	s1 =	ssub.s32 @!p0 $0x0, s1;
	[sflag:s0] =	ssyncset.done @!p0 $0x0  }
0x4d7: {  	[sflag:s0] =	ssyncadd.s32 @!p0 s1  }
0x4d8: {  	[bflag:$0x3] =	sbarrier.arrive $0xFFFF  }
0x4d9: {  	_ =	shalt  }

</sc_bundles>
